<compile_context>
chip_gen: v7x
topology: tpu7x:2x2x1
jax: 0.10.2.dev20260603
libtpu: 0.0.44.dev20260713+nightly
codegen_flags: <defaults>
</compile_context>

<pallas_src>
import functools

import numpy as np
import jax
import jax.numpy as jnp
from jax import lax
from jax.experimental import pallas as pl
from jax.experimental.pallas import tpu as pltpu
from jax.experimental.pallas import tpu_sc as plsc

_NFRAMES, _NALL, _NLOC, _NNEI = 4, 2048, 1024, 256
_NTYPES, _NSPLINE = 4, 1000
_NC, _NS, _L = 2, 16, 16
_NW = _NC * _NS
_NROWS = _NFRAMES * _NLOC
_RPW = _NROWS // _NW
_BLOCKS = _RPW // _L
_WPF = _NW // _NFRAMES
_PLN = _NTYPES * _NTYPES * _NSPLINE
_HI = float(np.float32(1.0) / np.float32(0.002))


def _sc_body(cx_hbm, cy_hbm, cz_hbm, at_hbm, nlist_hbm,
             t3_hbm, t2_hbm, t1_hbm, t0_hbm, out_hbm,
             cx_v, cy_v, cz_v, at_v, nlist_v,
             t3_v, t2_v, t1_v, t0_v, out_v, sem0):
    wid = lax.axis_index("s") * _NC + lax.axis_index("c")
    frame = wid // _WPF
    loc0 = (wid % _WPF) * _RPW

    noff = pl.multiple_of(wid * (_RPW * _NNEI), _RPW * _NNEI)
    cps = [
        pltpu.async_copy(nlist_hbm.at[pl.ds(noff, _RPW * _NNEI)], nlist_v, sem0),
        pltpu.async_copy(cx_hbm.at[frame], cx_v, sem0),
        pltpu.async_copy(cy_hbm.at[frame], cy_v, sem0),
        pltpu.async_copy(cz_hbm.at[frame], cz_v, sem0),
        pltpu.async_copy(at_hbm.at[frame], at_v, sem0),
        pltpu.async_copy(t3_hbm, t3_v, sem0),
        pltpu.async_copy(t2_hbm, t2_v, sem0),
        pltpu.async_copy(t1_hbm, t1_v, sem0),
        pltpu.async_copy(t0_hbm, t0_v, sem0),
    ]
    for c in reversed(cps):
        c.wait()

    hi = jnp.float32(_HI)
    iota = lax.iota(jnp.int32, _L)
    half = jnp.float32(0.5)

    for blk in range(_BLOCKS):
        rows = blk * _L + iota
        gi = loc0 + rows
        cxi = plsc.load_gather(cx_v, [gi])
        cyi = plsc.load_gather(cy_v, [gi])
        czi = plsc.load_gather(cz_v, [gi])
        ai4000 = plsc.load_gather(at_v, [gi]) * _NTYPES

        nbase = rows * _NNEI

        def body(_, carry, cxi=cxi, cyi=cyi, czi=czi, ai4000=ai4000):
            kflat, acc = carry
            jv = plsc.load_gather(nlist_v, [kflat])
            cx = plsc.load_gather(cx_v, [jv])
            cy = plsc.load_gather(cy_v, [jv])
            cz = plsc.load_gather(cz_v, [jv])
            aj1000 = plsc.load_gather(at_v, [jv])
            dx = cxi - cx
            dy = cyi - cy
            dz = czi - cz
            s = (dx * dx + dy * dy) + dz * dz
            y = plsc.bitcast(jnp.int32(0x5F3759DF) -
                             (plsc.bitcast(s, jnp.int32) >> 1), jnp.float32)
            hs = half * s
            y = y * (1.5 - hs * (y * y))
            y = y * (1.5 - hs * (y * y))
            rr = s * y
            rr = rr + (half * y) * (s - rr * rr)
            uu = rr * hi
            idx = uu.astype(jnp.int32)
            uf = uu - idx.astype(jnp.float32)
            tix = (ai4000 + aj1000) + idx
            a3 = plsc.load_gather(t3_v, [tix])
            a2 = plsc.load_gather(t2_v, [tix])
            a1 = plsc.load_gather(t1_v, [tix])
            a0 = plsc.load_gather(t0_v, [tix])
            ener = ((a3 * uf + a2) * uf + a1) * uf + a0
            return kflat + 1, acc + ener

        _, acc = lax.fori_loop(0, _NNEI, body,
                               (nbase, jnp.zeros((_L,), jnp.float32)),
                               unroll=4)
        out_v[pl.ds(blk * _L, _L)] = half * acc

    pltpu.sync_copy(out_v, out_hbm.at[wid])


@functools.partial(jax.jit, static_argnames=())
def kernel(extended_coord, extended_atype, nlist, tab_info, tab_data):
    nframes, nloc, nnei = nlist.shape
    coord = extended_coord.astype(jnp.float32)
    cx, cy, cz = coord[:, :, 0], coord[:, :, 1], coord[:, :, 2]
    at = extended_atype.astype(jnp.int32) * _NSPLINE
    nl = nlist.astype(jnp.int32).reshape(_NROWS * _NNEI)
    tabf = tab_data.astype(jnp.float32)
    t3, t2, t1, t0 = (tabf[..., c].reshape(_PLN) for c in range(4))

    mesh = plsc.VectorSubcoreMesh(core_axis_name="c", subcore_axis_name="s")
    run = pl.kernel(
        _sc_body,
        out_type=jax.ShapeDtypeStruct((_NW, _RPW), jnp.float32),
        mesh=mesh,
        compiler_params=pltpu.CompilerParams(needs_layout_passes=False),
        scratch_types=[
            pltpu.VMEM((_NALL,), jnp.float32),
            pltpu.VMEM((_NALL,), jnp.float32),
            pltpu.VMEM((_NALL,), jnp.float32),
            pltpu.VMEM((_NALL,), jnp.int32),
            pltpu.VMEM((_RPW * _NNEI,), jnp.int32),
            pltpu.VMEM((_PLN,), jnp.float32),
            pltpu.VMEM((_PLN,), jnp.float32),
            pltpu.VMEM((_PLN,), jnp.float32),
            pltpu.VMEM((_PLN,), jnp.float32),
            pltpu.VMEM((_RPW,), jnp.float32),
            pltpu.SemaphoreType.DMA,
        ],
    )
    out = run(cx, cy, cz, at, nl, t3, t2, t1, t0)
    return out.reshape(nframes, nloc)

# --- scband reference (transcript-rebuilt; emitter-appended) ---
"""Pipeline reference for scband-pair-tab-model-12910671692115 (READ-ONLY COPY).

The authoritative reference and input builder live on the scoring server;
editing this copy changes nothing except your own understanding.
"""

import jax, jax.numpy as jnp
import numpy as np

NFRAMES, NALL, NLOC, NNEI, NTYPES, NSPLINE = 4, 2048, 1024, 256, 4, 1000

def setup_inputs(seed: int = 0):
    key = jax.random.key(seed)
    k1, k2, k3, k4 = jax.random.split(key, 4)
    extended_coord = jax.random.uniform(k1, (NFRAMES, NALL, 3), dtype=jnp.float32)
    extended_atype = jax.random.randint(k2, (NFRAMES, NALL), 0, NTYPES)
    nlist = jax.random.randint(k3, (NFRAMES, NLOC, NNEI), 0, NALL)
    row = jnp.arange(NLOC)[None, :, None]
    nlist = jnp.where(nlist == row, (nlist + 1) % NALL, nlist)
    tab_info = jnp.array([0.0, 0.002, float(NSPLINE), float(NTYPES)], dtype=jnp.float32)
    tab_data = jax.random.normal(k4, (NTYPES, NTYPES, NSPLINE, 4), dtype=jnp.float32) * 0.01
    return {"extended_coord": extended_coord, "extended_atype": extended_atype, "nlist": nlist, "tab_info": tab_info, "tab_data": tab_data}

def _forward(extended_coord, tab_data, tab_info, extended_atype, nlist):
    nframes, nloc, nnei = nlist.shape
    masked_nlist = jnp.clip(nlist, 0, None)
    atype = extended_atype[:, :nloc]
    # pairwise distances (nframes, nall, nall, 3)
    dr = extended_coord[:, :, None, :] - extended_coord[:, None, :, :]
    s = jnp.sum(dr * dr, axis=-1)
    safe = s > 0.0
    pairwise_rr = jnp.where(safe, jnp.sqrt(jnp.where(safe, s, 1.0)), 0.0)
    j_type = extended_atype[jnp.arange(nframes)[:, None, None], masked_nlist]
    rr = jnp.take_along_axis(pairwise_rr[:, :nloc, :], masked_nlist, axis=2)
    # _pair_tabulated_inter
    rmin = tab_info[0]
    hh = tab_info[1]
    hi = 1.0 / hh
    uu = (rr - rmin) * hi
    uu = jnp.where(nlist != -1, uu, float(NSPLINE + 1))
    idx = uu.astype(jnp.int32)
    uu = uu - idx
    # _extract_spline_coefficient (direct gather, math-equivalent to torch expand+gather)
    clipped = jnp.clip(idx, 0, NSPLINE - 1)
    final_coef = tab_data[atype[:, :, None], j_type, clipped]
    final_coef = jnp.where((idx > NSPLINE)[..., None], 0.0, final_coef)
    a3, a2, a1, a0 = final_coef[..., 0], final_coef[..., 1], final_coef[..., 2], final_coef[..., 3]
    etmp = (a3 * uu + a2) * uu + a1
    ener = etmp * uu + a0
    atomic_energy = 0.5 * jnp.sum(jnp.where(nlist != -1, ener, jnp.zeros_like(ener)), axis=-1)
    return atomic_energy

def reference(extended_coord, extended_atype, nlist, tab_info, tab_data):
    return _forward(extended_coord, tab_data, tab_info, extended_atype, nlist)

if __name__ == "__main__":
    import jax
    _d = setup_inputs()
    print(jax.jit(kernel)(*tuple(_d.values())))

</pallas_src>

<mosaic_0001>
#map = affine_map<(d0, d1) -> (0, 0)>
#map1 = affine_map<(d0, d1) -> (0)>
module attributes {stable_mosaic.version = 14 : i64} {
  func.func @_sc_body(%arg0: i32, %arg1: i32, %arg2: memref<4x2048xf32, #tpu.memory_space<hbm>>, %arg3: memref<4x2048xf32, #tpu.memory_space<hbm>>, %arg4: memref<4x2048xf32, #tpu.memory_space<hbm>>, %arg5: memref<4x2048xi32, #tpu.memory_space<hbm>>, %arg6: memref<1048576xi32, #tpu.memory_space<hbm>>, %arg7: memref<16000xf32, #tpu.memory_space<hbm>>, %arg8: memref<16000xf32, #tpu.memory_space<hbm>>, %arg9: memref<16000xf32, #tpu.memory_space<hbm>>, %arg10: memref<16000xf32, #tpu.memory_space<hbm>>, %arg11: memref<32x128xf32, #tpu.memory_space<hbm>>, %arg12: memref<2048xf32, #tpu.memory_space<vmem>>, %arg13: memref<2048xf32, #tpu.memory_space<vmem>>, %arg14: memref<2048xf32, #tpu.memory_space<vmem>>, %arg15: memref<2048xi32, #tpu.memory_space<vmem>>, %arg16: memref<32768xi32, #tpu.memory_space<vmem>>, %arg17: memref<16000xf32, #tpu.memory_space<vmem>>, %arg18: memref<16000xf32, #tpu.memory_space<vmem>>, %arg19: memref<16000xf32, #tpu.memory_space<vmem>>, %arg20: memref<16000xf32, #tpu.memory_space<vmem>>, %arg21: memref<128xf32, #tpu.memory_space<vmem>>, %arg22: memref<!tpu.dma_semaphore, #tpu.memory_space<semaphore_mem>>) attributes {dimension_semantics = [#tpu.dimension_semantics<core_parallel>, #tpu.dimension_semantics<subcore_parallel>], iteration_bounds = array<i64: 2, 16>, scalar_prefetch = 0 : i64, scratch_operands = 11 : i64, tpu.core_type = #tpu.core_type<sc_vector_subcore>, window_params = [{transform_indices = #map}, {transform_indices = #map}, {transform_indices = #map}, {transform_indices = #map}, {transform_indices = #map1}, {transform_indices = #map1}, {transform_indices = #map1}, {transform_indices = #map1}, {transform_indices = #map1}, {transform_indices = #map}]} {
    %mul3A = arith.constant 2 : i32
    %mul3A_0 = arith.muli %arg1, %mul3A : i32
    %add3A = arith.addi %mul3A_0, %arg0 : i32
    %jit3A = arith.constant 8 : i32
    %div3A = arith.divsi %add3A, %jit3A : i32
    %sign3A = arith.constant 0 : i32
    %sign3A_1 = arith.cmpi sgt, %add3A, %sign3A : i32
    %sign3A_2 = arith.extui %sign3A_1 : i1 to i32
    %sign3A_3 = arith.constant 0 : i32
    %sign3A_4 = arith.cmpi slt, %add3A, %sign3A_3 : i32
    %sign3A_5 = arith.extui %sign3A_4 : i1 to i32
    %sign3A_6 = arith.subi %sign3A_2, %sign3A_5 : i32
    %sign3A_7 = arith.constant 0 : i32
    %sign3A_8 = arith.cmpi sgt, %jit3A, %sign3A_7 : i32
    %sign3A_9 = arith.extui %sign3A_8 : i1 to i32
    %sign3A_10 = arith.constant 0 : i32
    %sign3A_11 = arith.cmpi slt, %jit3A, %sign3A_10 : i32
    %sign3A_12 = arith.extui %sign3A_11 : i1 to i32
    %sign3A_13 = arith.subi %sign3A_9, %sign3A_12 : i32
    %ne3A = arith.cmpi ne, %sign3A_6, %sign3A_13 : i32
    %rem3A = arith.remsi %add3A, %jit3A : i32
    %ne3A_14 = arith.constant 0 : i32
    %ne3A_15 = arith.cmpi ne, %rem3A, %ne3A_14 : i32
    %and3A = arith.andi %ne3A, %ne3A_15 : i1
    %sub3A = arith.constant 1 : i32
    %sub3A_16 = arith.subi %div3A, %sub3A : i32
    %select_n3A = arith.select %and3A, %sub3A_16, %div3A : i32
    %jit3A_17 = arith.constant 8 : i32
    %eq3A = arith.constant 0 : i32
    %eq3A_18 = arith.cmpi eq, %jit3A_17, %eq3A : i32
    %jit3A_19 = arith.constant 1 : i32
    %select_n3A_20 = arith.select %eq3A_18, %jit3A_19, %jit3A_17 : i32
    %rem3A_21 = arith.remsi %add3A, %select_n3A_20 : i32
    %ne3A_22 = arith.constant 0 : i32
    %ne3A_23 = arith.cmpi ne, %rem3A_21, %ne3A_22 : i32
    %lt3A = arith.constant 0 : i32
    %lt3A_24 = arith.cmpi slt, %rem3A_21, %lt3A : i32
    %lt3A_25 = arith.constant 0 : i32
    %lt3A_26 = arith.cmpi slt, %select_n3A_20, %lt3A_25 : i32
    %ne3A_27 = arith.xori %lt3A_24, %lt3A_26 : i1
    %and3A_28 = arith.andi %ne3A_27, %ne3A_23 : i1
    %add3A_29 = arith.addi %rem3A_21, %select_n3A_20 : i32
    %select_n3A_30 = arith.select %and3A_28, %add3A_29, %rem3A_21 : i32
    %mul3A_31 = arith.constant 128 : i32
    %mul3A_32 = arith.muli %select_n3A_30, %mul3A_31 : i32
    %mul3A_33 = arith.constant 32768 : i32
    %mul3A_34 = arith.muli %add3A, %mul3A_33 : i32
    %multiple_of3A = tpu.assume_multiple %mul3A_34, 32768 : i32
    %dma_start3A = tpu.memref_slice %arg6[%multiple_of3A] : memref<1048576xi32, #tpu.memory_space<hbm>> -> memref<32768xi32, #tpu.memory_space<hbm>>
    %dma_start3A_35 = tpu.memref_slice %arg6[%multiple_of3A] : memref<1048576xi32, #tpu.memory_space<hbm>> -> memref<32768xi32, #tpu.memory_space<hbm>>
    tpu.enqueue_dma source(%dma_start3A_35 : memref<32768xi32, #tpu.memory_space<hbm>>) target(%arg16 : memref<32768xi32, #tpu.memory_space<vmem>>) target_semaphore(%arg22 : memref<!tpu.dma_semaphore, #tpu.memory_space<semaphore_mem>>)
    %dma_start3A_36 = arith.constant 0 : i32
    %dma_start3A_37 = tpu.memref_slice %arg2[%select_n3A, %dma_start3A_36] : memref<4x2048xf32, #tpu.memory_space<hbm>> -> memref<1x2048xf32, #tpu.memory_space<hbm>>
    %dma_start3A_38 = tpu.memref_squeeze %dma_start3A_37 : memref<1x2048xf32, #tpu.memory_space<hbm>> -> memref<2048xf32, #tpu.memory_space<hbm>>
    %dma_start3A_39 = arith.constant 0 : i32
    %dma_start3A_40 = tpu.memref_slice %arg2[%select_n3A, %dma_start3A_39] : memref<4x2048xf32, #tpu.memory_space<hbm>> -> memref<1x2048xf32, #tpu.memory_space<hbm>>
    %dma_start3A_41 = tpu.memref_squeeze %dma_start3A_40 : memref<1x2048xf32, #tpu.memory_space<hbm>> -> memref<2048xf32, #tpu.memory_space<hbm>>
    tpu.enqueue_dma source(%dma_start3A_41 : memref<2048xf32, #tpu.memory_space<hbm>>) target(%arg12 : memref<2048xf32, #tpu.memory_space<vmem>>) target_semaphore(%arg22 : memref<!tpu.dma_semaphore, #tpu.memory_space<semaphore_mem>>)
    %dma_start3A_42 = arith.constant 0 : i32
    %dma_start3A_43 = tpu.memref_slice %arg3[%select_n3A, %dma_start3A_42] : memref<4x2048xf32, #tpu.memory_space<hbm>> -> memref<1x2048xf32, #tpu.memory_space<hbm>>
    %dma_start3A_44 = tpu.memref_squeeze %dma_start3A_43 : memref<1x2048xf32, #tpu.memory_space<hbm>> -> memref<2048xf32, #tpu.memory_space<hbm>>
    %dma_start3A_45 = arith.constant 0 : i32
    %dma_start3A_46 = tpu.memref_slice %arg3[%select_n3A, %dma_start3A_45] : memref<4x2048xf32, #tpu.memory_space<hbm>> -> memref<1x2048xf32, #tpu.memory_space<hbm>>
    %dma_start3A_47 = tpu.memref_squeeze %dma_start3A_46 : memref<1x2048xf32, #tpu.memory_space<hbm>> -> memref<2048xf32, #tpu.memory_space<hbm>>
    tpu.enqueue_dma source(%dma_start3A_47 : memref<2048xf32, #tpu.memory_space<hbm>>) target(%arg13 : memref<2048xf32, #tpu.memory_space<vmem>>) target_semaphore(%arg22 : memref<!tpu.dma_semaphore, #tpu.memory_space<semaphore_mem>>)
    %dma_start3A_48 = arith.constant 0 : i32
    %dma_start3A_49 = tpu.memref_slice %arg4[%select_n3A, %dma_start3A_48] : memref<4x2048xf32, #tpu.memory_space<hbm>> -> memref<1x2048xf32, #tpu.memory_space<hbm>>
    %dma_start3A_50 = tpu.memref_squeeze %dma_start3A_49 : memref<1x2048xf32, #tpu.memory_space<hbm>> -> memref<2048xf32, #tpu.memory_space<hbm>>
    %dma_start3A_51 = arith.constant 0 : i32
    %dma_start3A_52 = tpu.memref_slice %arg4[%select_n3A, %dma_start3A_51] : memref<4x2048xf32, #tpu.memory_space<hbm>> -> memref<1x2048xf32, #tpu.memory_space<hbm>>
    %dma_start3A_53 = tpu.memref_squeeze %dma_start3A_52 : memref<1x2048xf32, #tpu.memory_space<hbm>> -> memref<2048xf32, #tpu.memory_space<hbm>>
    tpu.enqueue_dma source(%dma_start3A_53 : memref<2048xf32, #tpu.memory_space<hbm>>) target(%arg14 : memref<2048xf32, #tpu.memory_space<vmem>>) target_semaphore(%arg22 : memref<!tpu.dma_semaphore, #tpu.memory_space<semaphore_mem>>)
    %dma_start3A_54 = arith.constant 0 : i32
    %dma_start3A_55 = tpu.memref_slice %arg5[%select_n3A, %dma_start3A_54] : memref<4x2048xi32, #tpu.memory_space<hbm>> -> memref<1x2048xi32, #tpu.memory_space<hbm>>
    %dma_start3A_56 = tpu.memref_squeeze %dma_start3A_55 : memref<1x2048xi32, #tpu.memory_space<hbm>> -> memref<2048xi32, #tpu.memory_space<hbm>>
    %dma_start3A_57 = arith.constant 0 : i32
    %dma_start3A_58 = tpu.memref_slice %arg5[%select_n3A, %dma_start3A_57] : memref<4x2048xi32, #tpu.memory_space<hbm>> -> memref<1x2048xi32, #tpu.memory_space<hbm>>
    %dma_start3A_59 = tpu.memref_squeeze %dma_start3A_58 : memref<1x2048xi32, #tpu.memory_space<hbm>> -> memref<2048xi32, #tpu.memory_space<hbm>>
    tpu.enqueue_dma source(%dma_start3A_59 : memref<2048xi32, #tpu.memory_space<hbm>>) target(%arg15 : memref<2048xi32, #tpu.memory_space<vmem>>) target_semaphore(%arg22 : memref<!tpu.dma_semaphore, #tpu.memory_space<semaphore_mem>>)
    tpu.enqueue_dma source(%arg7 : memref<16000xf32, #tpu.memory_space<hbm>>) target(%arg17 : memref<16000xf32, #tpu.memory_space<vmem>>) target_semaphore(%arg22 : memref<!tpu.dma_semaphore, #tpu.memory_space<semaphore_mem>>)
    tpu.enqueue_dma source(%arg8 : memref<16000xf32, #tpu.memory_space<hbm>>) target(%arg18 : memref<16000xf32, #tpu.memory_space<vmem>>) target_semaphore(%arg22 : memref<!tpu.dma_semaphore, #tpu.memory_space<semaphore_mem>>)
    tpu.enqueue_dma source(%arg9 : memref<16000xf32, #tpu.memory_space<hbm>>) target(%arg19 : memref<16000xf32, #tpu.memory_space<vmem>>) target_semaphore(%arg22 : memref<!tpu.dma_semaphore, #tpu.memory_space<semaphore_mem>>)
    tpu.enqueue_dma source(%arg10 : memref<16000xf32, #tpu.memory_space<hbm>>) target(%arg20 : memref<16000xf32, #tpu.memory_space<vmem>>) target_semaphore(%arg22 : memref<!tpu.dma_semaphore, #tpu.memory_space<semaphore_mem>>)
    tpu.wait_dma2 semaphore(%arg22 : memref<!tpu.dma_semaphore, #tpu.memory_space<semaphore_mem>>) src(%arg10 : memref<16000xf32, #tpu.memory_space<hbm>>) dst(%arg20 : memref<16000xf32, #tpu.memory_space<vmem>>)
    tpu.wait_dma2 semaphore(%arg22 : memref<!tpu.dma_semaphore, #tpu.memory_space<semaphore_mem>>) src(%arg9 : memref<16000xf32, #tpu.memory_space<hbm>>) dst(%arg19 : memref<16000xf32, #tpu.memory_space<vmem>>)
    tpu.wait_dma2 semaphore(%arg22 : memref<!tpu.dma_semaphore, #tpu.memory_space<semaphore_mem>>) src(%arg8 : memref<16000xf32, #tpu.memory_space<hbm>>) dst(%arg18 : memref<16000xf32, #tpu.memory_space<vmem>>)
    tpu.wait_dma2 semaphore(%arg22 : memref<!tpu.dma_semaphore, #tpu.memory_space<semaphore_mem>>) src(%arg7 : memref<16000xf32, #tpu.memory_space<hbm>>) dst(%arg17 : memref<16000xf32, #tpu.memory_space<vmem>>)
    %dma_wait3A = arith.constant 0 : i32
    %dma_wait3A_60 = tpu.memref_slice %arg5[%select_n3A, %dma_wait3A] : memref<4x2048xi32, #tpu.memory_space<hbm>> -> memref<1x2048xi32, #tpu.memory_space<hbm>>
    %dma_wait3A_61 = tpu.memref_squeeze %dma_wait3A_60 : memref<1x2048xi32, #tpu.memory_space<hbm>> -> memref<2048xi32, #tpu.memory_space<hbm>>
    %dma_wait3A_62 = arith.constant 0 : i32
    %dma_wait3A_63 = tpu.memref_slice %arg5[%select_n3A, %dma_wait3A_62] : memref<4x2048xi32, #tpu.memory_space<hbm>> -> memref<1x2048xi32, #tpu.memory_space<hbm>>
    %dma_wait3A_64 = tpu.memref_squeeze %dma_wait3A_63 : memref<1x2048xi32, #tpu.memory_space<hbm>> -> memref<2048xi32, #tpu.memory_space<hbm>>
    tpu.wait_dma2 semaphore(%arg22 : memref<!tpu.dma_semaphore, #tpu.memory_space<semaphore_mem>>) src(%dma_wait3A_64 : memref<2048xi32, #tpu.memory_space<hbm>>) dst(%arg15 : memref<2048xi32, #tpu.memory_space<vmem>>)
    %dma_wait3A_65 = arith.constant 0 : i32
    %dma_wait3A_66 = tpu.memref_slice %arg4[%select_n3A, %dma_wait3A_65] : memref<4x2048xf32, #tpu.memory_space<hbm>> -> memref<1x2048xf32, #tpu.memory_space<hbm>>
    %dma_wait3A_67 = tpu.memref_squeeze %dma_wait3A_66 : memref<1x2048xf32, #tpu.memory_space<hbm>> -> memref<2048xf32, #tpu.memory_space<hbm>>
    %dma_wait3A_68 = arith.constant 0 : i32
    %dma_wait3A_69 = tpu.memref_slice %arg4[%select_n3A, %dma_wait3A_68] : memref<4x2048xf32, #tpu.memory_space<hbm>> -> memref<1x2048xf32, #tpu.memory_space<hbm>>
    %dma_wait3A_70 = tpu.memref_squeeze %dma_wait3A_69 : memref<1x2048xf32, #tpu.memory_space<hbm>> -> memref<2048xf32, #tpu.memory_space<hbm>>
    tpu.wait_dma2 semaphore(%arg22 : memref<!tpu.dma_semaphore, #tpu.memory_space<semaphore_mem>>) src(%dma_wait3A_70 : memref<2048xf32, #tpu.memory_space<hbm>>) dst(%arg14 : memref<2048xf32, #tpu.memory_space<vmem>>)
    %dma_wait3A_71 = arith.constant 0 : i32
    %dma_wait3A_72 = tpu.memref_slice %arg3[%select_n3A, %dma_wait3A_71] : memref<4x2048xf32, #tpu.memory_space<hbm>> -> memref<1x2048xf32, #tpu.memory_space<hbm>>
    %dma_wait3A_73 = tpu.memref_squeeze %dma_wait3A_72 : memref<1x2048xf32, #tpu.memory_space<hbm>> -> memref<2048xf32, #tpu.memory_space<hbm>>
    %dma_wait3A_74 = arith.constant 0 : i32
    %dma_wait3A_75 = tpu.memref_slice %arg3[%select_n3A, %dma_wait3A_74] : memref<4x2048xf32, #tpu.memory_space<hbm>> -> memref<1x2048xf32, #tpu.memory_space<hbm>>
    %dma_wait3A_76 = tpu.memref_squeeze %dma_wait3A_75 : memref<1x2048xf32, #tpu.memory_space<hbm>> -> memref<2048xf32, #tpu.memory_space<hbm>>
    tpu.wait_dma2 semaphore(%arg22 : memref<!tpu.dma_semaphore, #tpu.memory_space<semaphore_mem>>) src(%dma_wait3A_76 : memref<2048xf32, #tpu.memory_space<hbm>>) dst(%arg13 : memref<2048xf32, #tpu.memory_space<vmem>>)
    %dma_wait3A_77 = arith.constant 0 : i32
    %dma_wait3A_78 = tpu.memref_slice %arg2[%select_n3A, %dma_wait3A_77] : memref<4x2048xf32, #tpu.memory_space<hbm>> -> memref<1x2048xf32, #tpu.memory_space<hbm>>
    %dma_wait3A_79 = tpu.memref_squeeze %dma_wait3A_78 : memref<1x2048xf32, #tpu.memory_space<hbm>> -> memref<2048xf32, #tpu.memory_space<hbm>>
    %dma_wait3A_80 = arith.constant 0 : i32
    %dma_wait3A_81 = tpu.memref_slice %arg2[%select_n3A, %dma_wait3A_80] : memref<4x2048xf32, #tpu.memory_space<hbm>> -> memref<1x2048xf32, #tpu.memory_space<hbm>>
    %dma_wait3A_82 = tpu.memref_squeeze %dma_wait3A_81 : memref<1x2048xf32, #tpu.memory_space<hbm>> -> memref<2048xf32, #tpu.memory_space<hbm>>
    tpu.wait_dma2 semaphore(%arg22 : memref<!tpu.dma_semaphore, #tpu.memory_space<semaphore_mem>>) src(%dma_wait3A_82 : memref<2048xf32, #tpu.memory_space<hbm>>) dst(%arg12 : memref<2048xf32, #tpu.memory_space<vmem>>)
    %dma_wait3A_83 = tpu.memref_slice %arg6[%multiple_of3A] : memref<1048576xi32, #tpu.memory_space<hbm>> -> memref<32768xi32, #tpu.memory_space<hbm>>
    %dma_wait3A_84 = tpu.memref_slice %arg6[%multiple_of3A] : memref<1048576xi32, #tpu.memory_space<hbm>> -> memref<32768xi32, #tpu.memory_space<hbm>>
    tpu.wait_dma2 semaphore(%arg22 : memref<!tpu.dma_semaphore, #tpu.memory_space<semaphore_mem>>) src(%dma_wait3A_84 : memref<32768xi32, #tpu.memory_space<hbm>>) dst(%arg16 : memref<32768xi32, #tpu.memory_space<vmem>>)
    %iota3A = tpu.iota {dimensions = array<i32: 0>} : vector<16xi32>
    %add3A_85 = arith.constant 0 : i32
    %add3A_86 = vector.broadcast %add3A_85 : i32 to vector<16xi32>
    %add3A_87 = arith.addi %add3A_86, %iota3A : vector<16xi32>
    %add3A_88 = vector.broadcast %mul3A_32 : i32 to vector<16xi32>
    %add3A_89 = arith.addi %add3A_88, %add3A_87 : vector<16xi32>
    %gather3A = tpu.vector_load_idx %arg12[%add3A_89] : memref<2048xf32, #tpu.memory_space<vmem>>[vector<16xi32>], vector<16xf32>,
    %gather3A_90 = tpu.vector_load_idx %arg13[%add3A_89] : memref<2048xf32, #tpu.memory_space<vmem>>[vector<16xi32>], vector<16xf32>,
    %gather3A_91 = tpu.vector_load_idx %arg14[%add3A_89] : memref<2048xf32, #tpu.memory_space<vmem>>[vector<16xi32>], vector<16xf32>,
    %gather3A_92 = tpu.vector_load_idx %arg15[%add3A_89] : memref<2048xi32, #tpu.memory_space<vmem>>[vector<16xi32>], vector<16xi32>,
    %mul3A_93 = arith.constant 4 : i32
    %mul3A_94 = vector.broadcast %mul3A_93 : i32 to vector<16xi32>
    %mul3A_95 = arith.muli %gather3A_92, %mul3A_94 : vector<16xi32>
    %mul3A_96 = arith.constant 256 : i32
    %mul3A_97 = vector.broadcast %mul3A_96 : i32 to vector<16xi32>
    %mul3A_98 = arith.muli %add3A_87, %mul3A_97 : vector<16xi32>
    %broadcast_in_dim3A = arith.constant 0.000000e+00 : f32
    %broadcast_in_dim3A_99 = vector.broadcast %broadcast_in_dim3A : f32 to vector<16xf32>
    %scan3A = arith.constant 5.000000e-01 : f32
    %scan3A_100 = arith.constant 499.999969 : f32
    %scan3A_101 = arith.constant 0 : i32
    %scan3A_102 = arith.constant 256 : i32
    %scan3A_103 = arith.addi %scan3A_101, %scan3A_102 : i32
    %scan3A_104 = arith.constant 4 : i32
    %scan3A_105:2 = scf.for %scan3A_321 = %scan3A_101 to %scan3A_103 step %scan3A_104 iter_args(%scan3A_322 = %mul3A_98, %scan3A_323 = %broadcast_in_dim3A_99) -> (vector<16xi32>, vector<16xf32>)  : i32 {
      %gather3A_324 = tpu.vector_load_idx %arg16[%scan3A_322] : memref<32768xi32, #tpu.memory_space<vmem>>[vector<16xi32>], vector<16xi32>,
      %gather3A_325 = tpu.vector_load_idx %arg12[%gather3A_324] : memref<2048xf32, #tpu.memory_space<vmem>>[vector<16xi32>], vector<16xf32>,
      %gather3A_326 = tpu.vector_load_idx %arg13[%gather3A_324] : memref<2048xf32, #tpu.memory_space<vmem>>[vector<16xi32>], vector<16xf32>,
      %gather3A_327 = tpu.vector_load_idx %arg14[%gather3A_324] : memref<2048xf32, #tpu.memory_space<vmem>>[vector<16xi32>], vector<16xf32>,
      %gather3A_328 = tpu.vector_load_idx %arg15[%gather3A_324] : memref<2048xi32, #tpu.memory_space<vmem>>[vector<16xi32>], vector<16xi32>,
      %sub3A_329 = arith.subf %gather3A, %gather3A_325 : vector<16xf32>
      %sub3A_330 = arith.subf %gather3A_90, %gather3A_326 : vector<16xf32>
      %sub3A_331 = arith.subf %gather3A_91, %gather3A_327 : vector<16xf32>
      %mul3A_332 = arith.mulf %sub3A_329, %sub3A_329 : vector<16xf32>
      %mul3A_333 = arith.mulf %sub3A_330, %sub3A_330 : vector<16xf32>
      %add3A_334 = arith.addf %mul3A_332, %mul3A_333 : vector<16xf32>
      %mul3A_335 = arith.mulf %sub3A_331, %sub3A_331 : vector<16xf32>
      %add3A_336 = arith.addf %add3A_334, %mul3A_335 : vector<16xf32>
      %bitcast3A = vector.bitcast %add3A_336 : vector<16xf32> to vector<16xi32>
      %shift_right_arithmetic3A = arith.constant 1 : i32
      %shift_right_arithmetic3A_337 = vector.broadcast %shift_right_arithmetic3A : i32 to vector<16xi32>
      %shift_right_arithmetic3A_338 = arith.shrsi %bitcast3A, %shift_right_arithmetic3A_337 : vector<16xi32>
      %sub3A_339 = arith.constant 1597463007 : i32
      %sub3A_340 = vector.broadcast %sub3A_339 : i32 to vector<16xi32>
      %sub3A_341 = arith.subi %sub3A_340, %shift_right_arithmetic3A_338 : vector<16xi32>
      %bitcast3A_342 = vector.bitcast %sub3A_341 : vector<16xi32> to vector<16xf32>
      %mul3A_343 = vector.broadcast %scan3A : f32 to vector<16xf32>
      %mul3A_344 = arith.mulf %mul3A_343, %add3A_336 : vector<16xf32>
      %mul3A_345 = arith.mulf %bitcast3A_342, %bitcast3A_342 : vector<16xf32>
      %mul3A_346 = arith.mulf %mul3A_344, %mul3A_345 : vector<16xf32>
      %sub3A_347 = arith.constant 1.500000e+00 : f32
      %sub3A_348 = vector.broadcast %sub3A_347 : f32 to vector<16xf32>
      %sub3A_349 = arith.subf %sub3A_348, %mul3A_346 : vector<16xf32>
      %mul3A_350 = arith.mulf %bitcast3A_342, %sub3A_349 : vector<16xf32>
      %mul3A_351 = arith.mulf %mul3A_350, %mul3A_350 : vector<16xf32>
      %mul3A_352 = arith.mulf %mul3A_344, %mul3A_351 : vector<16xf32>
      %sub3A_353 = arith.constant 1.500000e+00 : f32
      %sub3A_354 = vector.broadcast %sub3A_353 : f32 to vector<16xf32>
      %sub3A_355 = arith.subf %sub3A_354, %mul3A_352 : vector<16xf32>
      %mul3A_356 = arith.mulf %mul3A_350, %sub3A_355 : vector<16xf32>
      %mul3A_357 = arith.mulf %add3A_336, %mul3A_356 : vector<16xf32>
      %mul3A_358 = vector.broadcast %scan3A : f32 to vector<16xf32>
      %mul3A_359 = arith.mulf %mul3A_358, %mul3A_356 : vector<16xf32>
      %mul3A_360 = arith.mulf %mul3A_357, %mul3A_357 : vector<16xf32>
      %sub3A_361 = arith.subf %add3A_336, %mul3A_360 : vector<16xf32>
      %mul3A_362 = arith.mulf %mul3A_359, %sub3A_361 : vector<16xf32>
      %add3A_363 = arith.addf %mul3A_357, %mul3A_362 : vector<16xf32>
      %mul3A_364 = vector.broadcast %scan3A_100 : f32 to vector<16xf32>
      %mul3A_365 = arith.mulf %add3A_363, %mul3A_364 : vector<16xf32>
      %convert_element_type3A = arith.fptosi %mul3A_365 : vector<16xf32> to vector<16xi32>
      %convert_element_type3A_366 = arith.sitofp %convert_element_type3A : vector<16xi32> to vector<16xf32>
      %sub3A_367 = arith.subf %mul3A_365, %convert_element_type3A_366 : vector<16xf32>
      %add3A_368 = arith.addi %mul3A_95, %gather3A_328 : vector<16xi32>
      %add3A_369 = arith.addi %add3A_368, %convert_element_type3A : vector<16xi32>
      %gather3A_370 = tpu.vector_load_idx %arg17[%add3A_369] : memref<16000xf32, #tpu.memory_space<vmem>>[vector<16xi32>], vector<16xf32>,
      %gather3A_371 = tpu.vector_load_idx %arg18[%add3A_369] : memref<16000xf32, #tpu.memory_space<vmem>>[vector<16xi32>], vector<16xf32>,
      %gather3A_372 = tpu.vector_load_idx %arg19[%add3A_369] : memref<16000xf32, #tpu.memory_space<vmem>>[vector<16xi32>], vector<16xf32>,
      %gather3A_373 = tpu.vector_load_idx %arg20[%add3A_369] : memref<16000xf32, #tpu.memory_space<vmem>>[vector<16xi32>], vector<16xf32>,
      %mul3A_374 = arith.mulf %gather3A_370, %sub3A_367 : vector<16xf32>
      %add3A_375 = arith.addf %mul3A_374, %gather3A_371 : vector<16xf32>
      %mul3A_376 = arith.mulf %add3A_375, %sub3A_367 : vector<16xf32>
      %add3A_377 = arith.addf %mul3A_376, %gather3A_372 : vector<16xf32>
      %mul3A_378 = arith.mulf %add3A_377, %sub3A_367 : vector<16xf32>
      %add3A_379 = arith.addf %mul3A_378, %gather3A_373 : vector<16xf32>
      %add3A_380 = arith.constant 1 : i32
      %add3A_381 = vector.broadcast %add3A_380 : i32 to vector<16xi32>
      %add3A_382 = arith.addi %scan3A_322, %add3A_381 : vector<16xi32>
      %add3A_383 = arith.addf %scan3A_323, %add3A_379 : vector<16xf32>
      %scan3A_384 = arith.constant 1 : i32
      %scan3A_385 = arith.addi %scan3A_321, %scan3A_384 : i32
      %gather3A_386 = tpu.vector_load_idx %arg16[%add3A_382] : memref<32768xi32, #tpu.memory_space<vmem>>[vector<16xi32>], vector<16xi32>,
      %gather3A_387 = tpu.vector_load_idx %arg12[%gather3A_386] : memref<2048xf32, #tpu.memory_space<vmem>>[vector<16xi32>], vector<16xf32>,
      %gather3A_388 = tpu.vector_load_idx %arg13[%gather3A_386] : memref<2048xf32, #tpu.memory_space<vmem>>[vector<16xi32>], vector<16xf32>,
      %gather3A_389 = tpu.vector_load_idx %arg14[%gather3A_386] : memref<2048xf32, #tpu.memory_space<vmem>>[vector<16xi32>], vector<16xf32>,
      %gather3A_390 = tpu.vector_load_idx %arg15[%gather3A_386] : memref<2048xi32, #tpu.memory_space<vmem>>[vector<16xi32>], vector<16xi32>,
      %sub3A_391 = arith.subf %gather3A, %gather3A_387 : vector<16xf32>
      %sub3A_392 = arith.subf %gather3A_90, %gather3A_388 : vector<16xf32>
      %sub3A_393 = arith.subf %gather3A_91, %gather3A_389 : vector<16xf32>
      %mul3A_394 = arith.mulf %sub3A_391, %sub3A_391 : vector<16xf32>
      %mul3A_395 = arith.mulf %sub3A_392, %sub3A_392 : vector<16xf32>
      %add3A_396 = arith.addf %mul3A_394, %mul3A_395 : vector<16xf32>
      %mul3A_397 = arith.mulf %sub3A_393, %sub3A_393 : vector<16xf32>
      %add3A_398 = arith.addf %add3A_396, %mul3A_397 : vector<16xf32>
      %bitcast3A_399 = vector.bitcast %add3A_398 : vector<16xf32> to vector<16xi32>
      %shift_right_arithmetic3A_400 = arith.constant 1 : i32
      %shift_right_arithmetic3A_401 = vector.broadcast %shift_right_arithmetic3A_400 : i32 to vector<16xi32>
      %shift_right_arithmetic3A_402 = arith.shrsi %bitcast3A_399, %shift_right_arithmetic3A_401 : vector<16xi32>
      %sub3A_403 = arith.constant 1597463007 : i32
      %sub3A_404 = vector.broadcast %sub3A_403 : i32 to vector<16xi32>
      %sub3A_405 = arith.subi %sub3A_404, %shift_right_arithmetic3A_402 : vector<16xi32>
      %bitcast3A_406 = vector.bitcast %sub3A_405 : vector<16xi32> to vector<16xf32>
      %mul3A_407 = vector.broadcast %scan3A : f32 to vector<16xf32>
      %mul3A_408 = arith.mulf %mul3A_407, %add3A_398 : vector<16xf32>
      %mul3A_409 = arith.mulf %bitcast3A_406, %bitcast3A_406 : vector<16xf32>
      %mul3A_410 = arith.mulf %mul3A_408, %mul3A_409 : vector<16xf32>
      %sub3A_411 = arith.constant 1.500000e+00 : f32
      %sub3A_412 = vector.broadcast %sub3A_411 : f32 to vector<16xf32>
      %sub3A_413 = arith.subf %sub3A_412, %mul3A_410 : vector<16xf32>
      %mul3A_414 = arith.mulf %bitcast3A_406, %sub3A_413 : vector<16xf32>
      %mul3A_415 = arith.mulf %mul3A_414, %mul3A_414 : vector<16xf32>
      %mul3A_416 = arith.mulf %mul3A_408, %mul3A_415 : vector<16xf32>
      %sub3A_417 = arith.constant 1.500000e+00 : f32
      %sub3A_418 = vector.broadcast %sub3A_417 : f32 to vector<16xf32>
      %sub3A_419 = arith.subf %sub3A_418, %mul3A_416 : vector<16xf32>
      %mul3A_420 = arith.mulf %mul3A_414, %sub3A_419 : vector<16xf32>
      %mul3A_421 = arith.mulf %add3A_398, %mul3A_420 : vector<16xf32>
      %mul3A_422 = vector.broadcast %scan3A : f32 to vector<16xf32>
      %mul3A_423 = arith.mulf %mul3A_422, %mul3A_420 : vector<16xf32>
      %mul3A_424 = arith.mulf %mul3A_421, %mul3A_421 : vector<16xf32>
      %sub3A_425 = arith.subf %add3A_398, %mul3A_424 : vector<16xf32>
      %mul3A_426 = arith.mulf %mul3A_423, %sub3A_425 : vector<16xf32>
      %add3A_427 = arith.addf %mul3A_421, %mul3A_426 : vector<16xf32>
      %mul3A_428 = vector.broadcast %scan3A_100 : f32 to vector<16xf32>
      %mul3A_429 = arith.mulf %add3A_427, %mul3A_428 : vector<16xf32>
      %convert_element_type3A_430 = arith.fptosi %mul3A_429 : vector<16xf32> to vector<16xi32>
      %convert_element_type3A_431 = arith.sitofp %convert_element_type3A_430 : vector<16xi32> to vector<16xf32>
      %sub3A_432 = arith.subf %mul3A_429, %convert_element_type3A_431 : vector<16xf32>
      %add3A_433 = arith.addi %mul3A_95, %gather3A_390 : vector<16xi32>
      %add3A_434 = arith.addi %add3A_433, %convert_element_type3A_430 : vector<16xi32>
      %gather3A_435 = tpu.vector_load_idx %arg17[%add3A_434] : memref<16000xf32, #tpu.memory_space<vmem>>[vector<16xi32>], vector<16xf32>,
      %gather3A_436 = tpu.vector_load_idx %arg18[%add3A_434] : memref<16000xf32, #tpu.memory_space<vmem>>[vector<16xi32>], vector<16xf32>,
      %gather3A_437 = tpu.vector_load_idx %arg19[%add3A_434] : memref<16000xf32, #tpu.memory_space<vmem>>[vector<16xi32>], vector<16xf32>,
      %gather3A_438 = tpu.vector_load_idx %arg20[%add3A_434] : memref<16000xf32, #tpu.memory_space<vmem>>[vector<16xi32>], vector<16xf32>,
      %mul3A_439 = arith.mulf %gather3A_435, %sub3A_432 : vector<16xf32>
      %add3A_440 = arith.addf %mul3A_439, %gather3A_436 : vector<16xf32>
      %mul3A_441 = arith.mulf %add3A_440, %sub3A_432 : vector<16xf32>
      %add3A_442 = arith.addf %mul3A_441, %gather3A_437 : vector<16xf32>
      %mul3A_443 = arith.mulf %add3A_442, %sub3A_432 : vector<16xf32>
      %add3A_444 = arith.addf %mul3A_443, %gather3A_438 : vector<16xf32>
      %add3A_445 = arith.constant 1 : i32
      %add3A_446 = vector.broadcast %add3A_445 : i32 to vector<16xi32>
      %add3A_447 = arith.addi %add3A_382, %add3A_446 : vector<16xi32>
      %add3A_448 = arith.addf %add3A_383, %add3A_444 : vector<16xf32>
      %scan3A_449 = arith.constant 2 : i32
      %scan3A_450 = arith.addi %scan3A_321, %scan3A_449 : i32
      %gather3A_451 = tpu.vector_load_idx %arg16[%add3A_447] : memref<32768xi32, #tpu.memory_space<vmem>>[vector<16xi32>], vector<16xi32>,
      %gather3A_452 = tpu.vector_load_idx %arg12[%gather3A_451] : memref<2048xf32, #tpu.memory_space<vmem>>[vector<16xi32>], vector<16xf32>,
      %gather3A_453 = tpu.vector_load_idx %arg13[%gather3A_451] : memref<2048xf32, #tpu.memory_space<vmem>>[vector<16xi32>], vector<16xf32>,
      %gather3A_454 = tpu.vector_load_idx %arg14[%gather3A_451] : memref<2048xf32, #tpu.memory_space<vmem>>[vector<16xi32>], vector<16xf32>,
      %gather3A_455 = tpu.vector_load_idx %arg15[%gather3A_451] : memref<2048xi32, #tpu.memory_space<vmem>>[vector<16xi32>], vector<16xi32>,
      %sub3A_456 = arith.subf %gather3A, %gather3A_452 : vector<16xf32>
      %sub3A_457 = arith.subf %gather3A_90, %gather3A_453 : vector<16xf32>
      %sub3A_458 = arith.subf %gather3A_91, %gather3A_454 : vector<16xf32>
      %mul3A_459 = arith.mulf %sub3A_456, %sub3A_456 : vector<16xf32>
      %mul3A_460 = arith.mulf %sub3A_457, %sub3A_457 : vector<16xf32>
      %add3A_461 = arith.addf %mul3A_459, %mul3A_460 : vector<16xf32>
      %mul3A_462 = arith.mulf %sub3A_458, %sub3A_458 : vector<16xf32>
      %add3A_463 = arith.addf %add3A_461, %mul3A_462 : vector<16xf32>
      %bitcast3A_464 = vector.bitcast %add3A_463 : vector<16xf32> to vector<16xi32>
      %shift_right_arithmetic3A_465 = arith.constant 1 : i32
      %shift_right_arithmetic3A_466 = vector.broadcast %shift_right_arithmetic3A_465 : i32 to vector<16xi32>
      %shift_right_arithmetic3A_467 = arith.shrsi %bitcast3A_464, %shift_right_arithmetic3A_466 : vector<16xi32>
      %sub3A_468 = arith.constant 1597463007 : i32
      %sub3A_469 = vector.broadcast %sub3A_468 : i32 to vector<16xi32>
      %sub3A_470 = arith.subi %sub3A_469, %shift_right_arithmetic3A_467 : vector<16xi32>
      %bitcast3A_471 = vector.bitcast %sub3A_470 : vector<16xi32> to vector<16xf32>
      %mul3A_472 = vector.broadcast %scan3A : f32 to vector<16xf32>
      %mul3A_473 = arith.mulf %mul3A_472, %add3A_463 : vector<16xf32>
      %mul3A_474 = arith.mulf %bitcast3A_471, %bitcast3A_471 : vector<16xf32>
      %mul3A_475 = arith.mulf %mul3A_473, %mul3A_474 : vector<16xf32>
      %sub3A_476 = arith.constant 1.500000e+00 : f32
      %sub3A_477 = vector.broadcast %sub3A_476 : f32 to vector<16xf32>
      %sub3A_478 = arith.subf %sub3A_477, %mul3A_475 : vector<16xf32>
      %mul3A_479 = arith.mulf %bitcast3A_471, %sub3A_478 : vector<16xf32>
      %mul3A_480 = arith.mulf %mul3A_479, %mul3A_479 : vector<16xf32>
      %mul3A_481 = arith.mulf %mul3A_473, %mul3A_480 : vector<16xf32>
      %sub3A_482 = arith.constant 1.500000e+00 : f32
      %sub3A_483 = vector.broadcast %sub3A_482 : f32 to vector<16xf32>
      %sub3A_484 = arith.subf %sub3A_483, %mul3A_481 : vector<16xf32>
      %mul3A_485 = arith.mulf %mul3A_479, %sub3A_484 : vector<16xf32>
      %mul3A_486 = arith.mulf %add3A_463, %mul3A_485 : vector<16xf32>
      %mul3A_487 = vector.broadcast %scan3A : f32 to vector<16xf32>
      %mul3A_488 = arith.mulf %mul3A_487, %mul3A_485 : vector<16xf32>
      %mul3A_489 = arith.mulf %mul3A_486, %mul3A_486 : vector<16xf32>
      %sub3A_490 = arith.subf %add3A_463, %mul3A_489 : vector<16xf32>
      %mul3A_491 = arith.mulf %mul3A_488, %sub3A_490 : vector<16xf32>
      %add3A_492 = arith.addf %mul3A_486, %mul3A_491 : vector<16xf32>
      %mul3A_493 = vector.broadcast %scan3A_100 : f32 to vector<16xf32>
      %mul3A_494 = arith.mulf %add3A_492, %mul3A_493 : vector<16xf32>
      %convert_element_type3A_495 = arith.fptosi %mul3A_494 : vector<16xf32> to vector<16xi32>
      %convert_element_type3A_496 = arith.sitofp %convert_element_type3A_495 : vector<16xi32> to vector<16xf32>
      %sub3A_497 = arith.subf %mul3A_494, %convert_element_type3A_496 : vector<16xf32>
      %add3A_498 = arith.addi %mul3A_95, %gather3A_455 : vector<16xi32>
      %add3A_499 = arith.addi %add3A_498, %convert_element_type3A_495 : vector<16xi32>
      %gather3A_500 = tpu.vector_load_idx %arg17[%add3A_499] : memref<16000xf32, #tpu.memory_space<vmem>>[vector<16xi32>], vector<16xf32>,
      %gather3A_501 = tpu.vector_load_idx %arg18[%add3A_499] : memref<16000xf32, #tpu.memory_space<vmem>>[vector<16xi32>], vector<16xf32>,
      %gather3A_502 = tpu.vector_load_idx %arg19[%add3A_499] : memref<16000xf32, #tpu.memory_space<vmem>>[vector<16xi32>], vector<16xf32>,
      %gather3A_503 = tpu.vector_load_idx %arg20[%add3A_499] : memref<16000xf32, #tpu.memory_space<vmem>>[vector<16xi32>], vector<16xf32>,
      %mul3A_504 = arith.mulf %gather3A_500, %sub3A_497 : vector<16xf32>
      %add3A_505 = arith.addf %mul3A_504, %gather3A_501 : vector<16xf32>
      %mul3A_506 = arith.mulf %add3A_505, %sub3A_497 : vector<16xf32>
      %add3A_507 = arith.addf %mul3A_506, %gather3A_502 : vector<16xf32>
      %mul3A_508 = arith.mulf %add3A_507, %sub3A_497 : vector<16xf32>
      %add3A_509 = arith.addf %mul3A_508, %gather3A_503 : vector<16xf32>
      %add3A_510 = arith.constant 1 : i32
      %add3A_511 = vector.broadcast %add3A_510 : i32 to vector<16xi32>
      %add3A_512 = arith.addi %add3A_447, %add3A_511 : vector<16xi32>
      %add3A_513 = arith.addf %add3A_448, %add3A_509 : vector<16xf32>
      %scan3A_514 = arith.constant 3 : i32
      %scan3A_515 = arith.addi %scan3A_321, %scan3A_514 : i32
      %gather3A_516 = tpu.vector_load_idx %arg16[%add3A_512] : memref<32768xi32, #tpu.memory_space<vmem>>[vector<16xi32>], vector<16xi32>,
      %gather3A_517 = tpu.vector_load_idx %arg12[%gather3A_516] : memref<2048xf32, #tpu.memory_space<vmem>>[vector<16xi32>], vector<16xf32>,
      %gather3A_518 = tpu.vector_load_idx %arg13[%gather3A_516] : memref<2048xf32, #tpu.memory_space<vmem>>[vector<16xi32>], vector<16xf32>,
      %gather3A_519 = tpu.vector_load_idx %arg14[%gather3A_516] : memref<2048xf32, #tpu.memory_space<vmem>>[vector<16xi32>], vector<16xf32>,
      %gather3A_520 = tpu.vector_load_idx %arg15[%gather3A_516] : memref<2048xi32, #tpu.memory_space<vmem>>[vector<16xi32>], vector<16xi32>,
      %sub3A_521 = arith.subf %gather3A, %gather3A_517 : vector<16xf32>
      %sub3A_522 = arith.subf %gather3A_90, %gather3A_518 : vector<16xf32>
      %sub3A_523 = arith.subf %gather3A_91, %gather3A_519 : vector<16xf32>
      %mul3A_524 = arith.mulf %sub3A_521, %sub3A_521 : vector<16xf32>
      %mul3A_525 = arith.mulf %sub3A_522, %sub3A_522 : vector<16xf32>
      %add3A_526 = arith.addf %mul3A_524, %mul3A_525 : vector<16xf32>
      %mul3A_527 = arith.mulf %sub3A_523, %sub3A_523 : vector<16xf32>
      %add3A_528 = arith.addf %add3A_526, %mul3A_527 : vector<16xf32>
      %bitcast3A_529 = vector.bitcast %add3A_528 : vector<16xf32> to vector<16xi32>
      %shift_right_arithmetic3A_530 = arith.constant 1 : i32
      %shift_right_arithmetic3A_531 = vector.broadcast %shift_right_arithmetic3A_530 : i32 to vector<16xi32>
      %shift_right_arithmetic3A_532 = arith.shrsi %bitcast3A_529, %shift_right_arithmetic3A_531 : vector<16xi32>
      %sub3A_533 = arith.constant 1597463007 : i32
      %sub3A_534 = vector.broadcast %sub3A_533 : i32 to vector<16xi32>
      %sub3A_535 = arith.subi %sub3A_534, %shift_right_arithmetic3A_532 : vector<16xi32>
      %bitcast3A_536 = vector.bitcast %sub3A_535 : vector<16xi32> to vector<16xf32>
      %mul3A_537 = vector.broadcast %scan3A : f32 to vector<16xf32>
      %mul3A_538 = arith.mulf %mul3A_537, %add3A_528 : vector<16xf32>
      %mul3A_539 = arith.mulf %bitcast3A_536, %bitcast3A_536 : vector<16xf32>
      %mul3A_540 = arith.mulf %mul3A_538, %mul3A_539 : vector<16xf32>
      %sub3A_541 = arith.constant 1.500000e+00 : f32
      %sub3A_542 = vector.broadcast %sub3A_541 : f32 to vector<16xf32>
      %sub3A_543 = arith.subf %sub3A_542, %mul3A_540 : vector<16xf32>
      %mul3A_544 = arith.mulf %bitcast3A_536, %sub3A_543 : vector<16xf32>
      %mul3A_545 = arith.mulf %mul3A_544, %mul3A_544 : vector<16xf32>
      %mul3A_546 = arith.mulf %mul3A_538, %mul3A_545 : vector<16xf32>
      %sub3A_547 = arith.constant 1.500000e+00 : f32
      %sub3A_548 = vector.broadcast %sub3A_547 : f32 to vector<16xf32>
      %sub3A_549 = arith.subf %sub3A_548, %mul3A_546 : vector<16xf32>
      %mul3A_550 = arith.mulf %mul3A_544, %sub3A_549 : vector<16xf32>
      %mul3A_551 = arith.mulf %add3A_528, %mul3A_550 : vector<16xf32>
      %mul3A_552 = vector.broadcast %scan3A : f32 to vector<16xf32>
      %mul3A_553 = arith.mulf %mul3A_552, %mul3A_550 : vector<16xf32>
      %mul3A_554 = arith.mulf %mul3A_551, %mul3A_551 : vector<16xf32>
      %sub3A_555 = arith.subf %add3A_528, %mul3A_554 : vector<16xf32>
      %mul3A_556 = arith.mulf %mul3A_553, %sub3A_555 : vector<16xf32>
      %add3A_557 = arith.addf %mul3A_551, %mul3A_556 : vector<16xf32>
      %mul3A_558 = vector.broadcast %scan3A_100 : f32 to vector<16xf32>
      %mul3A_559 = arith.mulf %add3A_557, %mul3A_558 : vector<16xf32>
      %convert_element_type3A_560 = arith.fptosi %mul3A_559 : vector<16xf32> to vector<16xi32>
      %convert_element_type3A_561 = arith.sitofp %convert_element_type3A_560 : vector<16xi32> to vector<16xf32>
      %sub3A_562 = arith.subf %mul3A_559, %convert_element_type3A_561 : vector<16xf32>
      %add3A_563 = arith.addi %mul3A_95, %gather3A_520 : vector<16xi32>
      %add3A_564 = arith.addi %add3A_563, %convert_element_type3A_560 : vector<16xi32>
      %gather3A_565 = tpu.vector_load_idx %arg17[%add3A_564] : memref<16000xf32, #tpu.memory_space<vmem>>[vector<16xi32>], vector<16xf32>,
      %gather3A_566 = tpu.vector_load_idx %arg18[%add3A_564] : memref<16000xf32, #tpu.memory_space<vmem>>[vector<16xi32>], vector<16xf32>,
      %gather3A_567 = tpu.vector_load_idx %arg19[%add3A_564] : memref<16000xf32, #tpu.memory_space<vmem>>[vector<16xi32>], vector<16xf32>,
      %gather3A_568 = tpu.vector_load_idx %arg20[%add3A_564] : memref<16000xf32, #tpu.memory_space<vmem>>[vector<16xi32>], vector<16xf32>,
      %mul3A_569 = arith.mulf %gather3A_565, %sub3A_562 : vector<16xf32>
      %add3A_570 = arith.addf %mul3A_569, %gather3A_566 : vector<16xf32>
      %mul3A_571 = arith.mulf %add3A_570, %sub3A_562 : vector<16xf32>
      %add3A_572 = arith.addf %mul3A_571, %gather3A_567 : vector<16xf32>
      %mul3A_573 = arith.mulf %add3A_572, %sub3A_562 : vector<16xf32>
      %add3A_574 = arith.addf %mul3A_573, %gather3A_568 : vector<16xf32>
      %add3A_575 = arith.constant 1 : i32
      %add3A_576 = vector.broadcast %add3A_575 : i32 to vector<16xi32>
      %add3A_577 = arith.addi %add3A_512, %add3A_576 : vector<16xi32>
      %add3A_578 = arith.addf %add3A_513, %add3A_574 : vector<16xf32>
      scf.yield %add3A_577, %add3A_578 : vector<16xi32>, vector<16xf32>
    }
    %scan3A_106 = arith.constant 256 : i32
    %mul3A_107 = arith.constant 5.000000e-01 : f32
    %mul3A_108 = vector.broadcast %mul3A_107 : f32 to vector<16xf32>
    %mul3A_109 = arith.mulf %mul3A_108, %scan3A_105#1 : vector<16xf32>
    %swap3A = arith.constant 0 : index
    %swap3A_110 = tpu.vector_load %arg21[%swap3A] {strides = array<i32>} : memref<128xf32, #tpu.memory_space<vmem>>, vector<16xf32>,
    tpu.vector_store %arg21[%swap3A], %mul3A_109 {strides = array<i32>} : memref<128xf32, #tpu.memory_space<vmem>>, vector<16xf32>,
    %add3A_111 = arith.constant 16 : i32
    %add3A_112 = vector.broadcast %add3A_111 : i32 to vector<16xi32>
    %add3A_113 = arith.addi %add3A_112, %iota3A : vector<16xi32>
    %add3A_114 = vector.broadcast %mul3A_32 : i32 to vector<16xi32>
    %add3A_115 = arith.addi %add3A_114, %add3A_113 : vector<16xi32>
    %gather3A_116 = tpu.vector_load_idx %arg12[%add3A_115] : memref<2048xf32, #tpu.memory_space<vmem>>[vector<16xi32>], vector<16xf32>,
    %gather3A_117 = tpu.vector_load_idx %arg13[%add3A_115] : memref<2048xf32, #tpu.memory_space<vmem>>[vector<16xi32>], vector<16xf32>,
    %gather3A_118 = tpu.vector_load_idx %arg14[%add3A_115] : memref<2048xf32, #tpu.memory_space<vmem>>[vector<16xi32>], vector<16xf32>,
    %gather3A_119 = tpu.vector_load_idx %arg15[%add3A_115] : memref<2048xi32, #tpu.memory_space<vmem>>[vector<16xi32>], vector<16xi32>,
    %mul3A_120 = arith.constant 4 : i32
    %mul3A_121 = vector.broadcast %mul3A_120 : i32 to vector<16xi32>
    %mul3A_122 = arith.muli %gather3A_119, %mul3A_121 : vector<16xi32>
    %mul3A_123 = arith.constant 256 : i32
    %mul3A_124 = vector.broadcast %mul3A_123 : i32 to vector<16xi32>
    %mul3A_125 = arith.muli %add3A_113, %mul3A_124 : vector<16xi32>
    %broadcast_in_dim3A_126 = arith.constant 0.000000e+00 : f32
    %broadcast_in_dim3A_127 = vector.broadcast %broadcast_in_dim3A_126 : f32 to vector<16xf32>
    %scan3A_128 = arith.constant 5.000000e-01 : f32
    %scan3A_129 = arith.constant 499.999969 : f32
    %scan3A_130 = arith.constant 0 : i32
    %scan3A_131 = arith.constant 256 : i32
    %scan3A_132 = arith.addi %scan3A_130, %scan3A_131 : i32
    %scan3A_133 = arith.constant 4 : i32
    %scan3A_134:2 = scf.for %scan3A_321 = %scan3A_130 to %scan3A_132 step %scan3A_133 iter_args(%scan3A_322 = %mul3A_125, %scan3A_323 = %broadcast_in_dim3A_127) -> (vector<16xi32>, vector<16xf32>)  : i32 {
      %gather3A_324 = tpu.vector_load_idx %arg16[%scan3A_322] : memref<32768xi32, #tpu.memory_space<vmem>>[vector<16xi32>], vector<16xi32>,
      %gather3A_325 = tpu.vector_load_idx %arg12[%gather3A_324] : memref<2048xf32, #tpu.memory_space<vmem>>[vector<16xi32>], vector<16xf32>,
      %gather3A_326 = tpu.vector_load_idx %arg13[%gather3A_324] : memref<2048xf32, #tpu.memory_space<vmem>>[vector<16xi32>], vector<16xf32>,
      %gather3A_327 = tpu.vector_load_idx %arg14[%gather3A_324] : memref<2048xf32, #tpu.memory_space<vmem>>[vector<16xi32>], vector<16xf32>,
      %gather3A_328 = tpu.vector_load_idx %arg15[%gather3A_324] : memref<2048xi32, #tpu.memory_space<vmem>>[vector<16xi32>], vector<16xi32>,
      %sub3A_329 = arith.subf %gather3A_116, %gather3A_325 : vector<16xf32>
      %sub3A_330 = arith.subf %gather3A_117, %gather3A_326 : vector<16xf32>
      %sub3A_331 = arith.subf %gather3A_118, %gather3A_327 : vector<16xf32>
      %mul3A_332 = arith.mulf %sub3A_329, %sub3A_329 : vector<16xf32>
      %mul3A_333 = arith.mulf %sub3A_330, %sub3A_330 : vector<16xf32>
      %add3A_334 = arith.addf %mul3A_332, %mul3A_333 : vector<16xf32>
      %mul3A_335 = arith.mulf %sub3A_331, %sub3A_331 : vector<16xf32>
      %add3A_336 = arith.addf %add3A_334, %mul3A_335 : vector<16xf32>
      %bitcast3A = vector.bitcast %add3A_336 : vector<16xf32> to vector<16xi32>
      %shift_right_arithmetic3A = arith.constant 1 : i32
      %shift_right_arithmetic3A_337 = vector.broadcast %shift_right_arithmetic3A : i32 to vector<16xi32>
      %shift_right_arithmetic3A_338 = arith.shrsi %bitcast3A, %shift_right_arithmetic3A_337 : vector<16xi32>
      %sub3A_339 = arith.constant 1597463007 : i32
      %sub3A_340 = vector.broadcast %sub3A_339 : i32 to vector<16xi32>
      %sub3A_341 = arith.subi %sub3A_340, %shift_right_arithmetic3A_338 : vector<16xi32>
      %bitcast3A_342 = vector.bitcast %sub3A_341 : vector<16xi32> to vector<16xf32>
      %mul3A_343 = vector.broadcast %scan3A_128 : f32 to vector<16xf32>
      %mul3A_344 = arith.mulf %mul3A_343, %add3A_336 : vector<16xf32>
      %mul3A_345 = arith.mulf %bitcast3A_342, %bitcast3A_342 : vector<16xf32>
      %mul3A_346 = arith.mulf %mul3A_344, %mul3A_345 : vector<16xf32>
      %sub3A_347 = arith.constant 1.500000e+00 : f32
      %sub3A_348 = vector.broadcast %sub3A_347 : f32 to vector<16xf32>
      %sub3A_349 = arith.subf %sub3A_348, %mul3A_346 : vector<16xf32>
      %mul3A_350 = arith.mulf %bitcast3A_342, %sub3A_349 : vector<16xf32>
      %mul3A_351 = arith.mulf %mul3A_350, %mul3A_350 : vector<16xf32>
      %mul3A_352 = arith.mulf %mul3A_344, %mul3A_351 : vector<16xf32>
      %sub3A_353 = arith.constant 1.500000e+00 : f32
      %sub3A_354 = vector.broadcast %sub3A_353 : f32 to vector<16xf32>
      %sub3A_355 = arith.subf %sub3A_354, %mul3A_352 : vector<16xf32>
      %mul3A_356 = arith.mulf %mul3A_350, %sub3A_355 : vector<16xf32>
      %mul3A_357 = arith.mulf %add3A_336, %mul3A_356 : vector<16xf32>
      %mul3A_358 = vector.broadcast %scan3A_128 : f32 to vector<16xf32>
      %mul3A_359 = arith.mulf %mul3A_358, %mul3A_356 : vector<16xf32>
      %mul3A_360 = arith.mulf %mul3A_357, %mul3A_357 : vector<16xf32>
      %sub3A_361 = arith.subf %add3A_336, %mul3A_360 : vector<16xf32>
      %mul3A_362 = arith.mulf %mul3A_359, %sub3A_361 : vector<16xf32>
      %add3A_363 = arith.addf %mul3A_357, %mul3A_362 : vector<16xf32>
      %mul3A_364 = vector.broadcast %scan3A_129 : f32 to vector<16xf32>
      %mul3A_365 = arith.mulf %add3A_363, %mul3A_364 : vector<16xf32>
      %convert_element_type3A = arith.fptosi %mul3A_365 : vector<16xf32> to vector<16xi32>
      %convert_element_type3A_366 = arith.sitofp %convert_element_type3A : vector<16xi32> to vector<16xf32>
      %sub3A_367 = arith.subf %mul3A_365, %convert_element_type3A_366 : vector<16xf32>
      %add3A_368 = arith.addi %mul3A_122, %gather3A_328 : vector<16xi32>
      %add3A_369 = arith.addi %add3A_368, %convert_element_type3A : vector<16xi32>
      %gather3A_370 = tpu.vector_load_idx %arg17[%add3A_369] : memref<16000xf32, #tpu.memory_space<vmem>>[vector<16xi32>], vector<16xf32>,
      %gather3A_371 = tpu.vector_load_idx %arg18[%add3A_369] : memref<16000xf32, #tpu.memory_space<vmem>>[vector<16xi32>], vector<16xf32>,
      %gather3A_372 = tpu.vector_load_idx %arg19[%add3A_369] : memref<16000xf32, #tpu.memory_space<vmem>>[vector<16xi32>], vector<16xf32>,
      %gather3A_373 = tpu.vector_load_idx %arg20[%add3A_369] : memref<16000xf32, #tpu.memory_space<vmem>>[vector<16xi32>], vector<16xf32>,
      %mul3A_374 = arith.mulf %gather3A_370, %sub3A_367 : vector<16xf32>
      %add3A_375 = arith.addf %mul3A_374, %gather3A_371 : vector<16xf32>
      %mul3A_376 = arith.mulf %add3A_375, %sub3A_367 : vector<16xf32>
      %add3A_377 = arith.addf %mul3A_376, %gather3A_372 : vector<16xf32>
      %mul3A_378 = arith.mulf %add3A_377, %sub3A_367 : vector<16xf32>
      %add3A_379 = arith.addf %mul3A_378, %gather3A_373 : vector<16xf32>
      %add3A_380 = arith.constant 1 : i32
      %add3A_381 = vector.broadcast %add3A_380 : i32 to vector<16xi32>
      %add3A_382 = arith.addi %scan3A_322, %add3A_381 : vector<16xi32>
      %add3A_383 = arith.addf %scan3A_323, %add3A_379 : vector<16xf32>
      %scan3A_384 = arith.constant 1 : i32
      %scan3A_385 = arith.addi %scan3A_321, %scan3A_384 : i32
      %gather3A_386 = tpu.vector_load_idx %arg16[%add3A_382] : memref<32768xi32, #tpu.memory_space<vmem>>[vector<16xi32>], vector<16xi32>,
      %gather3A_387 = tpu.vector_load_idx %arg12[%gather3A_386] : memref<2048xf32, #tpu.memory_space<vmem>>[vector<16xi32>], vector<16xf32>,
      %gather3A_388 = tpu.vector_load_idx %arg13[%gather3A_386] : memref<2048xf32, #tpu.memory_space<vmem>>[vector<16xi32>], vector<16xf32>,
      %gather3A_389 = tpu.vector_load_idx %arg14[%gather3A_386] : memref<2048xf32, #tpu.memory_space<vmem>>[vector<16xi32>], vector<16xf32>,
      %gather3A_390 = tpu.vector_load_idx %arg15[%gather3A_386] : memref<2048xi32, #tpu.memory_space<vmem>>[vector<16xi32>], vector<16xi32>,
      %sub3A_391 = arith.subf %gather3A_116, %gather3A_387 : vector<16xf32>
      %sub3A_392 = arith.subf %gather3A_117, %gather3A_388 : vector<16xf32>
      %sub3A_393 = arith.subf %gather3A_118, %gather3A_389 : vector<16xf32>
      %mul3A_394 = arith.mulf %sub3A_391, %sub3A_391 : vector<16xf32>
      %mul3A_395 = arith.mulf %sub3A_392, %sub3A_392 : vector<16xf32>
      %add3A_396 = arith.addf %mul3A_394, %mul3A_395 : vector<16xf32>
      %mul3A_397 = arith.mulf %sub3A_393, %sub3A_393 : vector<16xf32>
      %add3A_398 = arith.addf %add3A_396, %mul3A_397 : vector<16xf32>
      %bitcast3A_399 = vector.bitcast %add3A_398 : vector<16xf32> to vector<16xi32>
      %shift_right_arithmetic3A_400 = arith.constant 1 : i32
      %shift_right_arithmetic3A_401 = vector.broadcast %shift_right_arithmetic3A_400 : i32 to vector<16xi32>
      %shift_right_arithmetic3A_402 = arith.shrsi %bitcast3A_399, %shift_right_arithmetic3A_401 : vector<16xi32>
      %sub3A_403 = arith.constant 1597463007 : i32
      %sub3A_404 = vector.broadcast %sub3A_403 : i32 to vector<16xi32>
      %sub3A_405 = arith.subi %sub3A_404, %shift_right_arithmetic3A_402 : vector<16xi32>
      %bitcast3A_406 = vector.bitcast %sub3A_405 : vector<16xi32> to vector<16xf32>
      %mul3A_407 = vector.broadcast %scan3A_128 : f32 to vector<16xf32>
      %mul3A_408 = arith.mulf %mul3A_407, %add3A_398 : vector<16xf32>
      %mul3A_409 = arith.mulf %bitcast3A_406, %bitcast3A_406 : vector<16xf32>
      %mul3A_410 = arith.mulf %mul3A_408, %mul3A_409 : vector<16xf32>
      %sub3A_411 = arith.constant 1.500000e+00 : f32
      %sub3A_412 = vector.broadcast %sub3A_411 : f32 to vector<16xf32>
      %sub3A_413 = arith.subf %sub3A_412, %mul3A_410 : vector<16xf32>
      %mul3A_414 = arith.mulf %bitcast3A_406, %sub3A_413 : vector<16xf32>
      %mul3A_415 = arith.mulf %mul3A_414, %mul3A_414 : vector<16xf32>
      %mul3A_416 = arith.mulf %mul3A_408, %mul3A_415 : vector<16xf32>
      %sub3A_417 = arith.constant 1.500000e+00 : f32
      %sub3A_418 = vector.broadcast %sub3A_417 : f32 to vector<16xf32>
      %sub3A_419 = arith.subf %sub3A_418, %mul3A_416 : vector<16xf32>
      %mul3A_420 = arith.mulf %mul3A_414, %sub3A_419 : vector<16xf32>
      %mul3A_421 = arith.mulf %add3A_398, %mul3A_420 : vector<16xf32>
      %mul3A_422 = vector.broadcast %scan3A_128 : f32 to vector<16xf32>
      %mul3A_423 = arith.mulf %mul3A_422, %mul3A_420 : vector<16xf32>
      %mul3A_424 = arith.mulf %mul3A_421, %mul3A_421 : vector<16xf32>
      %sub3A_425 = arith.subf %add3A_398, %mul3A_424 : vector<16xf32>
      %mul3A_426 = arith.mulf %mul3A_423, %sub3A_425 : vector<16xf32>
      %add3A_427 = arith.addf %mul3A_421, %mul3A_426 : vector<16xf32>
      %mul3A_428 = vector.broadcast %scan3A_129 : f32 to vector<16xf32>
      %mul3A_429 = arith.mulf %add3A_427, %mul3A_428 : vector<16xf32>
      %convert_element_type3A_430 = arith.fptosi %mul3A_429 : vector<16xf32> to vector<16xi32>
      %convert_element_type3A_431 = arith.sitofp %convert_element_type3A_430 : vector<16xi32> to vector<16xf32>
      %sub3A_432 = arith.subf %mul3A_429, %convert_element_type3A_431 : vector<16xf32>
      %add3A_433 = arith.addi %mul3A_122, %gather3A_390 : vector<16xi32>
      %add3A_434 = arith.addi %add3A_433, %convert_element_type3A_430 : vector<16xi32>
      %gather3A_435 = tpu.vector_load_idx %arg17[%add3A_434] : memref<16000xf32, #tpu.memory_space<vmem>>[vector<16xi32>], vector<16xf32>,
      %gather3A_436 = tpu.vector_load_idx %arg18[%add3A_434] : memref<16000xf32, #tpu.memory_space<vmem>>[vector<16xi32>], vector<16xf32>,
      %gather3A_437 = tpu.vector_load_idx %arg19[%add3A_434] : memref<16000xf32, #tpu.memory_space<vmem>>[vector<16xi32>], vector<16xf32>,
      %gather3A_438 = tpu.vector_load_idx %arg20[%add3A_434] : memref<16000xf32, #tpu.memory_space<vmem>>[vector<16xi32>], vector<16xf32>,
      %mul3A_439 = arith.mulf %gather3A_435, %sub3A_432 : vector<16xf32>
      %add3A_440 = arith.addf %mul3A_439, %gather3A_436 : vector<16xf32>
      %mul3A_441 = arith.mulf %add3A_440, %sub3A_432 : vector<16xf32>
      %add3A_442 = arith.addf %mul3A_441, %gather3A_437 : vector<16xf32>
      %mul3A_443 = arith.mulf %add3A_442, %sub3A_432 : vector<16xf32>
      %add3A_444 = arith.addf %mul3A_443, %gather3A_438 : vector<16xf32>
      %add3A_445 = arith.constant 1 : i32
      %add3A_446 = vector.broadcast %add3A_445 : i32 to vector<16xi32>
      %add3A_447 = arith.addi %add3A_382, %add3A_446 : vector<16xi32>
      %add3A_448 = arith.addf %add3A_383, %add3A_444 : vector<16xf32>
      %scan3A_449 = arith.constant 2 : i32
      %scan3A_450 = arith.addi %scan3A_321, %scan3A_449 : i32
      %gather3A_451 = tpu.vector_load_idx %arg16[%add3A_447] : memref<32768xi32, #tpu.memory_space<vmem>>[vector<16xi32>], vector<16xi32>,
      %gather3A_452 = tpu.vector_load_idx %arg12[%gather3A_451] : memref<2048xf32, #tpu.memory_space<vmem>>[vector<16xi32>], vector<16xf32>,
      %gather3A_453 = tpu.vector_load_idx %arg13[%gather3A_451] : memref<2048xf32, #tpu.memory_space<vmem>>[vector<16xi32>], vector<16xf32>,
      %gather3A_454 = tpu.vector_load_idx %arg14[%gather3A_451] : memref<2048xf32, #tpu.memory_space<vmem>>[vector<16xi32>], vector<16xf32>,
      %gather3A_455 = tpu.vector_load_idx %arg15[%gather3A_451] : memref<2048xi32, #tpu.memory_space<vmem>>[vector<16xi32>], vector<16xi32>,
      %sub3A_456 = arith.subf %gather3A_116, %gather3A_452 : vector<16xf32>
      %sub3A_457 = arith.subf %gather3A_117, %gather3A_453 : vector<16xf32>
      %sub3A_458 = arith.subf %gather3A_118, %gather3A_454 : vector<16xf32>
      %mul3A_459 = arith.mulf %sub3A_456, %sub3A_456 : vector<16xf32>
      %mul3A_460 = arith.mulf %sub3A_457, %sub3A_457 : vector<16xf32>
      %add3A_461 = arith.addf %mul3A_459, %mul3A_460 : vector<16xf32>
      %mul3A_462 = arith.mulf %sub3A_458, %sub3A_458 : vector<16xf32>
      %add3A_463 = arith.addf %add3A_461, %mul3A_462 : vector<16xf32>
      %bitcast3A_464 = vector.bitcast %add3A_463 : vector<16xf32> to vector<16xi32>
      %shift_right_arithmetic3A_465 = arith.constant 1 : i32
      %shift_right_arithmetic3A_466 = vector.broadcast %shift_right_arithmetic3A_465 : i32 to vector<16xi32>
      %shift_right_arithmetic3A_467 = arith.shrsi %bitcast3A_464, %shift_right_arithmetic3A_466 : vector<16xi32>
      %sub3A_468 = arith.constant 1597463007 : i32
      %sub3A_469 = vector.broadcast %sub3A_468 : i32 to vector<16xi32>
      %sub3A_470 = arith.subi %sub3A_469, %shift_right_arithmetic3A_467 : vector<16xi32>
      %bitcast3A_471 = vector.bitcast %sub3A_470 : vector<16xi32> to vector<16xf32>
      %mul3A_472 = vector.broadcast %scan3A_128 : f32 to vector<16xf32>
      %mul3A_473 = arith.mulf %mul3A_472, %add3A_463 : vector<16xf32>
      %mul3A_474 = arith.mulf %bitcast3A_471, %bitcast3A_471 : vector<16xf32>
      %mul3A_475 = arith.mulf %mul3A_473, %mul3A_474 : vector<16xf32>
      %sub3A_476 = arith.constant 1.500000e+00 : f32
      %sub3A_477 = vector.broadcast %sub3A_476 : f32 to vector<16xf32>
      %sub3A_478 = arith.subf %sub3A_477, %mul3A_475 : vector<16xf32>
      %mul3A_479 = arith.mulf %bitcast3A_471, %sub3A_478 : vector<16xf32>
      %mul3A_480 = arith.mulf %mul3A_479, %mul3A_479 : vector<16xf32>
      %mul3A_481 = arith.mulf %mul3A_473, %mul3A_480 : vector<16xf32>
      %sub3A_482 = arith.constant 1.500000e+00 : f32
      %sub3A_483 = vector.broadcast %sub3A_482 : f32 to vector<16xf32>
      %sub3A_484 = arith.subf %sub3A_483, %mul3A_481 : vector<16xf32>
      %mul3A_485 = arith.mulf %mul3A_479, %sub3A_484 : vector<16xf32>
      %mul3A_486 = arith.mulf %add3A_463, %mul3A_485 : vector<16xf32>
      %mul3A_487 = vector.broadcast %scan3A_128 : f32 to vector<16xf32>
      %mul3A_488 = arith.mulf %mul3A_487, %mul3A_485 : vector<16xf32>
      %mul3A_489 = arith.mulf %mul3A_486, %mul3A_486 : vector<16xf32>
      %sub3A_490 = arith.subf %add3A_463, %mul3A_489 : vector<16xf32>
      %mul3A_491 = arith.mulf %mul3A_488, %sub3A_490 : vector<16xf32>
      %add3A_492 = arith.addf %mul3A_486, %mul3A_491 : vector<16xf32>
      %mul3A_493 = vector.broadcast %scan3A_129 : f32 to vector<16xf32>
      %mul3A_494 = arith.mulf %add3A_492, %mul3A_493 : vector<16xf32>
      %convert_element_type3A_495 = arith.fptosi %mul3A_494 : vector<16xf32> to vector<16xi32>
      %convert_element_type3A_496 = arith.sitofp %convert_element_type3A_495 : vector<16xi32> to vector<16xf32>
      %sub3A_497 = arith.subf %mul3A_494, %convert_element_type3A_496 : vector<16xf32>
      %add3A_498 = arith.addi %mul3A_122, %gather3A_455 : vector<16xi32>
      %add3A_499 = arith.addi %add3A_498, %convert_element_type3A_495 : vector<16xi32>
      %gather3A_500 = tpu.vector_load_idx %arg17[%add3A_499] : memref<16000xf32, #tpu.memory_space<vmem>>[vector<16xi32>], vector<16xf32>,
      %gather3A_501 = tpu.vector_load_idx %arg18[%add3A_499] : memref<16000xf32, #tpu.memory_space<vmem>>[vector<16xi32>], vector<16xf32>,
      %gather3A_502 = tpu.vector_load_idx %arg19[%add3A_499] : memref<16000xf32, #tpu.memory_space<vmem>>[vector<16xi32>], vector<16xf32>,
      %gather3A_503 = tpu.vector_load_idx %arg20[%add3A_499] : memref<16000xf32, #tpu.memory_space<vmem>>[vector<16xi32>], vector<16xf32>,
      %mul3A_504 = arith.mulf %gather3A_500, %sub3A_497 : vector<16xf32>
      %add3A_505 = arith.addf %mul3A_504, %gather3A_501 : vector<16xf32>
      %mul3A_506 = arith.mulf %add3A_505, %sub3A_497 : vector<16xf32>
      %add3A_507 = arith.addf %mul3A_506, %gather3A_502 : vector<16xf32>
      %mul3A_508 = arith.mulf %add3A_507, %sub3A_497 : vector<16xf32>
      %add3A_509 = arith.addf %mul3A_508, %gather3A_503 : vector<16xf32>
      %add3A_510 = arith.constant 1 : i32
      %add3A_511 = vector.broadcast %add3A_510 : i32 to vector<16xi32>
      %add3A_512 = arith.addi %add3A_447, %add3A_511 : vector<16xi32>
      %add3A_513 = arith.addf %add3A_448, %add3A_509 : vector<16xf32>
      %scan3A_514 = arith.constant 3 : i32
      %scan3A_515 = arith.addi %scan3A_321, %scan3A_514 : i32
      %gather3A_516 = tpu.vector_load_idx %arg16[%add3A_512] : memref<32768xi32, #tpu.memory_space<vmem>>[vector<16xi32>], vector<16xi32>,
      %gather3A_517 = tpu.vector_load_idx %arg12[%gather3A_516] : memref<2048xf32, #tpu.memory_space<vmem>>[vector<16xi32>], vector<16xf32>,
      %gather3A_518 = tpu.vector_load_idx %arg13[%gather3A_516] : memref<2048xf32, #tpu.memory_space<vmem>>[vector<16xi32>], vector<16xf32>,
      %gather3A_519 = tpu.vector_load_idx %arg14[%gather3A_516] : memref<2048xf32, #tpu.memory_space<vmem>>[vector<16xi32>], vector<16xf32>,
      %gather3A_520 = tpu.vector_load_idx %arg15[%gather3A_516] : memref<2048xi32, #tpu.memory_space<vmem>>[vector<16xi32>], vector<16xi32>,
      %sub3A_521 = arith.subf %gather3A_116, %gather3A_517 : vector<16xf32>
      %sub3A_522 = arith.subf %gather3A_117, %gather3A_518 : vector<16xf32>
      %sub3A_523 = arith.subf %gather3A_118, %gather3A_519 : vector<16xf32>
      %mul3A_524 = arith.mulf %sub3A_521, %sub3A_521 : vector<16xf32>
      %mul3A_525 = arith.mulf %sub3A_522, %sub3A_522 : vector<16xf32>
      %add3A_526 = arith.addf %mul3A_524, %mul3A_525 : vector<16xf32>
      %mul3A_527 = arith.mulf %sub3A_523, %sub3A_523 : vector<16xf32>
      %add3A_528 = arith.addf %add3A_526, %mul3A_527 : vector<16xf32>
      %bitcast3A_529 = vector.bitcast %add3A_528 : vector<16xf32> to vector<16xi32>
      %shift_right_arithmetic3A_530 = arith.constant 1 : i32
      %shift_right_arithmetic3A_531 = vector.broadcast %shift_right_arithmetic3A_530 : i32 to vector<16xi32>
      %shift_right_arithmetic3A_532 = arith.shrsi %bitcast3A_529, %shift_right_arithmetic3A_531 : vector<16xi32>
      %sub3A_533 = arith.constant 1597463007 : i32
      %sub3A_534 = vector.broadcast %sub3A_533 : i32 to vector<16xi32>
      %sub3A_535 = arith.subi %sub3A_534, %shift_right_arithmetic3A_532 : vector<16xi32>
      %bitcast3A_536 = vector.bitcast %sub3A_535 : vector<16xi32> to vector<16xf32>
      %mul3A_537 = vector.broadcast %scan3A_128 : f32 to vector<16xf32>
      %mul3A_538 = arith.mulf %mul3A_537, %add3A_528 : vector<16xf32>
      %mul3A_539 = arith.mulf %bitcast3A_536, %bitcast3A_536 : vector<16xf32>
      %mul3A_540 = arith.mulf %mul3A_538, %mul3A_539 : vector<16xf32>
      %sub3A_541 = arith.constant 1.500000e+00 : f32
      %sub3A_542 = vector.broadcast %sub3A_541 : f32 to vector<16xf32>
      %sub3A_543 = arith.subf %sub3A_542, %mul3A_540 : vector<16xf32>
      %mul3A_544 = arith.mulf %bitcast3A_536, %sub3A_543 : vector<16xf32>
      %mul3A_545 = arith.mulf %mul3A_544, %mul3A_544 : vector<16xf32>
      %mul3A_546 = arith.mulf %mul3A_538, %mul3A_545 : vector<16xf32>
      %sub3A_547 = arith.constant 1.500000e+00 : f32
      %sub3A_548 = vector.broadcast %sub3A_547 : f32 to vector<16xf32>
      %sub3A_549 = arith.subf %sub3A_548, %mul3A_546 : vector<16xf32>
      %mul3A_550 = arith.mulf %mul3A_544, %sub3A_549 : vector<16xf32>
      %mul3A_551 = arith.mulf %add3A_528, %mul3A_550 : vector<16xf32>
      %mul3A_552 = vector.broadcast %scan3A_128 : f32 to vector<16xf32>
      %mul3A_553 = arith.mulf %mul3A_552, %mul3A_550 : vector<16xf32>
      %mul3A_554 = arith.mulf %mul3A_551, %mul3A_551 : vector<16xf32>
      %sub3A_555 = arith.subf %add3A_528, %mul3A_554 : vector<16xf32>
      %mul3A_556 = arith.mulf %mul3A_553, %sub3A_555 : vector<16xf32>
      %add3A_557 = arith.addf %mul3A_551, %mul3A_556 : vector<16xf32>
      %mul3A_558 = vector.broadcast %scan3A_129 : f32 to vector<16xf32>
      %mul3A_559 = arith.mulf %add3A_557, %mul3A_558 : vector<16xf32>
      %convert_element_type3A_560 = arith.fptosi %mul3A_559 : vector<16xf32> to vector<16xi32>
      %convert_element_type3A_561 = arith.sitofp %convert_element_type3A_560 : vector<16xi32> to vector<16xf32>
      %sub3A_562 = arith.subf %mul3A_559, %convert_element_type3A_561 : vector<16xf32>
      %add3A_563 = arith.addi %mul3A_122, %gather3A_520 : vector<16xi32>
      %add3A_564 = arith.addi %add3A_563, %convert_element_type3A_560 : vector<16xi32>
      %gather3A_565 = tpu.vector_load_idx %arg17[%add3A_564] : memref<16000xf32, #tpu.memory_space<vmem>>[vector<16xi32>], vector<16xf32>,
      %gather3A_566 = tpu.vector_load_idx %arg18[%add3A_564] : memref<16000xf32, #tpu.memory_space<vmem>>[vector<16xi32>], vector<16xf32>,
      %gather3A_567 = tpu.vector_load_idx %arg19[%add3A_564] : memref<16000xf32, #tpu.memory_space<vmem>>[vector<16xi32>], vector<16xf32>,
      %gather3A_568 = tpu.vector_load_idx %arg20[%add3A_564] : memref<16000xf32, #tpu.memory_space<vmem>>[vector<16xi32>], vector<16xf32>,
      %mul3A_569 = arith.mulf %gather3A_565, %sub3A_562 : vector<16xf32>
      %add3A_570 = arith.addf %mul3A_569, %gather3A_566 : vector<16xf32>
      %mul3A_571 = arith.mulf %add3A_570, %sub3A_562 : vector<16xf32>
      %add3A_572 = arith.addf %mul3A_571, %gather3A_567 : vector<16xf32>
      %mul3A_573 = arith.mulf %add3A_572, %sub3A_562 : vector<16xf32>
      %add3A_574 = arith.addf %mul3A_573, %gather3A_568 : vector<16xf32>
      %add3A_575 = arith.constant 1 : i32
      %add3A_576 = vector.broadcast %add3A_575 : i32 to vector<16xi32>
      %add3A_577 = arith.addi %add3A_512, %add3A_576 : vector<16xi32>
      %add3A_578 = arith.addf %add3A_513, %add3A_574 : vector<16xf32>
      scf.yield %add3A_577, %add3A_578 : vector<16xi32>, vector<16xf32>
    }
    %scan3A_135 = arith.constant 256 : i32
    %mul3A_136 = arith.constant 5.000000e-01 : f32
    %mul3A_137 = vector.broadcast %mul3A_136 : f32 to vector<16xf32>
    %mul3A_138 = arith.mulf %mul3A_137, %scan3A_134#1 : vector<16xf32>
    %swap3A_139 = arith.constant 16 : index
    %swap3A_140 = tpu.vector_load %arg21[%swap3A_139] {strides = array<i32>} : memref<128xf32, #tpu.memory_space<vmem>>, vector<16xf32>,
    tpu.vector_store %arg21[%swap3A_139], %mul3A_138 {strides = array<i32>} : memref<128xf32, #tpu.memory_space<vmem>>, vector<16xf32>,
    %add3A_141 = arith.constant 32 : i32
    %add3A_142 = vector.broadcast %add3A_141 : i32 to vector<16xi32>
    %add3A_143 = arith.addi %add3A_142, %iota3A : vector<16xi32>
    %add3A_144 = vector.broadcast %mul3A_32 : i32 to vector<16xi32>
    %add3A_145 = arith.addi %add3A_144, %add3A_143 : vector<16xi32>
    %gather3A_146 = tpu.vector_load_idx %arg12[%add3A_145] : memref<2048xf32, #tpu.memory_space<vmem>>[vector<16xi32>], vector<16xf32>,
    %gather3A_147 = tpu.vector_load_idx %arg13[%add3A_145] : memref<2048xf32, #tpu.memory_space<vmem>>[vector<16xi32>], vector<16xf32>,
    %gather3A_148 = tpu.vector_load_idx %arg14[%add3A_145] : memref<2048xf32, #tpu.memory_space<vmem>>[vector<16xi32>], vector<16xf32>,
    %gather3A_149 = tpu.vector_load_idx %arg15[%add3A_145] : memref<2048xi32, #tpu.memory_space<vmem>>[vector<16xi32>], vector<16xi32>,
    %mul3A_150 = arith.constant 4 : i32
    %mul3A_151 = vector.broadcast %mul3A_150 : i32 to vector<16xi32>
    %mul3A_152 = arith.muli %gather3A_149, %mul3A_151 : vector<16xi32>
    %mul3A_153 = arith.constant 256 : i32
    %mul3A_154 = vector.broadcast %mul3A_153 : i32 to vector<16xi32>
    %mul3A_155 = arith.muli %add3A_143, %mul3A_154 : vector<16xi32>
    %broadcast_in_dim3A_156 = arith.constant 0.000000e+00 : f32
    %broadcast_in_dim3A_157 = vector.broadcast %broadcast_in_dim3A_156 : f32 to vector<16xf32>
    %scan3A_158 = arith.constant 5.000000e-01 : f32
    %scan3A_159 = arith.constant 499.999969 : f32
    %scan3A_160 = arith.constant 0 : i32
    %scan3A_161 = arith.constant 256 : i32
    %scan3A_162 = arith.addi %scan3A_160, %scan3A_161 : i32
    %scan3A_163 = arith.constant 4 : i32
    %scan3A_164:2 = scf.for %scan3A_321 = %scan3A_160 to %scan3A_162 step %scan3A_163 iter_args(%scan3A_322 = %mul3A_155, %scan3A_323 = %broadcast_in_dim3A_157) -> (vector<16xi32>, vector<16xf32>)  : i32 {
      %gather3A_324 = tpu.vector_load_idx %arg16[%scan3A_322] : memref<32768xi32, #tpu.memory_space<vmem>>[vector<16xi32>], vector<16xi32>,
      %gather3A_325 = tpu.vector_load_idx %arg12[%gather3A_324] : memref<2048xf32, #tpu.memory_space<vmem>>[vector<16xi32>], vector<16xf32>,
      %gather3A_326 = tpu.vector_load_idx %arg13[%gather3A_324] : memref<2048xf32, #tpu.memory_space<vmem>>[vector<16xi32>], vector<16xf32>,
      %gather3A_327 = tpu.vector_load_idx %arg14[%gather3A_324] : memref<2048xf32, #tpu.memory_space<vmem>>[vector<16xi32>], vector<16xf32>,
      %gather3A_328 = tpu.vector_load_idx %arg15[%gather3A_324] : memref<2048xi32, #tpu.memory_space<vmem>>[vector<16xi32>], vector<16xi32>,
      %sub3A_329 = arith.subf %gather3A_146, %gather3A_325 : vector<16xf32>
      %sub3A_330 = arith.subf %gather3A_147, %gather3A_326 : vector<16xf32>
      %sub3A_331 = arith.subf %gather3A_148, %gather3A_327 : vector<16xf32>
      %mul3A_332 = arith.mulf %sub3A_329, %sub3A_329 : vector<16xf32>
      %mul3A_333 = arith.mulf %sub3A_330, %sub3A_330 : vector<16xf32>
      %add3A_334 = arith.addf %mul3A_332, %mul3A_333 : vector<16xf32>
      %mul3A_335 = arith.mulf %sub3A_331, %sub3A_331 : vector<16xf32>
      %add3A_336 = arith.addf %add3A_334, %mul3A_335 : vector<16xf32>
      %bitcast3A = vector.bitcast %add3A_336 : vector<16xf32> to vector<16xi32>
      %shift_right_arithmetic3A = arith.constant 1 : i32
      %shift_right_arithmetic3A_337 = vector.broadcast %shift_right_arithmetic3A : i32 to vector<16xi32>
      %shift_right_arithmetic3A_338 = arith.shrsi %bitcast3A, %shift_right_arithmetic3A_337 : vector<16xi32>
      %sub3A_339 = arith.constant 1597463007 : i32
      %sub3A_340 = vector.broadcast %sub3A_339 : i32 to vector<16xi32>
      %sub3A_341 = arith.subi %sub3A_340, %shift_right_arithmetic3A_338 : vector<16xi32>
      %bitcast3A_342 = vector.bitcast %sub3A_341 : vector<16xi32> to vector<16xf32>
      %mul3A_343 = vector.broadcast %scan3A_158 : f32 to vector<16xf32>
      %mul3A_344 = arith.mulf %mul3A_343, %add3A_336 : vector<16xf32>
      %mul3A_345 = arith.mulf %bitcast3A_342, %bitcast3A_342 : vector<16xf32>
      %mul3A_346 = arith.mulf %mul3A_344, %mul3A_345 : vector<16xf32>
      %sub3A_347 = arith.constant 1.500000e+00 : f32
      %sub3A_348 = vector.broadcast %sub3A_347 : f32 to vector<16xf32>
      %sub3A_349 = arith.subf %sub3A_348, %mul3A_346 : vector<16xf32>
      %mul3A_350 = arith.mulf %bitcast3A_342, %sub3A_349 : vector<16xf32>
      %mul3A_351 = arith.mulf %mul3A_350, %mul3A_350 : vector<16xf32>
      %mul3A_352 = arith.mulf %mul3A_344, %mul3A_351 : vector<16xf32>
      %sub3A_353 = arith.constant 1.500000e+00 : f32
      %sub3A_354 = vector.broadcast %sub3A_353 : f32 to vector<16xf32>
      %sub3A_355 = arith.subf %sub3A_354, %mul3A_352 : vector<16xf32>
      %mul3A_356 = arith.mulf %mul3A_350, %sub3A_355 : vector<16xf32>
      %mul3A_357 = arith.mulf %add3A_336, %mul3A_356 : vector<16xf32>
      %mul3A_358 = vector.broadcast %scan3A_158 : f32 to vector<16xf32>
      %mul3A_359 = arith.mulf %mul3A_358, %mul3A_356 : vector<16xf32>
      %mul3A_360 = arith.mulf %mul3A_357, %mul3A_357 : vector<16xf32>
      %sub3A_361 = arith.subf %add3A_336, %mul3A_360 : vector<16xf32>
      %mul3A_362 = arith.mulf %mul3A_359, %sub3A_361 : vector<16xf32>
      %add3A_363 = arith.addf %mul3A_357, %mul3A_362 : vector<16xf32>
      %mul3A_364 = vector.broadcast %scan3A_159 : f32 to vector<16xf32>
      %mul3A_365 = arith.mulf %add3A_363, %mul3A_364 : vector<16xf32>
      %convert_element_type3A = arith.fptosi %mul3A_365 : vector<16xf32> to vector<16xi32>
      %convert_element_type3A_366 = arith.sitofp %convert_element_type3A : vector<16xi32> to vector<16xf32>
      %sub3A_367 = arith.subf %mul3A_365, %convert_element_type3A_366 : vector<16xf32>
      %add3A_368 = arith.addi %mul3A_152, %gather3A_328 : vector<16xi32>
      %add3A_369 = arith.addi %add3A_368, %convert_element_type3A : vector<16xi32>
      %gather3A_370 = tpu.vector_load_idx %arg17[%add3A_369] : memref<16000xf32, #tpu.memory_space<vmem>>[vector<16xi32>], vector<16xf32>,
      %gather3A_371 = tpu.vector_load_idx %arg18[%add3A_369] : memref<16000xf32, #tpu.memory_space<vmem>>[vector<16xi32>], vector<16xf32>,
      %gather3A_372 = tpu.vector_load_idx %arg19[%add3A_369] : memref<16000xf32, #tpu.memory_space<vmem>>[vector<16xi32>], vector<16xf32>,
      %gather3A_373 = tpu.vector_load_idx %arg20[%add3A_369] : memref<16000xf32, #tpu.memory_space<vmem>>[vector<16xi32>], vector<16xf32>,
      %mul3A_374 = arith.mulf %gather3A_370, %sub3A_367 : vector<16xf32>
      %add3A_375 = arith.addf %mul3A_374, %gather3A_371 : vector<16xf32>
      %mul3A_376 = arith.mulf %add3A_375, %sub3A_367 : vector<16xf32>
      %add3A_377 = arith.addf %mul3A_376, %gather3A_372 : vector<16xf32>
      %mul3A_378 = arith.mulf %add3A_377, %sub3A_367 : vector<16xf32>
      %add3A_379 = arith.addf %mul3A_378, %gather3A_373 : vector<16xf32>
      %add3A_380 = arith.constant 1 : i32
      %add3A_381 = vector.broadcast %add3A_380 : i32 to vector<16xi32>
      %add3A_382 = arith.addi %scan3A_322, %add3A_381 : vector<16xi32>
      %add3A_383 = arith.addf %scan3A_323, %add3A_379 : vector<16xf32>
      %scan3A_384 = arith.constant 1 : i32
      %scan3A_385 = arith.addi %scan3A_321, %scan3A_384 : i32
      %gather3A_386 = tpu.vector_load_idx %arg16[%add3A_382] : memref<32768xi32, #tpu.memory_space<vmem>>[vector<16xi32>], vector<16xi32>,
      %gather3A_387 = tpu.vector_load_idx %arg12[%gather3A_386] : memref<2048xf32, #tpu.memory_space<vmem>>[vector<16xi32>], vector<16xf32>,
      %gather3A_388 = tpu.vector_load_idx %arg13[%gather3A_386] : memref<2048xf32, #tpu.memory_space<vmem>>[vector<16xi32>], vector<16xf32>,
      %gather3A_389 = tpu.vector_load_idx %arg14[%gather3A_386] : memref<2048xf32, #tpu.memory_space<vmem>>[vector<16xi32>], vector<16xf32>,
      %gather3A_390 = tpu.vector_load_idx %arg15[%gather3A_386] : memref<2048xi32, #tpu.memory_space<vmem>>[vector<16xi32>], vector<16xi32>,
      %sub3A_391 = arith.subf %gather3A_146, %gather3A_387 : vector<16xf32>
      %sub3A_392 = arith.subf %gather3A_147, %gather3A_388 : vector<16xf32>
      %sub3A_393 = arith.subf %gather3A_148, %gather3A_389 : vector<16xf32>
      %mul3A_394 = arith.mulf %sub3A_391, %sub3A_391 : vector<16xf32>
      %mul3A_395 = arith.mulf %sub3A_392, %sub3A_392 : vector<16xf32>
      %add3A_396 = arith.addf %mul3A_394, %mul3A_395 : vector<16xf32>
      %mul3A_397 = arith.mulf %sub3A_393, %sub3A_393 : vector<16xf32>
      %add3A_398 = arith.addf %add3A_396, %mul3A_397 : vector<16xf32>
      %bitcast3A_399 = vector.bitcast %add3A_398 : vector<16xf32> to vector<16xi32>
      %shift_right_arithmetic3A_400 = arith.constant 1 : i32
      %shift_right_arithmetic3A_401 = vector.broadcast %shift_right_arithmetic3A_400 : i32 to vector<16xi32>
      %shift_right_arithmetic3A_402 = arith.shrsi %bitcast3A_399, %shift_right_arithmetic3A_401 : vector<16xi32>
      %sub3A_403 = arith.constant 1597463007 : i32
      %sub3A_404 = vector.broadcast %sub3A_403 : i32 to vector<16xi32>
      %sub3A_405 = arith.subi %sub3A_404, %shift_right_arithmetic3A_402 : vector<16xi32>
      %bitcast3A_406 = vector.bitcast %sub3A_405 : vector<16xi32> to vector<16xf32>
      %mul3A_407 = vector.broadcast %scan3A_158 : f32 to vector<16xf32>
      %mul3A_408 = arith.mulf %mul3A_407, %add3A_398 : vector<16xf32>
      %mul3A_409 = arith.mulf %bitcast3A_406, %bitcast3A_406 : vector<16xf32>
      %mul3A_410 = arith.mulf %mul3A_408, %mul3A_409 : vector<16xf32>
      %sub3A_411 = arith.constant 1.500000e+00 : f32
      %sub3A_412 = vector.broadcast %sub3A_411 : f32 to vector<16xf32>
      %sub3A_413 = arith.subf %sub3A_412, %mul3A_410 : vector<16xf32>
      %mul3A_414 = arith.mulf %bitcast3A_406, %sub3A_413 : vector<16xf32>
      %mul3A_415 = arith.mulf %mul3A_414, %mul3A_414 : vector<16xf32>
      %mul3A_416 = arith.mulf %mul3A_408, %mul3A_415 : vector<16xf32>
      %sub3A_417 = arith.constant 1.500000e+00 : f32
      %sub3A_418 = vector.broadcast %sub3A_417 : f32 to vector<16xf32>
      %sub3A_419 = arith.subf %sub3A_418, %mul3A_416 : vector<16xf32>
      %mul3A_420 = arith.mulf %mul3A_414, %sub3A_419 : vector<16xf32>
      %mul3A_421 = arith.mulf %add3A_398, %mul3A_420 : vector<16xf32>
      %mul3A_422 = vector.broadcast %scan3A_158 : f32 to vector<16xf32>
      %mul3A_423 = arith.mulf %mul3A_422, %mul3A_420 : vector<16xf32>
      %mul3A_424 = arith.mulf %mul3A_421, %mul3A_421 : vector<16xf32>
      %sub3A_425 = arith.subf %add3A_398, %mul3A_424 : vector<16xf32>
      %mul3A_426 = arith.mulf %mul3A_423, %sub3A_425 : vector<16xf32>
      %add3A_427 = arith.addf %mul3A_421, %mul3A_426 : vector<16xf32>
      %mul3A_428 = vector.broadcast %scan3A_159 : f32 to vector<16xf32>
      %mul3A_429 = arith.mulf %add3A_427, %mul3A_428 : vector<16xf32>
      %convert_element_type3A_430 = arith.fptosi %mul3A_429 : vector<16xf32> to vector<16xi32>
      %convert_element_type3A_431 = arith.sitofp %convert_element_type3A_430 : vector<16xi32> to vector<16xf32>
      %sub3A_432 = arith.subf %mul3A_429, %convert_element_type3A_431 : vector<16xf32>
      %add3A_433 = arith.addi %mul3A_152, %gather3A_390 : vector<16xi32>
      %add3A_434 = arith.addi %add3A_433, %convert_element_type3A_430 : vector<16xi32>
      %gather3A_435 = tpu.vector_load_idx %arg17[%add3A_434] : memref<16000xf32, #tpu.memory_space<vmem>>[vector<16xi32>], vector<16xf32>,
      %gather3A_436 = tpu.vector_load_idx %arg18[%add3A_434] : memref<16000xf32, #tpu.memory_space<vmem>>[vector<16xi32>], vector<16xf32>,
      %gather3A_437 = tpu.vector_load_idx %arg19[%add3A_434] : memref<16000xf32, #tpu.memory_space<vmem>>[vector<16xi32>], vector<16xf32>,
      %gather3A_438 = tpu.vector_load_idx %arg20[%add3A_434] : memref<16000xf32, #tpu.memory_space<vmem>>[vector<16xi32>], vector<16xf32>,
      %mul3A_439 = arith.mulf %gather3A_435, %sub3A_432 : vector<16xf32>
      %add3A_440 = arith.addf %mul3A_439, %gather3A_436 : vector<16xf32>
      %mul3A_441 = arith.mulf %add3A_440, %sub3A_432 : vector<16xf32>
      %add3A_442 = arith.addf %mul3A_441, %gather3A_437 : vector<16xf32>
      %mul3A_443 = arith.mulf %add3A_442, %sub3A_432 : vector<16xf32>
      %add3A_444 = arith.addf %mul3A_443, %gather3A_438 : vector<16xf32>
      %add3A_445 = arith.constant 1 : i32
      %add3A_446 = vector.broadcast %add3A_445 : i32 to vector<16xi32>
      %add3A_447 = arith.addi %add3A_382, %add3A_446 : vector<16xi32>
      %add3A_448 = arith.addf %add3A_383, %add3A_444 : vector<16xf32>
      %scan3A_449 = arith.constant 2 : i32
      %scan3A_450 = arith.addi %scan3A_321, %scan3A_449 : i32
      %gather3A_451 = tpu.vector_load_idx %arg16[%add3A_447] : memref<32768xi32, #tpu.memory_space<vmem>>[vector<16xi32>], vector<16xi32>,
      %gather3A_452 = tpu.vector_load_idx %arg12[%gather3A_451] : memref<2048xf32, #tpu.memory_space<vmem>>[vector<16xi32>], vector<16xf32>,
      %gather3A_453 = tpu.vector_load_idx %arg13[%gather3A_451] : memref<2048xf32, #tpu.memory_space<vmem>>[vector<16xi32>], vector<16xf32>,
      %gather3A_454 = tpu.vector_load_idx %arg14[%gather3A_451] : memref<2048xf32, #tpu.memory_space<vmem>>[vector<16xi32>], vector<16xf32>,
      %gather3A_455 = tpu.vector_load_idx %arg15[%gather3A_451] : memref<2048xi32, #tpu.memory_space<vmem>>[vector<16xi32>], vector<16xi32>,
      %sub3A_456 = arith.subf %gather3A_146, %gather3A_452 : vector<16xf32>
      %sub3A_457 = arith.subf %gather3A_147, %gather3A_453 : vector<16xf32>
      %sub3A_458 = arith.subf %gather3A_148, %gather3A_454 : vector<16xf32>
      %mul3A_459 = arith.mulf %sub3A_456, %sub3A_456 : vector<16xf32>
      %mul3A_460 = arith.mulf %sub3A_457, %sub3A_457 : vector<16xf32>
      %add3A_461 = arith.addf %mul3A_459, %mul3A_460 : vector<16xf32>
      %mul3A_462 = arith.mulf %sub3A_458, %sub3A_458 : vector<16xf32>
      %add3A_463 = arith.addf %add3A_461, %mul3A_462 : vector<16xf32>
      %bitcast3A_464 = vector.bitcast %add3A_463 : vector<16xf32> to vector<16xi32>
      %shift_right_arithmetic3A_465 = arith.constant 1 : i32
      %shift_right_arithmetic3A_466 = vector.broadcast %shift_right_arithmetic3A_465 : i32 to vector<16xi32>
      %shift_right_arithmetic3A_467 = arith.shrsi %bitcast3A_464, %shift_right_arithmetic3A_466 : vector<16xi32>
      %sub3A_468 = arith.constant 1597463007 : i32
      %sub3A_469 = vector.broadcast %sub3A_468 : i32 to vector<16xi32>
      %sub3A_470 = arith.subi %sub3A_469, %shift_right_arithmetic3A_467 : vector<16xi32>
      %bitcast3A_471 = vector.bitcast %sub3A_470 : vector<16xi32> to vector<16xf32>
      %mul3A_472 = vector.broadcast %scan3A_158 : f32 to vector<16xf32>
      %mul3A_473 = arith.mulf %mul3A_472, %add3A_463 : vector<16xf32>
      %mul3A_474 = arith.mulf %bitcast3A_471, %bitcast3A_471 : vector<16xf32>
      %mul3A_475 = arith.mulf %mul3A_473, %mul3A_474 : vector<16xf32>
      %sub3A_476 = arith.constant 1.500000e+00 : f32
      %sub3A_477 = vector.broadcast %sub3A_476 : f32 to vector<16xf32>
      %sub3A_478 = arith.subf %sub3A_477, %mul3A_475 : vector<16xf32>
      %mul3A_479 = arith.mulf %bitcast3A_471, %sub3A_478 : vector<16xf32>
      %mul3A_480 = arith.mulf %mul3A_479, %mul3A_479 : vector<16xf32>
      %mul3A_481 = arith.mulf %mul3A_473, %mul3A_480 : vector<16xf32>
      %sub3A_482 = arith.constant 1.500000e+00 : f32
      %sub3A_483 = vector.broadcast %sub3A_482 : f32 to vector<16xf32>
      %sub3A_484 = arith.subf %sub3A_483, %mul3A_481 : vector<16xf32>
      %mul3A_485 = arith.mulf %mul3A_479, %sub3A_484 : vector<16xf32>
      %mul3A_486 = arith.mulf %add3A_463, %mul3A_485 : vector<16xf32>
      %mul3A_487 = vector.broadcast %scan3A_158 : f32 to vector<16xf32>
      %mul3A_488 = arith.mulf %mul3A_487, %mul3A_485 : vector<16xf32>
      %mul3A_489 = arith.mulf %mul3A_486, %mul3A_486 : vector<16xf32>
      %sub3A_490 = arith.subf %add3A_463, %mul3A_489 : vector<16xf32>
      %mul3A_491 = arith.mulf %mul3A_488, %sub3A_490 : vector<16xf32>
      %add3A_492 = arith.addf %mul3A_486, %mul3A_491 : vector<16xf32>
      %mul3A_493 = vector.broadcast %scan3A_159 : f32 to vector<16xf32>
      %mul3A_494 = arith.mulf %add3A_492, %mul3A_493 : vector<16xf32>
      %convert_element_type3A_495 = arith.fptosi %mul3A_494 : vector<16xf32> to vector<16xi32>
      %convert_element_type3A_496 = arith.sitofp %convert_element_type3A_495 : vector<16xi32> to vector<16xf32>
      %sub3A_497 = arith.subf %mul3A_494, %convert_element_type3A_496 : vector<16xf32>
      %add3A_498 = arith.addi %mul3A_152, %gather3A_455 : vector<16xi32>
      %add3A_499 = arith.addi %add3A_498, %convert_element_type3A_495 : vector<16xi32>
      %gather3A_500 = tpu.vector_load_idx %arg17[%add3A_499] : memref<16000xf32, #tpu.memory_space<vmem>>[vector<16xi32>], vector<16xf32>,
      %gather3A_501 = tpu.vector_load_idx %arg18[%add3A_499] : memref<16000xf32, #tpu.memory_space<vmem>>[vector<16xi32>], vector<16xf32>,
      %gather3A_502 = tpu.vector_load_idx %arg19[%add3A_499] : memref<16000xf32, #tpu.memory_space<vmem>>[vector<16xi32>], vector<16xf32>,
      %gather3A_503 = tpu.vector_load_idx %arg20[%add3A_499] : memref<16000xf32, #tpu.memory_space<vmem>>[vector<16xi32>], vector<16xf32>,
      %mul3A_504 = arith.mulf %gather3A_500, %sub3A_497 : vector<16xf32>
      %add3A_505 = arith.addf %mul3A_504, %gather3A_501 : vector<16xf32>
      %mul3A_506 = arith.mulf %add3A_505, %sub3A_497 : vector<16xf32>
      %add3A_507 = arith.addf %mul3A_506, %gather3A_502 : vector<16xf32>
      %mul3A_508 = arith.mulf %add3A_507, %sub3A_497 : vector<16xf32>
      %add3A_509 = arith.addf %mul3A_508, %gather3A_503 : vector<16xf32>
      %add3A_510 = arith.constant 1 : i32
      %add3A_511 = vector.broadcast %add3A_510 : i32 to vector<16xi32>
      %add3A_512 = arith.addi %add3A_447, %add3A_511 : vector<16xi32>
      %add3A_513 = arith.addf %add3A_448, %add3A_509 : vector<16xf32>
      %scan3A_514 = arith.constant 3 : i32
      %scan3A_515 = arith.addi %scan3A_321, %scan3A_514 : i32
      %gather3A_516 = tpu.vector_load_idx %arg16[%add3A_512] : memref<32768xi32, #tpu.memory_space<vmem>>[vector<16xi32>], vector<16xi32>,
      %gather3A_517 = tpu.vector_load_idx %arg12[%gather3A_516] : memref<2048xf32, #tpu.memory_space<vmem>>[vector<16xi32>], vector<16xf32>,
      %gather3A_518 = tpu.vector_load_idx %arg13[%gather3A_516] : memref<2048xf32, #tpu.memory_space<vmem>>[vector<16xi32>], vector<16xf32>,
      %gather3A_519 = tpu.vector_load_idx %arg14[%gather3A_516] : memref<2048xf32, #tpu.memory_space<vmem>>[vector<16xi32>], vector<16xf32>,
      %gather3A_520 = tpu.vector_load_idx %arg15[%gather3A_516] : memref<2048xi32, #tpu.memory_space<vmem>>[vector<16xi32>], vector<16xi32>,
      %sub3A_521 = arith.subf %gather3A_146, %gather3A_517 : vector<16xf32>
      %sub3A_522 = arith.subf %gather3A_147, %gather3A_518 : vector<16xf32>
      %sub3A_523 = arith.subf %gather3A_148, %gather3A_519 : vector<16xf32>
      %mul3A_524 = arith.mulf %sub3A_521, %sub3A_521 : vector<16xf32>
      %mul3A_525 = arith.mulf %sub3A_522, %sub3A_522 : vector<16xf32>
      %add3A_526 = arith.addf %mul3A_524, %mul3A_525 : vector<16xf32>
      %mul3A_527 = arith.mulf %sub3A_523, %sub3A_523 : vector<16xf32>
      %add3A_528 = arith.addf %add3A_526, %mul3A_527 : vector<16xf32>
      %bitcast3A_529 = vector.bitcast %add3A_528 : vector<16xf32> to vector<16xi32>
      %shift_right_arithmetic3A_530 = arith.constant 1 : i32
      %shift_right_arithmetic3A_531 = vector.broadcast %shift_right_arithmetic3A_530 : i32 to vector<16xi32>
      %shift_right_arithmetic3A_532 = arith.shrsi %bitcast3A_529, %shift_right_arithmetic3A_531 : vector<16xi32>
      %sub3A_533 = arith.constant 1597463007 : i32
      %sub3A_534 = vector.broadcast %sub3A_533 : i32 to vector<16xi32>
      %sub3A_535 = arith.subi %sub3A_534, %shift_right_arithmetic3A_532 : vector<16xi32>
      %bitcast3A_536 = vector.bitcast %sub3A_535 : vector<16xi32> to vector<16xf32>
      %mul3A_537 = vector.broadcast %scan3A_158 : f32 to vector<16xf32>
      %mul3A_538 = arith.mulf %mul3A_537, %add3A_528 : vector<16xf32>
      %mul3A_539 = arith.mulf %bitcast3A_536, %bitcast3A_536 : vector<16xf32>
      %mul3A_540 = arith.mulf %mul3A_538, %mul3A_539 : vector<16xf32>
      %sub3A_541 = arith.constant 1.500000e+00 : f32
      %sub3A_542 = vector.broadcast %sub3A_541 : f32 to vector<16xf32>
      %sub3A_543 = arith.subf %sub3A_542, %mul3A_540 : vector<16xf32>
      %mul3A_544 = arith.mulf %bitcast3A_536, %sub3A_543 : vector<16xf32>
      %mul3A_545 = arith.mulf %mul3A_544, %mul3A_544 : vector<16xf32>
      %mul3A_546 = arith.mulf %mul3A_538, %mul3A_545 : vector<16xf32>
      %sub3A_547 = arith.constant 1.500000e+00 : f32
      %sub3A_548 = vector.broadcast %sub3A_547 : f32 to vector<16xf32>
      %sub3A_549 = arith.subf %sub3A_548, %mul3A_546 : vector<16xf32>
      %mul3A_550 = arith.mulf %mul3A_544, %sub3A_549 : vector<16xf32>
      %mul3A_551 = arith.mulf %add3A_528, %mul3A_550 : vector<16xf32>
      %mul3A_552 = vector.broadcast %scan3A_158 : f32 to vector<16xf32>
      %mul3A_553 = arith.mulf %mul3A_552, %mul3A_550 : vector<16xf32>
      %mul3A_554 = arith.mulf %mul3A_551, %mul3A_551 : vector<16xf32>
      %sub3A_555 = arith.subf %add3A_528, %mul3A_554 : vector<16xf32>
      %mul3A_556 = arith.mulf %mul3A_553, %sub3A_555 : vector<16xf32>
      %add3A_557 = arith.addf %mul3A_551, %mul3A_556 : vector<16xf32>
      %mul3A_558 = vector.broadcast %scan3A_159 : f32 to vector<16xf32>
      %mul3A_559 = arith.mulf %add3A_557, %mul3A_558 : vector<16xf32>
      %convert_element_type3A_560 = arith.fptosi %mul3A_559 : vector<16xf32> to vector<16xi32>
      %convert_element_type3A_561 = arith.sitofp %convert_element_type3A_560 : vector<16xi32> to vector<16xf32>
      %sub3A_562 = arith.subf %mul3A_559, %convert_element_type3A_561 : vector<16xf32>
      %add3A_563 = arith.addi %mul3A_152, %gather3A_520 : vector<16xi32>
      %add3A_564 = arith.addi %add3A_563, %convert_element_type3A_560 : vector<16xi32>
      %gather3A_565 = tpu.vector_load_idx %arg17[%add3A_564] : memref<16000xf32, #tpu.memory_space<vmem>>[vector<16xi32>], vector<16xf32>,
      %gather3A_566 = tpu.vector_load_idx %arg18[%add3A_564] : memref<16000xf32, #tpu.memory_space<vmem>>[vector<16xi32>], vector<16xf32>,
      %gather3A_567 = tpu.vector_load_idx %arg19[%add3A_564] : memref<16000xf32, #tpu.memory_space<vmem>>[vector<16xi32>], vector<16xf32>,
      %gather3A_568 = tpu.vector_load_idx %arg20[%add3A_564] : memref<16000xf32, #tpu.memory_space<vmem>>[vector<16xi32>], vector<16xf32>,
      %mul3A_569 = arith.mulf %gather3A_565, %sub3A_562 : vector<16xf32>
      %add3A_570 = arith.addf %mul3A_569, %gather3A_566 : vector<16xf32>
      %mul3A_571 = arith.mulf %add3A_570, %sub3A_562 : vector<16xf32>
      %add3A_572 = arith.addf %mul3A_571, %gather3A_567 : vector<16xf32>
      %mul3A_573 = arith.mulf %add3A_572, %sub3A_562 : vector<16xf32>
      %add3A_574 = arith.addf %mul3A_573, %gather3A_568 : vector<16xf32>
      %add3A_575 = arith.constant 1 : i32
      %add3A_576 = vector.broadcast %add3A_575 : i32 to vector<16xi32>
      %add3A_577 = arith.addi %add3A_512, %add3A_576 : vector<16xi32>
      %add3A_578 = arith.addf %add3A_513, %add3A_574 : vector<16xf32>
      scf.yield %add3A_577, %add3A_578 : vector<16xi32>, vector<16xf32>
    }
    %scan3A_165 = arith.constant 256 : i32
    %mul3A_166 = arith.constant 5.000000e-01 : f32
    %mul3A_167 = vector.broadcast %mul3A_166 : f32 to vector<16xf32>
    %mul3A_168 = arith.mulf %mul3A_167, %scan3A_164#1 : vector<16xf32>
    %swap3A_169 = arith.constant 32 : index
    %swap3A_170 = tpu.vector_load %arg21[%swap3A_169] {strides = array<i32>} : memref<128xf32, #tpu.memory_space<vmem>>, vector<16xf32>,
    tpu.vector_store %arg21[%swap3A_169], %mul3A_168 {strides = array<i32>} : memref<128xf32, #tpu.memory_space<vmem>>, vector<16xf32>,
    %add3A_171 = arith.constant 48 : i32
    %add3A_172 = vector.broadcast %add3A_171 : i32 to vector<16xi32>
    %add3A_173 = arith.addi %add3A_172, %iota3A : vector<16xi32>
    %add3A_174 = vector.broadcast %mul3A_32 : i32 to vector<16xi32>
    %add3A_175 = arith.addi %add3A_174, %add3A_173 : vector<16xi32>
    %gather3A_176 = tpu.vector_load_idx %arg12[%add3A_175] : memref<2048xf32, #tpu.memory_space<vmem>>[vector<16xi32>], vector<16xf32>,
    %gather3A_177 = tpu.vector_load_idx %arg13[%add3A_175] : memref<2048xf32, #tpu.memory_space<vmem>>[vector<16xi32>], vector<16xf32>,
    %gather3A_178 = tpu.vector_load_idx %arg14[%add3A_175] : memref<2048xf32, #tpu.memory_space<vmem>>[vector<16xi32>], vector<16xf32>,
    %gather3A_179 = tpu.vector_load_idx %arg15[%add3A_175] : memref<2048xi32, #tpu.memory_space<vmem>>[vector<16xi32>], vector<16xi32>,
    %mul3A_180 = arith.constant 4 : i32
    %mul3A_181 = vector.broadcast %mul3A_180 : i32 to vector<16xi32>
    %mul3A_182 = arith.muli %gather3A_179, %mul3A_181 : vector<16xi32>
    %mul3A_183 = arith.constant 256 : i32
    %mul3A_184 = vector.broadcast %mul3A_183 : i32 to vector<16xi32>
    %mul3A_185 = arith.muli %add3A_173, %mul3A_184 : vector<16xi32>
    %broadcast_in_dim3A_186 = arith.constant 0.000000e+00 : f32
    %broadcast_in_dim3A_187 = vector.broadcast %broadcast_in_dim3A_186 : f32 to vector<16xf32>
    %scan3A_188 = arith.constant 5.000000e-01 : f32
    %scan3A_189 = arith.constant 499.999969 : f32
    %scan3A_190 = arith.constant 0 : i32
    %scan3A_191 = arith.constant 256 : i32
    %scan3A_192 = arith.addi %scan3A_190, %scan3A_191 : i32
    %scan3A_193 = arith.constant 4 : i32
    %scan3A_194:2 = scf.for %scan3A_321 = %scan3A_190 to %scan3A_192 step %scan3A_193 iter_args(%scan3A_322 = %mul3A_185, %scan3A_323 = %broadcast_in_dim3A_187) -> (vector<16xi32>, vector<16xf32>)  : i32 {
      %gather3A_324 = tpu.vector_load_idx %arg16[%scan3A_322] : memref<32768xi32, #tpu.memory_space<vmem>>[vector<16xi32>], vector<16xi32>,
      %gather3A_325 = tpu.vector_load_idx %arg12[%gather3A_324] : memref<2048xf32, #tpu.memory_space<vmem>>[vector<16xi32>], vector<16xf32>,
      %gather3A_326 = tpu.vector_load_idx %arg13[%gather3A_324] : memref<2048xf32, #tpu.memory_space<vmem>>[vector<16xi32>], vector<16xf32>,
      %gather3A_327 = tpu.vector_load_idx %arg14[%gather3A_324] : memref<2048xf32, #tpu.memory_space<vmem>>[vector<16xi32>], vector<16xf32>,
      %gather3A_328 = tpu.vector_load_idx %arg15[%gather3A_324] : memref<2048xi32, #tpu.memory_space<vmem>>[vector<16xi32>], vector<16xi32>,
      %sub3A_329 = arith.subf %gather3A_176, %gather3A_325 : vector<16xf32>
      %sub3A_330 = arith.subf %gather3A_177, %gather3A_326 : vector<16xf32>
      %sub3A_331 = arith.subf %gather3A_178, %gather3A_327 : vector<16xf32>
      %mul3A_332 = arith.mulf %sub3A_329, %sub3A_329 : vector<16xf32>
      %mul3A_333 = arith.mulf %sub3A_330, %sub3A_330 : vector<16xf32>
      %add3A_334 = arith.addf %mul3A_332, %mul3A_333 : vector<16xf32>
      %mul3A_335 = arith.mulf %sub3A_331, %sub3A_331 : vector<16xf32>
      %add3A_336 = arith.addf %add3A_334, %mul3A_335 : vector<16xf32>
      %bitcast3A = vector.bitcast %add3A_336 : vector<16xf32> to vector<16xi32>
      %shift_right_arithmetic3A = arith.constant 1 : i32
      %shift_right_arithmetic3A_337 = vector.broadcast %shift_right_arithmetic3A : i32 to vector<16xi32>
      %shift_right_arithmetic3A_338 = arith.shrsi %bitcast3A, %shift_right_arithmetic3A_337 : vector<16xi32>
      %sub3A_339 = arith.constant 1597463007 : i32
      %sub3A_340 = vector.broadcast %sub3A_339 : i32 to vector<16xi32>
      %sub3A_341 = arith.subi %sub3A_340, %shift_right_arithmetic3A_338 : vector<16xi32>
      %bitcast3A_342 = vector.bitcast %sub3A_341 : vector<16xi32> to vector<16xf32>
      %mul3A_343 = vector.broadcast %scan3A_188 : f32 to vector<16xf32>
      %mul3A_344 = arith.mulf %mul3A_343, %add3A_336 : vector<16xf32>
      %mul3A_345 = arith.mulf %bitcast3A_342, %bitcast3A_342 : vector<16xf32>
      %mul3A_346 = arith.mulf %mul3A_344, %mul3A_345 : vector<16xf32>
      %sub3A_347 = arith.constant 1.500000e+00 : f32
      %sub3A_348 = vector.broadcast %sub3A_347 : f32 to vector<16xf32>
      %sub3A_349 = arith.subf %sub3A_348, %mul3A_346 : vector<16xf32>
      %mul3A_350 = arith.mulf %bitcast3A_342, %sub3A_349 : vector<16xf32>
      %mul3A_351 = arith.mulf %mul3A_350, %mul3A_350 : vector<16xf32>
      %mul3A_352 = arith.mulf %mul3A_344, %mul3A_351 : vector<16xf32>
      %sub3A_353 = arith.constant 1.500000e+00 : f32
      %sub3A_354 = vector.broadcast %sub3A_353 : f32 to vector<16xf32>
      %sub3A_355 = arith.subf %sub3A_354, %mul3A_352 : vector<16xf32>
      %mul3A_356 = arith.mulf %mul3A_350, %sub3A_355 : vector<16xf32>
      %mul3A_357 = arith.mulf %add3A_336, %mul3A_356 : vector<16xf32>
      %mul3A_358 = vector.broadcast %scan3A_188 : f32 to vector<16xf32>
      %mul3A_359 = arith.mulf %mul3A_358, %mul3A_356 : vector<16xf32>
      %mul3A_360 = arith.mulf %mul3A_357, %mul3A_357 : vector<16xf32>
      %sub3A_361 = arith.subf %add3A_336, %mul3A_360 : vector<16xf32>
      %mul3A_362 = arith.mulf %mul3A_359, %sub3A_361 : vector<16xf32>
      %add3A_363 = arith.addf %mul3A_357, %mul3A_362 : vector<16xf32>
      %mul3A_364 = vector.broadcast %scan3A_189 : f32 to vector<16xf32>
      %mul3A_365 = arith.mulf %add3A_363, %mul3A_364 : vector<16xf32>
      %convert_element_type3A = arith.fptosi %mul3A_365 : vector<16xf32> to vector<16xi32>
      %convert_element_type3A_366 = arith.sitofp %convert_element_type3A : vector<16xi32> to vector<16xf32>
      %sub3A_367 = arith.subf %mul3A_365, %convert_element_type3A_366 : vector<16xf32>
      %add3A_368 = arith.addi %mul3A_182, %gather3A_328 : vector<16xi32>
      %add3A_369 = arith.addi %add3A_368, %convert_element_type3A : vector<16xi32>
      %gather3A_370 = tpu.vector_load_idx %arg17[%add3A_369] : memref<16000xf32, #tpu.memory_space<vmem>>[vector<16xi32>], vector<16xf32>,
      %gather3A_371 = tpu.vector_load_idx %arg18[%add3A_369] : memref<16000xf32, #tpu.memory_space<vmem>>[vector<16xi32>], vector<16xf32>,
      %gather3A_372 = tpu.vector_load_idx %arg19[%add3A_369] : memref<16000xf32, #tpu.memory_space<vmem>>[vector<16xi32>], vector<16xf32>,
      %gather3A_373 = tpu.vector_load_idx %arg20[%add3A_369] : memref<16000xf32, #tpu.memory_space<vmem>>[vector<16xi32>], vector<16xf32>,
      %mul3A_374 = arith.mulf %gather3A_370, %sub3A_367 : vector<16xf32>
      %add3A_375 = arith.addf %mul3A_374, %gather3A_371 : vector<16xf32>
      %mul3A_376 = arith.mulf %add3A_375, %sub3A_367 : vector<16xf32>
      %add3A_377 = arith.addf %mul3A_376, %gather3A_372 : vector<16xf32>
      %mul3A_378 = arith.mulf %add3A_377, %sub3A_367 : vector<16xf32>
      %add3A_379 = arith.addf %mul3A_378, %gather3A_373 : vector<16xf32>
      %add3A_380 = arith.constant 1 : i32
      %add3A_381 = vector.broadcast %add3A_380 : i32 to vector<16xi32>
      %add3A_382 = arith.addi %scan3A_322, %add3A_381 : vector<16xi32>
      %add3A_383 = arith.addf %scan3A_323, %add3A_379 : vector<16xf32>
      %scan3A_384 = arith.constant 1 : i32
      %scan3A_385 = arith.addi %scan3A_321, %scan3A_384 : i32
      %gather3A_386 = tpu.vector_load_idx %arg16[%add3A_382] : memref<32768xi32, #tpu.memory_space<vmem>>[vector<16xi32>], vector<16xi32>,
      %gather3A_387 = tpu.vector_load_idx %arg12[%gather3A_386] : memref<2048xf32, #tpu.memory_space<vmem>>[vector<16xi32>], vector<16xf32>,
      %gather3A_388 = tpu.vector_load_idx %arg13[%gather3A_386] : memref<2048xf32, #tpu.memory_space<vmem>>[vector<16xi32>], vector<16xf32>,
      %gather3A_389 = tpu.vector_load_idx %arg14[%gather3A_386] : memref<2048xf32, #tpu.memory_space<vmem>>[vector<16xi32>], vector<16xf32>,
      %gather3A_390 = tpu.vector_load_idx %arg15[%gather3A_386] : memref<2048xi32, #tpu.memory_space<vmem>>[vector<16xi32>], vector<16xi32>,
      %sub3A_391 = arith.subf %gather3A_176, %gather3A_387 : vector<16xf32>
      %sub3A_392 = arith.subf %gather3A_177, %gather3A_388 : vector<16xf32>
      %sub3A_393 = arith.subf %gather3A_178, %gather3A_389 : vector<16xf32>
      %mul3A_394 = arith.mulf %sub3A_391, %sub3A_391 : vector<16xf32>
      %mul3A_395 = arith.mulf %sub3A_392, %sub3A_392 : vector<16xf32>
      %add3A_396 = arith.addf %mul3A_394, %mul3A_395 : vector<16xf32>
      %mul3A_397 = arith.mulf %sub3A_393, %sub3A_393 : vector<16xf32>
      %add3A_398 = arith.addf %add3A_396, %mul3A_397 : vector<16xf32>
      %bitcast3A_399 = vector.bitcast %add3A_398 : vector<16xf32> to vector<16xi32>
      %shift_right_arithmetic3A_400 = arith.constant 1 : i32
      %shift_right_arithmetic3A_401 = vector.broadcast %shift_right_arithmetic3A_400 : i32 to vector<16xi32>
      %shift_right_arithmetic3A_402 = arith.shrsi %bitcast3A_399, %shift_right_arithmetic3A_401 : vector<16xi32>
      %sub3A_403 = arith.constant 1597463007 : i32
      %sub3A_404 = vector.broadcast %sub3A_403 : i32 to vector<16xi32>
      %sub3A_405 = arith.subi %sub3A_404, %shift_right_arithmetic3A_402 : vector<16xi32>
      %bitcast3A_406 = vector.bitcast %sub3A_405 : vector<16xi32> to vector<16xf32>
      %mul3A_407 = vector.broadcast %scan3A_188 : f32 to vector<16xf32>
      %mul3A_408 = arith.mulf %mul3A_407, %add3A_398 : vector<16xf32>
      %mul3A_409 = arith.mulf %bitcast3A_406, %bitcast3A_406 : vector<16xf32>
      %mul3A_410 = arith.mulf %mul3A_408, %mul3A_409 : vector<16xf32>
      %sub3A_411 = arith.constant 1.500000e+00 : f32
      %sub3A_412 = vector.broadcast %sub3A_411 : f32 to vector<16xf32>
      %sub3A_413 = arith.subf %sub3A_412, %mul3A_410 : vector<16xf32>
      %mul3A_414 = arith.mulf %bitcast3A_406, %sub3A_413 : vector<16xf32>
      %mul3A_415 = arith.mulf %mul3A_414, %mul3A_414 : vector<16xf32>
      %mul3A_416 = arith.mulf %mul3A_408, %mul3A_415 : vector<16xf32>
      %sub3A_417 = arith.constant 1.500000e+00 : f32
      %sub3A_418 = vector.broadcast %sub3A_417 : f32 to vector<16xf32>
      %sub3A_419 = arith.subf %sub3A_418, %mul3A_416 : vector<16xf32>
      %mul3A_420 = arith.mulf %mul3A_414, %sub3A_419 : vector<16xf32>
      %mul3A_421 = arith.mulf %add3A_398, %mul3A_420 : vector<16xf32>
      %mul3A_422 = vector.broadcast %scan3A_188 : f32 to vector<16xf32>
      %mul3A_423 = arith.mulf %mul3A_422, %mul3A_420 : vector<16xf32>
      %mul3A_424 = arith.mulf %mul3A_421, %mul3A_421 : vector<16xf32>
      %sub3A_425 = arith.subf %add3A_398, %mul3A_424 : vector<16xf32>
      %mul3A_426 = arith.mulf %mul3A_423, %sub3A_425 : vector<16xf32>
      %add3A_427 = arith.addf %mul3A_421, %mul3A_426 : vector<16xf32>
      %mul3A_428 = vector.broadcast %scan3A_189 : f32 to vector<16xf32>
      %mul3A_429 = arith.mulf %add3A_427, %mul3A_428 : vector<16xf32>
      %convert_element_type3A_430 = arith.fptosi %mul3A_429 : vector<16xf32> to vector<16xi32>
      %convert_element_type3A_431 = arith.sitofp %convert_element_type3A_430 : vector<16xi32> to vector<16xf32>
      %sub3A_432 = arith.subf %mul3A_429, %convert_element_type3A_431 : vector<16xf32>
      %add3A_433 = arith.addi %mul3A_182, %gather3A_390 : vector<16xi32>
      %add3A_434 = arith.addi %add3A_433, %convert_element_type3A_430 : vector<16xi32>
      %gather3A_435 = tpu.vector_load_idx %arg17[%add3A_434] : memref<16000xf32, #tpu.memory_space<vmem>>[vector<16xi32>], vector<16xf32>,
      %gather3A_436 = tpu.vector_load_idx %arg18[%add3A_434] : memref<16000xf32, #tpu.memory_space<vmem>>[vector<16xi32>], vector<16xf32>,
      %gather3A_437 = tpu.vector_load_idx %arg19[%add3A_434] : memref<16000xf32, #tpu.memory_space<vmem>>[vector<16xi32>], vector<16xf32>,
      %gather3A_438 = tpu.vector_load_idx %arg20[%add3A_434] : memref<16000xf32, #tpu.memory_space<vmem>>[vector<16xi32>], vector<16xf32>,
      %mul3A_439 = arith.mulf %gather3A_435, %sub3A_432 : vector<16xf32>
      %add3A_440 = arith.addf %mul3A_439, %gather3A_436 : vector<16xf32>
      %mul3A_441 = arith.mulf %add3A_440, %sub3A_432 : vector<16xf32>
      %add3A_442 = arith.addf %mul3A_441, %gather3A_437 : vector<16xf32>
      %mul3A_443 = arith.mulf %add3A_442, %sub3A_432 : vector<16xf32>
      %add3A_444 = arith.addf %mul3A_443, %gather3A_438 : vector<16xf32>
      %add3A_445 = arith.constant 1 : i32
      %add3A_446 = vector.broadcast %add3A_445 : i32 to vector<16xi32>
      %add3A_447 = arith.addi %add3A_382, %add3A_446 : vector<16xi32>
      %add3A_448 = arith.addf %add3A_383, %add3A_444 : vector<16xf32>
      %scan3A_449 = arith.constant 2 : i32
      %scan3A_450 = arith.addi %scan3A_321, %scan3A_449 : i32
      %gather3A_451 = tpu.vector_load_idx %arg16[%add3A_447] : memref<32768xi32, #tpu.memory_space<vmem>>[vector<16xi32>], vector<16xi32>,
      %gather3A_452 = tpu.vector_load_idx %arg12[%gather3A_451] : memref<2048xf32, #tpu.memory_space<vmem>>[vector<16xi32>], vector<16xf32>,
      %gather3A_453 = tpu.vector_load_idx %arg13[%gather3A_451] : memref<2048xf32, #tpu.memory_space<vmem>>[vector<16xi32>], vector<16xf32>,
      %gather3A_454 = tpu.vector_load_idx %arg14[%gather3A_451] : memref<2048xf32, #tpu.memory_space<vmem>>[vector<16xi32>], vector<16xf32>,
      %gather3A_455 = tpu.vector_load_idx %arg15[%gather3A_451] : memref<2048xi32, #tpu.memory_space<vmem>>[vector<16xi32>], vector<16xi32>,
      %sub3A_456 = arith.subf %gather3A_176, %gather3A_452 : vector<16xf32>
      %sub3A_457 = arith.subf %gather3A_177, %gather3A_453 : vector<16xf32>
      %sub3A_458 = arith.subf %gather3A_178, %gather3A_454 : vector<16xf32>
      %mul3A_459 = arith.mulf %sub3A_456, %sub3A_456 : vector<16xf32>
      %mul3A_460 = arith.mulf %sub3A_457, %sub3A_457 : vector<16xf32>
      %add3A_461 = arith.addf %mul3A_459, %mul3A_460 : vector<16xf32>
      %mul3A_462 = arith.mulf %sub3A_458, %sub3A_458 : vector<16xf32>
      %add3A_463 = arith.addf %add3A_461, %mul3A_462 : vector<16xf32>
      %bitcast3A_464 = vector.bitcast %add3A_463 : vector<16xf32> to vector<16xi32>
      %shift_right_arithmetic3A_465 = arith.constant 1 : i32
      %shift_right_arithmetic3A_466 = vector.broadcast %shift_right_arithmetic3A_465 : i32 to vector<16xi32>
      %shift_right_arithmetic3A_467 = arith.shrsi %bitcast3A_464, %shift_right_arithmetic3A_466 : vector<16xi32>
      %sub3A_468 = arith.constant 1597463007 : i32
      %sub3A_469 = vector.broadcast %sub3A_468 : i32 to vector<16xi32>
      %sub3A_470 = arith.subi %sub3A_469, %shift_right_arithmetic3A_467 : vector<16xi32>
      %bitcast3A_471 = vector.bitcast %sub3A_470 : vector<16xi32> to vector<16xf32>
      %mul3A_472 = vector.broadcast %scan3A_188 : f32 to vector<16xf32>
      %mul3A_473 = arith.mulf %mul3A_472, %add3A_463 : vector<16xf32>
      %mul3A_474 = arith.mulf %bitcast3A_471, %bitcast3A_471 : vector<16xf32>
      %mul3A_475 = arith.mulf %mul3A_473, %mul3A_474 : vector<16xf32>
      %sub3A_476 = arith.constant 1.500000e+00 : f32
      %sub3A_477 = vector.broadcast %sub3A_476 : f32 to vector<16xf32>
      %sub3A_478 = arith.subf %sub3A_477, %mul3A_475 : vector<16xf32>
      %mul3A_479 = arith.mulf %bitcast3A_471, %sub3A_478 : vector<16xf32>
      %mul3A_480 = arith.mulf %mul3A_479, %mul3A_479 : vector<16xf32>
      %mul3A_481 = arith.mulf %mul3A_473, %mul3A_480 : vector<16xf32>
      %sub3A_482 = arith.constant 1.500000e+00 : f32
      %sub3A_483 = vector.broadcast %sub3A_482 : f32 to vector<16xf32>
      %sub3A_484 = arith.subf %sub3A_483, %mul3A_481 : vector<16xf32>
      %mul3A_485 = arith.mulf %mul3A_479, %sub3A_484 : vector<16xf32>
      %mul3A_486 = arith.mulf %add3A_463, %mul3A_485 : vector<16xf32>
      %mul3A_487 = vector.broadcast %scan3A_188 : f32 to vector<16xf32>
      %mul3A_488 = arith.mulf %mul3A_487, %mul3A_485 : vector<16xf32>
      %mul3A_489 = arith.mulf %mul3A_486, %mul3A_486 : vector<16xf32>
      %sub3A_490 = arith.subf %add3A_463, %mul3A_489 : vector<16xf32>
      %mul3A_491 = arith.mulf %mul3A_488, %sub3A_490 : vector<16xf32>
      %add3A_492 = arith.addf %mul3A_486, %mul3A_491 : vector<16xf32>
      %mul3A_493 = vector.broadcast %scan3A_189 : f32 to vector<16xf32>
      %mul3A_494 = arith.mulf %add3A_492, %mul3A_493 : vector<16xf32>
      %convert_element_type3A_495 = arith.fptosi %mul3A_494 : vector<16xf32> to vector<16xi32>
      %convert_element_type3A_496 = arith.sitofp %convert_element_type3A_495 : vector<16xi32> to vector<16xf32>
      %sub3A_497 = arith.subf %mul3A_494, %convert_element_type3A_496 : vector<16xf32>
      %add3A_498 = arith.addi %mul3A_182, %gather3A_455 : vector<16xi32>
      %add3A_499 = arith.addi %add3A_498, %convert_element_type3A_495 : vector<16xi32>
      %gather3A_500 = tpu.vector_load_idx %arg17[%add3A_499] : memref<16000xf32, #tpu.memory_space<vmem>>[vector<16xi32>], vector<16xf32>,
      %gather3A_501 = tpu.vector_load_idx %arg18[%add3A_499] : memref<16000xf32, #tpu.memory_space<vmem>>[vector<16xi32>], vector<16xf32>,
      %gather3A_502 = tpu.vector_load_idx %arg19[%add3A_499] : memref<16000xf32, #tpu.memory_space<vmem>>[vector<16xi32>], vector<16xf32>,
      %gather3A_503 = tpu.vector_load_idx %arg20[%add3A_499] : memref<16000xf32, #tpu.memory_space<vmem>>[vector<16xi32>], vector<16xf32>,
      %mul3A_504 = arith.mulf %gather3A_500, %sub3A_497 : vector<16xf32>
      %add3A_505 = arith.addf %mul3A_504, %gather3A_501 : vector<16xf32>
      %mul3A_506 = arith.mulf %add3A_505, %sub3A_497 : vector<16xf32>
      %add3A_507 = arith.addf %mul3A_506, %gather3A_502 : vector<16xf32>
      %mul3A_508 = arith.mulf %add3A_507, %sub3A_497 : vector<16xf32>
      %add3A_509 = arith.addf %mul3A_508, %gather3A_503 : vector<16xf32>
      %add3A_510 = arith.constant 1 : i32
      %add3A_511 = vector.broadcast %add3A_510 : i32 to vector<16xi32>
      %add3A_512 = arith.addi %add3A_447, %add3A_511 : vector<16xi32>
      %add3A_513 = arith.addf %add3A_448, %add3A_509 : vector<16xf32>
      %scan3A_514 = arith.constant 3 : i32
      %scan3A_515 = arith.addi %scan3A_321, %scan3A_514 : i32
      %gather3A_516 = tpu.vector_load_idx %arg16[%add3A_512] : memref<32768xi32, #tpu.memory_space<vmem>>[vector<16xi32>], vector<16xi32>,
      %gather3A_517 = tpu.vector_load_idx %arg12[%gather3A_516] : memref<2048xf32, #tpu.memory_space<vmem>>[vector<16xi32>], vector<16xf32>,
      %gather3A_518 = tpu.vector_load_idx %arg13[%gather3A_516] : memref<2048xf32, #tpu.memory_space<vmem>>[vector<16xi32>], vector<16xf32>,
      %gather3A_519 = tpu.vector_load_idx %arg14[%gather3A_516] : memref<2048xf32, #tpu.memory_space<vmem>>[vector<16xi32>], vector<16xf32>,
      %gather3A_520 = tpu.vector_load_idx %arg15[%gather3A_516] : memref<2048xi32, #tpu.memory_space<vmem>>[vector<16xi32>], vector<16xi32>,
      %sub3A_521 = arith.subf %gather3A_176, %gather3A_517 : vector<16xf32>
      %sub3A_522 = arith.subf %gather3A_177, %gather3A_518 : vector<16xf32>
      %sub3A_523 = arith.subf %gather3A_178, %gather3A_519 : vector<16xf32>
      %mul3A_524 = arith.mulf %sub3A_521, %sub3A_521 : vector<16xf32>
      %mul3A_525 = arith.mulf %sub3A_522, %sub3A_522 : vector<16xf32>
      %add3A_526 = arith.addf %mul3A_524, %mul3A_525 : vector<16xf32>
      %mul3A_527 = arith.mulf %sub3A_523, %sub3A_523 : vector<16xf32>
      %add3A_528 = arith.addf %add3A_526, %mul3A_527 : vector<16xf32>
      %bitcast3A_529 = vector.bitcast %add3A_528 : vector<16xf32> to vector<16xi32>
      %shift_right_arithmetic3A_530 = arith.constant 1 : i32
      %shift_right_arithmetic3A_531 = vector.broadcast %shift_right_arithmetic3A_530 : i32 to vector<16xi32>
      %shift_right_arithmetic3A_532 = arith.shrsi %bitcast3A_529, %shift_right_arithmetic3A_531 : vector<16xi32>
      %sub3A_533 = arith.constant 1597463007 : i32
      %sub3A_534 = vector.broadcast %sub3A_533 : i32 to vector<16xi32>
      %sub3A_535 = arith.subi %sub3A_534, %shift_right_arithmetic3A_532 : vector<16xi32>
      %bitcast3A_536 = vector.bitcast %sub3A_535 : vector<16xi32> to vector<16xf32>
      %mul3A_537 = vector.broadcast %scan3A_188 : f32 to vector<16xf32>
      %mul3A_538 = arith.mulf %mul3A_537, %add3A_528 : vector<16xf32>
      %mul3A_539 = arith.mulf %bitcast3A_536, %bitcast3A_536 : vector<16xf32>
      %mul3A_540 = arith.mulf %mul3A_538, %mul3A_539 : vector<16xf32>
      %sub3A_541 = arith.constant 1.500000e+00 : f32
      %sub3A_542 = vector.broadcast %sub3A_541 : f32 to vector<16xf32>
      %sub3A_543 = arith.subf %sub3A_542, %mul3A_540 : vector<16xf32>
      %mul3A_544 = arith.mulf %bitcast3A_536, %sub3A_543 : vector<16xf32>
      %mul3A_545 = arith.mulf %mul3A_544, %mul3A_544 : vector<16xf32>
      %mul3A_546 = arith.mulf %mul3A_538, %mul3A_545 : vector<16xf32>
      %sub3A_547 = arith.constant 1.500000e+00 : f32
      %sub3A_548 = vector.broadcast %sub3A_547 : f32 to vector<16xf32>
      %sub3A_549 = arith.subf %sub3A_548, %mul3A_546 : vector<16xf32>
      %mul3A_550 = arith.mulf %mul3A_544, %sub3A_549 : vector<16xf32>
      %mul3A_551 = arith.mulf %add3A_528, %mul3A_550 : vector<16xf32>
      %mul3A_552 = vector.broadcast %scan3A_188 : f32 to vector<16xf32>
      %mul3A_553 = arith.mulf %mul3A_552, %mul3A_550 : vector<16xf32>
      %mul3A_554 = arith.mulf %mul3A_551, %mul3A_551 : vector<16xf32>
      %sub3A_555 = arith.subf %add3A_528, %mul3A_554 : vector<16xf32>
      %mul3A_556 = arith.mulf %mul3A_553, %sub3A_555 : vector<16xf32>
      %add3A_557 = arith.addf %mul3A_551, %mul3A_556 : vector<16xf32>
      %mul3A_558 = vector.broadcast %scan3A_189 : f32 to vector<16xf32>
      %mul3A_559 = arith.mulf %add3A_557, %mul3A_558 : vector<16xf32>
      %convert_element_type3A_560 = arith.fptosi %mul3A_559 : vector<16xf32> to vector<16xi32>
      %convert_element_type3A_561 = arith.sitofp %convert_element_type3A_560 : vector<16xi32> to vector<16xf32>
      %sub3A_562 = arith.subf %mul3A_559, %convert_element_type3A_561 : vector<16xf32>
      %add3A_563 = arith.addi %mul3A_182, %gather3A_520 : vector<16xi32>
      %add3A_564 = arith.addi %add3A_563, %convert_element_type3A_560 : vector<16xi32>
      %gather3A_565 = tpu.vector_load_idx %arg17[%add3A_564] : memref<16000xf32, #tpu.memory_space<vmem>>[vector<16xi32>], vector<16xf32>,
      %gather3A_566 = tpu.vector_load_idx %arg18[%add3A_564] : memref<16000xf32, #tpu.memory_space<vmem>>[vector<16xi32>], vector<16xf32>,
      %gather3A_567 = tpu.vector_load_idx %arg19[%add3A_564] : memref<16000xf32, #tpu.memory_space<vmem>>[vector<16xi32>], vector<16xf32>,
      %gather3A_568 = tpu.vector_load_idx %arg20[%add3A_564] : memref<16000xf32, #tpu.memory_space<vmem>>[vector<16xi32>], vector<16xf32>,
      %mul3A_569 = arith.mulf %gather3A_565, %sub3A_562 : vector<16xf32>
      %add3A_570 = arith.addf %mul3A_569, %gather3A_566 : vector<16xf32>
      %mul3A_571 = arith.mulf %add3A_570, %sub3A_562 : vector<16xf32>
      %add3A_572 = arith.addf %mul3A_571, %gather3A_567 : vector<16xf32>
      %mul3A_573 = arith.mulf %add3A_572, %sub3A_562 : vector<16xf32>
      %add3A_574 = arith.addf %mul3A_573, %gather3A_568 : vector<16xf32>
      %add3A_575 = arith.constant 1 : i32
      %add3A_576 = vector.broadcast %add3A_575 : i32 to vector<16xi32>
      %add3A_577 = arith.addi %add3A_512, %add3A_576 : vector<16xi32>
      %add3A_578 = arith.addf %add3A_513, %add3A_574 : vector<16xf32>
      scf.yield %add3A_577, %add3A_578 : vector<16xi32>, vector<16xf32>
    }
    %scan3A_195 = arith.constant 256 : i32
    %mul3A_196 = arith.constant 5.000000e-01 : f32
    %mul3A_197 = vector.broadcast %mul3A_196 : f32 to vector<16xf32>
    %mul3A_198 = arith.mulf %mul3A_197, %scan3A_194#1 : vector<16xf32>
    %swap3A_199 = arith.constant 48 : index
    %swap3A_200 = tpu.vector_load %arg21[%swap3A_199] {strides = array<i32>} : memref<128xf32, #tpu.memory_space<vmem>>, vector<16xf32>,
    tpu.vector_store %arg21[%swap3A_199], %mul3A_198 {strides = array<i32>} : memref<128xf32, #tpu.memory_space<vmem>>, vector<16xf32>,
    %add3A_201 = arith.constant 64 : i32
    %add3A_202 = vector.broadcast %add3A_201 : i32 to vector<16xi32>
    %add3A_203 = arith.addi %add3A_202, %iota3A : vector<16xi32>
    %add3A_204 = vector.broadcast %mul3A_32 : i32 to vector<16xi32>
    %add3A_205 = arith.addi %add3A_204, %add3A_203 : vector<16xi32>
    %gather3A_206 = tpu.vector_load_idx %arg12[%add3A_205] : memref<2048xf32, #tpu.memory_space<vmem>>[vector<16xi32>], vector<16xf32>,
    %gather3A_207 = tpu.vector_load_idx %arg13[%add3A_205] : memref<2048xf32, #tpu.memory_space<vmem>>[vector<16xi32>], vector<16xf32>,
    %gather3A_208 = tpu.vector_load_idx %arg14[%add3A_205] : memref<2048xf32, #tpu.memory_space<vmem>>[vector<16xi32>], vector<16xf32>,
    %gather3A_209 = tpu.vector_load_idx %arg15[%add3A_205] : memref<2048xi32, #tpu.memory_space<vmem>>[vector<16xi32>], vector<16xi32>,
    %mul3A_210 = arith.constant 4 : i32
    %mul3A_211 = vector.broadcast %mul3A_210 : i32 to vector<16xi32>
    %mul3A_212 = arith.muli %gather3A_209, %mul3A_211 : vector<16xi32>
    %mul3A_213 = arith.constant 256 : i32
    %mul3A_214 = vector.broadcast %mul3A_213 : i32 to vector<16xi32>
    %mul3A_215 = arith.muli %add3A_203, %mul3A_214 : vector<16xi32>
    %broadcast_in_dim3A_216 = arith.constant 0.000000e+00 : f32
    %broadcast_in_dim3A_217 = vector.broadcast %broadcast_in_dim3A_216 : f32 to vector<16xf32>
    %scan3A_218 = arith.constant 5.000000e-01 : f32
    %scan3A_219 = arith.constant 499.999969 : f32
    %scan3A_220 = arith.constant 0 : i32
    %scan3A_221 = arith.constant 256 : i32
    %scan3A_222 = arith.addi %scan3A_220, %scan3A_221 : i32
    %scan3A_223 = arith.constant 4 : i32
    %scan3A_224:2 = scf.for %scan3A_321 = %scan3A_220 to %scan3A_222 step %scan3A_223 iter_args(%scan3A_322 = %mul3A_215, %scan3A_323 = %broadcast_in_dim3A_217) -> (vector<16xi32>, vector<16xf32>)  : i32 {
      %gather3A_324 = tpu.vector_load_idx %arg16[%scan3A_322] : memref<32768xi32, #tpu.memory_space<vmem>>[vector<16xi32>], vector<16xi32>,
      %gather3A_325 = tpu.vector_load_idx %arg12[%gather3A_324] : memref<2048xf32, #tpu.memory_space<vmem>>[vector<16xi32>], vector<16xf32>,
      %gather3A_326 = tpu.vector_load_idx %arg13[%gather3A_324] : memref<2048xf32, #tpu.memory_space<vmem>>[vector<16xi32>], vector<16xf32>,
      %gather3A_327 = tpu.vector_load_idx %arg14[%gather3A_324] : memref<2048xf32, #tpu.memory_space<vmem>>[vector<16xi32>], vector<16xf32>,
      %gather3A_328 = tpu.vector_load_idx %arg15[%gather3A_324] : memref<2048xi32, #tpu.memory_space<vmem>>[vector<16xi32>], vector<16xi32>,
      %sub3A_329 = arith.subf %gather3A_206, %gather3A_325 : vector<16xf32>
      %sub3A_330 = arith.subf %gather3A_207, %gather3A_326 : vector<16xf32>
      %sub3A_331 = arith.subf %gather3A_208, %gather3A_327 : vector<16xf32>
      %mul3A_332 = arith.mulf %sub3A_329, %sub3A_329 : vector<16xf32>
      %mul3A_333 = arith.mulf %sub3A_330, %sub3A_330 : vector<16xf32>
      %add3A_334 = arith.addf %mul3A_332, %mul3A_333 : vector<16xf32>
      %mul3A_335 = arith.mulf %sub3A_331, %sub3A_331 : vector<16xf32>
      %add3A_336 = arith.addf %add3A_334, %mul3A_335 : vector<16xf32>
      %bitcast3A = vector.bitcast %add3A_336 : vector<16xf32> to vector<16xi32>
      %shift_right_arithmetic3A = arith.constant 1 : i32
      %shift_right_arithmetic3A_337 = vector.broadcast %shift_right_arithmetic3A : i32 to vector<16xi32>
      %shift_right_arithmetic3A_338 = arith.shrsi %bitcast3A, %shift_right_arithmetic3A_337 : vector<16xi32>
      %sub3A_339 = arith.constant 1597463007 : i32
      %sub3A_340 = vector.broadcast %sub3A_339 : i32 to vector<16xi32>
      %sub3A_341 = arith.subi %sub3A_340, %shift_right_arithmetic3A_338 : vector<16xi32>
      %bitcast3A_342 = vector.bitcast %sub3A_341 : vector<16xi32> to vector<16xf32>
      %mul3A_343 = vector.broadcast %scan3A_218 : f32 to vector<16xf32>
      %mul3A_344 = arith.mulf %mul3A_343, %add3A_336 : vector<16xf32>
      %mul3A_345 = arith.mulf %bitcast3A_342, %bitcast3A_342 : vector<16xf32>
      %mul3A_346 = arith.mulf %mul3A_344, %mul3A_345 : vector<16xf32>
      %sub3A_347 = arith.constant 1.500000e+00 : f32
      %sub3A_348 = vector.broadcast %sub3A_347 : f32 to vector<16xf32>
      %sub3A_349 = arith.subf %sub3A_348, %mul3A_346 : vector<16xf32>
      %mul3A_350 = arith.mulf %bitcast3A_342, %sub3A_349 : vector<16xf32>
      %mul3A_351 = arith.mulf %mul3A_350, %mul3A_350 : vector<16xf32>
      %mul3A_352 = arith.mulf %mul3A_344, %mul3A_351 : vector<16xf32>
      %sub3A_353 = arith.constant 1.500000e+00 : f32
      %sub3A_354 = vector.broadcast %sub3A_353 : f32 to vector<16xf32>
      %sub3A_355 = arith.subf %sub3A_354, %mul3A_352 : vector<16xf32>
      %mul3A_356 = arith.mulf %mul3A_350, %sub3A_355 : vector<16xf32>
      %mul3A_357 = arith.mulf %add3A_336, %mul3A_356 : vector<16xf32>
      %mul3A_358 = vector.broadcast %scan3A_218 : f32 to vector<16xf32>
      %mul3A_359 = arith.mulf %mul3A_358, %mul3A_356 : vector<16xf32>
      %mul3A_360 = arith.mulf %mul3A_357, %mul3A_357 : vector<16xf32>
      %sub3A_361 = arith.subf %add3A_336, %mul3A_360 : vector<16xf32>
      %mul3A_362 = arith.mulf %mul3A_359, %sub3A_361 : vector<16xf32>
      %add3A_363 = arith.addf %mul3A_357, %mul3A_362 : vector<16xf32>
      %mul3A_364 = vector.broadcast %scan3A_219 : f32 to vector<16xf32>
      %mul3A_365 = arith.mulf %add3A_363, %mul3A_364 : vector<16xf32>
      %convert_element_type3A = arith.fptosi %mul3A_365 : vector<16xf32> to vector<16xi32>
      %convert_element_type3A_366 = arith.sitofp %convert_element_type3A : vector<16xi32> to vector<16xf32>
      %sub3A_367 = arith.subf %mul3A_365, %convert_element_type3A_366 : vector<16xf32>
      %add3A_368 = arith.addi %mul3A_212, %gather3A_328 : vector<16xi32>
      %add3A_369 = arith.addi %add3A_368, %convert_element_type3A : vector<16xi32>
      %gather3A_370 = tpu.vector_load_idx %arg17[%add3A_369] : memref<16000xf32, #tpu.memory_space<vmem>>[vector<16xi32>], vector<16xf32>,
      %gather3A_371 = tpu.vector_load_idx %arg18[%add3A_369] : memref<16000xf32, #tpu.memory_space<vmem>>[vector<16xi32>], vector<16xf32>,
      %gather3A_372 = tpu.vector_load_idx %arg19[%add3A_369] : memref<16000xf32, #tpu.memory_space<vmem>>[vector<16xi32>], vector<16xf32>,
      %gather3A_373 = tpu.vector_load_idx %arg20[%add3A_369] : memref<16000xf32, #tpu.memory_space<vmem>>[vector<16xi32>], vector<16xf32>,
      %mul3A_374 = arith.mulf %gather3A_370, %sub3A_367 : vector<16xf32>
      %add3A_375 = arith.addf %mul3A_374, %gather3A_371 : vector<16xf32>
      %mul3A_376 = arith.mulf %add3A_375, %sub3A_367 : vector<16xf32>
      %add3A_377 = arith.addf %mul3A_376, %gather3A_372 : vector<16xf32>
      %mul3A_378 = arith.mulf %add3A_377, %sub3A_367 : vector<16xf32>
      %add3A_379 = arith.addf %mul3A_378, %gather3A_373 : vector<16xf32>
      %add3A_380 = arith.constant 1 : i32
      %add3A_381 = vector.broadcast %add3A_380 : i32 to vector<16xi32>
      %add3A_382 = arith.addi %scan3A_322, %add3A_381 : vector<16xi32>
      %add3A_383 = arith.addf %scan3A_323, %add3A_379 : vector<16xf32>
      %scan3A_384 = arith.constant 1 : i32
      %scan3A_385 = arith.addi %scan3A_321, %scan3A_384 : i32
      %gather3A_386 = tpu.vector_load_idx %arg16[%add3A_382] : memref<32768xi32, #tpu.memory_space<vmem>>[vector<16xi32>], vector<16xi32>,
      %gather3A_387 = tpu.vector_load_idx %arg12[%gather3A_386] : memref<2048xf32, #tpu.memory_space<vmem>>[vector<16xi32>], vector<16xf32>,
      %gather3A_388 = tpu.vector_load_idx %arg13[%gather3A_386] : memref<2048xf32, #tpu.memory_space<vmem>>[vector<16xi32>], vector<16xf32>,
      %gather3A_389 = tpu.vector_load_idx %arg14[%gather3A_386] : memref<2048xf32, #tpu.memory_space<vmem>>[vector<16xi32>], vector<16xf32>,
      %gather3A_390 = tpu.vector_load_idx %arg15[%gather3A_386] : memref<2048xi32, #tpu.memory_space<vmem>>[vector<16xi32>], vector<16xi32>,
      %sub3A_391 = arith.subf %gather3A_206, %gather3A_387 : vector<16xf32>
      %sub3A_392 = arith.subf %gather3A_207, %gather3A_388 : vector<16xf32>
      %sub3A_393 = arith.subf %gather3A_208, %gather3A_389 : vector<16xf32>
      %mul3A_394 = arith.mulf %sub3A_391, %sub3A_391 : vector<16xf32>
      %mul3A_395 = arith.mulf %sub3A_392, %sub3A_392 : vector<16xf32>
      %add3A_396 = arith.addf %mul3A_394, %mul3A_395 : vector<16xf32>
      %mul3A_397 = arith.mulf %sub3A_393, %sub3A_393 : vector<16xf32>
      %add3A_398 = arith.addf %add3A_396, %mul3A_397 : vector<16xf32>
      %bitcast3A_399 = vector.bitcast %add3A_398 : vector<16xf32> to vector<16xi32>
      %shift_right_arithmetic3A_400 = arith.constant 1 : i32
      %shift_right_arithmetic3A_401 = vector.broadcast %shift_right_arithmetic3A_400 : i32 to vector<16xi32>
      %shift_right_arithmetic3A_402 = arith.shrsi %bitcast3A_399, %shift_right_arithmetic3A_401 : vector<16xi32>
      %sub3A_403 = arith.constant 1597463007 : i32
      %sub3A_404 = vector.broadcast %sub3A_403 : i32 to vector<16xi32>
      %sub3A_405 = arith.subi %sub3A_404, %shift_right_arithmetic3A_402 : vector<16xi32>
      %bitcast3A_406 = vector.bitcast %sub3A_405 : vector<16xi32> to vector<16xf32>
      %mul3A_407 = vector.broadcast %scan3A_218 : f32 to vector<16xf32>
      %mul3A_408 = arith.mulf %mul3A_407, %add3A_398 : vector<16xf32>
      %mul3A_409 = arith.mulf %bitcast3A_406, %bitcast3A_406 : vector<16xf32>
      %mul3A_410 = arith.mulf %mul3A_408, %mul3A_409 : vector<16xf32>
      %sub3A_411 = arith.constant 1.500000e+00 : f32
      %sub3A_412 = vector.broadcast %sub3A_411 : f32 to vector<16xf32>
      %sub3A_413 = arith.subf %sub3A_412, %mul3A_410 : vector<16xf32>
      %mul3A_414 = arith.mulf %bitcast3A_406, %sub3A_413 : vector<16xf32>
      %mul3A_415 = arith.mulf %mul3A_414, %mul3A_414 : vector<16xf32>
      %mul3A_416 = arith.mulf %mul3A_408, %mul3A_415 : vector<16xf32>
      %sub3A_417 = arith.constant 1.500000e+00 : f32
      %sub3A_418 = vector.broadcast %sub3A_417 : f32 to vector<16xf32>
      %sub3A_419 = arith.subf %sub3A_418, %mul3A_416 : vector<16xf32>
      %mul3A_420 = arith.mulf %mul3A_414, %sub3A_419 : vector<16xf32>
      %mul3A_421 = arith.mulf %add3A_398, %mul3A_420 : vector<16xf32>
      %mul3A_422 = vector.broadcast %scan3A_218 : f32 to vector<16xf32>
      %mul3A_423 = arith.mulf %mul3A_422, %mul3A_420 : vector<16xf32>
      %mul3A_424 = arith.mulf %mul3A_421, %mul3A_421 : vector<16xf32>
      %sub3A_425 = arith.subf %add3A_398, %mul3A_424 : vector<16xf32>
      %mul3A_426 = arith.mulf %mul3A_423, %sub3A_425 : vector<16xf32>
      %add3A_427 = arith.addf %mul3A_421, %mul3A_426 : vector<16xf32>
      %mul3A_428 = vector.broadcast %scan3A_219 : f32 to vector<16xf32>
      %mul3A_429 = arith.mulf %add3A_427, %mul3A_428 : vector<16xf32>
      %convert_element_type3A_430 = arith.fptosi %mul3A_429 : vector<16xf32> to vector<16xi32>
      %convert_element_type3A_431 = arith.sitofp %convert_element_type3A_430 : vector<16xi32> to vector<16xf32>
      %sub3A_432 = arith.subf %mul3A_429, %convert_element_type3A_431 : vector<16xf32>
      %add3A_433 = arith.addi %mul3A_212, %gather3A_390 : vector<16xi32>
      %add3A_434 = arith.addi %add3A_433, %convert_element_type3A_430 : vector<16xi32>
      %gather3A_435 = tpu.vector_load_idx %arg17[%add3A_434] : memref<16000xf32, #tpu.memory_space<vmem>>[vector<16xi32>], vector<16xf32>,
      %gather3A_436 = tpu.vector_load_idx %arg18[%add3A_434] : memref<16000xf32, #tpu.memory_space<vmem>>[vector<16xi32>], vector<16xf32>,
      %gather3A_437 = tpu.vector_load_idx %arg19[%add3A_434] : memref<16000xf32, #tpu.memory_space<vmem>>[vector<16xi32>], vector<16xf32>,
      %gather3A_438 = tpu.vector_load_idx %arg20[%add3A_434] : memref<16000xf32, #tpu.memory_space<vmem>>[vector<16xi32>], vector<16xf32>,
      %mul3A_439 = arith.mulf %gather3A_435, %sub3A_432 : vector<16xf32>
      %add3A_440 = arith.addf %mul3A_439, %gather3A_436 : vector<16xf32>
      %mul3A_441 = arith.mulf %add3A_440, %sub3A_432 : vector<16xf32>
      %add3A_442 = arith.addf %mul3A_441, %gather3A_437 : vector<16xf32>
      %mul3A_443 = arith.mulf %add3A_442, %sub3A_432 : vector<16xf32>
      %add3A_444 = arith.addf %mul3A_443, %gather3A_438 : vector<16xf32>
      %add3A_445 = arith.constant 1 : i32
      %add3A_446 = vector.broadcast %add3A_445 : i32 to vector<16xi32>
      %add3A_447 = arith.addi %add3A_382, %add3A_446 : vector<16xi32>
      %add3A_448 = arith.addf %add3A_383, %add3A_444 : vector<16xf32>
      %scan3A_449 = arith.constant 2 : i32
      %scan3A_450 = arith.addi %scan3A_321, %scan3A_449 : i32
      %gather3A_451 = tpu.vector_load_idx %arg16[%add3A_447] : memref<32768xi32, #tpu.memory_space<vmem>>[vector<16xi32>], vector<16xi32>,
      %gather3A_452 = tpu.vector_load_idx %arg12[%gather3A_451] : memref<2048xf32, #tpu.memory_space<vmem>>[vector<16xi32>], vector<16xf32>,
      %gather3A_453 = tpu.vector_load_idx %arg13[%gather3A_451] : memref<2048xf32, #tpu.memory_space<vmem>>[vector<16xi32>], vector<16xf32>,
      %gather3A_454 = tpu.vector_load_idx %arg14[%gather3A_451] : memref<2048xf32, #tpu.memory_space<vmem>>[vector<16xi32>], vector<16xf32>,
      %gather3A_455 = tpu.vector_load_idx %arg15[%gather3A_451] : memref<2048xi32, #tpu.memory_space<vmem>>[vector<16xi32>], vector<16xi32>,
      %sub3A_456 = arith.subf %gather3A_206, %gather3A_452 : vector<16xf32>
      %sub3A_457 = arith.subf %gather3A_207, %gather3A_453 : vector<16xf32>
      %sub3A_458 = arith.subf %gather3A_208, %gather3A_454 : vector<16xf32>
      %mul3A_459 = arith.mulf %sub3A_456, %sub3A_456 : vector<16xf32>
      %mul3A_460 = arith.mulf %sub3A_457, %sub3A_457 : vector<16xf32>
      %add3A_461 = arith.addf %mul3A_459, %mul3A_460 : vector<16xf32>
      %mul3A_462 = arith.mulf %sub3A_458, %sub3A_458 : vector<16xf32>
      %add3A_463 = arith.addf %add3A_461, %mul3A_462 : vector<16xf32>
      %bitcast3A_464 = vector.bitcast %add3A_463 : vector<16xf32> to vector<16xi32>
      %shift_right_arithmetic3A_465 = arith.constant 1 : i32
      %shift_right_arithmetic3A_466 = vector.broadcast %shift_right_arithmetic3A_465 : i32 to vector<16xi32>
      %shift_right_arithmetic3A_467 = arith.shrsi %bitcast3A_464, %shift_right_arithmetic3A_466 : vector<16xi32>
      %sub3A_468 = arith.constant 1597463007 : i32
      %sub3A_469 = vector.broadcast %sub3A_468 : i32 to vector<16xi32>
      %sub3A_470 = arith.subi %sub3A_469, %shift_right_arithmetic3A_467 : vector<16xi32>
      %bitcast3A_471 = vector.bitcast %sub3A_470 : vector<16xi32> to vector<16xf32>
      %mul3A_472 = vector.broadcast %scan3A_218 : f32 to vector<16xf32>
      %mul3A_473 = arith.mulf %mul3A_472, %add3A_463 : vector<16xf32>
      %mul3A_474 = arith.mulf %bitcast3A_471, %bitcast3A_471 : vector<16xf32>
      %mul3A_475 = arith.mulf %mul3A_473, %mul3A_474 : vector<16xf32>
      %sub3A_476 = arith.constant 1.500000e+00 : f32
      %sub3A_477 = vector.broadcast %sub3A_476 : f32 to vector<16xf32>
      %sub3A_478 = arith.subf %sub3A_477, %mul3A_475 : vector<16xf32>
      %mul3A_479 = arith.mulf %bitcast3A_471, %sub3A_478 : vector<16xf32>
      %mul3A_480 = arith.mulf %mul3A_479, %mul3A_479 : vector<16xf32>
      %mul3A_481 = arith.mulf %mul3A_473, %mul3A_480 : vector<16xf32>
      %sub3A_482 = arith.constant 1.500000e+00 : f32
      %sub3A_483 = vector.broadcast %sub3A_482 : f32 to vector<16xf32>
      %sub3A_484 = arith.subf %sub3A_483, %mul3A_481 : vector<16xf32>
      %mul3A_485 = arith.mulf %mul3A_479, %sub3A_484 : vector<16xf32>
      %mul3A_486 = arith.mulf %add3A_463, %mul3A_485 : vector<16xf32>
      %mul3A_487 = vector.broadcast %scan3A_218 : f32 to vector<16xf32>
      %mul3A_488 = arith.mulf %mul3A_487, %mul3A_485 : vector<16xf32>
      %mul3A_489 = arith.mulf %mul3A_486, %mul3A_486 : vector<16xf32>
      %sub3A_490 = arith.subf %add3A_463, %mul3A_489 : vector<16xf32>
      %mul3A_491 = arith.mulf %mul3A_488, %sub3A_490 : vector<16xf32>
      %add3A_492 = arith.addf %mul3A_486, %mul3A_491 : vector<16xf32>
      %mul3A_493 = vector.broadcast %scan3A_219 : f32 to vector<16xf32>
      %mul3A_494 = arith.mulf %add3A_492, %mul3A_493 : vector<16xf32>
      %convert_element_type3A_495 = arith.fptosi %mul3A_494 : vector<16xf32> to vector<16xi32>
      %convert_element_type3A_496 = arith.sitofp %convert_element_type3A_495 : vector<16xi32> to vector<16xf32>
      %sub3A_497 = arith.subf %mul3A_494, %convert_element_type3A_496 : vector<16xf32>
      %add3A_498 = arith.addi %mul3A_212, %gather3A_455 : vector<16xi32>
      %add3A_499 = arith.addi %add3A_498, %convert_element_type3A_495 : vector<16xi32>
      %gather3A_500 = tpu.vector_load_idx %arg17[%add3A_499] : memref<16000xf32, #tpu.memory_space<vmem>>[vector<16xi32>], vector<16xf32>,
      %gather3A_501 = tpu.vector_load_idx %arg18[%add3A_499] : memref<16000xf32, #tpu.memory_space<vmem>>[vector<16xi32>], vector<16xf32>,
      %gather3A_502 = tpu.vector_load_idx %arg19[%add3A_499] : memref<16000xf32, #tpu.memory_space<vmem>>[vector<16xi32>], vector<16xf32>,
      %gather3A_503 = tpu.vector_load_idx %arg20[%add3A_499] : memref<16000xf32, #tpu.memory_space<vmem>>[vector<16xi32>], vector<16xf32>,
      %mul3A_504 = arith.mulf %gather3A_500, %sub3A_497 : vector<16xf32>
      %add3A_505 = arith.addf %mul3A_504, %gather3A_501 : vector<16xf32>
      %mul3A_506 = arith.mulf %add3A_505, %sub3A_497 : vector<16xf32>
      %add3A_507 = arith.addf %mul3A_506, %gather3A_502 : vector<16xf32>
      %mul3A_508 = arith.mulf %add3A_507, %sub3A_497 : vector<16xf32>
      %add3A_509 = arith.addf %mul3A_508, %gather3A_503 : vector<16xf32>
      %add3A_510 = arith.constant 1 : i32
      %add3A_511 = vector.broadcast %add3A_510 : i32 to vector<16xi32>
      %add3A_512 = arith.addi %add3A_447, %add3A_511 : vector<16xi32>
      %add3A_513 = arith.addf %add3A_448, %add3A_509 : vector<16xf32>
      %scan3A_514 = arith.constant 3 : i32
      %scan3A_515 = arith.addi %scan3A_321, %scan3A_514 : i32
      %gather3A_516 = tpu.vector_load_idx %arg16[%add3A_512] : memref<32768xi32, #tpu.memory_space<vmem>>[vector<16xi32>], vector<16xi32>,
      %gather3A_517 = tpu.vector_load_idx %arg12[%gather3A_516] : memref<2048xf32, #tpu.memory_space<vmem>>[vector<16xi32>], vector<16xf32>,
      %gather3A_518 = tpu.vector_load_idx %arg13[%gather3A_516] : memref<2048xf32, #tpu.memory_space<vmem>>[vector<16xi32>], vector<16xf32>,
      %gather3A_519 = tpu.vector_load_idx %arg14[%gather3A_516] : memref<2048xf32, #tpu.memory_space<vmem>>[vector<16xi32>], vector<16xf32>,
      %gather3A_520 = tpu.vector_load_idx %arg15[%gather3A_516] : memref<2048xi32, #tpu.memory_space<vmem>>[vector<16xi32>], vector<16xi32>,
      %sub3A_521 = arith.subf %gather3A_206, %gather3A_517 : vector<16xf32>
      %sub3A_522 = arith.subf %gather3A_207, %gather3A_518 : vector<16xf32>
      %sub3A_523 = arith.subf %gather3A_208, %gather3A_519 : vector<16xf32>
      %mul3A_524 = arith.mulf %sub3A_521, %sub3A_521 : vector<16xf32>
      %mul3A_525 = arith.mulf %sub3A_522, %sub3A_522 : vector<16xf32>
      %add3A_526 = arith.addf %mul3A_524, %mul3A_525 : vector<16xf32>
      %mul3A_527 = arith.mulf %sub3A_523, %sub3A_523 : vector<16xf32>
      %add3A_528 = arith.addf %add3A_526, %mul3A_527 : vector<16xf32>
      %bitcast3A_529 = vector.bitcast %add3A_528 : vector<16xf32> to vector<16xi32>
      %shift_right_arithmetic3A_530 = arith.constant 1 : i32
      %shift_right_arithmetic3A_531 = vector.broadcast %shift_right_arithmetic3A_530 : i32 to vector<16xi32>
      %shift_right_arithmetic3A_532 = arith.shrsi %bitcast3A_529, %shift_right_arithmetic3A_531 : vector<16xi32>
      %sub3A_533 = arith.constant 1597463007 : i32
      %sub3A_534 = vector.broadcast %sub3A_533 : i32 to vector<16xi32>
      %sub3A_535 = arith.subi %sub3A_534, %shift_right_arithmetic3A_532 : vector<16xi32>
      %bitcast3A_536 = vector.bitcast %sub3A_535 : vector<16xi32> to vector<16xf32>
      %mul3A_537 = vector.broadcast %scan3A_218 : f32 to vector<16xf32>
      %mul3A_538 = arith.mulf %mul3A_537, %add3A_528 : vector<16xf32>
      %mul3A_539 = arith.mulf %bitcast3A_536, %bitcast3A_536 : vector<16xf32>
      %mul3A_540 = arith.mulf %mul3A_538, %mul3A_539 : vector<16xf32>
      %sub3A_541 = arith.constant 1.500000e+00 : f32
      %sub3A_542 = vector.broadcast %sub3A_541 : f32 to vector<16xf32>
      %sub3A_543 = arith.subf %sub3A_542, %mul3A_540 : vector<16xf32>
      %mul3A_544 = arith.mulf %bitcast3A_536, %sub3A_543 : vector<16xf32>
      %mul3A_545 = arith.mulf %mul3A_544, %mul3A_544 : vector<16xf32>
      %mul3A_546 = arith.mulf %mul3A_538, %mul3A_545 : vector<16xf32>
      %sub3A_547 = arith.constant 1.500000e+00 : f32
      %sub3A_548 = vector.broadcast %sub3A_547 : f32 to vector<16xf32>
      %sub3A_549 = arith.subf %sub3A_548, %mul3A_546 : vector<16xf32>
      %mul3A_550 = arith.mulf %mul3A_544, %sub3A_549 : vector<16xf32>
      %mul3A_551 = arith.mulf %add3A_528, %mul3A_550 : vector<16xf32>
      %mul3A_552 = vector.broadcast %scan3A_218 : f32 to vector<16xf32>
      %mul3A_553 = arith.mulf %mul3A_552, %mul3A_550 : vector<16xf32>
      %mul3A_554 = arith.mulf %mul3A_551, %mul3A_551 : vector<16xf32>
      %sub3A_555 = arith.subf %add3A_528, %mul3A_554 : vector<16xf32>
      %mul3A_556 = arith.mulf %mul3A_553, %sub3A_555 : vector<16xf32>
      %add3A_557 = arith.addf %mul3A_551, %mul3A_556 : vector<16xf32>
      %mul3A_558 = vector.broadcast %scan3A_219 : f32 to vector<16xf32>
      %mul3A_559 = arith.mulf %add3A_557, %mul3A_558 : vector<16xf32>
      %convert_element_type3A_560 = arith.fptosi %mul3A_559 : vector<16xf32> to vector<16xi32>
      %convert_element_type3A_561 = arith.sitofp %convert_element_type3A_560 : vector<16xi32> to vector<16xf32>
      %sub3A_562 = arith.subf %mul3A_559, %convert_element_type3A_561 : vector<16xf32>
      %add3A_563 = arith.addi %mul3A_212, %gather3A_520 : vector<16xi32>
      %add3A_564 = arith.addi %add3A_563, %convert_element_type3A_560 : vector<16xi32>
      %gather3A_565 = tpu.vector_load_idx %arg17[%add3A_564] : memref<16000xf32, #tpu.memory_space<vmem>>[vector<16xi32>], vector<16xf32>,
      %gather3A_566 = tpu.vector_load_idx %arg18[%add3A_564] : memref<16000xf32, #tpu.memory_space<vmem>>[vector<16xi32>], vector<16xf32>,
      %gather3A_567 = tpu.vector_load_idx %arg19[%add3A_564] : memref<16000xf32, #tpu.memory_space<vmem>>[vector<16xi32>], vector<16xf32>,
      %gather3A_568 = tpu.vector_load_idx %arg20[%add3A_564] : memref<16000xf32, #tpu.memory_space<vmem>>[vector<16xi32>], vector<16xf32>,
      %mul3A_569 = arith.mulf %gather3A_565, %sub3A_562 : vector<16xf32>
      %add3A_570 = arith.addf %mul3A_569, %gather3A_566 : vector<16xf32>
      %mul3A_571 = arith.mulf %add3A_570, %sub3A_562 : vector<16xf32>
      %add3A_572 = arith.addf %mul3A_571, %gather3A_567 : vector<16xf32>
      %mul3A_573 = arith.mulf %add3A_572, %sub3A_562 : vector<16xf32>
      %add3A_574 = arith.addf %mul3A_573, %gather3A_568 : vector<16xf32>
      %add3A_575 = arith.constant 1 : i32
      %add3A_576 = vector.broadcast %add3A_575 : i32 to vector<16xi32>
      %add3A_577 = arith.addi %add3A_512, %add3A_576 : vector<16xi32>
      %add3A_578 = arith.addf %add3A_513, %add3A_574 : vector<16xf32>
      scf.yield %add3A_577, %add3A_578 : vector<16xi32>, vector<16xf32>
    }
    %scan3A_225 = arith.constant 256 : i32
    %mul3A_226 = arith.constant 5.000000e-01 : f32
    %mul3A_227 = vector.broadcast %mul3A_226 : f32 to vector<16xf32>
    %mul3A_228 = arith.mulf %mul3A_227, %scan3A_224#1 : vector<16xf32>
    %swap3A_229 = arith.constant 64 : index
    %swap3A_230 = tpu.vector_load %arg21[%swap3A_229] {strides = array<i32>} : memref<128xf32, #tpu.memory_space<vmem>>, vector<16xf32>,
    tpu.vector_store %arg21[%swap3A_229], %mul3A_228 {strides = array<i32>} : memref<128xf32, #tpu.memory_space<vmem>>, vector<16xf32>,
    %add3A_231 = arith.constant 80 : i32
    %add3A_232 = vector.broadcast %add3A_231 : i32 to vector<16xi32>
    %add3A_233 = arith.addi %add3A_232, %iota3A : vector<16xi32>
    %add3A_234 = vector.broadcast %mul3A_32 : i32 to vector<16xi32>
    %add3A_235 = arith.addi %add3A_234, %add3A_233 : vector<16xi32>
    %gather3A_236 = tpu.vector_load_idx %arg12[%add3A_235] : memref<2048xf32, #tpu.memory_space<vmem>>[vector<16xi32>], vector<16xf32>,
    %gather3A_237 = tpu.vector_load_idx %arg13[%add3A_235] : memref<2048xf32, #tpu.memory_space<vmem>>[vector<16xi32>], vector<16xf32>,
    %gather3A_238 = tpu.vector_load_idx %arg14[%add3A_235] : memref<2048xf32, #tpu.memory_space<vmem>>[vector<16xi32>], vector<16xf32>,
    %gather3A_239 = tpu.vector_load_idx %arg15[%add3A_235] : memref<2048xi32, #tpu.memory_space<vmem>>[vector<16xi32>], vector<16xi32>,
    %mul3A_240 = arith.constant 4 : i32
    %mul3A_241 = vector.broadcast %mul3A_240 : i32 to vector<16xi32>
    %mul3A_242 = arith.muli %gather3A_239, %mul3A_241 : vector<16xi32>
    %mul3A_243 = arith.constant 256 : i32
    %mul3A_244 = vector.broadcast %mul3A_243 : i32 to vector<16xi32>
    %mul3A_245 = arith.muli %add3A_233, %mul3A_244 : vector<16xi32>
    %broadcast_in_dim3A_246 = arith.constant 0.000000e+00 : f32
    %broadcast_in_dim3A_247 = vector.broadcast %broadcast_in_dim3A_246 : f32 to vector<16xf32>
    %scan3A_248 = arith.constant 5.000000e-01 : f32
    %scan3A_249 = arith.constant 499.999969 : f32
    %scan3A_250 = arith.constant 0 : i32
    %scan3A_251 = arith.constant 256 : i32
    %scan3A_252 = arith.addi %scan3A_250, %scan3A_251 : i32
    %scan3A_253 = arith.constant 4 : i32
    %scan3A_254:2 = scf.for %scan3A_321 = %scan3A_250 to %scan3A_252 step %scan3A_253 iter_args(%scan3A_322 = %mul3A_245, %scan3A_323 = %broadcast_in_dim3A_247) -> (vector<16xi32>, vector<16xf32>)  : i32 {
      %gather3A_324 = tpu.vector_load_idx %arg16[%scan3A_322] : memref<32768xi32, #tpu.memory_space<vmem>>[vector<16xi32>], vector<16xi32>,
      %gather3A_325 = tpu.vector_load_idx %arg12[%gather3A_324] : memref<2048xf32, #tpu.memory_space<vmem>>[vector<16xi32>], vector<16xf32>,
      %gather3A_326 = tpu.vector_load_idx %arg13[%gather3A_324] : memref<2048xf32, #tpu.memory_space<vmem>>[vector<16xi32>], vector<16xf32>,
      %gather3A_327 = tpu.vector_load_idx %arg14[%gather3A_324] : memref<2048xf32, #tpu.memory_space<vmem>>[vector<16xi32>], vector<16xf32>,
      %gather3A_328 = tpu.vector_load_idx %arg15[%gather3A_324] : memref<2048xi32, #tpu.memory_space<vmem>>[vector<16xi32>], vector<16xi32>,
      %sub3A_329 = arith.subf %gather3A_236, %gather3A_325 : vector<16xf32>
      %sub3A_330 = arith.subf %gather3A_237, %gather3A_326 : vector<16xf32>
      %sub3A_331 = arith.subf %gather3A_238, %gather3A_327 : vector<16xf32>
      %mul3A_332 = arith.mulf %sub3A_329, %sub3A_329 : vector<16xf32>
      %mul3A_333 = arith.mulf %sub3A_330, %sub3A_330 : vector<16xf32>
      %add3A_334 = arith.addf %mul3A_332, %mul3A_333 : vector<16xf32>
      %mul3A_335 = arith.mulf %sub3A_331, %sub3A_331 : vector<16xf32>
      %add3A_336 = arith.addf %add3A_334, %mul3A_335 : vector<16xf32>
      %bitcast3A = vector.bitcast %add3A_336 : vector<16xf32> to vector<16xi32>
      %shift_right_arithmetic3A = arith.constant 1 : i32
      %shift_right_arithmetic3A_337 = vector.broadcast %shift_right_arithmetic3A : i32 to vector<16xi32>
      %shift_right_arithmetic3A_338 = arith.shrsi %bitcast3A, %shift_right_arithmetic3A_337 : vector<16xi32>
      %sub3A_339 = arith.constant 1597463007 : i32
      %sub3A_340 = vector.broadcast %sub3A_339 : i32 to vector<16xi32>
      %sub3A_341 = arith.subi %sub3A_340, %shift_right_arithmetic3A_338 : vector<16xi32>
      %bitcast3A_342 = vector.bitcast %sub3A_341 : vector<16xi32> to vector<16xf32>
      %mul3A_343 = vector.broadcast %scan3A_248 : f32 to vector<16xf32>
      %mul3A_344 = arith.mulf %mul3A_343, %add3A_336 : vector<16xf32>
      %mul3A_345 = arith.mulf %bitcast3A_342, %bitcast3A_342 : vector<16xf32>
      %mul3A_346 = arith.mulf %mul3A_344, %mul3A_345 : vector<16xf32>
      %sub3A_347 = arith.constant 1.500000e+00 : f32
      %sub3A_348 = vector.broadcast %sub3A_347 : f32 to vector<16xf32>
      %sub3A_349 = arith.subf %sub3A_348, %mul3A_346 : vector<16xf32>
      %mul3A_350 = arith.mulf %bitcast3A_342, %sub3A_349 : vector<16xf32>
      %mul3A_351 = arith.mulf %mul3A_350, %mul3A_350 : vector<16xf32>
      %mul3A_352 = arith.mulf %mul3A_344, %mul3A_351 : vector<16xf32>
      %sub3A_353 = arith.constant 1.500000e+00 : f32
      %sub3A_354 = vector.broadcast %sub3A_353 : f32 to vector<16xf32>
      %sub3A_355 = arith.subf %sub3A_354, %mul3A_352 : vector<16xf32>
      %mul3A_356 = arith.mulf %mul3A_350, %sub3A_355 : vector<16xf32>
      %mul3A_357 = arith.mulf %add3A_336, %mul3A_356 : vector<16xf32>
      %mul3A_358 = vector.broadcast %scan3A_248 : f32 to vector<16xf32>
      %mul3A_359 = arith.mulf %mul3A_358, %mul3A_356 : vector<16xf32>
      %mul3A_360 = arith.mulf %mul3A_357, %mul3A_357 : vector<16xf32>
      %sub3A_361 = arith.subf %add3A_336, %mul3A_360 : vector<16xf32>
      %mul3A_362 = arith.mulf %mul3A_359, %sub3A_361 : vector<16xf32>
      %add3A_363 = arith.addf %mul3A_357, %mul3A_362 : vector<16xf32>
      %mul3A_364 = vector.broadcast %scan3A_249 : f32 to vector<16xf32>
      %mul3A_365 = arith.mulf %add3A_363, %mul3A_364 : vector<16xf32>
      %convert_element_type3A = arith.fptosi %mul3A_365 : vector<16xf32> to vector<16xi32>
      %convert_element_type3A_366 = arith.sitofp %convert_element_type3A : vector<16xi32> to vector<16xf32>
      %sub3A_367 = arith.subf %mul3A_365, %convert_element_type3A_366 : vector<16xf32>
      %add3A_368 = arith.addi %mul3A_242, %gather3A_328 : vector<16xi32>
      %add3A_369 = arith.addi %add3A_368, %convert_element_type3A : vector<16xi32>
      %gather3A_370 = tpu.vector_load_idx %arg17[%add3A_369] : memref<16000xf32, #tpu.memory_space<vmem>>[vector<16xi32>], vector<16xf32>,
      %gather3A_371 = tpu.vector_load_idx %arg18[%add3A_369] : memref<16000xf32, #tpu.memory_space<vmem>>[vector<16xi32>], vector<16xf32>,
      %gather3A_372 = tpu.vector_load_idx %arg19[%add3A_369] : memref<16000xf32, #tpu.memory_space<vmem>>[vector<16xi32>], vector<16xf32>,
      %gather3A_373 = tpu.vector_load_idx %arg20[%add3A_369] : memref<16000xf32, #tpu.memory_space<vmem>>[vector<16xi32>], vector<16xf32>,
      %mul3A_374 = arith.mulf %gather3A_370, %sub3A_367 : vector<16xf32>
      %add3A_375 = arith.addf %mul3A_374, %gather3A_371 : vector<16xf32>
      %mul3A_376 = arith.mulf %add3A_375, %sub3A_367 : vector<16xf32>
      %add3A_377 = arith.addf %mul3A_376, %gather3A_372 : vector<16xf32>
      %mul3A_378 = arith.mulf %add3A_377, %sub3A_367 : vector<16xf32>
      %add3A_379 = arith.addf %mul3A_378, %gather3A_373 : vector<16xf32>
      %add3A_380 = arith.constant 1 : i32
      %add3A_381 = vector.broadcast %add3A_380 : i32 to vector<16xi32>
      %add3A_382 = arith.addi %scan3A_322, %add3A_381 : vector<16xi32>
      %add3A_383 = arith.addf %scan3A_323, %add3A_379 : vector<16xf32>
      %scan3A_384 = arith.constant 1 : i32
      %scan3A_385 = arith.addi %scan3A_321, %scan3A_384 : i32
      %gather3A_386 = tpu.vector_load_idx %arg16[%add3A_382] : memref<32768xi32, #tpu.memory_space<vmem>>[vector<16xi32>], vector<16xi32>,
      %gather3A_387 = tpu.vector_load_idx %arg12[%gather3A_386] : memref<2048xf32, #tpu.memory_space<vmem>>[vector<16xi32>], vector<16xf32>,
      %gather3A_388 = tpu.vector_load_idx %arg13[%gather3A_386] : memref<2048xf32, #tpu.memory_space<vmem>>[vector<16xi32>], vector<16xf32>,
      %gather3A_389 = tpu.vector_load_idx %arg14[%gather3A_386] : memref<2048xf32, #tpu.memory_space<vmem>>[vector<16xi32>], vector<16xf32>,
      %gather3A_390 = tpu.vector_load_idx %arg15[%gather3A_386] : memref<2048xi32, #tpu.memory_space<vmem>>[vector<16xi32>], vector<16xi32>,
      %sub3A_391 = arith.subf %gather3A_236, %gather3A_387 : vector<16xf32>
      %sub3A_392 = arith.subf %gather3A_237, %gather3A_388 : vector<16xf32>
      %sub3A_393 = arith.subf %gather3A_238, %gather3A_389 : vector<16xf32>
      %mul3A_394 = arith.mulf %sub3A_391, %sub3A_391 : vector<16xf32>
      %mul3A_395 = arith.mulf %sub3A_392, %sub3A_392 : vector<16xf32>
      %add3A_396 = arith.addf %mul3A_394, %mul3A_395 : vector<16xf32>
      %mul3A_397 = arith.mulf %sub3A_393, %sub3A_393 : vector<16xf32>
      %add3A_398 = arith.addf %add3A_396, %mul3A_397 : vector<16xf32>
      %bitcast3A_399 = vector.bitcast %add3A_398 : vector<16xf32> to vector<16xi32>
      %shift_right_arithmetic3A_400 = arith.constant 1 : i32
      %shift_right_arithmetic3A_401 = vector.broadcast %shift_right_arithmetic3A_400 : i32 to vector<16xi32>
      %shift_right_arithmetic3A_402 = arith.shrsi %bitcast3A_399, %shift_right_arithmetic3A_401 : vector<16xi32>
      %sub3A_403 = arith.constant 1597463007 : i32
      %sub3A_404 = vector.broadcast %sub3A_403 : i32 to vector<16xi32>
      %sub3A_405 = arith.subi %sub3A_404, %shift_right_arithmetic3A_402 : vector<16xi32>
      %bitcast3A_406 = vector.bitcast %sub3A_405 : vector<16xi32> to vector<16xf32>
      %mul3A_407 = vector.broadcast %scan3A_248 : f32 to vector<16xf32>
      %mul3A_408 = arith.mulf %mul3A_407, %add3A_398 : vector<16xf32>
      %mul3A_409 = arith.mulf %bitcast3A_406, %bitcast3A_406 : vector<16xf32>
      %mul3A_410 = arith.mulf %mul3A_408, %mul3A_409 : vector<16xf32>
      %sub3A_411 = arith.constant 1.500000e+00 : f32
      %sub3A_412 = vector.broadcast %sub3A_411 : f32 to vector<16xf32>
      %sub3A_413 = arith.subf %sub3A_412, %mul3A_410 : vector<16xf32>
      %mul3A_414 = arith.mulf %bitcast3A_406, %sub3A_413 : vector<16xf32>
      %mul3A_415 = arith.mulf %mul3A_414, %mul3A_414 : vector<16xf32>
      %mul3A_416 = arith.mulf %mul3A_408, %mul3A_415 : vector<16xf32>
      %sub3A_417 = arith.constant 1.500000e+00 : f32
      %sub3A_418 = vector.broadcast %sub3A_417 : f32 to vector<16xf32>
      %sub3A_419 = arith.subf %sub3A_418, %mul3A_416 : vector<16xf32>
      %mul3A_420 = arith.mulf %mul3A_414, %sub3A_419 : vector<16xf32>
      %mul3A_421 = arith.mulf %add3A_398, %mul3A_420 : vector<16xf32>
      %mul3A_422 = vector.broadcast %scan3A_248 : f32 to vector<16xf32>
      %mul3A_423 = arith.mulf %mul3A_422, %mul3A_420 : vector<16xf32>
      %mul3A_424 = arith.mulf %mul3A_421, %mul3A_421 : vector<16xf32>
      %sub3A_425 = arith.subf %add3A_398, %mul3A_424 : vector<16xf32>
      %mul3A_426 = arith.mulf %mul3A_423, %sub3A_425 : vector<16xf32>
      %add3A_427 = arith.addf %mul3A_421, %mul3A_426 : vector<16xf32>
      %mul3A_428 = vector.broadcast %scan3A_249 : f32 to vector<16xf32>
      %mul3A_429 = arith.mulf %add3A_427, %mul3A_428 : vector<16xf32>
      %convert_element_type3A_430 = arith.fptosi %mul3A_429 : vector<16xf32> to vector<16xi32>
      %convert_element_type3A_431 = arith.sitofp %convert_element_type3A_430 : vector<16xi32> to vector<16xf32>
      %sub3A_432 = arith.subf %mul3A_429, %convert_element_type3A_431 : vector<16xf32>
      %add3A_433 = arith.addi %mul3A_242, %gather3A_390 : vector<16xi32>
      %add3A_434 = arith.addi %add3A_433, %convert_element_type3A_430 : vector<16xi32>
      %gather3A_435 = tpu.vector_load_idx %arg17[%add3A_434] : memref<16000xf32, #tpu.memory_space<vmem>>[vector<16xi32>], vector<16xf32>,
      %gather3A_436 = tpu.vector_load_idx %arg18[%add3A_434] : memref<16000xf32, #tpu.memory_space<vmem>>[vector<16xi32>], vector<16xf32>,
      %gather3A_437 = tpu.vector_load_idx %arg19[%add3A_434] : memref<16000xf32, #tpu.memory_space<vmem>>[vector<16xi32>], vector<16xf32>,
      %gather3A_438 = tpu.vector_load_idx %arg20[%add3A_434] : memref<16000xf32, #tpu.memory_space<vmem>>[vector<16xi32>], vector<16xf32>,
      %mul3A_439 = arith.mulf %gather3A_435, %sub3A_432 : vector<16xf32>
      %add3A_440 = arith.addf %mul3A_439, %gather3A_436 : vector<16xf32>
      %mul3A_441 = arith.mulf %add3A_440, %sub3A_432 : vector<16xf32>
      %add3A_442 = arith.addf %mul3A_441, %gather3A_437 : vector<16xf32>
      %mul3A_443 = arith.mulf %add3A_442, %sub3A_432 : vector<16xf32>
      %add3A_444 = arith.addf %mul3A_443, %gather3A_438 : vector<16xf32>
      %add3A_445 = arith.constant 1 : i32
      %add3A_446 = vector.broadcast %add3A_445 : i32 to vector<16xi32>
      %add3A_447 = arith.addi %add3A_382, %add3A_446 : vector<16xi32>
      %add3A_448 = arith.addf %add3A_383, %add3A_444 : vector<16xf32>
      %scan3A_449 = arith.constant 2 : i32
      %scan3A_450 = arith.addi %scan3A_321, %scan3A_449 : i32
      %gather3A_451 = tpu.vector_load_idx %arg16[%add3A_447] : memref<32768xi32, #tpu.memory_space<vmem>>[vector<16xi32>], vector<16xi32>,
      %gather3A_452 = tpu.vector_load_idx %arg12[%gather3A_451] : memref<2048xf32, #tpu.memory_space<vmem>>[vector<16xi32>], vector<16xf32>,
      %gather3A_453 = tpu.vector_load_idx %arg13[%gather3A_451] : memref<2048xf32, #tpu.memory_space<vmem>>[vector<16xi32>], vector<16xf32>,
      %gather3A_454 = tpu.vector_load_idx %arg14[%gather3A_451] : memref<2048xf32, #tpu.memory_space<vmem>>[vector<16xi32>], vector<16xf32>,
      %gather3A_455 = tpu.vector_load_idx %arg15[%gather3A_451] : memref<2048xi32, #tpu.memory_space<vmem>>[vector<16xi32>], vector<16xi32>,
      %sub3A_456 = arith.subf %gather3A_236, %gather3A_452 : vector<16xf32>
      %sub3A_457 = arith.subf %gather3A_237, %gather3A_453 : vector<16xf32>
      %sub3A_458 = arith.subf %gather3A_238, %gather3A_454 : vector<16xf32>
      %mul3A_459 = arith.mulf %sub3A_456, %sub3A_456 : vector<16xf32>
      %mul3A_460 = arith.mulf %sub3A_457, %sub3A_457 : vector<16xf32>
      %add3A_461 = arith.addf %mul3A_459, %mul3A_460 : vector<16xf32>
      %mul3A_462 = arith.mulf %sub3A_458, %sub3A_458 : vector<16xf32>
      %add3A_463 = arith.addf %add3A_461, %mul3A_462 : vector<16xf32>
      %bitcast3A_464 = vector.bitcast %add3A_463 : vector<16xf32> to vector<16xi32>
      %shift_right_arithmetic3A_465 = arith.constant 1 : i32
      %shift_right_arithmetic3A_466 = vector.broadcast %shift_right_arithmetic3A_465 : i32 to vector<16xi32>
      %shift_right_arithmetic3A_467 = arith.shrsi %bitcast3A_464, %shift_right_arithmetic3A_466 : vector<16xi32>
      %sub3A_468 = arith.constant 1597463007 : i32
      %sub3A_469 = vector.broadcast %sub3A_468 : i32 to vector<16xi32>
      %sub3A_470 = arith.subi %sub3A_469, %shift_right_arithmetic3A_467 : vector<16xi32>
      %bitcast3A_471 = vector.bitcast %sub3A_470 : vector<16xi32> to vector<16xf32>
      %mul3A_472 = vector.broadcast %scan3A_248 : f32 to vector<16xf32>
      %mul3A_473 = arith.mulf %mul3A_472, %add3A_463 : vector<16xf32>
      %mul3A_474 = arith.mulf %bitcast3A_471, %bitcast3A_471 : vector<16xf32>
      %mul3A_475 = arith.mulf %mul3A_473, %mul3A_474 : vector<16xf32>
      %sub3A_476 = arith.constant 1.500000e+00 : f32
      %sub3A_477 = vector.broadcast %sub3A_476 : f32 to vector<16xf32>
      %sub3A_478 = arith.subf %sub3A_477, %mul3A_475 : vector<16xf32>
      %mul3A_479 = arith.mulf %bitcast3A_471, %sub3A_478 : vector<16xf32>
      %mul3A_480 = arith.mulf %mul3A_479, %mul3A_479 : vector<16xf32>
      %mul3A_481 = arith.mulf %mul3A_473, %mul3A_480 : vector<16xf32>
      %sub3A_482 = arith.constant 1.500000e+00 : f32
      %sub3A_483 = vector.broadcast %sub3A_482 : f32 to vector<16xf32>
      %sub3A_484 = arith.subf %sub3A_483, %mul3A_481 : vector<16xf32>
      %mul3A_485 = arith.mulf %mul3A_479, %sub3A_484 : vector<16xf32>
      %mul3A_486 = arith.mulf %add3A_463, %mul3A_485 : vector<16xf32>
      %mul3A_487 = vector.broadcast %scan3A_248 : f32 to vector<16xf32>
      %mul3A_488 = arith.mulf %mul3A_487, %mul3A_485 : vector<16xf32>
      %mul3A_489 = arith.mulf %mul3A_486, %mul3A_486 : vector<16xf32>
      %sub3A_490 = arith.subf %add3A_463, %mul3A_489 : vector<16xf32>
      %mul3A_491 = arith.mulf %mul3A_488, %sub3A_490 : vector<16xf32>
      %add3A_492 = arith.addf %mul3A_486, %mul3A_491 : vector<16xf32>
      %mul3A_493 = vector.broadcast %scan3A_249 : f32 to vector<16xf32>
      %mul3A_494 = arith.mulf %add3A_492, %mul3A_493 : vector<16xf32>
      %convert_element_type3A_495 = arith.fptosi %mul3A_494 : vector<16xf32> to vector<16xi32>
      %convert_element_type3A_496 = arith.sitofp %convert_element_type3A_495 : vector<16xi32> to vector<16xf32>
      %sub3A_497 = arith.subf %mul3A_494, %convert_element_type3A_496 : vector<16xf32>
      %add3A_498 = arith.addi %mul3A_242, %gather3A_455 : vector<16xi32>
      %add3A_499 = arith.addi %add3A_498, %convert_element_type3A_495 : vector<16xi32>
      %gather3A_500 = tpu.vector_load_idx %arg17[%add3A_499] : memref<16000xf32, #tpu.memory_space<vmem>>[vector<16xi32>], vector<16xf32>,
      %gather3A_501 = tpu.vector_load_idx %arg18[%add3A_499] : memref<16000xf32, #tpu.memory_space<vmem>>[vector<16xi32>], vector<16xf32>,
      %gather3A_502 = tpu.vector_load_idx %arg19[%add3A_499] : memref<16000xf32, #tpu.memory_space<vmem>>[vector<16xi32>], vector<16xf32>,
      %gather3A_503 = tpu.vector_load_idx %arg20[%add3A_499] : memref<16000xf32, #tpu.memory_space<vmem>>[vector<16xi32>], vector<16xf32>,
      %mul3A_504 = arith.mulf %gather3A_500, %sub3A_497 : vector<16xf32>
      %add3A_505 = arith.addf %mul3A_504, %gather3A_501 : vector<16xf32>
      %mul3A_506 = arith.mulf %add3A_505, %sub3A_497 : vector<16xf32>
      %add3A_507 = arith.addf %mul3A_506, %gather3A_502 : vector<16xf32>
      %mul3A_508 = arith.mulf %add3A_507, %sub3A_497 : vector<16xf32>
      %add3A_509 = arith.addf %mul3A_508, %gather3A_503 : vector<16xf32>
      %add3A_510 = arith.constant 1 : i32
      %add3A_511 = vector.broadcast %add3A_510 : i32 to vector<16xi32>
      %add3A_512 = arith.addi %add3A_447, %add3A_511 : vector<16xi32>
      %add3A_513 = arith.addf %add3A_448, %add3A_509 : vector<16xf32>
      %scan3A_514 = arith.constant 3 : i32
      %scan3A_515 = arith.addi %scan3A_321, %scan3A_514 : i32
      %gather3A_516 = tpu.vector_load_idx %arg16[%add3A_512] : memref<32768xi32, #tpu.memory_space<vmem>>[vector<16xi32>], vector<16xi32>,
      %gather3A_517 = tpu.vector_load_idx %arg12[%gather3A_516] : memref<2048xf32, #tpu.memory_space<vmem>>[vector<16xi32>], vector<16xf32>,
      %gather3A_518 = tpu.vector_load_idx %arg13[%gather3A_516] : memref<2048xf32, #tpu.memory_space<vmem>>[vector<16xi32>], vector<16xf32>,
      %gather3A_519 = tpu.vector_load_idx %arg14[%gather3A_516] : memref<2048xf32, #tpu.memory_space<vmem>>[vector<16xi32>], vector<16xf32>,
      %gather3A_520 = tpu.vector_load_idx %arg15[%gather3A_516] : memref<2048xi32, #tpu.memory_space<vmem>>[vector<16xi32>], vector<16xi32>,
      %sub3A_521 = arith.subf %gather3A_236, %gather3A_517 : vector<16xf32>
      %sub3A_522 = arith.subf %gather3A_237, %gather3A_518 : vector<16xf32>
      %sub3A_523 = arith.subf %gather3A_238, %gather3A_519 : vector<16xf32>
      %mul3A_524 = arith.mulf %sub3A_521, %sub3A_521 : vector<16xf32>
      %mul3A_525 = arith.mulf %sub3A_522, %sub3A_522 : vector<16xf32>
      %add3A_526 = arith.addf %mul3A_524, %mul3A_525 : vector<16xf32>
      %mul3A_527 = arith.mulf %sub3A_523, %sub3A_523 : vector<16xf32>
      %add3A_528 = arith.addf %add3A_526, %mul3A_527 : vector<16xf32>
      %bitcast3A_529 = vector.bitcast %add3A_528 : vector<16xf32> to vector<16xi32>
      %shift_right_arithmetic3A_530 = arith.constant 1 : i32
      %shift_right_arithmetic3A_531 = vector.broadcast %shift_right_arithmetic3A_530 : i32 to vector<16xi32>
      %shift_right_arithmetic3A_532 = arith.shrsi %bitcast3A_529, %shift_right_arithmetic3A_531 : vector<16xi32>
      %sub3A_533 = arith.constant 1597463007 : i32
      %sub3A_534 = vector.broadcast %sub3A_533 : i32 to vector<16xi32>
      %sub3A_535 = arith.subi %sub3A_534, %shift_right_arithmetic3A_532 : vector<16xi32>
      %bitcast3A_536 = vector.bitcast %sub3A_535 : vector<16xi32> to vector<16xf32>
      %mul3A_537 = vector.broadcast %scan3A_248 : f32 to vector<16xf32>
      %mul3A_538 = arith.mulf %mul3A_537, %add3A_528 : vector<16xf32>
      %mul3A_539 = arith.mulf %bitcast3A_536, %bitcast3A_536 : vector<16xf32>
      %mul3A_540 = arith.mulf %mul3A_538, %mul3A_539 : vector<16xf32>
      %sub3A_541 = arith.constant 1.500000e+00 : f32
      %sub3A_542 = vector.broadcast %sub3A_541 : f32 to vector<16xf32>
      %sub3A_543 = arith.subf %sub3A_542, %mul3A_540 : vector<16xf32>
      %mul3A_544 = arith.mulf %bitcast3A_536, %sub3A_543 : vector<16xf32>
      %mul3A_545 = arith.mulf %mul3A_544, %mul3A_544 : vector<16xf32>
      %mul3A_546 = arith.mulf %mul3A_538, %mul3A_545 : vector<16xf32>
      %sub3A_547 = arith.constant 1.500000e+00 : f32
      %sub3A_548 = vector.broadcast %sub3A_547 : f32 to vector<16xf32>
      %sub3A_549 = arith.subf %sub3A_548, %mul3A_546 : vector<16xf32>
      %mul3A_550 = arith.mulf %mul3A_544, %sub3A_549 : vector<16xf32>
      %mul3A_551 = arith.mulf %add3A_528, %mul3A_550 : vector<16xf32>
      %mul3A_552 = vector.broadcast %scan3A_248 : f32 to vector<16xf32>
      %mul3A_553 = arith.mulf %mul3A_552, %mul3A_550 : vector<16xf32>
      %mul3A_554 = arith.mulf %mul3A_551, %mul3A_551 : vector<16xf32>
      %sub3A_555 = arith.subf %add3A_528, %mul3A_554 : vector<16xf32>
      %mul3A_556 = arith.mulf %mul3A_553, %sub3A_555 : vector<16xf32>
      %add3A_557 = arith.addf %mul3A_551, %mul3A_556 : vector<16xf32>
      %mul3A_558 = vector.broadcast %scan3A_249 : f32 to vector<16xf32>
      %mul3A_559 = arith.mulf %add3A_557, %mul3A_558 : vector<16xf32>
      %convert_element_type3A_560 = arith.fptosi %mul3A_559 : vector<16xf32> to vector<16xi32>
      %convert_element_type3A_561 = arith.sitofp %convert_element_type3A_560 : vector<16xi32> to vector<16xf32>
      %sub3A_562 = arith.subf %mul3A_559, %convert_element_type3A_561 : vector<16xf32>
      %add3A_563 = arith.addi %mul3A_242, %gather3A_520 : vector<16xi32>
      %add3A_564 = arith.addi %add3A_563, %convert_element_type3A_560 : vector<16xi32>
      %gather3A_565 = tpu.vector_load_idx %arg17[%add3A_564] : memref<16000xf32, #tpu.memory_space<vmem>>[vector<16xi32>], vector<16xf32>,
      %gather3A_566 = tpu.vector_load_idx %arg18[%add3A_564] : memref<16000xf32, #tpu.memory_space<vmem>>[vector<16xi32>], vector<16xf32>,
      %gather3A_567 = tpu.vector_load_idx %arg19[%add3A_564] : memref<16000xf32, #tpu.memory_space<vmem>>[vector<16xi32>], vector<16xf32>,
      %gather3A_568 = tpu.vector_load_idx %arg20[%add3A_564] : memref<16000xf32, #tpu.memory_space<vmem>>[vector<16xi32>], vector<16xf32>,
      %mul3A_569 = arith.mulf %gather3A_565, %sub3A_562 : vector<16xf32>
      %add3A_570 = arith.addf %mul3A_569, %gather3A_566 : vector<16xf32>
      %mul3A_571 = arith.mulf %add3A_570, %sub3A_562 : vector<16xf32>
      %add3A_572 = arith.addf %mul3A_571, %gather3A_567 : vector<16xf32>
      %mul3A_573 = arith.mulf %add3A_572, %sub3A_562 : vector<16xf32>
      %add3A_574 = arith.addf %mul3A_573, %gather3A_568 : vector<16xf32>
      %add3A_575 = arith.constant 1 : i32
      %add3A_576 = vector.broadcast %add3A_575 : i32 to vector<16xi32>
      %add3A_577 = arith.addi %add3A_512, %add3A_576 : vector<16xi32>
      %add3A_578 = arith.addf %add3A_513, %add3A_574 : vector<16xf32>
      scf.yield %add3A_577, %add3A_578 : vector<16xi32>, vector<16xf32>
    }
    %scan3A_255 = arith.constant 256 : i32
    %mul3A_256 = arith.constant 5.000000e-01 : f32
    %mul3A_257 = vector.broadcast %mul3A_256 : f32 to vector<16xf32>
    %mul3A_258 = arith.mulf %mul3A_257, %scan3A_254#1 : vector<16xf32>
    %swap3A_259 = arith.constant 80 : index
    %swap3A_260 = tpu.vector_load %arg21[%swap3A_259] {strides = array<i32>} : memref<128xf32, #tpu.memory_space<vmem>>, vector<16xf32>,
    tpu.vector_store %arg21[%swap3A_259], %mul3A_258 {strides = array<i32>} : memref<128xf32, #tpu.memory_space<vmem>>, vector<16xf32>,
    %add3A_261 = arith.constant 96 : i32
    %add3A_262 = vector.broadcast %add3A_261 : i32 to vector<16xi32>
    %add3A_263 = arith.addi %add3A_262, %iota3A : vector<16xi32>
    %add3A_264 = vector.broadcast %mul3A_32 : i32 to vector<16xi32>
    %add3A_265 = arith.addi %add3A_264, %add3A_263 : vector<16xi32>
    %gather3A_266 = tpu.vector_load_idx %arg12[%add3A_265] : memref<2048xf32, #tpu.memory_space<vmem>>[vector<16xi32>], vector<16xf32>,
    %gather3A_267 = tpu.vector_load_idx %arg13[%add3A_265] : memref<2048xf32, #tpu.memory_space<vmem>>[vector<16xi32>], vector<16xf32>,
    %gather3A_268 = tpu.vector_load_idx %arg14[%add3A_265] : memref<2048xf32, #tpu.memory_space<vmem>>[vector<16xi32>], vector<16xf32>,
    %gather3A_269 = tpu.vector_load_idx %arg15[%add3A_265] : memref<2048xi32, #tpu.memory_space<vmem>>[vector<16xi32>], vector<16xi32>,
    %mul3A_270 = arith.constant 4 : i32
    %mul3A_271 = vector.broadcast %mul3A_270 : i32 to vector<16xi32>
    %mul3A_272 = arith.muli %gather3A_269, %mul3A_271 : vector<16xi32>
    %mul3A_273 = arith.constant 256 : i32
    %mul3A_274 = vector.broadcast %mul3A_273 : i32 to vector<16xi32>
    %mul3A_275 = arith.muli %add3A_263, %mul3A_274 : vector<16xi32>
    %broadcast_in_dim3A_276 = arith.constant 0.000000e+00 : f32
    %broadcast_in_dim3A_277 = vector.broadcast %broadcast_in_dim3A_276 : f32 to vector<16xf32>
    %scan3A_278 = arith.constant 5.000000e-01 : f32
    %scan3A_279 = arith.constant 499.999969 : f32
    %scan3A_280 = arith.constant 0 : i32
    %scan3A_281 = arith.constant 256 : i32
    %scan3A_282 = arith.addi %scan3A_280, %scan3A_281 : i32
    %scan3A_283 = arith.constant 4 : i32
    %scan3A_284:2 = scf.for %scan3A_321 = %scan3A_280 to %scan3A_282 step %scan3A_283 iter_args(%scan3A_322 = %mul3A_275, %scan3A_323 = %broadcast_in_dim3A_277) -> (vector<16xi32>, vector<16xf32>)  : i32 {
      %gather3A_324 = tpu.vector_load_idx %arg16[%scan3A_322] : memref<32768xi32, #tpu.memory_space<vmem>>[vector<16xi32>], vector<16xi32>,
      %gather3A_325 = tpu.vector_load_idx %arg12[%gather3A_324] : memref<2048xf32, #tpu.memory_space<vmem>>[vector<16xi32>], vector<16xf32>,
      %gather3A_326 = tpu.vector_load_idx %arg13[%gather3A_324] : memref<2048xf32, #tpu.memory_space<vmem>>[vector<16xi32>], vector<16xf32>,
      %gather3A_327 = tpu.vector_load_idx %arg14[%gather3A_324] : memref<2048xf32, #tpu.memory_space<vmem>>[vector<16xi32>], vector<16xf32>,
      %gather3A_328 = tpu.vector_load_idx %arg15[%gather3A_324] : memref<2048xi32, #tpu.memory_space<vmem>>[vector<16xi32>], vector<16xi32>,
      %sub3A_329 = arith.subf %gather3A_266, %gather3A_325 : vector<16xf32>
      %sub3A_330 = arith.subf %gather3A_267, %gather3A_326 : vector<16xf32>
      %sub3A_331 = arith.subf %gather3A_268, %gather3A_327 : vector<16xf32>
      %mul3A_332 = arith.mulf %sub3A_329, %sub3A_329 : vector<16xf32>
      %mul3A_333 = arith.mulf %sub3A_330, %sub3A_330 : vector<16xf32>
      %add3A_334 = arith.addf %mul3A_332, %mul3A_333 : vector<16xf32>
      %mul3A_335 = arith.mulf %sub3A_331, %sub3A_331 : vector<16xf32>
      %add3A_336 = arith.addf %add3A_334, %mul3A_335 : vector<16xf32>
      %bitcast3A = vector.bitcast %add3A_336 : vector<16xf32> to vector<16xi32>
      %shift_right_arithmetic3A = arith.constant 1 : i32
      %shift_right_arithmetic3A_337 = vector.broadcast %shift_right_arithmetic3A : i32 to vector<16xi32>
      %shift_right_arithmetic3A_338 = arith.shrsi %bitcast3A, %shift_right_arithmetic3A_337 : vector<16xi32>
      %sub3A_339 = arith.constant 1597463007 : i32
      %sub3A_340 = vector.broadcast %sub3A_339 : i32 to vector<16xi32>
      %sub3A_341 = arith.subi %sub3A_340, %shift_right_arithmetic3A_338 : vector<16xi32>
      %bitcast3A_342 = vector.bitcast %sub3A_341 : vector<16xi32> to vector<16xf32>
      %mul3A_343 = vector.broadcast %scan3A_278 : f32 to vector<16xf32>
      %mul3A_344 = arith.mulf %mul3A_343, %add3A_336 : vector<16xf32>
      %mul3A_345 = arith.mulf %bitcast3A_342, %bitcast3A_342 : vector<16xf32>
      %mul3A_346 = arith.mulf %mul3A_344, %mul3A_345 : vector<16xf32>
      %sub3A_347 = arith.constant 1.500000e+00 : f32
      %sub3A_348 = vector.broadcast %sub3A_347 : f32 to vector<16xf32>
      %sub3A_349 = arith.subf %sub3A_348, %mul3A_346 : vector<16xf32>
      %mul3A_350 = arith.mulf %bitcast3A_342, %sub3A_349 : vector<16xf32>
      %mul3A_351 = arith.mulf %mul3A_350, %mul3A_350 : vector<16xf32>
      %mul3A_352 = arith.mulf %mul3A_344, %mul3A_351 : vector<16xf32>
      %sub3A_353 = arith.constant 1.500000e+00 : f32
      %sub3A_354 = vector.broadcast %sub3A_353 : f32 to vector<16xf32>
      %sub3A_355 = arith.subf %sub3A_354, %mul3A_352 : vector<16xf32>
      %mul3A_356 = arith.mulf %mul3A_350, %sub3A_355 : vector<16xf32>
      %mul3A_357 = arith.mulf %add3A_336, %mul3A_356 : vector<16xf32>
      %mul3A_358 = vector.broadcast %scan3A_278 : f32 to vector<16xf32>
      %mul3A_359 = arith.mulf %mul3A_358, %mul3A_356 : vector<16xf32>
      %mul3A_360 = arith.mulf %mul3A_357, %mul3A_357 : vector<16xf32>
      %sub3A_361 = arith.subf %add3A_336, %mul3A_360 : vector<16xf32>
      %mul3A_362 = arith.mulf %mul3A_359, %sub3A_361 : vector<16xf32>
      %add3A_363 = arith.addf %mul3A_357, %mul3A_362 : vector<16xf32>
      %mul3A_364 = vector.broadcast %scan3A_279 : f32 to vector<16xf32>
      %mul3A_365 = arith.mulf %add3A_363, %mul3A_364 : vector<16xf32>
      %convert_element_type3A = arith.fptosi %mul3A_365 : vector<16xf32> to vector<16xi32>
      %convert_element_type3A_366 = arith.sitofp %convert_element_type3A : vector<16xi32> to vector<16xf32>
      %sub3A_367 = arith.subf %mul3A_365, %convert_element_type3A_366 : vector<16xf32>
      %add3A_368 = arith.addi %mul3A_272, %gather3A_328 : vector<16xi32>
      %add3A_369 = arith.addi %add3A_368, %convert_element_type3A : vector<16xi32>
      %gather3A_370 = tpu.vector_load_idx %arg17[%add3A_369] : memref<16000xf32, #tpu.memory_space<vmem>>[vector<16xi32>], vector<16xf32>,
      %gather3A_371 = tpu.vector_load_idx %arg18[%add3A_369] : memref<16000xf32, #tpu.memory_space<vmem>>[vector<16xi32>], vector<16xf32>,
      %gather3A_372 = tpu.vector_load_idx %arg19[%add3A_369] : memref<16000xf32, #tpu.memory_space<vmem>>[vector<16xi32>], vector<16xf32>,
      %gather3A_373 = tpu.vector_load_idx %arg20[%add3A_369] : memref<16000xf32, #tpu.memory_space<vmem>>[vector<16xi32>], vector<16xf32>,
      %mul3A_374 = arith.mulf %gather3A_370, %sub3A_367 : vector<16xf32>
      %add3A_375 = arith.addf %mul3A_374, %gather3A_371 : vector<16xf32>
      %mul3A_376 = arith.mulf %add3A_375, %sub3A_367 : vector<16xf32>
      %add3A_377 = arith.addf %mul3A_376, %gather3A_372 : vector<16xf32>
      %mul3A_378 = arith.mulf %add3A_377, %sub3A_367 : vector<16xf32>
      %add3A_379 = arith.addf %mul3A_378, %gather3A_373 : vector<16xf32>
      %add3A_380 = arith.constant 1 : i32
      %add3A_381 = vector.broadcast %add3A_380 : i32 to vector<16xi32>
      %add3A_382 = arith.addi %scan3A_322, %add3A_381 : vector<16xi32>
      %add3A_383 = arith.addf %scan3A_323, %add3A_379 : vector<16xf32>
      %scan3A_384 = arith.constant 1 : i32
      %scan3A_385 = arith.addi %scan3A_321, %scan3A_384 : i32
      %gather3A_386 = tpu.vector_load_idx %arg16[%add3A_382] : memref<32768xi32, #tpu.memory_space<vmem>>[vector<16xi32>], vector<16xi32>,
      %gather3A_387 = tpu.vector_load_idx %arg12[%gather3A_386] : memref<2048xf32, #tpu.memory_space<vmem>>[vector<16xi32>], vector<16xf32>,
      %gather3A_388 = tpu.vector_load_idx %arg13[%gather3A_386] : memref<2048xf32, #tpu.memory_space<vmem>>[vector<16xi32>], vector<16xf32>,
      %gather3A_389 = tpu.vector_load_idx %arg14[%gather3A_386] : memref<2048xf32, #tpu.memory_space<vmem>>[vector<16xi32>], vector<16xf32>,
      %gather3A_390 = tpu.vector_load_idx %arg15[%gather3A_386] : memref<2048xi32, #tpu.memory_space<vmem>>[vector<16xi32>], vector<16xi32>,
      %sub3A_391 = arith.subf %gather3A_266, %gather3A_387 : vector<16xf32>
      %sub3A_392 = arith.subf %gather3A_267, %gather3A_388 : vector<16xf32>
      %sub3A_393 = arith.subf %gather3A_268, %gather3A_389 : vector<16xf32>
      %mul3A_394 = arith.mulf %sub3A_391, %sub3A_391 : vector<16xf32>
      %mul3A_395 = arith.mulf %sub3A_392, %sub3A_392 : vector<16xf32>
      %add3A_396 = arith.addf %mul3A_394, %mul3A_395 : vector<16xf32>
      %mul3A_397 = arith.mulf %sub3A_393, %sub3A_393 : vector<16xf32>
      %add3A_398 = arith.addf %add3A_396, %mul3A_397 : vector<16xf32>
      %bitcast3A_399 = vector.bitcast %add3A_398 : vector<16xf32> to vector<16xi32>
      %shift_right_arithmetic3A_400 = arith.constant 1 : i32
      %shift_right_arithmetic3A_401 = vector.broadcast %shift_right_arithmetic3A_400 : i32 to vector<16xi32>
      %shift_right_arithmetic3A_402 = arith.shrsi %bitcast3A_399, %shift_right_arithmetic3A_401 : vector<16xi32>
      %sub3A_403 = arith.constant 1597463007 : i32
      %sub3A_404 = vector.broadcast %sub3A_403 : i32 to vector<16xi32>
      %sub3A_405 = arith.subi %sub3A_404, %shift_right_arithmetic3A_402 : vector<16xi32>
      %bitcast3A_406 = vector.bitcast %sub3A_405 : vector<16xi32> to vector<16xf32>
      %mul3A_407 = vector.broadcast %scan3A_278 : f32 to vector<16xf32>
      %mul3A_408 = arith.mulf %mul3A_407, %add3A_398 : vector<16xf32>
      %mul3A_409 = arith.mulf %bitcast3A_406, %bitcast3A_406 : vector<16xf32>
      %mul3A_410 = arith.mulf %mul3A_408, %mul3A_409 : vector<16xf32>
      %sub3A_411 = arith.constant 1.500000e+00 : f32
      %sub3A_412 = vector.broadcast %sub3A_411 : f32 to vector<16xf32>
      %sub3A_413 = arith.subf %sub3A_412, %mul3A_410 : vector<16xf32>
      %mul3A_414 = arith.mulf %bitcast3A_406, %sub3A_413 : vector<16xf32>
      %mul3A_415 = arith.mulf %mul3A_414, %mul3A_414 : vector<16xf32>
      %mul3A_416 = arith.mulf %mul3A_408, %mul3A_415 : vector<16xf32>
      %sub3A_417 = arith.constant 1.500000e+00 : f32
      %sub3A_418 = vector.broadcast %sub3A_417 : f32 to vector<16xf32>
      %sub3A_419 = arith.subf %sub3A_418, %mul3A_416 : vector<16xf32>
      %mul3A_420 = arith.mulf %mul3A_414, %sub3A_419 : vector<16xf32>
      %mul3A_421 = arith.mulf %add3A_398, %mul3A_420 : vector<16xf32>
      %mul3A_422 = vector.broadcast %scan3A_278 : f32 to vector<16xf32>
      %mul3A_423 = arith.mulf %mul3A_422, %mul3A_420 : vector<16xf32>
      %mul3A_424 = arith.mulf %mul3A_421, %mul3A_421 : vector<16xf32>
      %sub3A_425 = arith.subf %add3A_398, %mul3A_424 : vector<16xf32>
      %mul3A_426 = arith.mulf %mul3A_423, %sub3A_425 : vector<16xf32>
      %add3A_427 = arith.addf %mul3A_421, %mul3A_426 : vector<16xf32>
      %mul3A_428 = vector.broadcast %scan3A_279 : f32 to vector<16xf32>
      %mul3A_429 = arith.mulf %add3A_427, %mul3A_428 : vector<16xf32>
      %convert_element_type3A_430 = arith.fptosi %mul3A_429 : vector<16xf32> to vector<16xi32>
      %convert_element_type3A_431 = arith.sitofp %convert_element_type3A_430 : vector<16xi32> to vector<16xf32>
      %sub3A_432 = arith.subf %mul3A_429, %convert_element_type3A_431 : vector<16xf32>
      %add3A_433 = arith.addi %mul3A_272, %gather3A_390 : vector<16xi32>
      %add3A_434 = arith.addi %add3A_433, %convert_element_type3A_430 : vector<16xi32>
      %gather3A_435 = tpu.vector_load_idx %arg17[%add3A_434] : memref<16000xf32, #tpu.memory_space<vmem>>[vector<16xi32>], vector<16xf32>,
      %gather3A_436 = tpu.vector_load_idx %arg18[%add3A_434] : memref<16000xf32, #tpu.memory_space<vmem>>[vector<16xi32>], vector<16xf32>,
      %gather3A_437 = tpu.vector_load_idx %arg19[%add3A_434] : memref<16000xf32, #tpu.memory_space<vmem>>[vector<16xi32>], vector<16xf32>,
      %gather3A_438 = tpu.vector_load_idx %arg20[%add3A_434] : memref<16000xf32, #tpu.memory_space<vmem>>[vector<16xi32>], vector<16xf32>,
      %mul3A_439 = arith.mulf %gather3A_435, %sub3A_432 : vector<16xf32>
      %add3A_440 = arith.addf %mul3A_439, %gather3A_436 : vector<16xf32>
      %mul3A_441 = arith.mulf %add3A_440, %sub3A_432 : vector<16xf32>
      %add3A_442 = arith.addf %mul3A_441, %gather3A_437 : vector<16xf32>
      %mul3A_443 = arith.mulf %add3A_442, %sub3A_432 : vector<16xf32>
      %add3A_444 = arith.addf %mul3A_443, %gather3A_438 : vector<16xf32>
      %add3A_445 = arith.constant 1 : i32
      %add3A_446 = vector.broadcast %add3A_445 : i32 to vector<16xi32>
      %add3A_447 = arith.addi %add3A_382, %add3A_446 : vector<16xi32>
      %add3A_448 = arith.addf %add3A_383, %add3A_444 : vector<16xf32>
      %scan3A_449 = arith.constant 2 : i32
      %scan3A_450 = arith.addi %scan3A_321, %scan3A_449 : i32
      %gather3A_451 = tpu.vector_load_idx %arg16[%add3A_447] : memref<32768xi32, #tpu.memory_space<vmem>>[vector<16xi32>], vector<16xi32>,
      %gather3A_452 = tpu.vector_load_idx %arg12[%gather3A_451] : memref<2048xf32, #tpu.memory_space<vmem>>[vector<16xi32>], vector<16xf32>,
      %gather3A_453 = tpu.vector_load_idx %arg13[%gather3A_451] : memref<2048xf32, #tpu.memory_space<vmem>>[vector<16xi32>], vector<16xf32>,
      %gather3A_454 = tpu.vector_load_idx %arg14[%gather3A_451] : memref<2048xf32, #tpu.memory_space<vmem>>[vector<16xi32>], vector<16xf32>,
      %gather3A_455 = tpu.vector_load_idx %arg15[%gather3A_451] : memref<2048xi32, #tpu.memory_space<vmem>>[vector<16xi32>], vector<16xi32>,
      %sub3A_456 = arith.subf %gather3A_266, %gather3A_452 : vector<16xf32>
      %sub3A_457 = arith.subf %gather3A_267, %gather3A_453 : vector<16xf32>
      %sub3A_458 = arith.subf %gather3A_268, %gather3A_454 : vector<16xf32>
      %mul3A_459 = arith.mulf %sub3A_456, %sub3A_456 : vector<16xf32>
      %mul3A_460 = arith.mulf %sub3A_457, %sub3A_457 : vector<16xf32>
      %add3A_461 = arith.addf %mul3A_459, %mul3A_460 : vector<16xf32>
      %mul3A_462 = arith.mulf %sub3A_458, %sub3A_458 : vector<16xf32>
      %add3A_463 = arith.addf %add3A_461, %mul3A_462 : vector<16xf32>
      %bitcast3A_464 = vector.bitcast %add3A_463 : vector<16xf32> to vector<16xi32>
      %shift_right_arithmetic3A_465 = arith.constant 1 : i32
      %shift_right_arithmetic3A_466 = vector.broadcast %shift_right_arithmetic3A_465 : i32 to vector<16xi32>
      %shift_right_arithmetic3A_467 = arith.shrsi %bitcast3A_464, %shift_right_arithmetic3A_466 : vector<16xi32>
      %sub3A_468 = arith.constant 1597463007 : i32
      %sub3A_469 = vector.broadcast %sub3A_468 : i32 to vector<16xi32>
      %sub3A_470 = arith.subi %sub3A_469, %shift_right_arithmetic3A_467 : vector<16xi32>
      %bitcast3A_471 = vector.bitcast %sub3A_470 : vector<16xi32> to vector<16xf32>
      %mul3A_472 = vector.broadcast %scan3A_278 : f32 to vector<16xf32>
      %mul3A_473 = arith.mulf %mul3A_472, %add3A_463 : vector<16xf32>
      %mul3A_474 = arith.mulf %bitcast3A_471, %bitcast3A_471 : vector<16xf32>
      %mul3A_475 = arith.mulf %mul3A_473, %mul3A_474 : vector<16xf32>
      %sub3A_476 = arith.constant 1.500000e+00 : f32
      %sub3A_477 = vector.broadcast %sub3A_476 : f32 to vector<16xf32>
      %sub3A_478 = arith.subf %sub3A_477, %mul3A_475 : vector<16xf32>
      %mul3A_479 = arith.mulf %bitcast3A_471, %sub3A_478 : vector<16xf32>
      %mul3A_480 = arith.mulf %mul3A_479, %mul3A_479 : vector<16xf32>
      %mul3A_481 = arith.mulf %mul3A_473, %mul3A_480 : vector<16xf32>
      %sub3A_482 = arith.constant 1.500000e+00 : f32
      %sub3A_483 = vector.broadcast %sub3A_482 : f32 to vector<16xf32>
      %sub3A_484 = arith.subf %sub3A_483, %mul3A_481 : vector<16xf32>
      %mul3A_485 = arith.mulf %mul3A_479, %sub3A_484 : vector<16xf32>
      %mul3A_486 = arith.mulf %add3A_463, %mul3A_485 : vector<16xf32>
      %mul3A_487 = vector.broadcast %scan3A_278 : f32 to vector<16xf32>
      %mul3A_488 = arith.mulf %mul3A_487, %mul3A_485 : vector<16xf32>
      %mul3A_489 = arith.mulf %mul3A_486, %mul3A_486 : vector<16xf32>
      %sub3A_490 = arith.subf %add3A_463, %mul3A_489 : vector<16xf32>
      %mul3A_491 = arith.mulf %mul3A_488, %sub3A_490 : vector<16xf32>
      %add3A_492 = arith.addf %mul3A_486, %mul3A_491 : vector<16xf32>
      %mul3A_493 = vector.broadcast %scan3A_279 : f32 to vector<16xf32>
      %mul3A_494 = arith.mulf %add3A_492, %mul3A_493 : vector<16xf32>
      %convert_element_type3A_495 = arith.fptosi %mul3A_494 : vector<16xf32> to vector<16xi32>
      %convert_element_type3A_496 = arith.sitofp %convert_element_type3A_495 : vector<16xi32> to vector<16xf32>
      %sub3A_497 = arith.subf %mul3A_494, %convert_element_type3A_496 : vector<16xf32>
      %add3A_498 = arith.addi %mul3A_272, %gather3A_455 : vector<16xi32>
      %add3A_499 = arith.addi %add3A_498, %convert_element_type3A_495 : vector<16xi32>
      %gather3A_500 = tpu.vector_load_idx %arg17[%add3A_499] : memref<16000xf32, #tpu.memory_space<vmem>>[vector<16xi32>], vector<16xf32>,
      %gather3A_501 = tpu.vector_load_idx %arg18[%add3A_499] : memref<16000xf32, #tpu.memory_space<vmem>>[vector<16xi32>], vector<16xf32>,
      %gather3A_502 = tpu.vector_load_idx %arg19[%add3A_499] : memref<16000xf32, #tpu.memory_space<vmem>>[vector<16xi32>], vector<16xf32>,
      %gather3A_503 = tpu.vector_load_idx %arg20[%add3A_499] : memref<16000xf32, #tpu.memory_space<vmem>>[vector<16xi32>], vector<16xf32>,
      %mul3A_504 = arith.mulf %gather3A_500, %sub3A_497 : vector<16xf32>
      %add3A_505 = arith.addf %mul3A_504, %gather3A_501 : vector<16xf32>
      %mul3A_506 = arith.mulf %add3A_505, %sub3A_497 : vector<16xf32>
      %add3A_507 = arith.addf %mul3A_506, %gather3A_502 : vector<16xf32>
      %mul3A_508 = arith.mulf %add3A_507, %sub3A_497 : vector<16xf32>
      %add3A_509 = arith.addf %mul3A_508, %gather3A_503 : vector<16xf32>
      %add3A_510 = arith.constant 1 : i32
      %add3A_511 = vector.broadcast %add3A_510 : i32 to vector<16xi32>
      %add3A_512 = arith.addi %add3A_447, %add3A_511 : vector<16xi32>
      %add3A_513 = arith.addf %add3A_448, %add3A_509 : vector<16xf32>
      %scan3A_514 = arith.constant 3 : i32
      %scan3A_515 = arith.addi %scan3A_321, %scan3A_514 : i32
      %gather3A_516 = tpu.vector_load_idx %arg16[%add3A_512] : memref<32768xi32, #tpu.memory_space<vmem>>[vector<16xi32>], vector<16xi32>,
      %gather3A_517 = tpu.vector_load_idx %arg12[%gather3A_516] : memref<2048xf32, #tpu.memory_space<vmem>>[vector<16xi32>], vector<16xf32>,
      %gather3A_518 = tpu.vector_load_idx %arg13[%gather3A_516] : memref<2048xf32, #tpu.memory_space<vmem>>[vector<16xi32>], vector<16xf32>,
      %gather3A_519 = tpu.vector_load_idx %arg14[%gather3A_516] : memref<2048xf32, #tpu.memory_space<vmem>>[vector<16xi32>], vector<16xf32>,
      %gather3A_520 = tpu.vector_load_idx %arg15[%gather3A_516] : memref<2048xi32, #tpu.memory_space<vmem>>[vector<16xi32>], vector<16xi32>,
      %sub3A_521 = arith.subf %gather3A_266, %gather3A_517 : vector<16xf32>
      %sub3A_522 = arith.subf %gather3A_267, %gather3A_518 : vector<16xf32>
      %sub3A_523 = arith.subf %gather3A_268, %gather3A_519 : vector<16xf32>
      %mul3A_524 = arith.mulf %sub3A_521, %sub3A_521 : vector<16xf32>
      %mul3A_525 = arith.mulf %sub3A_522, %sub3A_522 : vector<16xf32>
      %add3A_526 = arith.addf %mul3A_524, %mul3A_525 : vector<16xf32>
      %mul3A_527 = arith.mulf %sub3A_523, %sub3A_523 : vector<16xf32>
      %add3A_528 = arith.addf %add3A_526, %mul3A_527 : vector<16xf32>
      %bitcast3A_529 = vector.bitcast %add3A_528 : vector<16xf32> to vector<16xi32>
      %shift_right_arithmetic3A_530 = arith.constant 1 : i32
      %shift_right_arithmetic3A_531 = vector.broadcast %shift_right_arithmetic3A_530 : i32 to vector<16xi32>
      %shift_right_arithmetic3A_532 = arith.shrsi %bitcast3A_529, %shift_right_arithmetic3A_531 : vector<16xi32>
      %sub3A_533 = arith.constant 1597463007 : i32
      %sub3A_534 = vector.broadcast %sub3A_533 : i32 to vector<16xi32>
      %sub3A_535 = arith.subi %sub3A_534, %shift_right_arithmetic3A_532 : vector<16xi32>
      %bitcast3A_536 = vector.bitcast %sub3A_535 : vector<16xi32> to vector<16xf32>
      %mul3A_537 = vector.broadcast %scan3A_278 : f32 to vector<16xf32>
      %mul3A_538 = arith.mulf %mul3A_537, %add3A_528 : vector<16xf32>
      %mul3A_539 = arith.mulf %bitcast3A_536, %bitcast3A_536 : vector<16xf32>
      %mul3A_540 = arith.mulf %mul3A_538, %mul3A_539 : vector<16xf32>
      %sub3A_541 = arith.constant 1.500000e+00 : f32
      %sub3A_542 = vector.broadcast %sub3A_541 : f32 to vector<16xf32>
      %sub3A_543 = arith.subf %sub3A_542, %mul3A_540 : vector<16xf32>
      %mul3A_544 = arith.mulf %bitcast3A_536, %sub3A_543 : vector<16xf32>
      %mul3A_545 = arith.mulf %mul3A_544, %mul3A_544 : vector<16xf32>
      %mul3A_546 = arith.mulf %mul3A_538, %mul3A_545 : vector<16xf32>
      %sub3A_547 = arith.constant 1.500000e+00 : f32
      %sub3A_548 = vector.broadcast %sub3A_547 : f32 to vector<16xf32>
      %sub3A_549 = arith.subf %sub3A_548, %mul3A_546 : vector<16xf32>
      %mul3A_550 = arith.mulf %mul3A_544, %sub3A_549 : vector<16xf32>
      %mul3A_551 = arith.mulf %add3A_528, %mul3A_550 : vector<16xf32>
      %mul3A_552 = vector.broadcast %scan3A_278 : f32 to vector<16xf32>
      %mul3A_553 = arith.mulf %mul3A_552, %mul3A_550 : vector<16xf32>
      %mul3A_554 = arith.mulf %mul3A_551, %mul3A_551 : vector<16xf32>
      %sub3A_555 = arith.subf %add3A_528, %mul3A_554 : vector<16xf32>
      %mul3A_556 = arith.mulf %mul3A_553, %sub3A_555 : vector<16xf32>
      %add3A_557 = arith.addf %mul3A_551, %mul3A_556 : vector<16xf32>
      %mul3A_558 = vector.broadcast %scan3A_279 : f32 to vector<16xf32>
      %mul3A_559 = arith.mulf %add3A_557, %mul3A_558 : vector<16xf32>
      %convert_element_type3A_560 = arith.fptosi %mul3A_559 : vector<16xf32> to vector<16xi32>
      %convert_element_type3A_561 = arith.sitofp %convert_element_type3A_560 : vector<16xi32> to vector<16xf32>
      %sub3A_562 = arith.subf %mul3A_559, %convert_element_type3A_561 : vector<16xf32>
      %add3A_563 = arith.addi %mul3A_272, %gather3A_520 : vector<16xi32>
      %add3A_564 = arith.addi %add3A_563, %convert_element_type3A_560 : vector<16xi32>
      %gather3A_565 = tpu.vector_load_idx %arg17[%add3A_564] : memref<16000xf32, #tpu.memory_space<vmem>>[vector<16xi32>], vector<16xf32>,
      %gather3A_566 = tpu.vector_load_idx %arg18[%add3A_564] : memref<16000xf32, #tpu.memory_space<vmem>>[vector<16xi32>], vector<16xf32>,
      %gather3A_567 = tpu.vector_load_idx %arg19[%add3A_564] : memref<16000xf32, #tpu.memory_space<vmem>>[vector<16xi32>], vector<16xf32>,
      %gather3A_568 = tpu.vector_load_idx %arg20[%add3A_564] : memref<16000xf32, #tpu.memory_space<vmem>>[vector<16xi32>], vector<16xf32>,
      %mul3A_569 = arith.mulf %gather3A_565, %sub3A_562 : vector<16xf32>
      %add3A_570 = arith.addf %mul3A_569, %gather3A_566 : vector<16xf32>
      %mul3A_571 = arith.mulf %add3A_570, %sub3A_562 : vector<16xf32>
      %add3A_572 = arith.addf %mul3A_571, %gather3A_567 : vector<16xf32>
      %mul3A_573 = arith.mulf %add3A_572, %sub3A_562 : vector<16xf32>
      %add3A_574 = arith.addf %mul3A_573, %gather3A_568 : vector<16xf32>
      %add3A_575 = arith.constant 1 : i32
      %add3A_576 = vector.broadcast %add3A_575 : i32 to vector<16xi32>
      %add3A_577 = arith.addi %add3A_512, %add3A_576 : vector<16xi32>
      %add3A_578 = arith.addf %add3A_513, %add3A_574 : vector<16xf32>
      scf.yield %add3A_577, %add3A_578 : vector<16xi32>, vector<16xf32>
    }
    %scan3A_285 = arith.constant 256 : i32
    %mul3A_286 = arith.constant 5.000000e-01 : f32
    %mul3A_287 = vector.broadcast %mul3A_286 : f32 to vector<16xf32>
    %mul3A_288 = arith.mulf %mul3A_287, %scan3A_284#1 : vector<16xf32>
    %swap3A_289 = arith.constant 96 : index
    %swap3A_290 = tpu.vector_load %arg21[%swap3A_289] {strides = array<i32>} : memref<128xf32, #tpu.memory_space<vmem>>, vector<16xf32>,
    tpu.vector_store %arg21[%swap3A_289], %mul3A_288 {strides = array<i32>} : memref<128xf32, #tpu.memory_space<vmem>>, vector<16xf32>,
    %add3A_291 = arith.constant 112 : i32
    %add3A_292 = vector.broadcast %add3A_291 : i32 to vector<16xi32>
    %add3A_293 = arith.addi %add3A_292, %iota3A : vector<16xi32>
    %add3A_294 = vector.broadcast %mul3A_32 : i32 to vector<16xi32>
    %add3A_295 = arith.addi %add3A_294, %add3A_293 : vector<16xi32>
    %gather3A_296 = tpu.vector_load_idx %arg12[%add3A_295] : memref<2048xf32, #tpu.memory_space<vmem>>[vector<16xi32>], vector<16xf32>,
    %gather3A_297 = tpu.vector_load_idx %arg13[%add3A_295] : memref<2048xf32, #tpu.memory_space<vmem>>[vector<16xi32>], vector<16xf32>,
    %gather3A_298 = tpu.vector_load_idx %arg14[%add3A_295] : memref<2048xf32, #tpu.memory_space<vmem>>[vector<16xi32>], vector<16xf32>,
    %gather3A_299 = tpu.vector_load_idx %arg15[%add3A_295] : memref<2048xi32, #tpu.memory_space<vmem>>[vector<16xi32>], vector<16xi32>,
    %mul3A_300 = arith.constant 4 : i32
    %mul3A_301 = vector.broadcast %mul3A_300 : i32 to vector<16xi32>
    %mul3A_302 = arith.muli %gather3A_299, %mul3A_301 : vector<16xi32>
    %mul3A_303 = arith.constant 256 : i32
    %mul3A_304 = vector.broadcast %mul3A_303 : i32 to vector<16xi32>
    %mul3A_305 = arith.muli %add3A_293, %mul3A_304 : vector<16xi32>
    %broadcast_in_dim3A_306 = arith.constant 0.000000e+00 : f32
    %broadcast_in_dim3A_307 = vector.broadcast %broadcast_in_dim3A_306 : f32 to vector<16xf32>
    %scan3A_308 = arith.constant 5.000000e-01 : f32
    %scan3A_309 = arith.constant 499.999969 : f32
    %scan3A_310 = arith.constant 0 : i32
    %scan3A_311 = arith.constant 256 : i32
    %scan3A_312 = arith.addi %scan3A_310, %scan3A_311 : i32
    %scan3A_313 = arith.constant 4 : i32
    %scan3A_314:2 = scf.for %scan3A_321 = %scan3A_310 to %scan3A_312 step %scan3A_313 iter_args(%scan3A_322 = %mul3A_305, %scan3A_323 = %broadcast_in_dim3A_307) -> (vector<16xi32>, vector<16xf32>)  : i32 {
      %gather3A_324 = tpu.vector_load_idx %arg16[%scan3A_322] : memref<32768xi32, #tpu.memory_space<vmem>>[vector<16xi32>], vector<16xi32>,
      %gather3A_325 = tpu.vector_load_idx %arg12[%gather3A_324] : memref<2048xf32, #tpu.memory_space<vmem>>[vector<16xi32>], vector<16xf32>,
      %gather3A_326 = tpu.vector_load_idx %arg13[%gather3A_324] : memref<2048xf32, #tpu.memory_space<vmem>>[vector<16xi32>], vector<16xf32>,
      %gather3A_327 = tpu.vector_load_idx %arg14[%gather3A_324] : memref<2048xf32, #tpu.memory_space<vmem>>[vector<16xi32>], vector<16xf32>,
      %gather3A_328 = tpu.vector_load_idx %arg15[%gather3A_324] : memref<2048xi32, #tpu.memory_space<vmem>>[vector<16xi32>], vector<16xi32>,
      %sub3A_329 = arith.subf %gather3A_296, %gather3A_325 : vector<16xf32>
      %sub3A_330 = arith.subf %gather3A_297, %gather3A_326 : vector<16xf32>
      %sub3A_331 = arith.subf %gather3A_298, %gather3A_327 : vector<16xf32>
      %mul3A_332 = arith.mulf %sub3A_329, %sub3A_329 : vector<16xf32>
      %mul3A_333 = arith.mulf %sub3A_330, %sub3A_330 : vector<16xf32>
      %add3A_334 = arith.addf %mul3A_332, %mul3A_333 : vector<16xf32>
      %mul3A_335 = arith.mulf %sub3A_331, %sub3A_331 : vector<16xf32>
      %add3A_336 = arith.addf %add3A_334, %mul3A_335 : vector<16xf32>
      %bitcast3A = vector.bitcast %add3A_336 : vector<16xf32> to vector<16xi32>
      %shift_right_arithmetic3A = arith.constant 1 : i32
      %shift_right_arithmetic3A_337 = vector.broadcast %shift_right_arithmetic3A : i32 to vector<16xi32>
      %shift_right_arithmetic3A_338 = arith.shrsi %bitcast3A, %shift_right_arithmetic3A_337 : vector<16xi32>
      %sub3A_339 = arith.constant 1597463007 : i32
      %sub3A_340 = vector.broadcast %sub3A_339 : i32 to vector<16xi32>
      %sub3A_341 = arith.subi %sub3A_340, %shift_right_arithmetic3A_338 : vector<16xi32>
      %bitcast3A_342 = vector.bitcast %sub3A_341 : vector<16xi32> to vector<16xf32>
      %mul3A_343 = vector.broadcast %scan3A_308 : f32 to vector<16xf32>
      %mul3A_344 = arith.mulf %mul3A_343, %add3A_336 : vector<16xf32>
      %mul3A_345 = arith.mulf %bitcast3A_342, %bitcast3A_342 : vector<16xf32>
      %mul3A_346 = arith.mulf %mul3A_344, %mul3A_345 : vector<16xf32>
      %sub3A_347 = arith.constant 1.500000e+00 : f32
      %sub3A_348 = vector.broadcast %sub3A_347 : f32 to vector<16xf32>
      %sub3A_349 = arith.subf %sub3A_348, %mul3A_346 : vector<16xf32>
      %mul3A_350 = arith.mulf %bitcast3A_342, %sub3A_349 : vector<16xf32>
      %mul3A_351 = arith.mulf %mul3A_350, %mul3A_350 : vector<16xf32>
      %mul3A_352 = arith.mulf %mul3A_344, %mul3A_351 : vector<16xf32>
      %sub3A_353 = arith.constant 1.500000e+00 : f32
      %sub3A_354 = vector.broadcast %sub3A_353 : f32 to vector<16xf32>
      %sub3A_355 = arith.subf %sub3A_354, %mul3A_352 : vector<16xf32>
      %mul3A_356 = arith.mulf %mul3A_350, %sub3A_355 : vector<16xf32>
      %mul3A_357 = arith.mulf %add3A_336, %mul3A_356 : vector<16xf32>
      %mul3A_358 = vector.broadcast %scan3A_308 : f32 to vector<16xf32>
      %mul3A_359 = arith.mulf %mul3A_358, %mul3A_356 : vector<16xf32>
      %mul3A_360 = arith.mulf %mul3A_357, %mul3A_357 : vector<16xf32>
      %sub3A_361 = arith.subf %add3A_336, %mul3A_360 : vector<16xf32>
      %mul3A_362 = arith.mulf %mul3A_359, %sub3A_361 : vector<16xf32>
      %add3A_363 = arith.addf %mul3A_357, %mul3A_362 : vector<16xf32>
      %mul3A_364 = vector.broadcast %scan3A_309 : f32 to vector<16xf32>
      %mul3A_365 = arith.mulf %add3A_363, %mul3A_364 : vector<16xf32>
      %convert_element_type3A = arith.fptosi %mul3A_365 : vector<16xf32> to vector<16xi32>
      %convert_element_type3A_366 = arith.sitofp %convert_element_type3A : vector<16xi32> to vector<16xf32>
      %sub3A_367 = arith.subf %mul3A_365, %convert_element_type3A_366 : vector<16xf32>
      %add3A_368 = arith.addi %mul3A_302, %gather3A_328 : vector<16xi32>
      %add3A_369 = arith.addi %add3A_368, %convert_element_type3A : vector<16xi32>
      %gather3A_370 = tpu.vector_load_idx %arg17[%add3A_369] : memref<16000xf32, #tpu.memory_space<vmem>>[vector<16xi32>], vector<16xf32>,
      %gather3A_371 = tpu.vector_load_idx %arg18[%add3A_369] : memref<16000xf32, #tpu.memory_space<vmem>>[vector<16xi32>], vector<16xf32>,
      %gather3A_372 = tpu.vector_load_idx %arg19[%add3A_369] : memref<16000xf32, #tpu.memory_space<vmem>>[vector<16xi32>], vector<16xf32>,
      %gather3A_373 = tpu.vector_load_idx %arg20[%add3A_369] : memref<16000xf32, #tpu.memory_space<vmem>>[vector<16xi32>], vector<16xf32>,
      %mul3A_374 = arith.mulf %gather3A_370, %sub3A_367 : vector<16xf32>
      %add3A_375 = arith.addf %mul3A_374, %gather3A_371 : vector<16xf32>
      %mul3A_376 = arith.mulf %add3A_375, %sub3A_367 : vector<16xf32>
      %add3A_377 = arith.addf %mul3A_376, %gather3A_372 : vector<16xf32>
      %mul3A_378 = arith.mulf %add3A_377, %sub3A_367 : vector<16xf32>
      %add3A_379 = arith.addf %mul3A_378, %gather3A_373 : vector<16xf32>
      %add3A_380 = arith.constant 1 : i32
      %add3A_381 = vector.broadcast %add3A_380 : i32 to vector<16xi32>
      %add3A_382 = arith.addi %scan3A_322, %add3A_381 : vector<16xi32>
      %add3A_383 = arith.addf %scan3A_323, %add3A_379 : vector<16xf32>
      %scan3A_384 = arith.constant 1 : i32
      %scan3A_385 = arith.addi %scan3A_321, %scan3A_384 : i32
      %gather3A_386 = tpu.vector_load_idx %arg16[%add3A_382] : memref<32768xi32, #tpu.memory_space<vmem>>[vector<16xi32>], vector<16xi32>,
      %gather3A_387 = tpu.vector_load_idx %arg12[%gather3A_386] : memref<2048xf32, #tpu.memory_space<vmem>>[vector<16xi32>], vector<16xf32>,
      %gather3A_388 = tpu.vector_load_idx %arg13[%gather3A_386] : memref<2048xf32, #tpu.memory_space<vmem>>[vector<16xi32>], vector<16xf32>,
      %gather3A_389 = tpu.vector_load_idx %arg14[%gather3A_386] : memref<2048xf32, #tpu.memory_space<vmem>>[vector<16xi32>], vector<16xf32>,
      %gather3A_390 = tpu.vector_load_idx %arg15[%gather3A_386] : memref<2048xi32, #tpu.memory_space<vmem>>[vector<16xi32>], vector<16xi32>,
      %sub3A_391 = arith.subf %gather3A_296, %gather3A_387 : vector<16xf32>
      %sub3A_392 = arith.subf %gather3A_297, %gather3A_388 : vector<16xf32>
      %sub3A_393 = arith.subf %gather3A_298, %gather3A_389 : vector<16xf32>
      %mul3A_394 = arith.mulf %sub3A_391, %sub3A_391 : vector<16xf32>
      %mul3A_395 = arith.mulf %sub3A_392, %sub3A_392 : vector<16xf32>
      %add3A_396 = arith.addf %mul3A_394, %mul3A_395 : vector<16xf32>
      %mul3A_397 = arith.mulf %sub3A_393, %sub3A_393 : vector<16xf32>
      %add3A_398 = arith.addf %add3A_396, %mul3A_397 : vector<16xf32>
      %bitcast3A_399 = vector.bitcast %add3A_398 : vector<16xf32> to vector<16xi32>
      %shift_right_arithmetic3A_400 = arith.constant 1 : i32
      %shift_right_arithmetic3A_401 = vector.broadcast %shift_right_arithmetic3A_400 : i32 to vector<16xi32>
      %shift_right_arithmetic3A_402 = arith.shrsi %bitcast3A_399, %shift_right_arithmetic3A_401 : vector<16xi32>
      %sub3A_403 = arith.constant 1597463007 : i32
      %sub3A_404 = vector.broadcast %sub3A_403 : i32 to vector<16xi32>
      %sub3A_405 = arith.subi %sub3A_404, %shift_right_arithmetic3A_402 : vector<16xi32>
      %bitcast3A_406 = vector.bitcast %sub3A_405 : vector<16xi32> to vector<16xf32>
      %mul3A_407 = vector.broadcast %scan3A_308 : f32 to vector<16xf32>
      %mul3A_408 = arith.mulf %mul3A_407, %add3A_398 : vector<16xf32>
      %mul3A_409 = arith.mulf %bitcast3A_406, %bitcast3A_406 : vector<16xf32>
      %mul3A_410 = arith.mulf %mul3A_408, %mul3A_409 : vector<16xf32>
      %sub3A_411 = arith.constant 1.500000e+00 : f32
      %sub3A_412 = vector.broadcast %sub3A_411 : f32 to vector<16xf32>
      %sub3A_413 = arith.subf %sub3A_412, %mul3A_410 : vector<16xf32>
      %mul3A_414 = arith.mulf %bitcast3A_406, %sub3A_413 : vector<16xf32>
      %mul3A_415 = arith.mulf %mul3A_414, %mul3A_414 : vector<16xf32>
      %mul3A_416 = arith.mulf %mul3A_408, %mul3A_415 : vector<16xf32>
      %sub3A_417 = arith.constant 1.500000e+00 : f32
      %sub3A_418 = vector.broadcast %sub3A_417 : f32 to vector<16xf32>
      %sub3A_419 = arith.subf %sub3A_418, %mul3A_416 : vector<16xf32>
      %mul3A_420 = arith.mulf %mul3A_414, %sub3A_419 : vector<16xf32>
      %mul3A_421 = arith.mulf %add3A_398, %mul3A_420 : vector<16xf32>
      %mul3A_422 = vector.broadcast %scan3A_308 : f32 to vector<16xf32>
      %mul3A_423 = arith.mulf %mul3A_422, %mul3A_420 : vector<16xf32>
      %mul3A_424 = arith.mulf %mul3A_421, %mul3A_421 : vector<16xf32>
      %sub3A_425 = arith.subf %add3A_398, %mul3A_424 : vector<16xf32>
      %mul3A_426 = arith.mulf %mul3A_423, %sub3A_425 : vector<16xf32>
      %add3A_427 = arith.addf %mul3A_421, %mul3A_426 : vector<16xf32>
      %mul3A_428 = vector.broadcast %scan3A_309 : f32 to vector<16xf32>
      %mul3A_429 = arith.mulf %add3A_427, %mul3A_428 : vector<16xf32>
      %convert_element_type3A_430 = arith.fptosi %mul3A_429 : vector<16xf32> to vector<16xi32>
      %convert_element_type3A_431 = arith.sitofp %convert_element_type3A_430 : vector<16xi32> to vector<16xf32>
      %sub3A_432 = arith.subf %mul3A_429, %convert_element_type3A_431 : vector<16xf32>
      %add3A_433 = arith.addi %mul3A_302, %gather3A_390 : vector<16xi32>
      %add3A_434 = arith.addi %add3A_433, %convert_element_type3A_430 : vector<16xi32>
      %gather3A_435 = tpu.vector_load_idx %arg17[%add3A_434] : memref<16000xf32, #tpu.memory_space<vmem>>[vector<16xi32>], vector<16xf32>,
      %gather3A_436 = tpu.vector_load_idx %arg18[%add3A_434] : memref<16000xf32, #tpu.memory_space<vmem>>[vector<16xi32>], vector<16xf32>,
      %gather3A_437 = tpu.vector_load_idx %arg19[%add3A_434] : memref<16000xf32, #tpu.memory_space<vmem>>[vector<16xi32>], vector<16xf32>,
      %gather3A_438 = tpu.vector_load_idx %arg20[%add3A_434] : memref<16000xf32, #tpu.memory_space<vmem>>[vector<16xi32>], vector<16xf32>,
      %mul3A_439 = arith.mulf %gather3A_435, %sub3A_432 : vector<16xf32>
      %add3A_440 = arith.addf %mul3A_439, %gather3A_436 : vector<16xf32>
      %mul3A_441 = arith.mulf %add3A_440, %sub3A_432 : vector<16xf32>
      %add3A_442 = arith.addf %mul3A_441, %gather3A_437 : vector<16xf32>
      %mul3A_443 = arith.mulf %add3A_442, %sub3A_432 : vector<16xf32>
      %add3A_444 = arith.addf %mul3A_443, %gather3A_438 : vector<16xf32>
      %add3A_445 = arith.constant 1 : i32
      %add3A_446 = vector.broadcast %add3A_445 : i32 to vector<16xi32>
      %add3A_447 = arith.addi %add3A_382, %add3A_446 : vector<16xi32>
      %add3A_448 = arith.addf %add3A_383, %add3A_444 : vector<16xf32>
      %scan3A_449 = arith.constant 2 : i32
      %scan3A_450 = arith.addi %scan3A_321, %scan3A_449 : i32
      %gather3A_451 = tpu.vector_load_idx %arg16[%add3A_447] : memref<32768xi32, #tpu.memory_space<vmem>>[vector<16xi32>], vector<16xi32>,
      %gather3A_452 = tpu.vector_load_idx %arg12[%gather3A_451] : memref<2048xf32, #tpu.memory_space<vmem>>[vector<16xi32>], vector<16xf32>,
      %gather3A_453 = tpu.vector_load_idx %arg13[%gather3A_451] : memref<2048xf32, #tpu.memory_space<vmem>>[vector<16xi32>], vector<16xf32>,
      %gather3A_454 = tpu.vector_load_idx %arg14[%gather3A_451] : memref<2048xf32, #tpu.memory_space<vmem>>[vector<16xi32>], vector<16xf32>,
      %gather3A_455 = tpu.vector_load_idx %arg15[%gather3A_451] : memref<2048xi32, #tpu.memory_space<vmem>>[vector<16xi32>], vector<16xi32>,
      %sub3A_456 = arith.subf %gather3A_296, %gather3A_452 : vector<16xf32>
      %sub3A_457 = arith.subf %gather3A_297, %gather3A_453 : vector<16xf32>
      %sub3A_458 = arith.subf %gather3A_298, %gather3A_454 : vector<16xf32>
      %mul3A_459 = arith.mulf %sub3A_456, %sub3A_456 : vector<16xf32>
      %mul3A_460 = arith.mulf %sub3A_457, %sub3A_457 : vector<16xf32>
      %add3A_461 = arith.addf %mul3A_459, %mul3A_460 : vector<16xf32>
      %mul3A_462 = arith.mulf %sub3A_458, %sub3A_458 : vector<16xf32>
      %add3A_463 = arith.addf %add3A_461, %mul3A_462 : vector<16xf32>
      %bitcast3A_464 = vector.bitcast %add3A_463 : vector<16xf32> to vector<16xi32>
      %shift_right_arithmetic3A_465 = arith.constant 1 : i32
      %shift_right_arithmetic3A_466 = vector.broadcast %shift_right_arithmetic3A_465 : i32 to vector<16xi32>
      %shift_right_arithmetic3A_467 = arith.shrsi %bitcast3A_464, %shift_right_arithmetic3A_466 : vector<16xi32>
      %sub3A_468 = arith.constant 1597463007 : i32
      %sub3A_469 = vector.broadcast %sub3A_468 : i32 to vector<16xi32>
      %sub3A_470 = arith.subi %sub3A_469, %shift_right_arithmetic3A_467 : vector<16xi32>
      %bitcast3A_471 = vector.bitcast %sub3A_470 : vector<16xi32> to vector<16xf32>
      %mul3A_472 = vector.broadcast %scan3A_308 : f32 to vector<16xf32>
      %mul3A_473 = arith.mulf %mul3A_472, %add3A_463 : vector<16xf32>
      %mul3A_474 = arith.mulf %bitcast3A_471, %bitcast3A_471 : vector<16xf32>
      %mul3A_475 = arith.mulf %mul3A_473, %mul3A_474 : vector<16xf32>
      %sub3A_476 = arith.constant 1.500000e+00 : f32
      %sub3A_477 = vector.broadcast %sub3A_476 : f32 to vector<16xf32>
      %sub3A_478 = arith.subf %sub3A_477, %mul3A_475 : vector<16xf32>
      %mul3A_479 = arith.mulf %bitcast3A_471, %sub3A_478 : vector<16xf32>
      %mul3A_480 = arith.mulf %mul3A_479, %mul3A_479 : vector<16xf32>
      %mul3A_481 = arith.mulf %mul3A_473, %mul3A_480 : vector<16xf32>
      %sub3A_482 = arith.constant 1.500000e+00 : f32
      %sub3A_483 = vector.broadcast %sub3A_482 : f32 to vector<16xf32>
      %sub3A_484 = arith.subf %sub3A_483, %mul3A_481 : vector<16xf32>
      %mul3A_485 = arith.mulf %mul3A_479, %sub3A_484 : vector<16xf32>
      %mul3A_486 = arith.mulf %add3A_463, %mul3A_485 : vector<16xf32>
      %mul3A_487 = vector.broadcast %scan3A_308 : f32 to vector<16xf32>
      %mul3A_488 = arith.mulf %mul3A_487, %mul3A_485 : vector<16xf32>
      %mul3A_489 = arith.mulf %mul3A_486, %mul3A_486 : vector<16xf32>
      %sub3A_490 = arith.subf %add3A_463, %mul3A_489 : vector<16xf32>
      %mul3A_491 = arith.mulf %mul3A_488, %sub3A_490 : vector<16xf32>
      %add3A_492 = arith.addf %mul3A_486, %mul3A_491 : vector<16xf32>
      %mul3A_493 = vector.broadcast %scan3A_309 : f32 to vector<16xf32>
      %mul3A_494 = arith.mulf %add3A_492, %mul3A_493 : vector<16xf32>
      %convert_element_type3A_495 = arith.fptosi %mul3A_494 : vector<16xf32> to vector<16xi32>
      %convert_element_type3A_496 = arith.sitofp %convert_element_type3A_495 : vector<16xi32> to vector<16xf32>
      %sub3A_497 = arith.subf %mul3A_494, %convert_element_type3A_496 : vector<16xf32>
      %add3A_498 = arith.addi %mul3A_302, %gather3A_455 : vector<16xi32>
      %add3A_499 = arith.addi %add3A_498, %convert_element_type3A_495 : vector<16xi32>
      %gather3A_500 = tpu.vector_load_idx %arg17[%add3A_499] : memref<16000xf32, #tpu.memory_space<vmem>>[vector<16xi32>], vector<16xf32>,
      %gather3A_501 = tpu.vector_load_idx %arg18[%add3A_499] : memref<16000xf32, #tpu.memory_space<vmem>>[vector<16xi32>], vector<16xf32>,
      %gather3A_502 = tpu.vector_load_idx %arg19[%add3A_499] : memref<16000xf32, #tpu.memory_space<vmem>>[vector<16xi32>], vector<16xf32>,
      %gather3A_503 = tpu.vector_load_idx %arg20[%add3A_499] : memref<16000xf32, #tpu.memory_space<vmem>>[vector<16xi32>], vector<16xf32>,
      %mul3A_504 = arith.mulf %gather3A_500, %sub3A_497 : vector<16xf32>
      %add3A_505 = arith.addf %mul3A_504, %gather3A_501 : vector<16xf32>
      %mul3A_506 = arith.mulf %add3A_505, %sub3A_497 : vector<16xf32>
      %add3A_507 = arith.addf %mul3A_506, %gather3A_502 : vector<16xf32>
      %mul3A_508 = arith.mulf %add3A_507, %sub3A_497 : vector<16xf32>
      %add3A_509 = arith.addf %mul3A_508, %gather3A_503 : vector<16xf32>
      %add3A_510 = arith.constant 1 : i32
      %add3A_511 = vector.broadcast %add3A_510 : i32 to vector<16xi32>
      %add3A_512 = arith.addi %add3A_447, %add3A_511 : vector<16xi32>
      %add3A_513 = arith.addf %add3A_448, %add3A_509 : vector<16xf32>
      %scan3A_514 = arith.constant 3 : i32
      %scan3A_515 = arith.addi %scan3A_321, %scan3A_514 : i32
      %gather3A_516 = tpu.vector_load_idx %arg16[%add3A_512] : memref<32768xi32, #tpu.memory_space<vmem>>[vector<16xi32>], vector<16xi32>,
      %gather3A_517 = tpu.vector_load_idx %arg12[%gather3A_516] : memref<2048xf32, #tpu.memory_space<vmem>>[vector<16xi32>], vector<16xf32>,
      %gather3A_518 = tpu.vector_load_idx %arg13[%gather3A_516] : memref<2048xf32, #tpu.memory_space<vmem>>[vector<16xi32>], vector<16xf32>,
      %gather3A_519 = tpu.vector_load_idx %arg14[%gather3A_516] : memref<2048xf32, #tpu.memory_space<vmem>>[vector<16xi32>], vector<16xf32>,
      %gather3A_520 = tpu.vector_load_idx %arg15[%gather3A_516] : memref<2048xi32, #tpu.memory_space<vmem>>[vector<16xi32>], vector<16xi32>,
      %sub3A_521 = arith.subf %gather3A_296, %gather3A_517 : vector<16xf32>
      %sub3A_522 = arith.subf %gather3A_297, %gather3A_518 : vector<16xf32>
      %sub3A_523 = arith.subf %gather3A_298, %gather3A_519 : vector<16xf32>
      %mul3A_524 = arith.mulf %sub3A_521, %sub3A_521 : vector<16xf32>
      %mul3A_525 = arith.mulf %sub3A_522, %sub3A_522 : vector<16xf32>
      %add3A_526 = arith.addf %mul3A_524, %mul3A_525 : vector<16xf32>
      %mul3A_527 = arith.mulf %sub3A_523, %sub3A_523 : vector<16xf32>
      %add3A_528 = arith.addf %add3A_526, %mul3A_527 : vector<16xf32>
      %bitcast3A_529 = vector.bitcast %add3A_528 : vector<16xf32> to vector<16xi32>
      %shift_right_arithmetic3A_530 = arith.constant 1 : i32
      %shift_right_arithmetic3A_531 = vector.broadcast %shift_right_arithmetic3A_530 : i32 to vector<16xi32>
      %shift_right_arithmetic3A_532 = arith.shrsi %bitcast3A_529, %shift_right_arithmetic3A_531 : vector<16xi32>
      %sub3A_533 = arith.constant 1597463007 : i32
      %sub3A_534 = vector.broadcast %sub3A_533 : i32 to vector<16xi32>
      %sub3A_535 = arith.subi %sub3A_534, %shift_right_arithmetic3A_532 : vector<16xi32>
      %bitcast3A_536 = vector.bitcast %sub3A_535 : vector<16xi32> to vector<16xf32>
      %mul3A_537 = vector.broadcast %scan3A_308 : f32 to vector<16xf32>
      %mul3A_538 = arith.mulf %mul3A_537, %add3A_528 : vector<16xf32>
      %mul3A_539 = arith.mulf %bitcast3A_536, %bitcast3A_536 : vector<16xf32>
      %mul3A_540 = arith.mulf %mul3A_538, %mul3A_539 : vector<16xf32>
      %sub3A_541 = arith.constant 1.500000e+00 : f32
      %sub3A_542 = vector.broadcast %sub3A_541 : f32 to vector<16xf32>
      %sub3A_543 = arith.subf %sub3A_542, %mul3A_540 : vector<16xf32>
      %mul3A_544 = arith.mulf %bitcast3A_536, %sub3A_543 : vector<16xf32>
      %mul3A_545 = arith.mulf %mul3A_544, %mul3A_544 : vector<16xf32>
      %mul3A_546 = arith.mulf %mul3A_538, %mul3A_545 : vector<16xf32>
      %sub3A_547 = arith.constant 1.500000e+00 : f32
      %sub3A_548 = vector.broadcast %sub3A_547 : f32 to vector<16xf32>
      %sub3A_549 = arith.subf %sub3A_548, %mul3A_546 : vector<16xf32>
      %mul3A_550 = arith.mulf %mul3A_544, %sub3A_549 : vector<16xf32>
      %mul3A_551 = arith.mulf %add3A_528, %mul3A_550 : vector<16xf32>
      %mul3A_552 = vector.broadcast %scan3A_308 : f32 to vector<16xf32>
      %mul3A_553 = arith.mulf %mul3A_552, %mul3A_550 : vector<16xf32>
      %mul3A_554 = arith.mulf %mul3A_551, %mul3A_551 : vector<16xf32>
      %sub3A_555 = arith.subf %add3A_528, %mul3A_554 : vector<16xf32>
      %mul3A_556 = arith.mulf %mul3A_553, %sub3A_555 : vector<16xf32>
      %add3A_557 = arith.addf %mul3A_551, %mul3A_556 : vector<16xf32>
      %mul3A_558 = vector.broadcast %scan3A_309 : f32 to vector<16xf32>
      %mul3A_559 = arith.mulf %add3A_557, %mul3A_558 : vector<16xf32>
      %convert_element_type3A_560 = arith.fptosi %mul3A_559 : vector<16xf32> to vector<16xi32>
      %convert_element_type3A_561 = arith.sitofp %convert_element_type3A_560 : vector<16xi32> to vector<16xf32>
      %sub3A_562 = arith.subf %mul3A_559, %convert_element_type3A_561 : vector<16xf32>
      %add3A_563 = arith.addi %mul3A_302, %gather3A_520 : vector<16xi32>
      %add3A_564 = arith.addi %add3A_563, %convert_element_type3A_560 : vector<16xi32>
      %gather3A_565 = tpu.vector_load_idx %arg17[%add3A_564] : memref<16000xf32, #tpu.memory_space<vmem>>[vector<16xi32>], vector<16xf32>,
      %gather3A_566 = tpu.vector_load_idx %arg18[%add3A_564] : memref<16000xf32, #tpu.memory_space<vmem>>[vector<16xi32>], vector<16xf32>,
      %gather3A_567 = tpu.vector_load_idx %arg19[%add3A_564] : memref<16000xf32, #tpu.memory_space<vmem>>[vector<16xi32>], vector<16xf32>,
      %gather3A_568 = tpu.vector_load_idx %arg20[%add3A_564] : memref<16000xf32, #tpu.memory_space<vmem>>[vector<16xi32>], vector<16xf32>,
      %mul3A_569 = arith.mulf %gather3A_565, %sub3A_562 : vector<16xf32>
      %add3A_570 = arith.addf %mul3A_569, %gather3A_566 : vector<16xf32>
      %mul3A_571 = arith.mulf %add3A_570, %sub3A_562 : vector<16xf32>
      %add3A_572 = arith.addf %mul3A_571, %gather3A_567 : vector<16xf32>
      %mul3A_573 = arith.mulf %add3A_572, %sub3A_562 : vector<16xf32>
      %add3A_574 = arith.addf %mul3A_573, %gather3A_568 : vector<16xf32>
      %add3A_575 = arith.constant 1 : i32
      %add3A_576 = vector.broadcast %add3A_575 : i32 to vector<16xi32>
      %add3A_577 = arith.addi %add3A_512, %add3A_576 : vector<16xi32>
      %add3A_578 = arith.addf %add3A_513, %add3A_574 : vector<16xf32>
      scf.yield %add3A_577, %add3A_578 : vector<16xi32>, vector<16xf32>
    }
    %scan3A_315 = arith.constant 256 : i32
    %mul3A_316 = arith.constant 5.000000e-01 : f32
    %mul3A_317 = vector.broadcast %mul3A_316 : f32 to vector<16xf32>
    %mul3A_318 = arith.mulf %mul3A_317, %scan3A_314#1 : vector<16xf32>
    %swap3A_319 = arith.constant 112 : index
    %swap3A_320 = tpu.vector_load %arg21[%swap3A_319] {strides = array<i32>} : memref<128xf32, #tpu.memory_space<vmem>>, vector<16xf32>,
    tpu.vector_store %arg21[%swap3A_319], %mul3A_318 {strides = array<i32>} : memref<128xf32, #tpu.memory_space<vmem>>, vector<16xf32>,
    "tpu.region"() ({
      %run_scoped3A = tpu.sem_alloc : memref<!tpu.dma_semaphore, #tpu.memory_space<semaphore_mem>>
      %dma_start3A_321 = arith.constant 0 : i32
      %dma_start3A_322 = tpu.memref_slice %arg11[%add3A, %dma_start3A_321] : memref<32x128xf32, #tpu.memory_space<hbm>> -> memref<1x128xf32, #tpu.memory_space<hbm>>
      %dma_start3A_323 = tpu.memref_squeeze %dma_start3A_322 : memref<1x128xf32, #tpu.memory_space<hbm>> -> memref<128xf32, #tpu.memory_space<hbm>>
      %dma_start3A_324 = arith.constant 0 : i32
      %dma_start3A_325 = tpu.memref_slice %arg11[%add3A, %dma_start3A_324] : memref<32x128xf32, #tpu.memory_space<hbm>> -> memref<1x128xf32, #tpu.memory_space<hbm>>
      %dma_start3A_326 = tpu.memref_squeeze %dma_start3A_325 : memref<1x128xf32, #tpu.memory_space<hbm>> -> memref<128xf32, #tpu.memory_space<hbm>>
      tpu.enqueue_dma source(%arg21 : memref<128xf32, #tpu.memory_space<vmem>>) target(%dma_start3A_326 : memref<128xf32, #tpu.memory_space<hbm>>) target_semaphore(%run_scoped3A : memref<!tpu.dma_semaphore, #tpu.memory_space<semaphore_mem>>)
      %dma_wait3A_327 = arith.constant 0 : i32
      %dma_wait3A_328 = tpu.memref_slice %arg11[%add3A, %dma_wait3A_327] : memref<32x128xf32, #tpu.memory_space<hbm>> -> memref<1x128xf32, #tpu.memory_space<hbm>>
      %dma_wait3A_329 = tpu.memref_squeeze %dma_wait3A_328 : memref<1x128xf32, #tpu.memory_space<hbm>> -> memref<128xf32, #tpu.memory_space<hbm>>
      %dma_wait3A_330 = arith.constant 0 : i32
      %dma_wait3A_331 = tpu.memref_slice %arg11[%add3A, %dma_wait3A_330] : memref<32x128xf32, #tpu.memory_space<hbm>> -> memref<1x128xf32, #tpu.memory_space<hbm>>
      %dma_wait3A_332 = tpu.memref_squeeze %dma_wait3A_331 : memref<1x128xf32, #tpu.memory_space<hbm>> -> memref<128xf32, #tpu.memory_space<hbm>>
      tpu.wait_dma2 semaphore(%run_scoped3A : memref<!tpu.dma_semaphore, #tpu.memory_space<semaphore_mem>>) src(%arg21 : memref<128xf32, #tpu.memory_space<vmem>>) dst(%dma_wait3A_332 : memref<128xf32, #tpu.memory_space<hbm>>)
      tpu.yield
    }) : () -> ()
    return
  }
}

</mosaic_0001>

<sc_bundles>
// kernel: kernel.3.cloned.1.call-start
scs
__scs_entry_jumppad:
0x0: {  	(pc) =	sbr.rel $0x88, $3  }
0x1: {  	(tag) =	ssettag $0x0;
	lr =	simm.s32 $0x1  }
0x2: {  	[smem:$0x3F9D] =	sst lr;
	_ =	strace $0xD0000000  }
0x3: {  	_ = 	snop  }
0x4: {  	_ = 	snop  }
0x5: {  	_ = 	snop  }
0x6: {  	_ = 	snop  }
0x7: {  	_ = 	snop  }
__scs_overlays_trampoline_lowered:
0x8: {  	[smem:$0x3FAC] =	sst s0  }
0x9: {  	[smem:$0x3FAD] =	sst s1  }
0xa: {  	[smem:$0x3FAE] =	sst s2  }
0xb: {  	[smem:$0x3FAF] =	sst s3  }
0xc: {  	[smem:$0x3FB0] =	sst s4  }
0xd: {  	[smem:$0x3FB1] =	sst s5  }
0xe: {  	[smem:$0x3FB2] =	sst s6  }
0xf: {  	[smem:$0x3FB3] =	sst s7  }
0x10: {  	[smem:$0x3FB4] =	sst s8  }
0x11: {  	[smem:$0x3FB5] =	sst s9;
	s0 =	simm.s32 @!p0 $0x0  }
0x12: {  	s1 =	sld [smem:$0x3F9B];
	s0 =	simm.s32 @p0 $0x1  }
0x13: {  	[smem:$0x3FB6] =	sst s0;
	s0 =	simm.s32 @!p1 $0x0  }
0x14: {  	s2 =	sld [smem:$0x3F9A];
	s0 =	simm.s32 @p1 $0x1  }
0x15: {  	[smem:$0x3FB7] =	sst s0;
	s0 =	simm.s32 @!p2 $0x0  }
0x16: {  	s3 =	sld [smem:$0x3FDB];
	s0 =	simm.s32 @p2 $0x1  }
0x17: {  	s4 =	simm.s32 $0x1BF5;
	[smem:$0x3FB9] =	sst s0  }
0x18: {  	s0 =	sld [smem:$0x3F9C];
	_ =	swait.ge [sflag:s4], $0x0  }
0x19: {  	s7 =	sld [smem:$0x3F9D]  }
0x1a: {  	s8 =	sadd.s32 $0xFFFFE003, lr  }
0x1b: {  	s9 =	sadd.s32 $0xFFFFFEF7, lr;
	s5 =	simm.s32 $0xFFFFFFFF;
	p2 =	slt.u32 s8, $0xFFFFF086  }
0x1c: {  	p1 =	slt.u32 s9, $0xF7A;
	s5 =	simm.s32 @!p2 $0x0  }
0x1d: {  	s5 =	simm.s32 @p1 $0x1;
	p0 =	seq.s32 s7, s2  }
0x1e: {  	s7 =	smul.u32 @!p0 $0xF7A, s2;
	p2 =	seq.s32 @!p0 s5, $0x0  }
0x1f: {  	s9 =	smul.u32 $0xF7A, s1;
	s8 =	simm.s32 @!p0 $0x1BF5;
	p2 =	por !p2, p0  }
0x20: {  	[sflag:s8] =	ssyncset.s32 @!p0 $0xFFFFF086;
	s6 =	sadd.s32 @!p0 s3, s7;
	s7 =	simm.s32 @!p0 $0x108  }
0x21: {  	s3 =	sadd.s32 s3, s9;
	s6 =	sadd.s32 @!p0 $0x88, s6;
	s7 =	simm.s32 @p2 $0x1082  }
0x22: {  	[simem:s7], [sflag:s8] =	dma.local @!p0 [hbm:s6], $0xF7A  }
0x23: {  	s9 =	sor.u32 $0xD0000000, s2;
	s6 =	simm.s32 $0x108;
	_ =	swait.ge @!p0 [sflag:s8], $0x0  }
0x24: {  	s3 =	sadd.s32 $0x88, s3;
	s6 =	simm.s32 @!p1 $0x1082;
	[sflag:s4] =	ssyncset.s32 $0xFFFFF086  }
0x25: {  	[simem:s6], [sflag:s4] =	dma.local [hbm:s3], $0xF7A  }
0x26: {  	[smem:$0x3F9D] =	sst s1;
	(tag) =	ssettag s2;
	_ =	strace s9  }
0x27: {  	s1 =	sld [smem:$0x3FAD]  }
0x28: {  	s2 =	sld [smem:$0x3FAE]  }
0x29: {  	s4 =	sld [smem:$0x3FB0]  }
0x2a: {  	p0 =	seq.s32 s5, $0x0;
	s5 =	sld [smem:$0x3FB1]  }
0x2b: {  	s6 =	sld [smem:$0x3FB2]  }
0x2c: {  	s7 =	sld [smem:$0x3FB3]  }
0x2d: {  	s3 =	simm.s32 $0x108;
	s8 =	sld [smem:$0x3FB4]  }
0x2e: {  	s3 =	simm.s32 @!p0 $0x1082;
	s9 =	sld [smem:$0x3FB5]  }
0x2f: {  	lr =	sadd.s32 s0, s3;
	s0 =	sld [smem:$0x3FAC]  }
0x30: {  	s3 =	sld [smem:$0x3FAF]  }
0x31: {  	[smem:$0x3FB8] =	sst s10  }
0x32: {  	s10 =	sld [smem:$0x3FB6];
	_ =	sdelay $0x3  }
0x33: {  	p0 =	seq.s32 s10, $0x1;
	s10 =	sld [smem:$0x3FB8];
	_ =	sdelay $0x3  }
0x34: {  	[smem:$0x3FB8] =	sst s10  }
0x35: {  	s10 =	sld [smem:$0x3FB7];
	_ =	sdelay $0x3  }
0x36: {  	p1 =	seq.s32 s10, $0x1;
	s10 =	sld [smem:$0x3FB8];
	_ =	sdelay $0x3  }
0x37: {  	[smem:$0x3FB8] =	sst s10  }
0x38: {  	s10 =	sld [smem:$0x3FB9]  }
0x39: {  	_ = 	snop;
	(pc) =	sbr.ind lr, $3  }
0x3a: {  	_ = 	snop  }
0x3b: {  	_ = 	snop  }
0x3c: {  	p2 =	seq.s32 s10, $0x1;
	s10 =	sld [smem:$0x3FB8]  }
0x3d: {  	_ =	shalt  }
0x3e: {  	_ =	shalt  }
0x3f: {  	_ =	shalt  }
0x40: {  	_ =	shalt  }
0x41: {  	_ =	shalt  }
0x42: {  	_ =	shalt  }
0x43: {  	_ =	shalt  }
0x44: {  	_ =	shalt  }
0x45: {  	_ =	shalt  }
0x46: {  	_ =	shalt  }
0x47: {  	_ =	shalt  }
0x48: {  	_ =	shalt  }
0x49: {  	_ =	shalt  }
0x4a: {  	_ =	shalt  }
0x4b: {  	_ =	shalt  }
0x4c: {  	_ =	shalt  }
0x4d: {  	_ =	shalt  }
0x4e: {  	_ =	shalt  }
0x4f: {  	_ =	shalt  }
0x50: {  	_ =	shalt  }
0x51: {  	_ =	shalt  }
0x52: {  	_ =	shalt  }
0x53: {  	_ =	shalt  }
0x54: {  	_ =	shalt  }
0x55: {  	_ =	shalt  }
0x56: {  	_ =	shalt  }
0x57: {  	_ =	shalt  }
0x58: {  	_ =	shalt  }
0x59: {  	_ =	shalt  }
0x5a: {  	_ =	shalt  }
0x5b: {  	_ =	shalt  }
0x5c: {  	_ =	shalt  }
0x5d: {  	_ =	shalt  }
0x5e: {  	_ =	shalt  }
0x5f: {  	_ =	shalt  }
0x60: {  	_ =	shalt  }
0x61: {  	_ =	shalt  }
0x62: {  	_ =	shalt  }
0x63: {  	_ =	shalt  }
0x64: {  	_ =	shalt  }
0x65: {  	_ =	shalt  }
0x66: {  	_ =	shalt  }
0x67: {  	_ =	shalt  }
0x68: {  	_ =	shalt  }
0x69: {  	_ =	shalt  }
0x6a: {  	_ =	shalt  }
0x6b: {  	_ =	shalt  }
0x6c: {  	_ =	shalt  }
0x6d: {  	_ =	shalt  }
0x6e: {  	_ =	shalt  }
0x6f: {  	_ =	shalt  }
0x70: {  	_ =	shalt  }
0x71: {  	_ =	shalt  }
0x72: {  	_ =	shalt  }
0x73: {  	_ =	shalt  }
0x74: {  	_ =	shalt  }
0x75: {  	_ =	shalt  }
0x76: {  	_ =	shalt  }
0x77: {  	_ =	shalt  }
0x78: {  	_ =	shalt  }
0x79: {  	_ =	shalt  }
0x7a: {  	_ =	shalt  }
0x7b: {  	_ =	shalt  }
0x7c: {  	_ =	shalt  }
0x7d: {  	_ =	shalt  }
0x7e: {  	_ =	shalt  }
0x7f: {  	_ =	shalt  }
0x80: {  	_ =	shalt  }
0x81: {  	_ =	shalt  }
0x82: {  	_ =	shalt  }
0x83: {  	_ =	shalt  }
0x84: {  	_ =	shalt  }
0x85: {  	_ =	shalt  }
0x86: {  	_ =	shalt  }
0x87: {  	_ =	shalt  }
.Lfunc_end0:
.L_simem_size_0:
called_computation_lowered:
.L_overlay_start_0:
0x88: {  	s2 =	sld [smem:$0x3FD9]  }
0x89: {  	s3 =	sld [smem:$0x3FFE];
	_ =	sdelay $0x1  }
0x8a: {  	s1 =	srdreg.scid  }
0x8b: {  	s0 =	sand.u32 $0x1, s1  }
0x8c: {  	s16 =	sshll.u32 s0, $0xA;
	s2 =	sadd.s32 s3, s2  }
0x8d: {  	s2 =	sadd.s32 s2, s16  }
0x8e: {  	[smem:$0x3FC4] =	sst s2  }
0x8f: {  	_ = 	snop  }
0x90: {  	(tm) =	ssettm $0x1  }
0x91: {  	s17 =	sld [smem:$0x3FFB];
	_ =	sdelay $0x3  }
0x92: {  	_ =	strace s17  }
0x93: {  	s2 =	sld [smem:$0x3FFC];
	_ =	sdelay $0x3  }
0x94: {  	_ =	strace s2  }
0x95: {  	s2 =	sld [smem:$0x3FFD];
	_ =	sdelay $0x3  }
0x96: {  	_ =	strace s2  }
0x97: {  	_ =	strace $0x8FFFFFFF  }
0x98: {  	s18 =	sld [smem:$0x3FDB];
	_ =	sdelay $0x1  }
0x99: {  	s19 =	simm.s32 $_scs_section_size  }
0x9a: {  	s4 =	simm.s32 $_size__tile_overlayer_lowered;
	s5 =	simm.s32 $_tile_overlayer_lowered  }
0x9b: {  	s22 =	simm.s32 $0x1BFF;
	s21 =	sshll.u32 s5, $0x1;
	s2 =	sadd.s32 s19, s18  }
0x9c: {  	s6 =	simm.s32 $0x0;
	s20 =	sshll.u32 s4, $0x1;
	s4 =	sadd.s32 s21, s2  }
0x9d: {  	[timem:s6], [sflag:s22] =	dma.local [hbm:s4], s20  }
0x9e: {  	_ =	swait.ge [sflag:s22], s20  }
0x9f: {  	s3 =	ssub.s32 $0x0, s20;
	[sflag:s22] =	ssyncset.done $0x0  }
0xa0: {  	[sflag:s22] =	ssyncadd.s32 s3;
	_ =	sdelay $0x1  }
0xa1: {  	s23 =	simm.s32 $0x1B8B  }
0xa2: {  	_ =	swait.ge [sflag:s23], $0x1  }
0xa3: {  	[sflag:s23] =	ssyncset.done $0x0  }
0xa4: {  	s25 =	simm.s32 $0x1B8E;
	s24 =	sld [smem:$0x3FFE];
	[sflag:s23] =	ssyncadd.s32 $0xFFFFFFFF  }
0xa5: {  	s26 =	simm.s32 $execute0_lowered;
	[smem:$0x3FD2] =	sst s25  }
0xa6: {  	s4 =	sshll.u32 s26, $0x1;
	_ =	strace $0x80000046;
	[dreg:$0x1] =	wrdreg $0xFFFFFFFF  }
0xa7: {  	s28 =	simm.s32 $_size_execute0_lowered;
	s2 =	sadd.s32 s2, s4;
	[dreg:$0x0] =	wrdreg $0x0  }
0xa8: {  	s4 =	sshll.u32 s28, $0x1;
	[dreg:$0x2] =	wrdreg s2  }
0xa9: {  	[dreg:$0x3] =	wrdreg s4  }
0xaa: {  	[dreg:$0x4] =	wrdreg $0xC0  }
0xab: {  	_ =	task [dreg:s6], $0x5FFFF  }
0xac: {  	[dreg:$0x1] =	wrdreg $0xFFFFFFFF  }
0xad: {  	[dreg:$0x0] =	wrdreg $0x60  }
0xae: {  	[dreg:$0x2] =	wrdreg s24  }
0xaf: {  	[dreg:$0x3] =	wrdreg $0x9  }
0xb0: {  	_ =	task.clear_ibuf [dreg:s6], $0x4FFFF;
	_ =	strace $0x90000046  }
0xb1: {  	s29 =	simm.s32 $0x9;
	_ =	strace $0x80000048  }
0xb2: {  	_ =	swait.ge [sflag:s29], $0x1  }
0xb3: {  	[sflag:s29] =	ssyncadd.s32 $0xFFFFFFFF  }
0xb4: {  	_ =	strace $0x90000048  }
0xb5: {  	_ =	sfence  }
0xb6: {  	s30 =	sld [smem:$0x0];
	_ =	sdelay $0x2  }
0xb7: {  	s31 =	sshll.u32 s1, $0xD;
	s1 =	sshrl.u32 s1, $0x2  }
0xb8: {  	s3 =	sand.u32 $0x4000, s31;
	s1 =	sadd.s32 s1, s30  }
0xb9: {  	s0 =	sor.u32 s3, s0;
	s1 =	sshll.u32 s1, $0x11  }
0xba: {  	s0 =	sor.u32 s1, s0  }
0xbb: {  	s0 =	sadd.s32 $0x8F2B, s0  }
0xbc: {  	[sflag:s0] =	ssyncadd.remote.s32 $0x1  }
0xbd: {  	_ =	sfence.sel $0xFFFF  }
0xbe: {  	[dreg:$0x0] =	wrdreg $0xFFFFFFFF;
	(pc) =	sbr.abs _section_cstart, $3  }
0xbf: {  	[dreg:$0x1] =	wrdreg $0xFFFFFFFF  }
0xc0: {  	_ =	task.clear_ibuf [dreg:s6], $0x2FFFF;
	_ =	strace $0x9FFFFFFF  }
0xc1: {  	(tm) =	ssettm $0x7FFFFFFF  }
tec
execute0_lowered:
.L_overlay_start_1:
0x0: {  	(tag) =	ssettag $0x1  }
0x1: {  	s1 =	srdreg.scid  }
0x2: {  	s0 =	stileid.u32;
	s7 =	rddreg [dreg:$0x0];
	s2 =	simm.s32 $0x0  }
0x3: {  	s15 =	simm.s32 $0x80;
	s16 =	simm.s32 $0x200;
	s17 =	simm.s32 $0x800  }
0x4: {  	s18 =	simm.s32 $0x1000;
	s19 =	simm.s32 $0x1800;
	s20 =	simm.s32 $0xA000  }
0x5: {  	s21 =	simm.s32 $0xDE80;
	s22 =	simm.s32 $0x11D00;
	s23 =	simm.s32 $0x15B80  }
0x6: {  	s24 =	simm.s32 $0x1;
	s26 =	simm.s32 $0x2;
	s28 =	simm.s32 $0x0  }
0x7: {  	s8 =	sand.u32 $0x1, s1;
	s3 =	sshll.u32 s0, $0x1;
	s1 =	rddreg [dreg:$0x1]  }
0x8: {  	[smem:$0x7FF] =	sst s2;
	s4 =	sadd.s32 $0x2000, s7;
	s5 =	sadd.s32 $0x1800, s7  }
0x9: {  	s6 =	sadd.s32 $0x1000, s7;
	s12 =	sshll.u32 s0, $0x2;
	s9 =	sor.u32 s8, s3  }
0xa: {  	v8 =	vlaneseq.u32;
	_ =	strace $0x80000047;
	s8 =	ssub.s32 $0x2, s8;
	s12 =	sand.u32 $0x30, s12  }
0xb: {  	v1 =	vor.u32 $0x10, v8;
	s3 =	sshll.u32 s9, $0xC;
	s11 =	sshll.u32 s9, $0x4;
	s30 =	sshrl.u32 s8, $0x1  }
0xc: {  	v2 =	vor.u32 $0x20, v8;
	v3 =	vor.u32 $0x30, v8;
	v4 =	vor.u32 $0x40, v8;
	s31 =	sshll.u32 s9, $0x7;
	s10 =	sadd.s32 s3, s7;
	s3 =	sadd.s32 $0x2800, s7  }
0xd: {  	v5 =	vor.u32 $0x50, v8;
	v6 =	vor.u32 $0x60, v8;
	v7 =	vor.u32 $0x70, v8;
	s13 =	sadd.s32 s11, s7;
	s7 =	sadd.s32 s7, s12;
	s25 =	sand.u32 $0x380, s31  }
0xe: {  	s14 =	ssub.s32 s8, s30;
	s8 =	sadd.s32 $0x3000, s10;
	s9 =	sadd.s32 $0xC00, s7;
	v0 =	vor.u32 s25, v8;
	v1 =	vor.u32 s25, v1;
	v2 =	vor.u32 s25, v2  }
0xf: {  	s10 =	sadd.s32 $0x800, s7;
	s11 =	sadd.s32 $0x400, s7;
	s12 =	sadd.s32 $0x23000, s13;
	v3 =	vor.u32 s25, v3;
	v4 =	vor.u32 s25, v4;
	v5 =	vor.u32 s25, v5  }
0x10: {  	s13 =	smax.u32 s14, $0x1;
	s14 =	simm.s32 $0x2000;
	v6 =	vor.u32 s25, v6;
	v7 =	vor.u32 s25, v7;
	v8 =	vmul.u32 $0x100, v8;
	s25 =	simm.s32 $0x19A00  }
.LBB2_1:
0x11: {  	[tilespmem:s14], [sflag:$0x1] =	stream.linear.gather [hbm4b:s8+s2], $0x8000, $0x38;
	[tilespmem:$0x19A80] =	vst v63  }
0x12: {  	_ = 	snop  }
0x13: {  	[tilespmem:s2], [sflag:$0x1] =	stream.strided.gather [hbm4b:s9+s15], $0x800, s16, s15, $0x38;
	[tilespmem:$0x19A80] =	vst v63  }
0x14: {  	_ = 	snop  }
0x15: {  	[tilespmem:s17], [sflag:$0x1] =	stream.strided.gather [hbm4b:s10+s15], $0x800, s16, s15, $0x38;
	[tilespmem:$0x19A80] =	vst v63  }
0x16: {  	_ = 	snop  }
0x17: {  	[tilespmem:s18], [sflag:$0x1] =	stream.strided.gather [hbm4b:s11+s15], $0x800, s16, s15, $0x38;
	[tilespmem:$0x19A80] =	vst v63  }
0x18: {  	_ = 	snop  }
0x19: {  	[tilespmem:s19], [sflag:$0x1] =	stream.strided.gather [hbm4b:s7+s15], $0x800, s16, s15, $0x38;
	[tilespmem:$0x19A80] =	vst v63  }
0x1a: {  	_ = 	snop  }
0x1b: {  	[tilespmem:s20], [sflag:$0x1] =	stream.linear.gather [hbm4b:s3+s2], $0x3E80, $0x38;
	[tilespmem:$0x19A80] =	vst v63  }
0x1c: {  	_ = 	snop  }
0x1d: {  	[tilespmem:s21], [sflag:$0x1] =	stream.linear.gather [hbm4b:s4+s2], $0x3E80, $0x38;
	[tilespmem:$0x19A80] =	vst v63  }
0x1e: {  	_ = 	snop  }
0x1f: {  	[tilespmem:s22], [sflag:$0x1] =	stream.linear.gather [hbm4b:s5+s2], $0x3E80, $0x38;
	[tilespmem:$0x19A80] =	vst v63  }
0x20: {  	_ = 	snop  }
0x21: {  	[tilespmem:s23], [sflag:$0x1] =	stream.linear.gather [hbm4b:s6+s2], $0x3E80, $0x38;
	[tilespmem:$0x19A80] =	vst v63  }
0x22: {  	_ =	swait.ge [sflag:s24], $0x3E80  }
0x23: {  	[sflag:s24] =	ssyncset.done $0x0  }
0x24: {  	[sflag:s24] =	ssyncadd.s32 $0xFFFFC180  }
0x25: {  	_ =	swait.ge [sflag:s24], $0x3E80  }
0x26: {  	[sflag:s24] =	ssyncset.done $0x0  }
0x27: {  	[sflag:s24] =	ssyncadd.s32 $0xFFFFC180  }
0x28: {  	_ =	swait.ge [sflag:s24], $0x3E80  }
0x29: {  	[sflag:s24] =	ssyncset.done $0x0  }
0x2a: {  	[sflag:s24] =	ssyncadd.s32 $0xFFFFC180  }
0x2b: {  	_ =	swait.ge [sflag:s24], $0x3E80  }
0x2c: {  	[sflag:s24] =	ssyncset.done $0x0  }
0x2d: {  	[sflag:s24] =	ssyncadd.s32 $0xFFFFC180  }
0x2e: {  	_ =	swait.ge [sflag:s24], $0x800  }
0x2f: {  	[sflag:s24] =	ssyncset.done $0x0  }
0x30: {  	[sflag:s24] =	ssyncadd.s32 $0xFFFFF800  }
0x31: {  	_ =	swait.ge [sflag:s24], $0x800  }
0x32: {  	[sflag:s24] =	ssyncset.done $0x0  }
0x33: {  	[sflag:s24] =	ssyncadd.s32 $0xFFFFF800  }
0x34: {  	_ =	swait.ge [sflag:s24], $0x800  }
0x35: {  	[sflag:s24] =	ssyncset.done $0x0  }
0x36: {  	[sflag:s24] =	ssyncadd.s32 $0xFFFFF800  }
0x37: {  	_ =	swait.ge [sflag:s24], $0x800  }
0x38: {  	[sflag:s24] =	ssyncset.done $0x0  }
0x39: {  	[sflag:s24] =	ssyncadd.s32 $0xFFFFF800  }
0x3a: {  	_ =	swait.ge [sflag:s24], $0x8000  }
0x3b: {  	[sflag:s24] =	ssyncset.done $0x0  }
0x3c: {  	[sflag:s24] =	ssyncadd.s32 $0xFFFF8000  }
0x3d: {  	v16 =	vld.idx.msk [tilespmem:v8+s14+$0x0], $0xffff;
	_ =	sdelay $0x5  }
0x3e: {  	v12 =	vld.idx.msk [tilespmem:v0+s2+$0x0], $0xffff  }
0x3f: {  	v13 =	vld.idx.msk [tilespmem:v0+s17+$0x0], $0xffff  }
0x40: {  	v9 =	vld.idx.msk [tilespmem:v16+s2+$0x0], $0xffff  }
0x41: {  	v10 =	vld.idx.msk [tilespmem:v16+s17+$0x0], $0xffff  }
0x42: {  	v15 =	vor.u32 $0x2, v8;
	v14 =	vld.idx.msk [tilespmem:v0+s18+$0x0], $0xffff  }
0x43: {  	v11 =	vld.idx.msk [tilespmem:v16+s18+$0x0], $0xffff;
	_ =	sdelay $0x2  }
0x44: {  	v9 =	vsub.f32 v12, v9;
	v10 =	vsub.f32 v13, v10  }
0x45: {  	v17 =	vld.idx.msk [tilespmem:v15+s14+$0x0], $0xffff;
	v15 =	vor.u32 $0x1, v8  }
0x46: {  	v11 =	vsub.f32 v14, v11;
	v9 =	vmul.f32 v9, v9;
	v10 =	vmul.f32 v10, v10;
	_ =	sdelay $0x1  }
0x47: {  	v11 =	vmul.f32 v11, v11;
	v9 =	vadd.f32 v10, v9  }
0x48: {  	v18 =	vor.u32 $0x3, v8  }
0x49: {  	v11 =	vadd.f32 v11, v9  }
0x4a: {  	v24 =	vld.idx.msk [tilespmem:v15+s14+$0x0], $0xffff  }
0x4b: {  	v10 =	vshra.s32 v11, $0x1  }
0x4c: {  	v15 =	vld.idx.msk [tilespmem:v17+s2+$0x0], $0xffff;
	v10 =	vsub.s32 $0x5F3759DF, v10  }
0x4d: {  	v9 =	vld.idx.msk [tilespmem:v18+s14+$0x0], $0xffff;
	v19 =	vmul.f32 $5.000000000e-01, v11;
	v18 =	vmul.f32 v10, v10  }
0x4e: {  	v20 =	vld.idx.msk [tilespmem:v17+s17+$0x0], $0xffff  }
0x4f: {  	v18 =	vmul.f32 v18, v19  }
0x50: {  	v21 =	vld.idx.msk [tilespmem:v17+s18+$0x0], $0xffff  }
0x51: {  	v22 =	vsub.f32 $1.500000000e+00, v18  }
0x52: {  	v15 =	vsub.f32 v12, v15;
	v23 =	vld.idx.msk [tilespmem:v24+s17+$0x0], $0xffff;
	v18 =	vadd.s32 $0x4, v8  }
0x53: {  	v20 =	vsub.f32 v13, v20;
	v25 =	vld.idx.msk [tilespmem:v24+s2+$0x0], $0xffff;
	v22 =	vmul.f32 v10, v22  }
0x54: {  	v15 =	vmul.f32 v15, v15  }
0x55: {  	v20 =	vmul.f32 v20, v20;
	v26 =	vld.idx.msk [tilespmem:v9+s2+$0x0], $0xffff;
	v10 =	vsub.f32 v14, v21;
	v21 =	vmul.f32 v22, v22  }
0x56: {  	v28 =	vld.idx.msk [tilespmem:v9+s17+$0x0], $0xffff  }
0x57: {  	v15 =	vadd.f32 v20, v15;
	v27 =	vmul.f32 v10, v10;
	v10 =	vld.idx.msk [tilespmem:v18+s14+$0x0], $0xffff;
	v19 =	vmul.f32 v21, v19  }
0x58: {  	v20 =	vsub.f32 v13, v23;
	v25 =	vsub.f32 v12, v25  }
0x59: {  	v21 =	vld.idx.msk [tilespmem:v9+s18+$0x0], $0xffff;
	v23 =	vadd.f32 v27, v15;
	v15 =	vsub.f32 $1.500000000e+00, v19  }
0x5a: {  	v20 =	vmul.f32 v20, v20;
	v25 =	vmul.f32 v25, v25;
	v19 =	vld.idx.msk [tilespmem:v24+s18+$0x0], $0xffff  }
0x5b: {  	v27 =	vshra.s32 v23, $0x1;
	v15 =	vmul.f32 v15, v22;
	v22 =	vsub.f32 v12, v26  }
0x5c: {  	v26 =	vsub.s32 $0x5F3759DF, v27;
	v27 =	vsub.f32 v13, v28;
	v28 =	vmul.f32 $5.000000000e-01, v23  }
0x5d: {  	v29 =	vmul.f32 v26, v26;
	v30 =	vmul.f32 v15, v11  }
0x5e: {  	v21 =	vsub.f32 v14, v21;
	v22 =	vmul.f32 v22, v22;
	v27 =	vmul.f32 v27, v27  }
0x5f: {  	v20 =	vadd.f32 v20, v25;
	v29 =	vmul.f32 v29, v28;
	v19 =	vsub.f32 v14, v19;
	v31 =	vld.idx.msk [tilespmem:v10+s2+$0x0], $0xffff  }
0x60: {  	v21 =	vmul.f32 v21, v21;
	v25 =	vld.idx.msk [tilespmem:v10+s18+$0x0], $0xffff;
	v32 =	vmul.f32 v30, v30;
	v22 =	vadd.f32 v27, v22  }
0x61: {  	v27 =	vld.idx.msk [tilespmem:v10+s17+$0x0], $0xffff;
	v29 =	vsub.f32 $1.500000000e+00, v29;
	v19 =	vmul.f32 v19, v19  }
0x62: {  	v15 =	vmul.f32 $5.000000000e-01, v15;
	v11 =	vsub.f32 v11, v32;
	v48 =	vadd.f32 v21, v22  }
0x63: {  	v21 =	vmul.f32 v26, v29;
	v29 =	vadd.f32 v19, v20  }
0x64: {  	v26 =	vor.u32 $0x1, v18;
	v11 =	vmul.f32 v11, v15;
	v15 =	vshra.s32 v48, $0x1  }
0x65: {  	v19 =	vmul.f32 v21, v21;
	v20 =	vsub.s32 $0x5F3759DF, v15;
	v15 =	vsub.f32 v12, v31  }
0x66: {  	v25 =	vsub.f32 v14, v25;
	v22 =	vsub.f32 v13, v27;
	v27 =	vmul.f32 v20, v20  }
0x67: {  	v11 =	vadd.f32 v11, v30;
	v19 =	vmul.f32 v19, v28;
	v15 =	vmul.f32 v15, v15  }
0x68: {  	v22 =	vmul.f32 v22, v22;
	v28 =	vmul.f32 $5.000000000e-01, v48  }
0x69: {  	v25 =	vmul.f32 v25, v25;
	v31 =	vmul.f32 $4.999999690e+02, v11;
	v19 =	vsub.f32 $1.500000000e+00, v19  }
0x6a: {  	v11 =	vadd.f32 v22, v15;
	v15 =	vshra.s32 v29, $0x1;
	v22 =	vmul.f32 v27, v28;
	v27 =	vld.idx.msk [tilespmem:v0+s19+$0x0], $0xffff  }
0x6b: {  	v30 =	vmul.f32 $5.000000000e-01, v29;
	v33 =	vsub.s32 $0x5F3759DF, v15;
	v15 =	vld.idx.msk [tilespmem:v26+s14+$0x0], $0xffff;
	v21 =	vmul.f32 v19, v21  }
0x6c: {  	v19 =	vadd.f32 v25, v11;
	v25 =	vtrunc.f32 v31;
	v11 =	vsub.f32 $1.500000000e+00, v22  }
0x6d: {  	v26 =	vor.u32 $0x2, v18;
	v34 =	vmul.f32 v33, v33;
	v22 =	vmul.f32 v21, v23  }
0x6e: {  	v35 =	vshra.s32 v19, $0x1;
	v20 =	vmul.f32 v20, v11;
	v36 =	vmul.f32 $5.000000000e-01, v19  }
0x6f: {  	v35 =	vsub.s32 $0x5F3759DF, v35;
	v11 =	vshll.u32 v27, $0x2;
	v27 =	vmul.f32 v34, v30  }
0x70: {  	v37 =	vmul.f32 v22, v22;
	v38 =	vmul.f32 v35, v35  }
0x71: {  	v39 =	vld.idx.msk [tilespmem:v16+s19+$0x0], $0xffff;
	v21 =	vmul.f32 $5.000000000e-01, v21;
	v49 =	vmul.f32 v20, v20;
	v27 =	vsub.f32 $1.500000000e+00, v27  }
0x72: {  	v16 =	vld.idx.msk [tilespmem:v26+s14+$0x0], $0xffff;
	v26 =	vor.u32 $0x3, v18;
	v38 =	vmul.f32 v38, v36;
	v23 =	vsub.f32 v23, v37  }
0x73: {  	v28 =	vmul.f32 v49, v28;
	v52 =	vld.idx.msk [tilespmem:v15+s18+$0x0], $0xffff;
	v33 =	vmul.f32 v33, v27  }
0x74: {  	v25 =	vcvt.f32.s32 v25;
	v27 =	vld.idx.msk [tilespmem:v15+s17+$0x0], $0xffff;
	v51 =	vsub.f32 $1.500000000e+00, v38;
	v21 =	vmul.f32 v23, v21  }
0x75: {  	v54 =	vld.idx.msk [tilespmem:v15+s2+$0x0], $0xffff;
	v23 =	vsub.f32 $1.500000000e+00, v28;
	v40 =	vmul.f32 v33, v33  }
0x76: {  	v28 =	vcvt.s32.f32 v25;
	v35 =	vmul.f32 v35, v51;
	v53 =	vadd.f32 v21, v22  }
0x77: {  	v21 =	vadd.s32 v11, v39;
	v20 =	vmul.f32 v23, v20;
	v22 =	vld.idx.msk [tilespmem:v26+s14+$0x0], $0xffff;
	v26 =	vmul.f32 v40, v30  }
0x78: {  	v21 =	vadd.s32 v25, v21;
	v25 =	vmul.f32 v35, v35;
	v23 =	vmul.f32 $4.999999690e+02, v53  }
0x79: {  	v50 =	vld.idx.msk [tilespmem:v17+s19+$0x0], $0xffff;
	v42 =	vmul.f32 v20, v48;
	v30 =	vsub.f32 v14, v52;
	v56 =	vmul.f32 $5.000000000e-01, v20  }
0x7a: {  	v57 =	vld.idx.msk [tilespmem:v16+s18+$0x0], $0xffff;
	v20 =	vsub.f32 v13, v27;
	v39 =	vsub.f32 v12, v54;
	v55 =	vtrunc.f32 v23  }
0x7b: {  	v58 =	vld.idx.msk [tilespmem:v16+s2+$0x0], $0xffff;
	v26 =	vsub.f32 $1.500000000e+00, v26;
	v25 =	vmul.f32 v25, v36;
	v59 =	vmul.f32 v42, v42  }
0x7c: {  	v17 =	vimm.f32 $0.0e+00;
	v43 =	vmul.f32 v20, v20;
	v39 =	vmul.f32 v39, v39  }
0x7d: {  	v60 =	vld.idx.msk [tilespmem:v16+s17+$0x0], $0xffff;
	v20 =	vadd.s32 $0x4, v18;
	v44 =	vmul.f32 v30, v30;
	v18 =	vmul.f32 v26, v33  }
0x7e: {  	v27 =	vcvt.f32.s32 v55;
	v25 =	vsub.f32 $1.500000000e+00, v25;
	v39 =	vadd.f32 v43, v39  }
0x7f: {  	v45 =	vld.idx.msk [tilespmem:v21+s20+$0x0], $0xffff;
	v30 =	vmul.f32 v18, v29;
	v33 =	vmul.f32 $5.000000000e-01, v18;
	v18 =	vsub.f32 v48, v59  }
0x80: {  	v41 =	vadd.s32 v11, v50;
	v62 =	vsub.f32 v14, v57;
	v36 =	vsub.f32 v12, v58;
	v61 =	vld.idx.msk [tilespmem:v22+s18+$0x0], $0xffff  }
0x81: {  	v32 =	vld.idx.msk [tilespmem:v24+s19+$0x0], $0xffff;
	v24 =	vadd.s32 v27, v41;
	v26 =	vmul.f32 v25, v35;
	v25 =	vsub.f32 v31, v28  }
0x82: {  	v31 =	vsub.f32 v13, v60;
	v35 =	vld.idx.msk [tilespmem:v22+s2+$0x0], $0xffff;
	v28 =	vmul.f32 v30, v30;
	v34 =	vmul.f32 v62, v62  }
0x83: {  	v63 =	vmul.f32 v18, v56;
	v18 =	vadd.f32 v44, v39;
	v38 =	vmul.f32 v36, v36  }
0x84: {  	v37 =	vld.idx.msk [tilespmem:v22+s17+$0x0], $0xffff;
	v40 =	vmul.f32 v31, v31;
	v36 =	vsub.f32 v29, v28;
	v31 =	vmul.f32 v25, v45  }
0x85: {  	s29 =	simm.s32 $0x4;
	v29 =	vadd.f32 v63, v42;
	v28 =	vshra.s32 v18, $0x1;
	v39 =	vsub.f32 v14, v61  }
.LBB2_2:
0x86: {  	v41 =	vld.idx.msk [tilespmem:v20+s14+$0x0], $0xffff;
	s29 =	sadd.s32 $0x4, s29;
	v42 =	vmul.f32 v26, v19;
	v38 =	vadd.f32 v40, v38;
	v33 =	vmul.f32 v36, v33  }
0x87: {  	v35 =	vsub.f32 v12, v35;
	v40 =	vcvt.s32.f32 v27;
	p0 =	slt.u32 s29, $0xFC;
	v36 =	vmul.f32 v39, v39;
	v39 =	vld.idx.msk [tilespmem:v21+s21+$0x0], $0xffff  }
0x88: {  	v43 =	vmul.f32 v42, v42;
	v27 =	vadd.f32 v34, v38;
	v30 =	vadd.f32 v33, v30  }
0x89: {  	v33 =	vsub.f32 v13, v37;
	v34 =	vmul.f32 v35, v35  }
0x8a: {  	v35 =	vshra.s32 v27, $0x1;
	v37 =	vmul.f32 $5.000000000e-01, v27;
	v30 =	vmul.f32 $4.999999690e+02, v30;
	v38 =	vld.idx.msk [tilespmem:v24+s20+$0x0], $0xffff  }
0x8b: {  	v33 =	vmul.f32 v33, v33;
	v32 =	vadd.s32 v11, v32;
	v35 =	vsub.s32 $0x5F3759DF, v35;
	v44 =	vld.idx.msk [tilespmem:v9+s19+$0x0], $0xffff;
	v9 =	vmovc v22  }
0x8c: {  	v23 =	vsub.f32 v23, v40;
	v22 =	vld.idx.msk [tilespmem:v10+s19+$0x0], $0xffff;
	v45 =	vmul.f32 v35, v35;
	v46 =	vtrunc.f32 v30;
	v10 =	vmovc v41  }
0x8d: {  	v40 =	vmul.f32 $5.000000000e-01, v26;
	v26 =	vadd.f32 v33, v34;
	v31 =	vadd.f32 v31, v39;
	v33 =	vld.idx.msk [tilespmem:v21+s22+$0x0], $0xffff  }
0x8e: {  	v19 =	vsub.f32 v19, v43;
	v43 =	vcvt.f32.s32 v46;
	v34 =	vld.idx.msk [tilespmem:v41+s2+$0x0], $0xffff;
	v39 =	vmul.f32 v45, v37  }
0x8f: {  	v29 =	vmul.f32 $4.999999690e+02, v29;
	v26 =	vadd.f32 v36, v26;
	v31 =	vmul.f32 v31, v25;
	v45 =	vld.idx.msk [tilespmem:v41+s17+$0x0], $0xffff  }
0x90: {  	v19 =	vmul.f32 v19, v40;
	v32 =	vadd.s32 v43, v32;
	v36 =	vld.idx.msk [tilespmem:v41+s18+$0x0], $0xffff;
	v39 =	vsub.f32 $1.500000000e+00, v39  }
0x91: {  	v46 =	vtrunc.f32 v29;
	v40 =	vshra.s32 v26, $0x1;
	v41 =	vcvt.s32.f32 v43;
	v43 =	vld.idx.msk [tilespmem:v24+s21+$0x0], $0xffff  }
0x92: {  	v35 =	vmul.f32 v35, v39;
	v39 =	vsub.s32 $0x5F3759DF, v40;
	v21 =	vld.idx.msk [tilespmem:v21+s23+$0x0], $0xffff;
	v40 =	vcvt.f32.s32 v46  }
0x93: {  	v19 =	vadd.f32 v19, v42;
	v31 =	vadd.f32 v31, v33;
	v33 =	vadd.s32 v11, v44  }
0x94: {  	v34 =	vsub.f32 v12, v34;
	v42 =	vmul.f32 v35, v35;
	v33 =	vadd.s32 v40, v33  }
0x95: {  	v38 =	vmul.f32 v23, v38;
	v22 =	vadd.s32 v11, v22;
	v25 =	vmul.f32 v31, v25;
	v31 =	vld.idx.msk [tilespmem:v32+s20+$0x0], $0xffff  }
0x96: {  	v44 =	vmul.f32 v39, v39;
	v36 =	vsub.f32 v14, v36;
	v34 =	vmul.f32 v34, v34;
	v46 =	vld.idx.msk [tilespmem:v24+s22+$0x0], $0xffff  }
0x97: {  	v40 =	vcvt.s32.f32 v40;
	v37 =	vmul.f32 v42, v37;
	v38 =	vadd.f32 v38, v43;
	v42 =	vld.idx.msk [tilespmem:v32+s21+$0x0], $0xffff  }
0x98: {  	v43 =	vmul.f32 $5.000000000e-01, v26;
	v36 =	vmul.f32 v36, v36;
	v21 =	vadd.f32 v25, v21  }
0x99: {  	v30 =	vsub.f32 v30, v41;
	v45 =	vsub.f32 v13, v45;
	v38 =	vmul.f32 v38, v23;
	v41 =	vld.idx.msk [tilespmem:v33+s20+$0x0], $0xffff  }
0x9a: {  	v47 =	vmul.f32 $5.000000000e-01, v18;
	v25 =	vmul.f32 $4.999999690e+02, v19;
	v19 =	vsub.f32 $1.500000000e+00, v37  }
0x9b: {  	v37 =	vor.u32 $0x1, v20;
	v44 =	vmul.f32 v44, v43;
	v31 =	vmul.f32 v30, v31;
	v48 =	vld.idx.msk [tilespmem:v33+s21+$0x0], $0xffff  }
0x9c: {  	v28 =	vsub.s32 $0x5F3759DF, v28;
	v45 =	vmul.f32 v45, v45;
	v38 =	vadd.f32 v38, v46  }
0x9d: {  	v29 =	vsub.f32 v29, v40;
	v35 =	vmul.f32 v19, v35;
	v31 =	vadd.f32 v31, v42  }
0x9e: {  	v17 =	vadd.f32 v21, v17;
	v19 =	vadd.f32 v45, v34;
	v23 =	vmul.f32 v38, v23;
	v21 =	vld.idx.msk [tilespmem:v32+s22+$0x0], $0xffff  }
0x9f: {  	v34 =	vtrunc.f32 v25;
	v38 =	vsub.f32 $1.500000000e+00, v44;
	v40 =	vmul.f32 v29, v41;
	v24 =	vld.idx.msk [tilespmem:v24+s23+$0x0], $0xffff  }
0xa0: {  	v19 =	vadd.f32 v36, v19;
	v36 =	vmul.f32 v35, v27;
	v31 =	vmul.f32 v31, v30;
	v41 =	vld.idx.msk [tilespmem:v37+s14+$0x0], $0xffff  }
0xa1: {  	v42 =	vmul.f32 v28, v28;
	v38 =	vmul.f32 v39, v38;
	v37 =	vor.u32 $0x2, v20;
	v39 =	vld.idx.msk [tilespmem:v33+s22+$0x0], $0xffff  }
0xa2: {  	v44 =	vshra.s32 v19, $0x1;
	v45 =	vmul.f32 $5.000000000e-01, v19;
	v40 =	vadd.f32 v40, v48  }
0xa3: {  	v42 =	vmul.f32 v42, v47;
	v46 =	vmul.f32 v36, v36;
	v44 =	vsub.s32 $0x5F3759DF, v44;
	v32 =	vld.idx.msk [tilespmem:v32+s23+$0x0], $0xffff  }
0xa4: {  	v48 =	vmul.f32 v44, v44;
	v49 =	vmul.f32 v38, v38;
	v21 =	vadd.f32 v31, v21  }
0xa5: {  	v31 =	vcvt.f32.s32 v34;
	v24 =	vadd.f32 v23, v24;
	v23 =	vld.idx.msk [tilespmem:v33+s23+$0x0], $0xffff;
	v33 =	vmul.f32 v40, v29  }
0xa6: {  	v27 =	vsub.f32 v27, v46;
	v34 =	vmul.f32 v48, v45;
	v30 =	vmul.f32 v21, v30;
	v37 =	vld.idx.msk [tilespmem:v37+s14+$0x0], $0xffff  }
0xa7: {  	v40 =	vcvt.s32.f32 v31;
	v21 =	vadd.s32 v31, v22;
	v31 =	vld.idx.msk [tilespmem:v16+s19+$0x0], $0xffff;
	v16 =	vadd.f32 v33, v39  }
0xa8: {  	v35 =	vmul.f32 $5.000000000e-01, v35;
	v22 =	vor.u32 $0x3, v20;
	v39 =	vsub.f32 $1.500000000e+00, v42;
	v33 =	vld.idx.msk [tilespmem:v41+s18+$0x0], $0xffff  }
0xa9: {  	v34 =	vsub.f32 $1.500000000e+00, v34;
	v42 =	vmul.f32 v49, v43;
	v43 =	vmul.f32 v16, v29  }
0xaa: {  	v27 =	vmul.f32 v27, v35;
	v30 =	vadd.f32 v30, v32;
	v28 =	vmul.f32 v28, v39;
	v29 =	vld.idx.msk [tilespmem:v41+s17+$0x0], $0xffff  }
0xab: {  	v32 =	vmul.f32 v44, v34;
	v34 =	vsub.f32 $1.500000000e+00, v42;
	v35 =	vadd.f32 v43, v23;
	v16 =	vmovc v37  }
0xac: {  	v17 =	vadd.f32 v30, v17;
	v42 =	vmul.f32 v28, v28;
	v23 =	vadd.f32 v27, v36;
	v39 =	vld.idx.msk [tilespmem:v41+s2+$0x0], $0xffff  }
0xad: {  	v27 =	vmul.f32 v34, v38;
	v43 =	vadd.s32 v11, v31;
	v22 =	vld.idx.msk [tilespmem:v22+s14+$0x0], $0xffff  }
0xae: {  	v30 =	vmul.f32 v32, v32;
	v17 =	vadd.f32 v24, v17;
	v23 =	vmul.f32 $4.999999690e+02, v23;
	v31 =	vld.idx.msk [tilespmem:v37+s18+$0x0], $0xffff  }
0xaf: {  	v24 =	vsub.f32 v14, v33;
	v33 =	vmul.f32 v42, v47;
	v42 =	vmul.f32 v27, v26;
	v34 =	vld.idx.msk [tilespmem:v37+s2+$0x0], $0xffff  }
0xb0: {  	v17 =	vadd.f32 v35, v17;
	v36 =	vtrunc.f32 v23;
	v37 =	vmul.f32 $5.000000000e-01, v27  }
0xb1: {  	v30 =	vmul.f32 v30, v45;
	v29 =	vsub.f32 v13, v29;
	v33 =	vsub.f32 $1.500000000e+00, v33;
	v38 =	vld.idx.msk [tilespmem:v16+s17+$0x0], $0xffff  }
0xb2: {  	v27 =	vcvt.f32.s32 v36;
	v36 =	vmul.f32 v42, v42;
	v35 =	vsub.f32 v12, v39  }
0xb3: {  	v20 =	vadd.s32 $0x4, v20;
	v29 =	vmul.f32 v29, v29;
	v28 =	vmul.f32 v33, v28  }
0xb4: {  	v24 =	vmul.f32 v24, v24;
	v39 =	vsub.f32 $1.500000000e+00, v30;
	v35 =	vmul.f32 v35, v35;
	v44 =	vld.idx.msk [tilespmem:v21+s20+$0x0], $0xffff  }
0xb5: {  	v30 =	vmul.f32 v28, v18;
	v33 =	vmul.f32 $5.000000000e-01, v28;
	v28 =	vsub.f32 v26, v36;
	v45 =	vld.idx.msk [tilespmem:v22+s18+$0x0], $0xffff  }
0xb6: {  	v26 =	vmul.f32 v39, v32;
	v31 =	vsub.f32 v14, v31;
	v29 =	vadd.f32 v29, v35;
	v35 =	vld.idx.msk [tilespmem:v22+s2+$0x0], $0xffff  }
.Ltmp0:
0xb7: {  	v25 =	vsub.f32 v25, v40;
	v32 =	vsub.f32 v12, v34;
	v36 =	vmul.f32 v30, v30;
	(pc) =	sbr.rel @p0 .LBB2_2-.Ltmp0, $4  }
0xb8: {  	v34 =	vmul.f32 v31, v31;
	v28 =	vmul.f32 v28, v37;
	v39 =	vsub.f32 v13, v38  }
0xb9: {  	v38 =	vmul.f32 v32, v32;
	v36 =	vsub.f32 v18, v36;
	v18 =	vadd.f32 v24, v29;
	v37 =	vld.idx.msk [tilespmem:v22+s17+$0x0], $0xffff  }
0xba: {  	v29 =	vadd.f32 v28, v42;
	v40 =	vmul.f32 v39, v39;
	v31 =	vmul.f32 v25, v44  }
0xbb: {  	v24 =	vadd.s32 v27, v43;
	v28 =	vshra.s32 v18, $0x1;
	v39 =	vsub.f32 v14, v45;
	v32 =	vld.idx.msk [tilespmem:v15+s19+$0x0], $0xffff;
	v15 =	vmovc v41  }
0xbc: {  	_ =	sdelay $0x1  }
0xbd: {  	v12 =	vsub.f32 v12, v35;
	v13 =	vsub.f32 v13, v37  }
0xbe: {  	v14 =	vadd.f32 v40, v38  }
0xbf: {  	v12 =	vmul.f32 v12, v12;
	v13 =	vmul.f32 v13, v13  }
0xc0: {  	v28 =	vsub.s32 $0x5F3759DF, v28;
	v57 =	vmul.f32 $5.000000000e-01, v18;
	v14 =	vadd.f32 v34, v14  }
0xc1: {  	v55 =	vmul.f32 v39, v39;
	v58 =	vmul.f32 v28, v28;
	v12 =	vadd.f32 v13, v12  }
0xc2: {  	v20 =	vmul.f32 v26, v19;
	v33 =	vmul.f32 v36, v33;
	v34 =	vshra.s32 v14, $0x1  }
0xc3: {  	v38 =	vmul.f32 v58, v57;
	v34 =	vsub.s32 $0x5F3759DF, v34;
	v12 =	vadd.f32 v55, v12  }
0xc4: {  	v13 =	vmul.f32 $5.000000000e-01, v14;
	v56 =	vmul.f32 v34, v34  }
0xc5: {  	v27 =	vcvt.s32.f32 v27;
	v26 =	vmul.f32 $5.000000000e-01, v26;
	v60 =	vshra.s32 v12, $0x1  }
0xc6: {  	v38 =	vsub.f32 $1.500000000e+00, v38;
	v59 =	vmul.f32 v56, v13;
	v62 =	vsub.s32 $0x5F3759DF, v60  }
0xc7: {  	v45 =	vmul.f32 $5.000000000e-01, v12;
	v44 =	vmul.f32 v62, v62  }
0xc8: {  	v63 =	vld.idx.msk [tilespmem:v21+s21+$0x0], $0xffff;
	v29 =	vmul.f32 $4.999999690e+02, v29;
	v28 =	vmul.f32 v28, v38  }
0xc9: {  	v52 =	vld.idx.msk [tilespmem:v24+s20+$0x0], $0xffff;
	v47 =	vmul.f32 v20, v20;
	v61 =	vsub.f32 $1.500000000e+00, v59;
	v46 =	vmul.f32 v44, v45  }
0xca: {  	v30 =	vadd.f32 v33, v30;
	v53 =	vtrunc.f32 v29;
	v42 =	vmul.f32 v28, v28  }
0xcb: {  	v23 =	vsub.f32 v23, v27;
	v33 =	vmul.f32 v34, v61;
	v34 =	vsub.f32 $1.500000000e+00, v46  }
0xcc: {  	v30 =	vmul.f32 $4.999999690e+02, v30;
	v19 =	vsub.f32 v19, v47;
	v35 =	vmul.f32 v42, v57  }
0xcd: {  	v31 =	vadd.f32 v31, v63;
	v48 =	vmul.f32 v33, v33;
	v34 =	vmul.f32 v62, v34  }
0xce: {  	v63 =	vmul.f32 v23, v52;
	v41 =	vtrunc.f32 v30;
	v35 =	vsub.f32 $1.500000000e+00, v35  }
0xcf: {  	v13 =	vmul.f32 v48, v13;
	v50 =	vmul.f32 v34, v34  }
0xd0: {  	v19 =	vmul.f32 v19, v26;
	v26 =	vadd.s32 v11, v32;
	v55 =	vld.idx.msk [tilespmem:v21+s22+$0x0], $0xffff;
	v28 =	vmul.f32 v35, v28  }
0xd1: {  	v49 =	vcvt.f32.s32 v41;
	v13 =	vsub.f32 $1.500000000e+00, v13;
	v51 =	vmul.f32 v50, v45  }
0xd2: {  	v9 =	vld.idx.msk [tilespmem:v9+s19+$0x0], $0xffff;
	v31 =	vmul.f32 v31, v25;
	v19 =	vadd.f32 v19, v20;
	v56 =	vmul.f32 v28, v18  }
0xd3: {  	v10 =	vld.idx.msk [tilespmem:v10+s19+$0x0], $0xffff;
	v36 =	vcvt.s32.f32 v49;
	v13 =	vmul.f32 v13, v33;
	v32 =	vsub.f32 $1.500000000e+00, v51  }
0xd4: {  	v26 =	vadd.s32 v49, v26;
	v19 =	vmul.f32 $4.999999690e+02, v19;
	v59 =	vmul.f32 v56, v56  }
0xd5: {  	v16 =	vld.idx.msk [tilespmem:v16+s19+$0x0], $0xffff;
	v31 =	vadd.f32 v31, v55;
	v54 =	vmul.f32 v13, v14;
	v32 =	vmul.f32 v32, v34  }
0xd6: {  	v15 =	vld.idx.msk [tilespmem:v15+s19+$0x0], $0xffff;
	v35 =	vcvt.f32.s32 v53;
	v28 =	vmul.f32 $5.000000000e-01, v28;
	v18 =	vsub.f32 v18, v59  }
0xd7: {  	v22 =	vld.idx.msk [tilespmem:v22+s19+$0x0], $0xffff;
	v9 =	vadd.s32 v11, v9;
	v57 =	vmul.f32 v54, v54;
	v60 =	vmul.f32 v32, v12  }
0xd8: {  	v58 =	vld.idx.msk [tilespmem:v24+s21+$0x0], $0xffff;
	v10 =	vadd.s32 v11, v10;
	v25 =	vmul.f32 v31, v25;
	v18 =	vmul.f32 v18, v28  }
0xd9: {  	v21 =	vld.idx.msk [tilespmem:v21+s23+$0x0], $0xffff;
	v13 =	vmul.f32 $5.000000000e-01, v13;
	v14 =	vsub.f32 v14, v57;
	v62 =	vmul.f32 v60, v60  }
0xda: {  	v61 =	vld.idx.msk [tilespmem:v24+s22+$0x0], $0xffff;
	v31 =	vtrunc.f32 v19;
	v9 =	vadd.s32 v35, v9;
	v18 =	vadd.f32 v18, v56  }
0xdb: {  	v20 =	vld.idx.msk [tilespmem:v26+s20+$0x0], $0xffff;
	v13 =	vmul.f32 v14, v13;
	v32 =	vmul.f32 $5.000000000e-01, v32;
	v12 =	vsub.f32 v12, v62  }
0xdc: {  	v16 =	vadd.s32 v11, v16;
	v24 =	vld.idx.msk [tilespmem:v24+s23+$0x0], $0xffff;
	v27 =	vcvt.f32.s32 v31;
	v18 =	vmul.f32 $4.999999690e+02, v18  }
0xdd: {  	v15 =	vadd.s32 v11, v15;
	v42 =	vld.idx.msk [tilespmem:v26+s22+$0x0], $0xffff;
	v13 =	vadd.f32 v13, v54;
	v12 =	vmul.f32 v12, v32  }
0xde: {  	v30 =	vsub.f32 v30, v36;
	v10 =	vadd.s32 v27, v10;
	v14 =	vld.idx.msk [tilespmem:v26+s21+$0x0], $0xffff;
	v44 =	vtrunc.f32 v18  }
0xdf: {  	v31 =	vld.idx.msk [tilespmem:v9+s21+$0x0], $0xffff;
	v45 =	vcvt.f32.s32 v44;
	v13 =	vmul.f32 $4.999999690e+02, v13;
	v12 =	vadd.f32 v12, v60  }
0xe0: {  	v11 =	vadd.s32 v11, v22;
	v35 =	vcvt.s32.f32 v35;
	v20 =	vmul.f32 v30, v20;
	v28 =	vld.idx.msk [tilespmem:v9+s20+$0x0], $0xffff  }
0xe1: {  	v46 =	vld.idx.msk [tilespmem:v9+s22+$0x0], $0xffff;
	v15 =	vadd.s32 v45, v15;
	v43 =	vtrunc.f32 v13;
	v12 =	vmul.f32 $4.999999690e+02, v12  }
0xe2: {  	v27 =	vcvt.s32.f32 v27;
	v9 =	vld.idx.msk [tilespmem:v9+s23+$0x0], $0xffff;
	v32 =	vadd.f32 v63, v58;
	v37 =	vcvt.f32.s32 v43  }
0xe3: {  	v29 =	vsub.f32 v29, v35;
	v48 =	vld.idx.msk [tilespmem:v10+s21+$0x0], $0xffff;
	v14 =	vadd.f32 v20, v14;
	v47 =	vtrunc.f32 v12  }
0xe4: {  	v20 =	vld.idx.msk [tilespmem:v10+s20+$0x0], $0xffff;
	v32 =	vmul.f32 v32, v23;
	v16 =	vadd.s32 v37, v16;
	v39 =	vcvt.f32.s32 v47  }
0xe5: {  	v21 =	vadd.f32 v25, v21;
	v26 =	vld.idx.msk [tilespmem:v26+s23+$0x0], $0xffff;
	v28 =	vmul.f32 v29, v28;
	v14 =	vmul.f32 v14, v30  }
0xe6: {  	v19 =	vsub.f32 v19, v27;
	v27 =	vld.idx.msk [tilespmem:v15+s20+$0x0], $0xffff;
	v22 =	vadd.f32 v32, v61;
	v11 =	vadd.s32 v39, v11  }
0xe7: {  	v28 =	vadd.f32 v28, v31;
	v14 =	vadd.f32 v14, v42;
	v31 =	vld.idx.msk [tilespmem:v15+s21+$0x0], $0xffff  }
0xe8: {  	v17 =	vadd.f32 v21, v17;
	v21 =	vmul.f32 v22, v23;
	v22 =	vld.idx.msk [tilespmem:v10+s22+$0x0], $0xffff;
	v23 =	vcvt.s32.f32 v45  }
0xe9: {  	v20 =	vmul.f32 v19, v20;
	v14 =	vmul.f32 v14, v30;
	v25 =	vld.idx.msk [tilespmem:v16+s20+$0x0], $0xffff  }
0xea: {  	v21 =	vadd.f32 v21, v24;
	v24 =	vcvt.s32.f32 v37;
	v49 =	vld.idx.msk [tilespmem:v16+s21+$0x0], $0xffff;
	v18 =	vsub.f32 v18, v23  }
0xeb: {  	v20 =	vadd.f32 v20, v48;
	v14 =	vadd.f32 v14, v26;
	v23 =	vmul.f32 v28, v29;
	v28 =	vld.idx.msk [tilespmem:v11+s20+$0x0], $0xffff  }
0xec: {  	v26 =	vld.idx.msk [tilespmem:v15+s22+$0x0], $0xffff;
	v13 =	vsub.f32 v13, v24;
	v24 =	vcvt.s32.f32 v39;
	v27 =	vmul.f32 v18, v27  }
0xed: {  	v20 =	vmul.f32 v20, v19;
	v23 =	vadd.f32 v23, v46;
	v30 =	vld.idx.msk [tilespmem:v11+s21+$0x0], $0xffff  }
0xee: {  	v10 =	vld.idx.msk [tilespmem:v10+s23+$0x0], $0xffff;
	v27 =	vadd.f32 v27, v31;
	v12 =	vsub.f32 v12, v24;
	v25 =	vmul.f32 v13, v25  }
0xef: {  	v14 =	vadd.f32 v14, v17;
	v17 =	vadd.f32 v20, v22;
	v20 =	vld.idx.msk [tilespmem:v16+s22+$0x0], $0xffff;
	v23 =	vmul.f32 v23, v29  }
0xf0: {  	v15 =	vld.idx.msk [tilespmem:v15+s23+$0x0], $0xffff;
	v22 =	vadd.f32 v25, v49;
	v25 =	vmul.f32 v27, v18;
	v24 =	vmul.f32 v12, v28  }
0xf1: {  	v14 =	vadd.f32 v21, v14;
	v17 =	vmul.f32 v17, v19;
	v9 =	vadd.f32 v23, v9;
	v27 =	vld.idx.msk [tilespmem:v11+s22+$0x0], $0xffff  }
0xf2: {  	v19 =	vmul.f32 v22, v13;
	v22 =	vadd.f32 v25, v26;
	v21 =	vadd.f32 v24, v30  }
0xf3: {  	v10 =	vadd.f32 v17, v10;
	v9 =	vadd.f32 v9, v14;
	v14 =	vld.idx.msk [tilespmem:v16+s23+$0x0], $0xffff  }
0xf4: {  	v16 =	vadd.f32 v19, v20;
	v18 =	vmul.f32 v22, v18;
	v17 =	vmul.f32 v21, v12  }
0xf5: {  	v9 =	vadd.f32 v10, v9;
	v10 =	vld.idx.msk [tilespmem:v11+s23+$0x0], $0xffff  }
0xf6: {  	v11 =	vmul.f32 v16, v13;
	v15 =	vadd.f32 v18, v15;
	v13 =	vadd.f32 v17, v27;
	_ =	sdelay $0x1  }
0xf7: {  	v11 =	vadd.f32 v11, v14;
	v9 =	vadd.f32 v15, v9;
	v12 =	vmul.f32 v13, v12;
	_ =	sdelay $0x1  }
0xf8: {  	v9 =	vadd.f32 v11, v9;
	v10 =	vadd.f32 v12, v10;
	_ =	sdelay $0x1  }
0xf9: {  	v9 =	vadd.f32 v10, v9;
	v10 =	vor.u32 $0x1000, v8;
	_ =	sdelay $0x1  }
0xfa: {  	v9 =	vmul.f32 $5.000000000e-01, v9;
	_ =	sdelay $0x1  }
0xfb: {  	[tilespmem:$0x19A00] =	vst v9  }
0xfc: {  	v16 =	vld.idx.msk [tilespmem:v10+s14+$0x0], $0xffff;
	_ =	sdelay $0x5  }
0xfd: {  	v12 =	vld.idx.msk [tilespmem:v1+s2+$0x0], $0xffff  }
0xfe: {  	v13 =	vld.idx.msk [tilespmem:v1+s17+$0x0], $0xffff  }
0xff: {  	v9 =	vld.idx.msk [tilespmem:v16+s2+$0x0], $0xffff  }
0x100: {  	v17 =	vor.u32 $0x2, v10;
	v11 =	vld.idx.msk [tilespmem:v16+s17+$0x0], $0xffff  }
0x101: {  	v14 =	vld.idx.msk [tilespmem:v1+s18+$0x0], $0xffff  }
0x102: {  	v15 =	vld.idx.msk [tilespmem:v16+s18+$0x0], $0xffff;
	_ =	sdelay $0x2  }
0x103: {  	v17 =	vld.idx.msk [tilespmem:v17+s14+$0x0], $0xffff;
	v9 =	vsub.f32 v12, v9;
	v11 =	vsub.f32 v13, v11  }
0x104: {  	v18 =	vor.u32 $0x1, v10  }
0x105: {  	v15 =	vsub.f32 v14, v15;
	v9 =	vmul.f32 v9, v9;
	v11 =	vmul.f32 v11, v11;
	_ =	sdelay $0x1  }
0x106: {  	v19 =	vor.u32 $0x3, v10;
	v15 =	vmul.f32 v15, v15;
	v9 =	vadd.f32 v11, v9;
	_ =	sdelay $0x1  }
0x107: {  	v11 =	vadd.f32 v15, v9  }
0x108: {  	v24 =	vld.idx.msk [tilespmem:v18+s14+$0x0], $0xffff  }
0x109: {  	v21 =	vld.idx.msk [tilespmem:v17+s17+$0x0], $0xffff;
	v15 =	vshra.s32 v11, $0x1  }
0x10a: {  	v9 =	vld.idx.msk [tilespmem:v19+s14+$0x0], $0xffff;
	v15 =	vsub.s32 $0x5F3759DF, v15  }
0x10b: {  	v19 =	vld.idx.msk [tilespmem:v17+s2+$0x0], $0xffff;
	v20 =	vmul.f32 $5.000000000e-01, v11;
	v18 =	vmul.f32 v15, v15;
	_ =	sdelay $0x1  }
0x10c: {  	v22 =	vld.idx.msk [tilespmem:v17+s18+$0x0], $0xffff;
	v18 =	vmul.f32 v18, v20;
	_ =	sdelay $0x1  }
0x10d: {  	v23 =	vsub.f32 $1.500000000e+00, v18  }
0x10e: {  	v18 =	vadd.s32 $0x4, v10;
	v10 =	vsub.f32 v12, v19;
	v19 =	vsub.f32 v13, v21  }
0x10f: {  	v21 =	vld.idx.msk [tilespmem:v24+s17+$0x0], $0xffff;
	v15 =	vmul.f32 v15, v23  }
0x110: {  	v22 =	vsub.f32 v14, v22;
	v26 =	vld.idx.msk [tilespmem:v9+s2+$0x0], $0xffff;
	v10 =	vmul.f32 v10, v10;
	v19 =	vmul.f32 v19, v19  }
0x111: {  	v27 =	vld.idx.msk [tilespmem:v9+s17+$0x0], $0xffff;
	v25 =	vmul.f32 v15, v15  }
0x112: {  	v22 =	vmul.f32 v22, v22;
	v23 =	vld.idx.msk [tilespmem:v24+s2+$0x0], $0xffff;
	v19 =	vadd.f32 v19, v10  }
0x113: {  	v10 =	vld.idx.msk [tilespmem:v18+s14+$0x0], $0xffff;
	v20 =	vmul.f32 v25, v20  }
0x114: {  	v21 =	vsub.f32 v13, v21;
	v25 =	vld.idx.msk [tilespmem:v9+s18+$0x0], $0xffff;
	v22 =	vadd.f32 v22, v19  }
0x115: {  	v19 =	vsub.f32 $1.500000000e+00, v20  }
0x116: {  	v27 =	vsub.f32 v13, v27;
	v21 =	vmul.f32 v21, v21;
	v20 =	vld.idx.msk [tilespmem:v24+s18+$0x0], $0xffff;
	v28 =	vshra.s32 v22, $0x1  }
0x117: {  	v15 =	vmul.f32 v19, v15;
	v19 =	vsub.f32 v12, v26;
	v26 =	vsub.s32 $0x5F3759DF, v28  }
0x118: {  	v23 =	vsub.f32 v12, v23;
	v28 =	vmul.f32 $5.000000000e-01, v22;
	v29 =	vmul.f32 v26, v26  }
0x119: {  	v27 =	vmul.f32 v27, v27;
	v25 =	vsub.f32 v14, v25;
	v30 =	vmul.f32 v15, v11  }
0x11a: {  	v19 =	vmul.f32 v19, v19;
	v29 =	vmul.f32 v29, v28  }
0x11b: {  	v23 =	vmul.f32 v23, v23;
	v20 =	vsub.f32 v14, v20;
	v25 =	vmul.f32 v25, v25;
	v31 =	vld.idx.msk [tilespmem:v10+s2+$0x0], $0xffff  }
0x11c: {  	v50 =	vmul.f32 v30, v30;
	v19 =	vadd.f32 v27, v19;
	v27 =	vld.idx.msk [tilespmem:v10+s17+$0x0], $0xffff;
	v29 =	vsub.f32 $1.500000000e+00, v29  }
0x11d: {  	v21 =	vadd.f32 v21, v23;
	v15 =	vmul.f32 $5.000000000e-01, v15;
	v20 =	vmul.f32 v20, v20  }
0x11e: {  	v23 =	vld.idx.msk [tilespmem:v10+s18+$0x0], $0xffff;
	v11 =	vsub.f32 v11, v50;
	v25 =	vadd.f32 v25, v19;
	v19 =	vmul.f32 v26, v29  }
0x11f: {  	v29 =	vadd.f32 v20, v21  }
0x120: {  	v11 =	vmul.f32 v11, v15;
	v15 =	vshra.s32 v25, $0x1;
	v20 =	vmul.f32 v19, v19  }
0x121: {  	v21 =	vsub.s32 $0x5F3759DF, v15;
	v15 =	vsub.f32 v12, v31;
	v26 =	vsub.f32 v13, v27  }
0x122: {  	v27 =	vor.u32 $0x1, v18;
	v11 =	vadd.f32 v11, v30;
	v30 =	vmul.f32 $5.000000000e-01, v25  }
0x123: {  	v23 =	vsub.f32 v14, v23;
	v20 =	vmul.f32 v20, v28;
	v15 =	vmul.f32 v15, v15  }
0x124: {  	v26 =	vmul.f32 v26, v26;
	v28 =	vmul.f32 v21, v21  }
0x125: {  	v23 =	vmul.f32 v23, v23;
	v31 =	vmul.f32 $4.999999690e+02, v11;
	v20 =	vsub.f32 $1.500000000e+00, v20  }
0x126: {  	v11 =	vadd.f32 v26, v15;
	v15 =	vshra.s32 v29, $0x1;
	v26 =	vmul.f32 v28, v30  }
0x127: {  	v52 =	vsub.s32 $0x5F3759DF, v15;
	v15 =	vld.idx.msk [tilespmem:v27+s14+$0x0], $0xffff;
	v27 =	vor.u32 $0x2, v18  }
0x128: {  	v28 =	vld.idx.msk [tilespmem:v1+s19+$0x0], $0xffff;
	v20 =	vmul.f32 v20, v19;
	v19 =	vadd.f32 v23, v11;
	v11 =	vsub.f32 $1.500000000e+00, v26  }
0x129: {  	v51 =	vmul.f32 $5.000000000e-01, v29;
	v53 =	vmul.f32 v52, v52  }
0x12a: {  	v26 =	vmul.f32 v20, v22;
	v54 =	vshra.s32 v19, $0x1;
	v21 =	vmul.f32 v21, v11  }
0x12b: {  	v59 =	vld.idx.msk [tilespmem:v16+s19+$0x0], $0xffff;
	v55 =	vmul.f32 $5.000000000e-01, v19;
	v20 =	vmul.f32 $5.000000000e-01, v20;
	v35 =	vsub.s32 $0x5F3759DF, v54  }
0x12c: {  	v56 =	vmul.f32 v26, v26;
	v57 =	vmul.f32 v35, v35;
	v16 =	vld.idx.msk [tilespmem:v27+s14+$0x0], $0xffff  }
0x12d: {  	v11 =	vshll.u32 v28, $0x2;
	v28 =	vmul.f32 v53, v51;
	v58 =	vmul.f32 v21, v21  }
0x12e: {  	v27 =	vor.u32 $0x3, v18;
	v38 =	vmul.f32 v57, v55;
	v22 =	vsub.f32 v22, v56  }
0x12f: {  	v60 =	vld.idx.msk [tilespmem:v17+s19+$0x0], $0xffff;
	v23 =	vtrunc.f32 v31;
	v28 =	vsub.f32 $1.500000000e+00, v28;
	v30 =	vmul.f32 v58, v30  }
0x130: {  	v23 =	vcvt.f32.s32 v23;
	v62 =	vld.idx.msk [tilespmem:v15+s18+$0x0], $0xffff;
	v61 =	vsub.f32 $1.500000000e+00, v38;
	v20 =	vmul.f32 v22, v20  }
0x131: {  	v17 =	vimm.f32 $0.0e+00;
	v28 =	vmul.f32 v52, v28;
	v47 =	vld.idx.msk [tilespmem:v15+s2+$0x0], $0xffff;
	v22 =	vsub.f32 $1.500000000e+00, v30  }
0x132: {  	v63 =	vcvt.s32.f32 v23;
	v30 =	vld.idx.msk [tilespmem:v15+s17+$0x0], $0xffff;
	v35 =	vmul.f32 v35, v61;
	v20 =	vadd.f32 v20, v26  }
0x133: {  	v48 =	vmul.f32 v28, v28;
	v26 =	vadd.s32 v11, v59;
	v49 =	vmul.f32 v22, v21;
	v22 =	vld.idx.msk [tilespmem:v27+s14+$0x0], $0xffff  }
0x134: {  	v21 =	vadd.s32 v23, v26;
	v26 =	vmul.f32 v35, v35;
	v23 =	vmul.f32 $4.999999690e+02, v20;
	v54 =	vld.idx.msk [tilespmem:v16+s18+$0x0], $0xffff  }
0x135: {  	v50 =	vadd.s32 v11, v60;
	v20 =	vmul.f32 v48, v51;
	v51 =	vmul.f32 v49, v25;
	v56 =	vld.idx.msk [tilespmem:v16+s2+$0x0], $0xffff  }
0x136: {  	v52 =	vsub.f32 v14, v62;
	v53 =	vmul.f32 $5.000000000e-01, v49;
	v33 =	vsub.f32 v12, v47;
	v43 =	vld.idx.msk [tilespmem:v16+s17+$0x0], $0xffff  }
0x137: {  	v30 =	vsub.f32 v13, v30;
	v27 =	vtrunc.f32 v23;
	v26 =	vmul.f32 v26, v55  }
0x138: {  	v55 =	vsub.f32 $1.500000000e+00, v20;
	v57 =	vmul.f32 v51, v51;
	v58 =	vmul.f32 v52, v52  }
0x139: {  	v20 =	vadd.s32 $0x4, v18;
	v27 =	vcvt.f32.s32 v27;
	v44 =	vmul.f32 v30, v30  }
0x13a: {  	v32 =	vld.idx.msk [tilespmem:v24+s19+$0x0], $0xffff;
	v18 =	vmul.f32 v55, v28;
	v26 =	vsub.f32 $1.500000000e+00, v26;
	v60 =	vsub.f32 v14, v54  }
0x13b: {  	v28 =	vmul.f32 v33, v33;
	v45 =	vld.idx.msk [tilespmem:v21+s20+$0x0], $0xffff;
	v61 =	vsub.f32 v12, v56;
	v62 =	vsub.f32 v13, v43  }
0x13c: {  	v24 =	vadd.s32 v27, v50;
	v30 =	vmul.f32 v18, v29;
	v33 =	vmul.f32 $5.000000000e-01, v18;
	v59 =	vld.idx.msk [tilespmem:v22+s18+$0x0], $0xffff  }
0x13d: {  	v18 =	vsub.f32 v25, v57;
	v26 =	vmul.f32 v26, v35;
	v28 =	vadd.f32 v44, v28  }
0x13e: {  	v25 =	vsub.f32 v31, v63;
	v35 =	vld.idx.msk [tilespmem:v22+s2+$0x0], $0xffff;
	v34 =	vmul.f32 v60, v60;
	v31 =	vmul.f32 v30, v30  }
0x13f: {  	v38 =	vmul.f32 v61, v61;
	v63 =	vmul.f32 v18, v53;
	v18 =	vadd.f32 v58, v28  }
0x140: {  	v37 =	vld.idx.msk [tilespmem:v22+s17+$0x0], $0xffff;
	v40 =	vmul.f32 v62, v62;
	v36 =	vsub.f32 v29, v31;
	v31 =	vmul.f32 v25, v45  }
0x141: {  	s29 =	simm.s32 $0x4;
	v29 =	vadd.f32 v63, v51;
	v28 =	vshra.s32 v18, $0x1;
	v39 =	vsub.f32 v14, v59  }
.LBB2_4:
0x142: {  	v41 =	vld.idx.msk [tilespmem:v20+s14+$0x0], $0xffff;
	s29 =	sadd.s32 $0x4, s29;
	v42 =	vmul.f32 v26, v19;
	v38 =	vadd.f32 v40, v38;
	v33 =	vmul.f32 v36, v33  }
0x143: {  	v35 =	vsub.f32 v12, v35;
	v40 =	vcvt.s32.f32 v27;
	p0 =	slt.u32 s29, $0xFC;
	v36 =	vmul.f32 v39, v39;
	v39 =	vld.idx.msk [tilespmem:v21+s21+$0x0], $0xffff  }
0x144: {  	v43 =	vmul.f32 v42, v42;
	v27 =	vadd.f32 v34, v38;
	v30 =	vadd.f32 v33, v30  }
0x145: {  	v33 =	vsub.f32 v13, v37;
	v34 =	vmul.f32 v35, v35  }
0x146: {  	v35 =	vshra.s32 v27, $0x1;
	v37 =	vmul.f32 $5.000000000e-01, v27;
	v30 =	vmul.f32 $4.999999690e+02, v30;
	v38 =	vld.idx.msk [tilespmem:v24+s20+$0x0], $0xffff  }
0x147: {  	v33 =	vmul.f32 v33, v33;
	v32 =	vadd.s32 v11, v32;
	v35 =	vsub.s32 $0x5F3759DF, v35;
	v44 =	vld.idx.msk [tilespmem:v9+s19+$0x0], $0xffff;
	v9 =	vmovc v22  }
0x148: {  	v23 =	vsub.f32 v23, v40;
	v22 =	vld.idx.msk [tilespmem:v10+s19+$0x0], $0xffff;
	v45 =	vmul.f32 v35, v35;
	v46 =	vtrunc.f32 v30;
	v10 =	vmovc v41  }
0x149: {  	v40 =	vmul.f32 $5.000000000e-01, v26;
	v26 =	vadd.f32 v33, v34;
	v31 =	vadd.f32 v31, v39;
	v33 =	vld.idx.msk [tilespmem:v21+s22+$0x0], $0xffff  }
0x14a: {  	v19 =	vsub.f32 v19, v43;
	v43 =	vcvt.f32.s32 v46;
	v34 =	vld.idx.msk [tilespmem:v41+s2+$0x0], $0xffff;
	v39 =	vmul.f32 v45, v37  }
0x14b: {  	v29 =	vmul.f32 $4.999999690e+02, v29;
	v26 =	vadd.f32 v36, v26;
	v31 =	vmul.f32 v31, v25;
	v45 =	vld.idx.msk [tilespmem:v41+s17+$0x0], $0xffff  }
0x14c: {  	v19 =	vmul.f32 v19, v40;
	v32 =	vadd.s32 v43, v32;
	v36 =	vld.idx.msk [tilespmem:v41+s18+$0x0], $0xffff;
	v39 =	vsub.f32 $1.500000000e+00, v39  }
0x14d: {  	v46 =	vtrunc.f32 v29;
	v40 =	vshra.s32 v26, $0x1;
	v41 =	vcvt.s32.f32 v43;
	v43 =	vld.idx.msk [tilespmem:v24+s21+$0x0], $0xffff  }
0x14e: {  	v35 =	vmul.f32 v35, v39;
	v39 =	vsub.s32 $0x5F3759DF, v40;
	v21 =	vld.idx.msk [tilespmem:v21+s23+$0x0], $0xffff;
	v40 =	vcvt.f32.s32 v46  }
0x14f: {  	v19 =	vadd.f32 v19, v42;
	v31 =	vadd.f32 v31, v33;
	v33 =	vadd.s32 v11, v44  }
0x150: {  	v34 =	vsub.f32 v12, v34;
	v42 =	vmul.f32 v35, v35;
	v33 =	vadd.s32 v40, v33  }
0x151: {  	v38 =	vmul.f32 v23, v38;
	v22 =	vadd.s32 v11, v22;
	v25 =	vmul.f32 v31, v25;
	v31 =	vld.idx.msk [tilespmem:v32+s20+$0x0], $0xffff  }
0x152: {  	v44 =	vmul.f32 v39, v39;
	v36 =	vsub.f32 v14, v36;
	v34 =	vmul.f32 v34, v34;
	v46 =	vld.idx.msk [tilespmem:v24+s22+$0x0], $0xffff  }
0x153: {  	v40 =	vcvt.s32.f32 v40;
	v37 =	vmul.f32 v42, v37;
	v38 =	vadd.f32 v38, v43;
	v42 =	vld.idx.msk [tilespmem:v32+s21+$0x0], $0xffff  }
0x154: {  	v43 =	vmul.f32 $5.000000000e-01, v26;
	v36 =	vmul.f32 v36, v36;
	v21 =	vadd.f32 v25, v21  }
0x155: {  	v30 =	vsub.f32 v30, v41;
	v45 =	vsub.f32 v13, v45;
	v38 =	vmul.f32 v38, v23;
	v41 =	vld.idx.msk [tilespmem:v33+s20+$0x0], $0xffff  }
0x156: {  	v47 =	vmul.f32 $5.000000000e-01, v18;
	v25 =	vmul.f32 $4.999999690e+02, v19;
	v19 =	vsub.f32 $1.500000000e+00, v37  }
0x157: {  	v37 =	vor.u32 $0x1, v20;
	v44 =	vmul.f32 v44, v43;
	v31 =	vmul.f32 v30, v31;
	v48 =	vld.idx.msk [tilespmem:v33+s21+$0x0], $0xffff  }
0x158: {  	v28 =	vsub.s32 $0x5F3759DF, v28;
	v45 =	vmul.f32 v45, v45;
	v38 =	vadd.f32 v38, v46  }
0x159: {  	v29 =	vsub.f32 v29, v40;
	v35 =	vmul.f32 v19, v35;
	v31 =	vadd.f32 v31, v42  }
0x15a: {  	v17 =	vadd.f32 v21, v17;
	v19 =	vadd.f32 v45, v34;
	v23 =	vmul.f32 v38, v23;
	v21 =	vld.idx.msk [tilespmem:v32+s22+$0x0], $0xffff  }
0x15b: {  	v34 =	vtrunc.f32 v25;
	v38 =	vsub.f32 $1.500000000e+00, v44;
	v40 =	vmul.f32 v29, v41;
	v24 =	vld.idx.msk [tilespmem:v24+s23+$0x0], $0xffff  }
0x15c: {  	v19 =	vadd.f32 v36, v19;
	v36 =	vmul.f32 v35, v27;
	v31 =	vmul.f32 v31, v30;
	v41 =	vld.idx.msk [tilespmem:v37+s14+$0x0], $0xffff  }
0x15d: {  	v42 =	vmul.f32 v28, v28;
	v38 =	vmul.f32 v39, v38;
	v37 =	vor.u32 $0x2, v20;
	v39 =	vld.idx.msk [tilespmem:v33+s22+$0x0], $0xffff  }
0x15e: {  	v44 =	vshra.s32 v19, $0x1;
	v45 =	vmul.f32 $5.000000000e-01, v19;
	v40 =	vadd.f32 v40, v48  }
0x15f: {  	v42 =	vmul.f32 v42, v47;
	v46 =	vmul.f32 v36, v36;
	v44 =	vsub.s32 $0x5F3759DF, v44;
	v32 =	vld.idx.msk [tilespmem:v32+s23+$0x0], $0xffff  }
0x160: {  	v48 =	vmul.f32 v44, v44;
	v49 =	vmul.f32 v38, v38;
	v21 =	vadd.f32 v31, v21  }
0x161: {  	v31 =	vcvt.f32.s32 v34;
	v24 =	vadd.f32 v23, v24;
	v23 =	vld.idx.msk [tilespmem:v33+s23+$0x0], $0xffff;
	v33 =	vmul.f32 v40, v29  }
0x162: {  	v27 =	vsub.f32 v27, v46;
	v34 =	vmul.f32 v48, v45;
	v30 =	vmul.f32 v21, v30;
	v37 =	vld.idx.msk [tilespmem:v37+s14+$0x0], $0xffff  }
0x163: {  	v40 =	vcvt.s32.f32 v31;
	v21 =	vadd.s32 v31, v22;
	v31 =	vld.idx.msk [tilespmem:v16+s19+$0x0], $0xffff;
	v16 =	vadd.f32 v33, v39  }
0x164: {  	v35 =	vmul.f32 $5.000000000e-01, v35;
	v22 =	vor.u32 $0x3, v20;
	v39 =	vsub.f32 $1.500000000e+00, v42;
	v33 =	vld.idx.msk [tilespmem:v41+s18+$0x0], $0xffff  }
0x165: {  	v34 =	vsub.f32 $1.500000000e+00, v34;
	v42 =	vmul.f32 v49, v43;
	v43 =	vmul.f32 v16, v29  }
0x166: {  	v27 =	vmul.f32 v27, v35;
	v30 =	vadd.f32 v30, v32;
	v28 =	vmul.f32 v28, v39;
	v29 =	vld.idx.msk [tilespmem:v41+s17+$0x0], $0xffff  }
0x167: {  	v32 =	vmul.f32 v44, v34;
	v34 =	vsub.f32 $1.500000000e+00, v42;
	v35 =	vadd.f32 v43, v23;
	v16 =	vmovc v37  }
0x168: {  	v17 =	vadd.f32 v30, v17;
	v42 =	vmul.f32 v28, v28;
	v23 =	vadd.f32 v27, v36;
	v39 =	vld.idx.msk [tilespmem:v41+s2+$0x0], $0xffff  }
0x169: {  	v27 =	vmul.f32 v34, v38;
	v43 =	vadd.s32 v11, v31;
	v22 =	vld.idx.msk [tilespmem:v22+s14+$0x0], $0xffff  }
0x16a: {  	v30 =	vmul.f32 v32, v32;
	v17 =	vadd.f32 v24, v17;
	v23 =	vmul.f32 $4.999999690e+02, v23;
	v31 =	vld.idx.msk [tilespmem:v37+s18+$0x0], $0xffff  }
0x16b: {  	v24 =	vsub.f32 v14, v33;
	v33 =	vmul.f32 v42, v47;
	v42 =	vmul.f32 v27, v26;
	v34 =	vld.idx.msk [tilespmem:v37+s2+$0x0], $0xffff  }
0x16c: {  	v17 =	vadd.f32 v35, v17;
	v36 =	vtrunc.f32 v23;
	v37 =	vmul.f32 $5.000000000e-01, v27  }
0x16d: {  	v30 =	vmul.f32 v30, v45;
	v29 =	vsub.f32 v13, v29;
	v33 =	vsub.f32 $1.500000000e+00, v33;
	v38 =	vld.idx.msk [tilespmem:v16+s17+$0x0], $0xffff  }
0x16e: {  	v27 =	vcvt.f32.s32 v36;
	v36 =	vmul.f32 v42, v42;
	v35 =	vsub.f32 v12, v39  }
0x16f: {  	v20 =	vadd.s32 $0x4, v20;
	v29 =	vmul.f32 v29, v29;
	v28 =	vmul.f32 v33, v28  }
0x170: {  	v24 =	vmul.f32 v24, v24;
	v39 =	vsub.f32 $1.500000000e+00, v30;
	v35 =	vmul.f32 v35, v35;
	v44 =	vld.idx.msk [tilespmem:v21+s20+$0x0], $0xffff  }
0x171: {  	v30 =	vmul.f32 v28, v18;
	v33 =	vmul.f32 $5.000000000e-01, v28;
	v28 =	vsub.f32 v26, v36;
	v45 =	vld.idx.msk [tilespmem:v22+s18+$0x0], $0xffff  }
0x172: {  	v26 =	vmul.f32 v39, v32;
	v31 =	vsub.f32 v14, v31;
	v29 =	vadd.f32 v29, v35;
	v35 =	vld.idx.msk [tilespmem:v22+s2+$0x0], $0xffff  }
.Ltmp1:
0x173: {  	v25 =	vsub.f32 v25, v40;
	v32 =	vsub.f32 v12, v34;
	v36 =	vmul.f32 v30, v30;
	(pc) =	sbr.rel @p0 .LBB2_4-.Ltmp1, $4  }
0x174: {  	v34 =	vmul.f32 v31, v31;
	v28 =	vmul.f32 v28, v37;
	v39 =	vsub.f32 v13, v38  }
0x175: {  	v38 =	vmul.f32 v32, v32;
	v36 =	vsub.f32 v18, v36;
	v18 =	vadd.f32 v24, v29;
	v37 =	vld.idx.msk [tilespmem:v22+s17+$0x0], $0xffff  }
0x176: {  	v29 =	vadd.f32 v28, v42;
	v40 =	vmul.f32 v39, v39;
	v31 =	vmul.f32 v25, v44  }
0x177: {  	v24 =	vadd.s32 v27, v43;
	v28 =	vshra.s32 v18, $0x1;
	v39 =	vsub.f32 v14, v45;
	v32 =	vld.idx.msk [tilespmem:v15+s19+$0x0], $0xffff;
	v15 =	vmovc v41  }
0x178: {  	_ =	sdelay $0x1  }
0x179: {  	v12 =	vsub.f32 v12, v35;
	v13 =	vsub.f32 v13, v37  }
0x17a: {  	v14 =	vadd.f32 v40, v38  }
0x17b: {  	v12 =	vmul.f32 v12, v12;
	v13 =	vmul.f32 v13, v13  }
0x17c: {  	v28 =	vsub.s32 $0x5F3759DF, v28;
	v57 =	vmul.f32 $5.000000000e-01, v18;
	v14 =	vadd.f32 v34, v14  }
0x17d: {  	v55 =	vmul.f32 v39, v39;
	v58 =	vmul.f32 v28, v28;
	v12 =	vadd.f32 v13, v12  }
0x17e: {  	v20 =	vmul.f32 v26, v19;
	v33 =	vmul.f32 v36, v33;
	v34 =	vshra.s32 v14, $0x1  }
0x17f: {  	v38 =	vmul.f32 v58, v57;
	v34 =	vsub.s32 $0x5F3759DF, v34;
	v12 =	vadd.f32 v55, v12  }
0x180: {  	v13 =	vmul.f32 $5.000000000e-01, v14;
	v56 =	vmul.f32 v34, v34  }
0x181: {  	v27 =	vcvt.s32.f32 v27;
	v26 =	vmul.f32 $5.000000000e-01, v26;
	v60 =	vshra.s32 v12, $0x1  }
0x182: {  	v38 =	vsub.f32 $1.500000000e+00, v38;
	v59 =	vmul.f32 v56, v13;
	v62 =	vsub.s32 $0x5F3759DF, v60  }
0x183: {  	v45 =	vmul.f32 $5.000000000e-01, v12;
	v44 =	vmul.f32 v62, v62  }
0x184: {  	v63 =	vld.idx.msk [tilespmem:v21+s21+$0x0], $0xffff;
	v29 =	vmul.f32 $4.999999690e+02, v29;
	v28 =	vmul.f32 v28, v38  }
0x185: {  	v52 =	vld.idx.msk [tilespmem:v24+s20+$0x0], $0xffff;
	v47 =	vmul.f32 v20, v20;
	v61 =	vsub.f32 $1.500000000e+00, v59;
	v46 =	vmul.f32 v44, v45  }
0x186: {  	v30 =	vadd.f32 v33, v30;
	v53 =	vtrunc.f32 v29;
	v42 =	vmul.f32 v28, v28  }
0x187: {  	v23 =	vsub.f32 v23, v27;
	v33 =	vmul.f32 v34, v61;
	v34 =	vsub.f32 $1.500000000e+00, v46  }
0x188: {  	v30 =	vmul.f32 $4.999999690e+02, v30;
	v19 =	vsub.f32 v19, v47;
	v35 =	vmul.f32 v42, v57  }
0x189: {  	v31 =	vadd.f32 v31, v63;
	v48 =	vmul.f32 v33, v33;
	v34 =	vmul.f32 v62, v34  }
0x18a: {  	v63 =	vmul.f32 v23, v52;
	v41 =	vtrunc.f32 v30;
	v35 =	vsub.f32 $1.500000000e+00, v35  }
0x18b: {  	v13 =	vmul.f32 v48, v13;
	v50 =	vmul.f32 v34, v34  }
0x18c: {  	v19 =	vmul.f32 v19, v26;
	v26 =	vadd.s32 v11, v32;
	v55 =	vld.idx.msk [tilespmem:v21+s22+$0x0], $0xffff;
	v28 =	vmul.f32 v35, v28  }
0x18d: {  	v49 =	vcvt.f32.s32 v41;
	v13 =	vsub.f32 $1.500000000e+00, v13;
	v51 =	vmul.f32 v50, v45  }
0x18e: {  	v9 =	vld.idx.msk [tilespmem:v9+s19+$0x0], $0xffff;
	v31 =	vmul.f32 v31, v25;
	v19 =	vadd.f32 v19, v20;
	v56 =	vmul.f32 v28, v18  }
0x18f: {  	v10 =	vld.idx.msk [tilespmem:v10+s19+$0x0], $0xffff;
	v36 =	vcvt.s32.f32 v49;
	v13 =	vmul.f32 v13, v33;
	v32 =	vsub.f32 $1.500000000e+00, v51  }
0x190: {  	v26 =	vadd.s32 v49, v26;
	v19 =	vmul.f32 $4.999999690e+02, v19;
	v59 =	vmul.f32 v56, v56  }
0x191: {  	v16 =	vld.idx.msk [tilespmem:v16+s19+$0x0], $0xffff;
	v31 =	vadd.f32 v31, v55;
	v54 =	vmul.f32 v13, v14;
	v32 =	vmul.f32 v32, v34  }
0x192: {  	v15 =	vld.idx.msk [tilespmem:v15+s19+$0x0], $0xffff;
	v35 =	vcvt.f32.s32 v53;
	v28 =	vmul.f32 $5.000000000e-01, v28;
	v18 =	vsub.f32 v18, v59  }
0x193: {  	v22 =	vld.idx.msk [tilespmem:v22+s19+$0x0], $0xffff;
	v9 =	vadd.s32 v11, v9;
	v57 =	vmul.f32 v54, v54;
	v60 =	vmul.f32 v32, v12  }
0x194: {  	v58 =	vld.idx.msk [tilespmem:v24+s21+$0x0], $0xffff;
	v10 =	vadd.s32 v11, v10;
	v25 =	vmul.f32 v31, v25;
	v18 =	vmul.f32 v18, v28  }
0x195: {  	v21 =	vld.idx.msk [tilespmem:v21+s23+$0x0], $0xffff;
	v13 =	vmul.f32 $5.000000000e-01, v13;
	v14 =	vsub.f32 v14, v57;
	v62 =	vmul.f32 v60, v60  }
0x196: {  	v61 =	vld.idx.msk [tilespmem:v24+s22+$0x0], $0xffff;
	v31 =	vtrunc.f32 v19;
	v9 =	vadd.s32 v35, v9;
	v18 =	vadd.f32 v18, v56  }
0x197: {  	v20 =	vld.idx.msk [tilespmem:v26+s20+$0x0], $0xffff;
	v13 =	vmul.f32 v14, v13;
	v32 =	vmul.f32 $5.000000000e-01, v32;
	v12 =	vsub.f32 v12, v62  }
0x198: {  	v16 =	vadd.s32 v11, v16;
	v24 =	vld.idx.msk [tilespmem:v24+s23+$0x0], $0xffff;
	v27 =	vcvt.f32.s32 v31;
	v18 =	vmul.f32 $4.999999690e+02, v18  }
0x199: {  	v15 =	vadd.s32 v11, v15;
	v42 =	vld.idx.msk [tilespmem:v26+s22+$0x0], $0xffff;
	v13 =	vadd.f32 v13, v54;
	v12 =	vmul.f32 v12, v32  }
0x19a: {  	v30 =	vsub.f32 v30, v36;
	v10 =	vadd.s32 v27, v10;
	v14 =	vld.idx.msk [tilespmem:v26+s21+$0x0], $0xffff;
	v44 =	vtrunc.f32 v18  }
0x19b: {  	v31 =	vld.idx.msk [tilespmem:v9+s21+$0x0], $0xffff;
	v45 =	vcvt.f32.s32 v44;
	v13 =	vmul.f32 $4.999999690e+02, v13;
	v12 =	vadd.f32 v12, v60  }
0x19c: {  	v11 =	vadd.s32 v11, v22;
	v35 =	vcvt.s32.f32 v35;
	v20 =	vmul.f32 v30, v20;
	v28 =	vld.idx.msk [tilespmem:v9+s20+$0x0], $0xffff  }
0x19d: {  	v46 =	vld.idx.msk [tilespmem:v9+s22+$0x0], $0xffff;
	v15 =	vadd.s32 v45, v15;
	v43 =	vtrunc.f32 v13;
	v12 =	vmul.f32 $4.999999690e+02, v12  }
0x19e: {  	v27 =	vcvt.s32.f32 v27;
	v9 =	vld.idx.msk [tilespmem:v9+s23+$0x0], $0xffff;
	v32 =	vadd.f32 v63, v58;
	v37 =	vcvt.f32.s32 v43  }
0x19f: {  	v29 =	vsub.f32 v29, v35;
	v48 =	vld.idx.msk [tilespmem:v10+s21+$0x0], $0xffff;
	v14 =	vadd.f32 v20, v14;
	v47 =	vtrunc.f32 v12  }
0x1a0: {  	v20 =	vld.idx.msk [tilespmem:v10+s20+$0x0], $0xffff;
	v32 =	vmul.f32 v32, v23;
	v16 =	vadd.s32 v37, v16;
	v39 =	vcvt.f32.s32 v47  }
0x1a1: {  	v21 =	vadd.f32 v25, v21;
	v26 =	vld.idx.msk [tilespmem:v26+s23+$0x0], $0xffff;
	v28 =	vmul.f32 v29, v28;
	v14 =	vmul.f32 v14, v30  }
0x1a2: {  	v19 =	vsub.f32 v19, v27;
	v27 =	vld.idx.msk [tilespmem:v15+s20+$0x0], $0xffff;
	v22 =	vadd.f32 v32, v61;
	v11 =	vadd.s32 v39, v11  }
0x1a3: {  	v28 =	vadd.f32 v28, v31;
	v14 =	vadd.f32 v14, v42;
	v31 =	vld.idx.msk [tilespmem:v15+s21+$0x0], $0xffff  }
0x1a4: {  	v17 =	vadd.f32 v21, v17;
	v21 =	vmul.f32 v22, v23;
	v22 =	vld.idx.msk [tilespmem:v10+s22+$0x0], $0xffff;
	v23 =	vcvt.s32.f32 v45  }
0x1a5: {  	v20 =	vmul.f32 v19, v20;
	v14 =	vmul.f32 v14, v30;
	v25 =	vld.idx.msk [tilespmem:v16+s20+$0x0], $0xffff  }
0x1a6: {  	v21 =	vadd.f32 v21, v24;
	v24 =	vcvt.s32.f32 v37;
	v49 =	vld.idx.msk [tilespmem:v16+s21+$0x0], $0xffff;
	v18 =	vsub.f32 v18, v23  }
0x1a7: {  	v20 =	vadd.f32 v20, v48;
	v14 =	vadd.f32 v14, v26;
	v23 =	vmul.f32 v28, v29;
	v28 =	vld.idx.msk [tilespmem:v11+s20+$0x0], $0xffff  }
0x1a8: {  	v26 =	vld.idx.msk [tilespmem:v15+s22+$0x0], $0xffff;
	v13 =	vsub.f32 v13, v24;
	v24 =	vcvt.s32.f32 v39;
	v27 =	vmul.f32 v18, v27  }
0x1a9: {  	v20 =	vmul.f32 v20, v19;
	v23 =	vadd.f32 v23, v46;
	v30 =	vld.idx.msk [tilespmem:v11+s21+$0x0], $0xffff  }
0x1aa: {  	v10 =	vld.idx.msk [tilespmem:v10+s23+$0x0], $0xffff;
	v27 =	vadd.f32 v27, v31;
	v12 =	vsub.f32 v12, v24;
	v25 =	vmul.f32 v13, v25  }
0x1ab: {  	v14 =	vadd.f32 v14, v17;
	v17 =	vadd.f32 v20, v22;
	v20 =	vld.idx.msk [tilespmem:v16+s22+$0x0], $0xffff;
	v23 =	vmul.f32 v23, v29  }
0x1ac: {  	v15 =	vld.idx.msk [tilespmem:v15+s23+$0x0], $0xffff;
	v22 =	vadd.f32 v25, v49;
	v25 =	vmul.f32 v27, v18;
	v24 =	vmul.f32 v12, v28  }
0x1ad: {  	v14 =	vadd.f32 v21, v14;
	v17 =	vmul.f32 v17, v19;
	v9 =	vadd.f32 v23, v9;
	v27 =	vld.idx.msk [tilespmem:v11+s22+$0x0], $0xffff  }
0x1ae: {  	v19 =	vmul.f32 v22, v13;
	v22 =	vadd.f32 v25, v26;
	v21 =	vadd.f32 v24, v30  }
0x1af: {  	v10 =	vadd.f32 v17, v10;
	v9 =	vadd.f32 v9, v14;
	v14 =	vld.idx.msk [tilespmem:v16+s23+$0x0], $0xffff  }
0x1b0: {  	v16 =	vadd.f32 v19, v20;
	v18 =	vmul.f32 v22, v18;
	v17 =	vmul.f32 v21, v12  }
0x1b1: {  	v9 =	vadd.f32 v10, v9;
	v10 =	vld.idx.msk [tilespmem:v11+s23+$0x0], $0xffff  }
0x1b2: {  	v11 =	vmul.f32 v16, v13;
	v15 =	vadd.f32 v18, v15;
	v13 =	vadd.f32 v17, v27;
	_ =	sdelay $0x1  }
0x1b3: {  	v11 =	vadd.f32 v11, v14;
	v9 =	vadd.f32 v15, v9;
	v12 =	vmul.f32 v13, v12;
	_ =	sdelay $0x1  }
0x1b4: {  	v9 =	vadd.f32 v11, v9;
	v10 =	vadd.f32 v12, v10;
	_ =	sdelay $0x1  }
0x1b5: {  	v9 =	vadd.f32 v10, v9;
	v10 =	vor.u32 $0x2000, v8;
	_ =	sdelay $0x1  }
0x1b6: {  	v9 =	vmul.f32 $5.000000000e-01, v9;
	_ =	sdelay $0x1  }
0x1b7: {  	[tilespmem:$0x19A10] =	vst v9  }
0x1b8: {  	v16 =	vld.idx.msk [tilespmem:v10+s14+$0x0], $0xffff;
	_ =	sdelay $0x5  }
0x1b9: {  	v12 =	vld.idx.msk [tilespmem:v2+s2+$0x0], $0xffff  }
0x1ba: {  	v13 =	vld.idx.msk [tilespmem:v2+s17+$0x0], $0xffff  }
0x1bb: {  	v9 =	vld.idx.msk [tilespmem:v16+s2+$0x0], $0xffff  }
0x1bc: {  	v17 =	vor.u32 $0x2, v10;
	v11 =	vld.idx.msk [tilespmem:v16+s17+$0x0], $0xffff  }
0x1bd: {  	v14 =	vld.idx.msk [tilespmem:v2+s18+$0x0], $0xffff  }
0x1be: {  	v15 =	vld.idx.msk [tilespmem:v16+s18+$0x0], $0xffff;
	_ =	sdelay $0x2  }
0x1bf: {  	v17 =	vld.idx.msk [tilespmem:v17+s14+$0x0], $0xffff;
	v9 =	vsub.f32 v12, v9;
	v11 =	vsub.f32 v13, v11  }
0x1c0: {  	v18 =	vor.u32 $0x1, v10  }
0x1c1: {  	v15 =	vsub.f32 v14, v15;
	v9 =	vmul.f32 v9, v9;
	v11 =	vmul.f32 v11, v11;
	_ =	sdelay $0x1  }
0x1c2: {  	v19 =	vor.u32 $0x3, v10;
	v15 =	vmul.f32 v15, v15;
	v9 =	vadd.f32 v11, v9;
	_ =	sdelay $0x1  }
0x1c3: {  	v11 =	vadd.f32 v15, v9  }
0x1c4: {  	v24 =	vld.idx.msk [tilespmem:v18+s14+$0x0], $0xffff  }
0x1c5: {  	v21 =	vld.idx.msk [tilespmem:v17+s17+$0x0], $0xffff;
	v15 =	vshra.s32 v11, $0x1  }
0x1c6: {  	v9 =	vld.idx.msk [tilespmem:v19+s14+$0x0], $0xffff;
	v15 =	vsub.s32 $0x5F3759DF, v15  }
0x1c7: {  	v19 =	vld.idx.msk [tilespmem:v17+s2+$0x0], $0xffff;
	v20 =	vmul.f32 $5.000000000e-01, v11;
	v18 =	vmul.f32 v15, v15;
	_ =	sdelay $0x1  }
0x1c8: {  	v22 =	vld.idx.msk [tilespmem:v17+s18+$0x0], $0xffff;
	v18 =	vmul.f32 v18, v20;
	_ =	sdelay $0x1  }
0x1c9: {  	v23 =	vsub.f32 $1.500000000e+00, v18  }
0x1ca: {  	v18 =	vadd.s32 $0x4, v10;
	v10 =	vsub.f32 v12, v19;
	v19 =	vsub.f32 v13, v21  }
0x1cb: {  	v21 =	vld.idx.msk [tilespmem:v24+s17+$0x0], $0xffff;
	v15 =	vmul.f32 v15, v23  }
0x1cc: {  	v22 =	vsub.f32 v14, v22;
	v26 =	vld.idx.msk [tilespmem:v9+s2+$0x0], $0xffff;
	v10 =	vmul.f32 v10, v10;
	v19 =	vmul.f32 v19, v19  }
0x1cd: {  	v27 =	vld.idx.msk [tilespmem:v9+s17+$0x0], $0xffff;
	v25 =	vmul.f32 v15, v15  }
0x1ce: {  	v22 =	vmul.f32 v22, v22;
	v23 =	vld.idx.msk [tilespmem:v24+s2+$0x0], $0xffff;
	v19 =	vadd.f32 v19, v10  }
0x1cf: {  	v10 =	vld.idx.msk [tilespmem:v18+s14+$0x0], $0xffff;
	v20 =	vmul.f32 v25, v20  }
0x1d0: {  	v21 =	vsub.f32 v13, v21;
	v25 =	vld.idx.msk [tilespmem:v9+s18+$0x0], $0xffff;
	v22 =	vadd.f32 v22, v19  }
0x1d1: {  	v19 =	vsub.f32 $1.500000000e+00, v20  }
0x1d2: {  	v27 =	vsub.f32 v13, v27;
	v21 =	vmul.f32 v21, v21;
	v20 =	vld.idx.msk [tilespmem:v24+s18+$0x0], $0xffff;
	v28 =	vshra.s32 v22, $0x1  }
0x1d3: {  	v15 =	vmul.f32 v19, v15;
	v19 =	vsub.f32 v12, v26;
	v26 =	vsub.s32 $0x5F3759DF, v28  }
0x1d4: {  	v23 =	vsub.f32 v12, v23;
	v28 =	vmul.f32 $5.000000000e-01, v22;
	v29 =	vmul.f32 v26, v26  }
0x1d5: {  	v27 =	vmul.f32 v27, v27;
	v25 =	vsub.f32 v14, v25;
	v30 =	vmul.f32 v15, v11  }
0x1d6: {  	v19 =	vmul.f32 v19, v19;
	v29 =	vmul.f32 v29, v28  }
0x1d7: {  	v23 =	vmul.f32 v23, v23;
	v20 =	vsub.f32 v14, v20;
	v25 =	vmul.f32 v25, v25;
	v31 =	vld.idx.msk [tilespmem:v10+s2+$0x0], $0xffff  }
0x1d8: {  	v50 =	vmul.f32 v30, v30;
	v19 =	vadd.f32 v27, v19;
	v27 =	vld.idx.msk [tilespmem:v10+s17+$0x0], $0xffff;
	v29 =	vsub.f32 $1.500000000e+00, v29  }
0x1d9: {  	v21 =	vadd.f32 v21, v23;
	v15 =	vmul.f32 $5.000000000e-01, v15;
	v20 =	vmul.f32 v20, v20  }
0x1da: {  	v23 =	vld.idx.msk [tilespmem:v10+s18+$0x0], $0xffff;
	v11 =	vsub.f32 v11, v50;
	v25 =	vadd.f32 v25, v19;
	v19 =	vmul.f32 v26, v29  }
0x1db: {  	v29 =	vadd.f32 v20, v21  }
0x1dc: {  	v11 =	vmul.f32 v11, v15;
	v15 =	vshra.s32 v25, $0x1;
	v20 =	vmul.f32 v19, v19  }
0x1dd: {  	v21 =	vsub.s32 $0x5F3759DF, v15;
	v15 =	vsub.f32 v12, v31;
	v26 =	vsub.f32 v13, v27  }
0x1de: {  	v27 =	vor.u32 $0x1, v18;
	v11 =	vadd.f32 v11, v30;
	v30 =	vmul.f32 $5.000000000e-01, v25  }
0x1df: {  	v23 =	vsub.f32 v14, v23;
	v20 =	vmul.f32 v20, v28;
	v15 =	vmul.f32 v15, v15  }
0x1e0: {  	v26 =	vmul.f32 v26, v26;
	v28 =	vmul.f32 v21, v21  }
0x1e1: {  	v23 =	vmul.f32 v23, v23;
	v31 =	vmul.f32 $4.999999690e+02, v11;
	v20 =	vsub.f32 $1.500000000e+00, v20  }
0x1e2: {  	v11 =	vadd.f32 v26, v15;
	v15 =	vshra.s32 v29, $0x1;
	v26 =	vmul.f32 v28, v30  }
0x1e3: {  	v52 =	vsub.s32 $0x5F3759DF, v15;
	v15 =	vld.idx.msk [tilespmem:v27+s14+$0x0], $0xffff;
	v27 =	vor.u32 $0x2, v18  }
0x1e4: {  	v28 =	vld.idx.msk [tilespmem:v2+s19+$0x0], $0xffff;
	v20 =	vmul.f32 v20, v19;
	v19 =	vadd.f32 v23, v11;
	v11 =	vsub.f32 $1.500000000e+00, v26  }
0x1e5: {  	v51 =	vmul.f32 $5.000000000e-01, v29;
	v53 =	vmul.f32 v52, v52  }
0x1e6: {  	v26 =	vmul.f32 v20, v22;
	v54 =	vshra.s32 v19, $0x1;
	v21 =	vmul.f32 v21, v11  }
0x1e7: {  	v59 =	vld.idx.msk [tilespmem:v16+s19+$0x0], $0xffff;
	v55 =	vmul.f32 $5.000000000e-01, v19;
	v20 =	vmul.f32 $5.000000000e-01, v20;
	v35 =	vsub.s32 $0x5F3759DF, v54  }
0x1e8: {  	v56 =	vmul.f32 v26, v26;
	v57 =	vmul.f32 v35, v35;
	v16 =	vld.idx.msk [tilespmem:v27+s14+$0x0], $0xffff  }
0x1e9: {  	v11 =	vshll.u32 v28, $0x2;
	v28 =	vmul.f32 v53, v51;
	v58 =	vmul.f32 v21, v21  }
0x1ea: {  	v27 =	vor.u32 $0x3, v18;
	v38 =	vmul.f32 v57, v55;
	v22 =	vsub.f32 v22, v56  }
0x1eb: {  	v60 =	vld.idx.msk [tilespmem:v17+s19+$0x0], $0xffff;
	v23 =	vtrunc.f32 v31;
	v28 =	vsub.f32 $1.500000000e+00, v28;
	v30 =	vmul.f32 v58, v30  }
0x1ec: {  	v23 =	vcvt.f32.s32 v23;
	v62 =	vld.idx.msk [tilespmem:v15+s18+$0x0], $0xffff;
	v61 =	vsub.f32 $1.500000000e+00, v38;
	v20 =	vmul.f32 v22, v20  }
0x1ed: {  	v17 =	vimm.f32 $0.0e+00;
	v28 =	vmul.f32 v52, v28;
	v47 =	vld.idx.msk [tilespmem:v15+s2+$0x0], $0xffff;
	v22 =	vsub.f32 $1.500000000e+00, v30  }
0x1ee: {  	v63 =	vcvt.s32.f32 v23;
	v30 =	vld.idx.msk [tilespmem:v15+s17+$0x0], $0xffff;
	v35 =	vmul.f32 v35, v61;
	v20 =	vadd.f32 v20, v26  }
0x1ef: {  	v48 =	vmul.f32 v28, v28;
	v26 =	vadd.s32 v11, v59;
	v49 =	vmul.f32 v22, v21;
	v22 =	vld.idx.msk [tilespmem:v27+s14+$0x0], $0xffff  }
0x1f0: {  	v21 =	vadd.s32 v23, v26;
	v26 =	vmul.f32 v35, v35;
	v23 =	vmul.f32 $4.999999690e+02, v20;
	v54 =	vld.idx.msk [tilespmem:v16+s18+$0x0], $0xffff  }
0x1f1: {  	v50 =	vadd.s32 v11, v60;
	v20 =	vmul.f32 v48, v51;
	v51 =	vmul.f32 v49, v25;
	v56 =	vld.idx.msk [tilespmem:v16+s2+$0x0], $0xffff  }
0x1f2: {  	v52 =	vsub.f32 v14, v62;
	v53 =	vmul.f32 $5.000000000e-01, v49;
	v33 =	vsub.f32 v12, v47;
	v43 =	vld.idx.msk [tilespmem:v16+s17+$0x0], $0xffff  }
0x1f3: {  	v30 =	vsub.f32 v13, v30;
	v27 =	vtrunc.f32 v23;
	v26 =	vmul.f32 v26, v55  }
0x1f4: {  	v55 =	vsub.f32 $1.500000000e+00, v20;
	v57 =	vmul.f32 v51, v51;
	v58 =	vmul.f32 v52, v52  }
0x1f5: {  	v20 =	vadd.s32 $0x4, v18;
	v27 =	vcvt.f32.s32 v27;
	v44 =	vmul.f32 v30, v30  }
0x1f6: {  	v32 =	vld.idx.msk [tilespmem:v24+s19+$0x0], $0xffff;
	v18 =	vmul.f32 v55, v28;
	v26 =	vsub.f32 $1.500000000e+00, v26;
	v60 =	vsub.f32 v14, v54  }
0x1f7: {  	v28 =	vmul.f32 v33, v33;
	v45 =	vld.idx.msk [tilespmem:v21+s20+$0x0], $0xffff;
	v61 =	vsub.f32 v12, v56;
	v62 =	vsub.f32 v13, v43  }
0x1f8: {  	v24 =	vadd.s32 v27, v50;
	v30 =	vmul.f32 v18, v29;
	v33 =	vmul.f32 $5.000000000e-01, v18;
	v59 =	vld.idx.msk [tilespmem:v22+s18+$0x0], $0xffff  }
0x1f9: {  	v18 =	vsub.f32 v25, v57;
	v26 =	vmul.f32 v26, v35;
	v28 =	vadd.f32 v44, v28  }
0x1fa: {  	v25 =	vsub.f32 v31, v63;
	v35 =	vld.idx.msk [tilespmem:v22+s2+$0x0], $0xffff;
	v34 =	vmul.f32 v60, v60;
	v31 =	vmul.f32 v30, v30  }
0x1fb: {  	v38 =	vmul.f32 v61, v61;
	v63 =	vmul.f32 v18, v53;
	v18 =	vadd.f32 v58, v28  }
0x1fc: {  	v37 =	vld.idx.msk [tilespmem:v22+s17+$0x0], $0xffff;
	v40 =	vmul.f32 v62, v62;
	v36 =	vsub.f32 v29, v31;
	v31 =	vmul.f32 v25, v45  }
0x1fd: {  	s29 =	simm.s32 $0x4;
	v29 =	vadd.f32 v63, v51;
	v28 =	vshra.s32 v18, $0x1;
	v39 =	vsub.f32 v14, v59  }
.LBB2_6:
0x1fe: {  	v41 =	vld.idx.msk [tilespmem:v20+s14+$0x0], $0xffff;
	s29 =	sadd.s32 $0x4, s29;
	v42 =	vmul.f32 v26, v19;
	v38 =	vadd.f32 v40, v38;
	v33 =	vmul.f32 v36, v33  }
0x1ff: {  	v35 =	vsub.f32 v12, v35;
	v40 =	vcvt.s32.f32 v27;
	p0 =	slt.u32 s29, $0xFC;
	v36 =	vmul.f32 v39, v39;
	v39 =	vld.idx.msk [tilespmem:v21+s21+$0x0], $0xffff  }
0x200: {  	v43 =	vmul.f32 v42, v42;
	v27 =	vadd.f32 v34, v38;
	v30 =	vadd.f32 v33, v30  }
0x201: {  	v33 =	vsub.f32 v13, v37;
	v34 =	vmul.f32 v35, v35  }
0x202: {  	v35 =	vshra.s32 v27, $0x1;
	v37 =	vmul.f32 $5.000000000e-01, v27;
	v30 =	vmul.f32 $4.999999690e+02, v30;
	v38 =	vld.idx.msk [tilespmem:v24+s20+$0x0], $0xffff  }
0x203: {  	v33 =	vmul.f32 v33, v33;
	v32 =	vadd.s32 v11, v32;
	v35 =	vsub.s32 $0x5F3759DF, v35;
	v44 =	vld.idx.msk [tilespmem:v9+s19+$0x0], $0xffff;
	v9 =	vmovc v22  }
0x204: {  	v23 =	vsub.f32 v23, v40;
	v22 =	vld.idx.msk [tilespmem:v10+s19+$0x0], $0xffff;
	v45 =	vmul.f32 v35, v35;
	v46 =	vtrunc.f32 v30;
	v10 =	vmovc v41  }
0x205: {  	v40 =	vmul.f32 $5.000000000e-01, v26;
	v26 =	vadd.f32 v33, v34;
	v31 =	vadd.f32 v31, v39;
	v33 =	vld.idx.msk [tilespmem:v21+s22+$0x0], $0xffff  }
0x206: {  	v19 =	vsub.f32 v19, v43;
	v43 =	vcvt.f32.s32 v46;
	v34 =	vld.idx.msk [tilespmem:v41+s2+$0x0], $0xffff;
	v39 =	vmul.f32 v45, v37  }
0x207: {  	v29 =	vmul.f32 $4.999999690e+02, v29;
	v26 =	vadd.f32 v36, v26;
	v31 =	vmul.f32 v31, v25;
	v45 =	vld.idx.msk [tilespmem:v41+s17+$0x0], $0xffff  }
0x208: {  	v19 =	vmul.f32 v19, v40;
	v32 =	vadd.s32 v43, v32;
	v36 =	vld.idx.msk [tilespmem:v41+s18+$0x0], $0xffff;
	v39 =	vsub.f32 $1.500000000e+00, v39  }
0x209: {  	v46 =	vtrunc.f32 v29;
	v40 =	vshra.s32 v26, $0x1;
	v41 =	vcvt.s32.f32 v43;
	v43 =	vld.idx.msk [tilespmem:v24+s21+$0x0], $0xffff  }
0x20a: {  	v35 =	vmul.f32 v35, v39;
	v39 =	vsub.s32 $0x5F3759DF, v40;
	v21 =	vld.idx.msk [tilespmem:v21+s23+$0x0], $0xffff;
	v40 =	vcvt.f32.s32 v46  }
0x20b: {  	v19 =	vadd.f32 v19, v42;
	v31 =	vadd.f32 v31, v33;
	v33 =	vadd.s32 v11, v44  }
0x20c: {  	v34 =	vsub.f32 v12, v34;
	v42 =	vmul.f32 v35, v35;
	v33 =	vadd.s32 v40, v33  }
0x20d: {  	v38 =	vmul.f32 v23, v38;
	v22 =	vadd.s32 v11, v22;
	v25 =	vmul.f32 v31, v25;
	v31 =	vld.idx.msk [tilespmem:v32+s20+$0x0], $0xffff  }
0x20e: {  	v44 =	vmul.f32 v39, v39;
	v36 =	vsub.f32 v14, v36;
	v34 =	vmul.f32 v34, v34;
	v46 =	vld.idx.msk [tilespmem:v24+s22+$0x0], $0xffff  }
0x20f: {  	v40 =	vcvt.s32.f32 v40;
	v37 =	vmul.f32 v42, v37;
	v38 =	vadd.f32 v38, v43;
	v42 =	vld.idx.msk [tilespmem:v32+s21+$0x0], $0xffff  }
0x210: {  	v43 =	vmul.f32 $5.000000000e-01, v26;
	v36 =	vmul.f32 v36, v36;
	v21 =	vadd.f32 v25, v21  }
0x211: {  	v30 =	vsub.f32 v30, v41;
	v45 =	vsub.f32 v13, v45;
	v38 =	vmul.f32 v38, v23;
	v41 =	vld.idx.msk [tilespmem:v33+s20+$0x0], $0xffff  }
0x212: {  	v47 =	vmul.f32 $5.000000000e-01, v18;
	v25 =	vmul.f32 $4.999999690e+02, v19;
	v19 =	vsub.f32 $1.500000000e+00, v37  }
0x213: {  	v37 =	vor.u32 $0x1, v20;
	v44 =	vmul.f32 v44, v43;
	v31 =	vmul.f32 v30, v31;
	v48 =	vld.idx.msk [tilespmem:v33+s21+$0x0], $0xffff  }
0x214: {  	v28 =	vsub.s32 $0x5F3759DF, v28;
	v45 =	vmul.f32 v45, v45;
	v38 =	vadd.f32 v38, v46  }
0x215: {  	v29 =	vsub.f32 v29, v40;
	v35 =	vmul.f32 v19, v35;
	v31 =	vadd.f32 v31, v42  }
0x216: {  	v17 =	vadd.f32 v21, v17;
	v19 =	vadd.f32 v45, v34;
	v23 =	vmul.f32 v38, v23;
	v21 =	vld.idx.msk [tilespmem:v32+s22+$0x0], $0xffff  }
0x217: {  	v34 =	vtrunc.f32 v25;
	v38 =	vsub.f32 $1.500000000e+00, v44;
	v40 =	vmul.f32 v29, v41;
	v24 =	vld.idx.msk [tilespmem:v24+s23+$0x0], $0xffff  }
0x218: {  	v19 =	vadd.f32 v36, v19;
	v36 =	vmul.f32 v35, v27;
	v31 =	vmul.f32 v31, v30;
	v41 =	vld.idx.msk [tilespmem:v37+s14+$0x0], $0xffff  }
0x219: {  	v42 =	vmul.f32 v28, v28;
	v38 =	vmul.f32 v39, v38;
	v37 =	vor.u32 $0x2, v20;
	v39 =	vld.idx.msk [tilespmem:v33+s22+$0x0], $0xffff  }
0x21a: {  	v44 =	vshra.s32 v19, $0x1;
	v45 =	vmul.f32 $5.000000000e-01, v19;
	v40 =	vadd.f32 v40, v48  }
0x21b: {  	v42 =	vmul.f32 v42, v47;
	v46 =	vmul.f32 v36, v36;
	v44 =	vsub.s32 $0x5F3759DF, v44;
	v32 =	vld.idx.msk [tilespmem:v32+s23+$0x0], $0xffff  }
0x21c: {  	v48 =	vmul.f32 v44, v44;
	v49 =	vmul.f32 v38, v38;
	v21 =	vadd.f32 v31, v21  }
0x21d: {  	v31 =	vcvt.f32.s32 v34;
	v24 =	vadd.f32 v23, v24;
	v23 =	vld.idx.msk [tilespmem:v33+s23+$0x0], $0xffff;
	v33 =	vmul.f32 v40, v29  }
0x21e: {  	v27 =	vsub.f32 v27, v46;
	v34 =	vmul.f32 v48, v45;
	v30 =	vmul.f32 v21, v30;
	v37 =	vld.idx.msk [tilespmem:v37+s14+$0x0], $0xffff  }
0x21f: {  	v40 =	vcvt.s32.f32 v31;
	v21 =	vadd.s32 v31, v22;
	v31 =	vld.idx.msk [tilespmem:v16+s19+$0x0], $0xffff;
	v16 =	vadd.f32 v33, v39  }
0x220: {  	v35 =	vmul.f32 $5.000000000e-01, v35;
	v22 =	vor.u32 $0x3, v20;
	v39 =	vsub.f32 $1.500000000e+00, v42;
	v33 =	vld.idx.msk [tilespmem:v41+s18+$0x0], $0xffff  }
0x221: {  	v34 =	vsub.f32 $1.500000000e+00, v34;
	v42 =	vmul.f32 v49, v43;
	v43 =	vmul.f32 v16, v29  }
0x222: {  	v27 =	vmul.f32 v27, v35;
	v30 =	vadd.f32 v30, v32;
	v28 =	vmul.f32 v28, v39;
	v29 =	vld.idx.msk [tilespmem:v41+s17+$0x0], $0xffff  }
0x223: {  	v32 =	vmul.f32 v44, v34;
	v34 =	vsub.f32 $1.500000000e+00, v42;
	v35 =	vadd.f32 v43, v23;
	v16 =	vmovc v37  }
0x224: {  	v17 =	vadd.f32 v30, v17;
	v42 =	vmul.f32 v28, v28;
	v23 =	vadd.f32 v27, v36;
	v39 =	vld.idx.msk [tilespmem:v41+s2+$0x0], $0xffff  }
0x225: {  	v27 =	vmul.f32 v34, v38;
	v43 =	vadd.s32 v11, v31;
	v22 =	vld.idx.msk [tilespmem:v22+s14+$0x0], $0xffff  }
0x226: {  	v30 =	vmul.f32 v32, v32;
	v17 =	vadd.f32 v24, v17;
	v23 =	vmul.f32 $4.999999690e+02, v23;
	v31 =	vld.idx.msk [tilespmem:v37+s18+$0x0], $0xffff  }
0x227: {  	v24 =	vsub.f32 v14, v33;
	v33 =	vmul.f32 v42, v47;
	v42 =	vmul.f32 v27, v26;
	v34 =	vld.idx.msk [tilespmem:v37+s2+$0x0], $0xffff  }
0x228: {  	v17 =	vadd.f32 v35, v17;
	v36 =	vtrunc.f32 v23;
	v37 =	vmul.f32 $5.000000000e-01, v27  }
0x229: {  	v30 =	vmul.f32 v30, v45;
	v29 =	vsub.f32 v13, v29;
	v33 =	vsub.f32 $1.500000000e+00, v33;
	v38 =	vld.idx.msk [tilespmem:v16+s17+$0x0], $0xffff  }
0x22a: {  	v27 =	vcvt.f32.s32 v36;
	v36 =	vmul.f32 v42, v42;
	v35 =	vsub.f32 v12, v39  }
0x22b: {  	v20 =	vadd.s32 $0x4, v20;
	v29 =	vmul.f32 v29, v29;
	v28 =	vmul.f32 v33, v28  }
0x22c: {  	v24 =	vmul.f32 v24, v24;
	v39 =	vsub.f32 $1.500000000e+00, v30;
	v35 =	vmul.f32 v35, v35;
	v44 =	vld.idx.msk [tilespmem:v21+s20+$0x0], $0xffff  }
0x22d: {  	v30 =	vmul.f32 v28, v18;
	v33 =	vmul.f32 $5.000000000e-01, v28;
	v28 =	vsub.f32 v26, v36;
	v45 =	vld.idx.msk [tilespmem:v22+s18+$0x0], $0xffff  }
0x22e: {  	v26 =	vmul.f32 v39, v32;
	v31 =	vsub.f32 v14, v31;
	v29 =	vadd.f32 v29, v35;
	v35 =	vld.idx.msk [tilespmem:v22+s2+$0x0], $0xffff  }
.Ltmp2:
0x22f: {  	v25 =	vsub.f32 v25, v40;
	v32 =	vsub.f32 v12, v34;
	v36 =	vmul.f32 v30, v30;
	(pc) =	sbr.rel @p0 .LBB2_6-.Ltmp2, $4  }
0x230: {  	v34 =	vmul.f32 v31, v31;
	v28 =	vmul.f32 v28, v37;
	v39 =	vsub.f32 v13, v38  }
0x231: {  	v38 =	vmul.f32 v32, v32;
	v36 =	vsub.f32 v18, v36;
	v18 =	vadd.f32 v24, v29;
	v37 =	vld.idx.msk [tilespmem:v22+s17+$0x0], $0xffff  }
0x232: {  	v29 =	vadd.f32 v28, v42;
	v40 =	vmul.f32 v39, v39;
	v31 =	vmul.f32 v25, v44  }
0x233: {  	v24 =	vadd.s32 v27, v43;
	v28 =	vshra.s32 v18, $0x1;
	v39 =	vsub.f32 v14, v45;
	v32 =	vld.idx.msk [tilespmem:v15+s19+$0x0], $0xffff;
	v15 =	vmovc v41  }
0x234: {  	_ =	sdelay $0x1  }
0x235: {  	v12 =	vsub.f32 v12, v35;
	v13 =	vsub.f32 v13, v37  }
0x236: {  	v14 =	vadd.f32 v40, v38  }
0x237: {  	v12 =	vmul.f32 v12, v12;
	v13 =	vmul.f32 v13, v13  }
0x238: {  	v28 =	vsub.s32 $0x5F3759DF, v28;
	v57 =	vmul.f32 $5.000000000e-01, v18;
	v14 =	vadd.f32 v34, v14  }
0x239: {  	v55 =	vmul.f32 v39, v39;
	v58 =	vmul.f32 v28, v28;
	v12 =	vadd.f32 v13, v12  }
0x23a: {  	v20 =	vmul.f32 v26, v19;
	v33 =	vmul.f32 v36, v33;
	v34 =	vshra.s32 v14, $0x1  }
0x23b: {  	v38 =	vmul.f32 v58, v57;
	v34 =	vsub.s32 $0x5F3759DF, v34;
	v12 =	vadd.f32 v55, v12  }
0x23c: {  	v13 =	vmul.f32 $5.000000000e-01, v14;
	v56 =	vmul.f32 v34, v34  }
0x23d: {  	v27 =	vcvt.s32.f32 v27;
	v26 =	vmul.f32 $5.000000000e-01, v26;
	v60 =	vshra.s32 v12, $0x1  }
0x23e: {  	v38 =	vsub.f32 $1.500000000e+00, v38;
	v59 =	vmul.f32 v56, v13;
	v62 =	vsub.s32 $0x5F3759DF, v60  }
0x23f: {  	v45 =	vmul.f32 $5.000000000e-01, v12;
	v44 =	vmul.f32 v62, v62  }
0x240: {  	v63 =	vld.idx.msk [tilespmem:v21+s21+$0x0], $0xffff;
	v29 =	vmul.f32 $4.999999690e+02, v29;
	v28 =	vmul.f32 v28, v38  }
0x241: {  	v52 =	vld.idx.msk [tilespmem:v24+s20+$0x0], $0xffff;
	v47 =	vmul.f32 v20, v20;
	v61 =	vsub.f32 $1.500000000e+00, v59;
	v46 =	vmul.f32 v44, v45  }
0x242: {  	v30 =	vadd.f32 v33, v30;
	v53 =	vtrunc.f32 v29;
	v42 =	vmul.f32 v28, v28  }
0x243: {  	v23 =	vsub.f32 v23, v27;
	v33 =	vmul.f32 v34, v61;
	v34 =	vsub.f32 $1.500000000e+00, v46  }
0x244: {  	v30 =	vmul.f32 $4.999999690e+02, v30;
	v19 =	vsub.f32 v19, v47;
	v35 =	vmul.f32 v42, v57  }
0x245: {  	v31 =	vadd.f32 v31, v63;
	v48 =	vmul.f32 v33, v33;
	v34 =	vmul.f32 v62, v34  }
0x246: {  	v63 =	vmul.f32 v23, v52;
	v41 =	vtrunc.f32 v30;
	v35 =	vsub.f32 $1.500000000e+00, v35  }
0x247: {  	v13 =	vmul.f32 v48, v13;
	v50 =	vmul.f32 v34, v34  }
0x248: {  	v19 =	vmul.f32 v19, v26;
	v26 =	vadd.s32 v11, v32;
	v55 =	vld.idx.msk [tilespmem:v21+s22+$0x0], $0xffff;
	v28 =	vmul.f32 v35, v28  }
0x249: {  	v49 =	vcvt.f32.s32 v41;
	v13 =	vsub.f32 $1.500000000e+00, v13;
	v51 =	vmul.f32 v50, v45  }
0x24a: {  	v9 =	vld.idx.msk [tilespmem:v9+s19+$0x0], $0xffff;
	v31 =	vmul.f32 v31, v25;
	v19 =	vadd.f32 v19, v20;
	v56 =	vmul.f32 v28, v18  }
0x24b: {  	v10 =	vld.idx.msk [tilespmem:v10+s19+$0x0], $0xffff;
	v36 =	vcvt.s32.f32 v49;
	v13 =	vmul.f32 v13, v33;
	v32 =	vsub.f32 $1.500000000e+00, v51  }
0x24c: {  	v26 =	vadd.s32 v49, v26;
	v19 =	vmul.f32 $4.999999690e+02, v19;
	v59 =	vmul.f32 v56, v56  }
0x24d: {  	v16 =	vld.idx.msk [tilespmem:v16+s19+$0x0], $0xffff;
	v31 =	vadd.f32 v31, v55;
	v54 =	vmul.f32 v13, v14;
	v32 =	vmul.f32 v32, v34  }
0x24e: {  	v15 =	vld.idx.msk [tilespmem:v15+s19+$0x0], $0xffff;
	v35 =	vcvt.f32.s32 v53;
	v28 =	vmul.f32 $5.000000000e-01, v28;
	v18 =	vsub.f32 v18, v59  }
0x24f: {  	v22 =	vld.idx.msk [tilespmem:v22+s19+$0x0], $0xffff;
	v9 =	vadd.s32 v11, v9;
	v57 =	vmul.f32 v54, v54;
	v60 =	vmul.f32 v32, v12  }
0x250: {  	v58 =	vld.idx.msk [tilespmem:v24+s21+$0x0], $0xffff;
	v10 =	vadd.s32 v11, v10;
	v25 =	vmul.f32 v31, v25;
	v18 =	vmul.f32 v18, v28  }
0x251: {  	v21 =	vld.idx.msk [tilespmem:v21+s23+$0x0], $0xffff;
	v13 =	vmul.f32 $5.000000000e-01, v13;
	v14 =	vsub.f32 v14, v57;
	v62 =	vmul.f32 v60, v60  }
0x252: {  	v61 =	vld.idx.msk [tilespmem:v24+s22+$0x0], $0xffff;
	v31 =	vtrunc.f32 v19;
	v9 =	vadd.s32 v35, v9;
	v18 =	vadd.f32 v18, v56  }
0x253: {  	v20 =	vld.idx.msk [tilespmem:v26+s20+$0x0], $0xffff;
	v13 =	vmul.f32 v14, v13;
	v32 =	vmul.f32 $5.000000000e-01, v32;
	v12 =	vsub.f32 v12, v62  }
0x254: {  	v16 =	vadd.s32 v11, v16;
	v24 =	vld.idx.msk [tilespmem:v24+s23+$0x0], $0xffff;
	v27 =	vcvt.f32.s32 v31;
	v18 =	vmul.f32 $4.999999690e+02, v18  }
0x255: {  	v15 =	vadd.s32 v11, v15;
	v42 =	vld.idx.msk [tilespmem:v26+s22+$0x0], $0xffff;
	v13 =	vadd.f32 v13, v54;
	v12 =	vmul.f32 v12, v32  }
0x256: {  	v30 =	vsub.f32 v30, v36;
	v10 =	vadd.s32 v27, v10;
	v14 =	vld.idx.msk [tilespmem:v26+s21+$0x0], $0xffff;
	v44 =	vtrunc.f32 v18  }
0x257: {  	v31 =	vld.idx.msk [tilespmem:v9+s21+$0x0], $0xffff;
	v45 =	vcvt.f32.s32 v44;
	v13 =	vmul.f32 $4.999999690e+02, v13;
	v12 =	vadd.f32 v12, v60  }
0x258: {  	v11 =	vadd.s32 v11, v22;
	v35 =	vcvt.s32.f32 v35;
	v20 =	vmul.f32 v30, v20;
	v28 =	vld.idx.msk [tilespmem:v9+s20+$0x0], $0xffff  }
0x259: {  	v46 =	vld.idx.msk [tilespmem:v9+s22+$0x0], $0xffff;
	v15 =	vadd.s32 v45, v15;
	v43 =	vtrunc.f32 v13;
	v12 =	vmul.f32 $4.999999690e+02, v12  }
0x25a: {  	v27 =	vcvt.s32.f32 v27;
	v9 =	vld.idx.msk [tilespmem:v9+s23+$0x0], $0xffff;
	v32 =	vadd.f32 v63, v58;
	v37 =	vcvt.f32.s32 v43  }
0x25b: {  	v29 =	vsub.f32 v29, v35;
	v48 =	vld.idx.msk [tilespmem:v10+s21+$0x0], $0xffff;
	v14 =	vadd.f32 v20, v14;
	v47 =	vtrunc.f32 v12  }
0x25c: {  	v20 =	vld.idx.msk [tilespmem:v10+s20+$0x0], $0xffff;
	v32 =	vmul.f32 v32, v23;
	v16 =	vadd.s32 v37, v16;
	v39 =	vcvt.f32.s32 v47  }
0x25d: {  	v21 =	vadd.f32 v25, v21;
	v26 =	vld.idx.msk [tilespmem:v26+s23+$0x0], $0xffff;
	v28 =	vmul.f32 v29, v28;
	v14 =	vmul.f32 v14, v30  }
0x25e: {  	v19 =	vsub.f32 v19, v27;
	v27 =	vld.idx.msk [tilespmem:v15+s20+$0x0], $0xffff;
	v22 =	vadd.f32 v32, v61;
	v11 =	vadd.s32 v39, v11  }
0x25f: {  	v28 =	vadd.f32 v28, v31;
	v14 =	vadd.f32 v14, v42;
	v31 =	vld.idx.msk [tilespmem:v15+s21+$0x0], $0xffff  }
0x260: {  	v17 =	vadd.f32 v21, v17;
	v21 =	vmul.f32 v22, v23;
	v22 =	vld.idx.msk [tilespmem:v10+s22+$0x0], $0xffff;
	v23 =	vcvt.s32.f32 v45  }
0x261: {  	v20 =	vmul.f32 v19, v20;
	v14 =	vmul.f32 v14, v30;
	v25 =	vld.idx.msk [tilespmem:v16+s20+$0x0], $0xffff  }
0x262: {  	v21 =	vadd.f32 v21, v24;
	v24 =	vcvt.s32.f32 v37;
	v49 =	vld.idx.msk [tilespmem:v16+s21+$0x0], $0xffff;
	v18 =	vsub.f32 v18, v23  }
0x263: {  	v20 =	vadd.f32 v20, v48;
	v14 =	vadd.f32 v14, v26;
	v23 =	vmul.f32 v28, v29;
	v28 =	vld.idx.msk [tilespmem:v11+s20+$0x0], $0xffff  }
0x264: {  	v26 =	vld.idx.msk [tilespmem:v15+s22+$0x0], $0xffff;
	v13 =	vsub.f32 v13, v24;
	v24 =	vcvt.s32.f32 v39;
	v27 =	vmul.f32 v18, v27  }
0x265: {  	v20 =	vmul.f32 v20, v19;
	v23 =	vadd.f32 v23, v46;
	v30 =	vld.idx.msk [tilespmem:v11+s21+$0x0], $0xffff  }
0x266: {  	v10 =	vld.idx.msk [tilespmem:v10+s23+$0x0], $0xffff;
	v27 =	vadd.f32 v27, v31;
	v12 =	vsub.f32 v12, v24;
	v25 =	vmul.f32 v13, v25  }
0x267: {  	v14 =	vadd.f32 v14, v17;
	v17 =	vadd.f32 v20, v22;
	v20 =	vld.idx.msk [tilespmem:v16+s22+$0x0], $0xffff;
	v23 =	vmul.f32 v23, v29  }
0x268: {  	v15 =	vld.idx.msk [tilespmem:v15+s23+$0x0], $0xffff;
	v22 =	vadd.f32 v25, v49;
	v25 =	vmul.f32 v27, v18;
	v24 =	vmul.f32 v12, v28  }
0x269: {  	v14 =	vadd.f32 v21, v14;
	v17 =	vmul.f32 v17, v19;
	v9 =	vadd.f32 v23, v9;
	v27 =	vld.idx.msk [tilespmem:v11+s22+$0x0], $0xffff  }
0x26a: {  	v19 =	vmul.f32 v22, v13;
	v22 =	vadd.f32 v25, v26;
	v21 =	vadd.f32 v24, v30  }
0x26b: {  	v10 =	vadd.f32 v17, v10;
	v9 =	vadd.f32 v9, v14;
	v14 =	vld.idx.msk [tilespmem:v16+s23+$0x0], $0xffff  }
0x26c: {  	v16 =	vadd.f32 v19, v20;
	v18 =	vmul.f32 v22, v18;
	v17 =	vmul.f32 v21, v12  }
0x26d: {  	v9 =	vadd.f32 v10, v9;
	v10 =	vld.idx.msk [tilespmem:v11+s23+$0x0], $0xffff  }
0x26e: {  	v11 =	vmul.f32 v16, v13;
	v15 =	vadd.f32 v18, v15;
	v13 =	vadd.f32 v17, v27;
	_ =	sdelay $0x1  }
0x26f: {  	v11 =	vadd.f32 v11, v14;
	v9 =	vadd.f32 v15, v9;
	v12 =	vmul.f32 v13, v12;
	_ =	sdelay $0x1  }
0x270: {  	v9 =	vadd.f32 v11, v9;
	v10 =	vadd.f32 v12, v10;
	_ =	sdelay $0x1  }
0x271: {  	v9 =	vadd.f32 v10, v9;
	v10 =	vor.u32 $0x3000, v8;
	_ =	sdelay $0x1  }
0x272: {  	v9 =	vmul.f32 $5.000000000e-01, v9;
	_ =	sdelay $0x1  }
0x273: {  	[tilespmem:$0x19A20] =	vst v9  }
0x274: {  	v16 =	vld.idx.msk [tilespmem:v10+s14+$0x0], $0xffff;
	_ =	sdelay $0x5  }
0x275: {  	v12 =	vld.idx.msk [tilespmem:v3+s2+$0x0], $0xffff  }
0x276: {  	v13 =	vld.idx.msk [tilespmem:v3+s17+$0x0], $0xffff  }
0x277: {  	v9 =	vld.idx.msk [tilespmem:v16+s2+$0x0], $0xffff  }
0x278: {  	v17 =	vor.u32 $0x2, v10;
	v11 =	vld.idx.msk [tilespmem:v16+s17+$0x0], $0xffff  }
0x279: {  	v14 =	vld.idx.msk [tilespmem:v3+s18+$0x0], $0xffff  }
0x27a: {  	v15 =	vld.idx.msk [tilespmem:v16+s18+$0x0], $0xffff;
	_ =	sdelay $0x2  }
0x27b: {  	v17 =	vld.idx.msk [tilespmem:v17+s14+$0x0], $0xffff;
	v9 =	vsub.f32 v12, v9;
	v11 =	vsub.f32 v13, v11  }
0x27c: {  	v18 =	vor.u32 $0x1, v10  }
0x27d: {  	v15 =	vsub.f32 v14, v15;
	v9 =	vmul.f32 v9, v9;
	v11 =	vmul.f32 v11, v11;
	_ =	sdelay $0x1  }
0x27e: {  	v19 =	vor.u32 $0x3, v10;
	v15 =	vmul.f32 v15, v15;
	v9 =	vadd.f32 v11, v9;
	_ =	sdelay $0x1  }
0x27f: {  	v11 =	vadd.f32 v15, v9  }
0x280: {  	v24 =	vld.idx.msk [tilespmem:v18+s14+$0x0], $0xffff  }
0x281: {  	v21 =	vld.idx.msk [tilespmem:v17+s17+$0x0], $0xffff;
	v15 =	vshra.s32 v11, $0x1  }
0x282: {  	v9 =	vld.idx.msk [tilespmem:v19+s14+$0x0], $0xffff;
	v15 =	vsub.s32 $0x5F3759DF, v15  }
0x283: {  	v19 =	vld.idx.msk [tilespmem:v17+s2+$0x0], $0xffff;
	v20 =	vmul.f32 $5.000000000e-01, v11;
	v18 =	vmul.f32 v15, v15;
	_ =	sdelay $0x1  }
0x284: {  	v22 =	vld.idx.msk [tilespmem:v17+s18+$0x0], $0xffff;
	v18 =	vmul.f32 v18, v20;
	_ =	sdelay $0x1  }
0x285: {  	v23 =	vsub.f32 $1.500000000e+00, v18  }
0x286: {  	v18 =	vadd.s32 $0x4, v10;
	v10 =	vsub.f32 v12, v19;
	v19 =	vsub.f32 v13, v21  }
0x287: {  	v21 =	vld.idx.msk [tilespmem:v24+s17+$0x0], $0xffff;
	v15 =	vmul.f32 v15, v23  }
0x288: {  	v22 =	vsub.f32 v14, v22;
	v26 =	vld.idx.msk [tilespmem:v9+s2+$0x0], $0xffff;
	v10 =	vmul.f32 v10, v10;
	v19 =	vmul.f32 v19, v19  }
0x289: {  	v27 =	vld.idx.msk [tilespmem:v9+s17+$0x0], $0xffff;
	v25 =	vmul.f32 v15, v15  }
0x28a: {  	v22 =	vmul.f32 v22, v22;
	v23 =	vld.idx.msk [tilespmem:v24+s2+$0x0], $0xffff;
	v19 =	vadd.f32 v19, v10  }
0x28b: {  	v10 =	vld.idx.msk [tilespmem:v18+s14+$0x0], $0xffff;
	v20 =	vmul.f32 v25, v20  }
0x28c: {  	v21 =	vsub.f32 v13, v21;
	v25 =	vld.idx.msk [tilespmem:v9+s18+$0x0], $0xffff;
	v22 =	vadd.f32 v22, v19  }
0x28d: {  	v19 =	vsub.f32 $1.500000000e+00, v20  }
0x28e: {  	v27 =	vsub.f32 v13, v27;
	v21 =	vmul.f32 v21, v21;
	v20 =	vld.idx.msk [tilespmem:v24+s18+$0x0], $0xffff;
	v28 =	vshra.s32 v22, $0x1  }
0x28f: {  	v15 =	vmul.f32 v19, v15;
	v19 =	vsub.f32 v12, v26;
	v26 =	vsub.s32 $0x5F3759DF, v28  }
0x290: {  	v23 =	vsub.f32 v12, v23;
	v28 =	vmul.f32 $5.000000000e-01, v22;
	v29 =	vmul.f32 v26, v26  }
0x291: {  	v27 =	vmul.f32 v27, v27;
	v25 =	vsub.f32 v14, v25;
	v30 =	vmul.f32 v15, v11  }
0x292: {  	v19 =	vmul.f32 v19, v19;
	v29 =	vmul.f32 v29, v28  }
0x293: {  	v23 =	vmul.f32 v23, v23;
	v20 =	vsub.f32 v14, v20;
	v25 =	vmul.f32 v25, v25;
	v31 =	vld.idx.msk [tilespmem:v10+s2+$0x0], $0xffff  }
0x294: {  	v50 =	vmul.f32 v30, v30;
	v19 =	vadd.f32 v27, v19;
	v27 =	vld.idx.msk [tilespmem:v10+s17+$0x0], $0xffff;
	v29 =	vsub.f32 $1.500000000e+00, v29  }
0x295: {  	v21 =	vadd.f32 v21, v23;
	v15 =	vmul.f32 $5.000000000e-01, v15;
	v20 =	vmul.f32 v20, v20  }
0x296: {  	v23 =	vld.idx.msk [tilespmem:v10+s18+$0x0], $0xffff;
	v11 =	vsub.f32 v11, v50;
	v25 =	vadd.f32 v25, v19;
	v19 =	vmul.f32 v26, v29  }
0x297: {  	v29 =	vadd.f32 v20, v21  }
0x298: {  	v11 =	vmul.f32 v11, v15;
	v15 =	vshra.s32 v25, $0x1;
	v20 =	vmul.f32 v19, v19  }
0x299: {  	v21 =	vsub.s32 $0x5F3759DF, v15;
	v15 =	vsub.f32 v12, v31;
	v26 =	vsub.f32 v13, v27  }
0x29a: {  	v27 =	vor.u32 $0x1, v18;
	v11 =	vadd.f32 v11, v30;
	v30 =	vmul.f32 $5.000000000e-01, v25  }
0x29b: {  	v23 =	vsub.f32 v14, v23;
	v20 =	vmul.f32 v20, v28;
	v15 =	vmul.f32 v15, v15  }
0x29c: {  	v26 =	vmul.f32 v26, v26;
	v28 =	vmul.f32 v21, v21  }
0x29d: {  	v23 =	vmul.f32 v23, v23;
	v31 =	vmul.f32 $4.999999690e+02, v11;
	v20 =	vsub.f32 $1.500000000e+00, v20  }
0x29e: {  	v11 =	vadd.f32 v26, v15;
	v15 =	vshra.s32 v29, $0x1;
	v26 =	vmul.f32 v28, v30  }
0x29f: {  	v52 =	vsub.s32 $0x5F3759DF, v15;
	v15 =	vld.idx.msk [tilespmem:v27+s14+$0x0], $0xffff;
	v27 =	vor.u32 $0x2, v18  }
0x2a0: {  	v28 =	vld.idx.msk [tilespmem:v3+s19+$0x0], $0xffff;
	v20 =	vmul.f32 v20, v19;
	v19 =	vadd.f32 v23, v11;
	v11 =	vsub.f32 $1.500000000e+00, v26  }
0x2a1: {  	v51 =	vmul.f32 $5.000000000e-01, v29;
	v53 =	vmul.f32 v52, v52  }
0x2a2: {  	v26 =	vmul.f32 v20, v22;
	v54 =	vshra.s32 v19, $0x1;
	v21 =	vmul.f32 v21, v11  }
0x2a3: {  	v59 =	vld.idx.msk [tilespmem:v16+s19+$0x0], $0xffff;
	v55 =	vmul.f32 $5.000000000e-01, v19;
	v20 =	vmul.f32 $5.000000000e-01, v20;
	v35 =	vsub.s32 $0x5F3759DF, v54  }
0x2a4: {  	v56 =	vmul.f32 v26, v26;
	v57 =	vmul.f32 v35, v35;
	v16 =	vld.idx.msk [tilespmem:v27+s14+$0x0], $0xffff  }
0x2a5: {  	v11 =	vshll.u32 v28, $0x2;
	v28 =	vmul.f32 v53, v51;
	v58 =	vmul.f32 v21, v21  }
0x2a6: {  	v27 =	vor.u32 $0x3, v18;
	v38 =	vmul.f32 v57, v55;
	v22 =	vsub.f32 v22, v56  }
0x2a7: {  	v60 =	vld.idx.msk [tilespmem:v17+s19+$0x0], $0xffff;
	v23 =	vtrunc.f32 v31;
	v28 =	vsub.f32 $1.500000000e+00, v28;
	v30 =	vmul.f32 v58, v30  }
0x2a8: {  	v23 =	vcvt.f32.s32 v23;
	v62 =	vld.idx.msk [tilespmem:v15+s18+$0x0], $0xffff;
	v61 =	vsub.f32 $1.500000000e+00, v38;
	v20 =	vmul.f32 v22, v20  }
0x2a9: {  	v17 =	vimm.f32 $0.0e+00;
	v28 =	vmul.f32 v52, v28;
	v47 =	vld.idx.msk [tilespmem:v15+s2+$0x0], $0xffff;
	v22 =	vsub.f32 $1.500000000e+00, v30  }
0x2aa: {  	v63 =	vcvt.s32.f32 v23;
	v30 =	vld.idx.msk [tilespmem:v15+s17+$0x0], $0xffff;
	v35 =	vmul.f32 v35, v61;
	v20 =	vadd.f32 v20, v26  }
0x2ab: {  	v48 =	vmul.f32 v28, v28;
	v26 =	vadd.s32 v11, v59;
	v49 =	vmul.f32 v22, v21;
	v22 =	vld.idx.msk [tilespmem:v27+s14+$0x0], $0xffff  }
0x2ac: {  	v21 =	vadd.s32 v23, v26;
	v26 =	vmul.f32 v35, v35;
	v23 =	vmul.f32 $4.999999690e+02, v20;
	v54 =	vld.idx.msk [tilespmem:v16+s18+$0x0], $0xffff  }
0x2ad: {  	v50 =	vadd.s32 v11, v60;
	v20 =	vmul.f32 v48, v51;
	v51 =	vmul.f32 v49, v25;
	v56 =	vld.idx.msk [tilespmem:v16+s2+$0x0], $0xffff  }
0x2ae: {  	v52 =	vsub.f32 v14, v62;
	v53 =	vmul.f32 $5.000000000e-01, v49;
	v33 =	vsub.f32 v12, v47;
	v43 =	vld.idx.msk [tilespmem:v16+s17+$0x0], $0xffff  }
0x2af: {  	v30 =	vsub.f32 v13, v30;
	v27 =	vtrunc.f32 v23;
	v26 =	vmul.f32 v26, v55  }
0x2b0: {  	v55 =	vsub.f32 $1.500000000e+00, v20;
	v57 =	vmul.f32 v51, v51;
	v58 =	vmul.f32 v52, v52  }
0x2b1: {  	v20 =	vadd.s32 $0x4, v18;
	v27 =	vcvt.f32.s32 v27;
	v44 =	vmul.f32 v30, v30  }
0x2b2: {  	v32 =	vld.idx.msk [tilespmem:v24+s19+$0x0], $0xffff;
	v18 =	vmul.f32 v55, v28;
	v26 =	vsub.f32 $1.500000000e+00, v26;
	v60 =	vsub.f32 v14, v54  }
0x2b3: {  	v28 =	vmul.f32 v33, v33;
	v45 =	vld.idx.msk [tilespmem:v21+s20+$0x0], $0xffff;
	v61 =	vsub.f32 v12, v56;
	v62 =	vsub.f32 v13, v43  }
0x2b4: {  	v24 =	vadd.s32 v27, v50;
	v30 =	vmul.f32 v18, v29;
	v33 =	vmul.f32 $5.000000000e-01, v18;
	v59 =	vld.idx.msk [tilespmem:v22+s18+$0x0], $0xffff  }
0x2b5: {  	v18 =	vsub.f32 v25, v57;
	v26 =	vmul.f32 v26, v35;
	v28 =	vadd.f32 v44, v28  }
0x2b6: {  	v25 =	vsub.f32 v31, v63;
	v35 =	vld.idx.msk [tilespmem:v22+s2+$0x0], $0xffff;
	v34 =	vmul.f32 v60, v60;
	v31 =	vmul.f32 v30, v30  }
0x2b7: {  	v38 =	vmul.f32 v61, v61;
	v63 =	vmul.f32 v18, v53;
	v18 =	vadd.f32 v58, v28  }
0x2b8: {  	v37 =	vld.idx.msk [tilespmem:v22+s17+$0x0], $0xffff;
	v40 =	vmul.f32 v62, v62;
	v36 =	vsub.f32 v29, v31;
	v31 =	vmul.f32 v25, v45  }
0x2b9: {  	s29 =	simm.s32 $0x4;
	v29 =	vadd.f32 v63, v51;
	v28 =	vshra.s32 v18, $0x1;
	v39 =	vsub.f32 v14, v59  }
.LBB2_8:
0x2ba: {  	v41 =	vld.idx.msk [tilespmem:v20+s14+$0x0], $0xffff;
	s29 =	sadd.s32 $0x4, s29;
	v42 =	vmul.f32 v26, v19;
	v38 =	vadd.f32 v40, v38;
	v33 =	vmul.f32 v36, v33  }
0x2bb: {  	v35 =	vsub.f32 v12, v35;
	v40 =	vcvt.s32.f32 v27;
	p0 =	slt.u32 s29, $0xFC;
	v36 =	vmul.f32 v39, v39;
	v39 =	vld.idx.msk [tilespmem:v21+s21+$0x0], $0xffff  }
0x2bc: {  	v43 =	vmul.f32 v42, v42;
	v27 =	vadd.f32 v34, v38;
	v30 =	vadd.f32 v33, v30  }
0x2bd: {  	v33 =	vsub.f32 v13, v37;
	v34 =	vmul.f32 v35, v35  }
0x2be: {  	v35 =	vshra.s32 v27, $0x1;
	v37 =	vmul.f32 $5.000000000e-01, v27;
	v30 =	vmul.f32 $4.999999690e+02, v30;
	v38 =	vld.idx.msk [tilespmem:v24+s20+$0x0], $0xffff  }
0x2bf: {  	v33 =	vmul.f32 v33, v33;
	v32 =	vadd.s32 v11, v32;
	v35 =	vsub.s32 $0x5F3759DF, v35;
	v44 =	vld.idx.msk [tilespmem:v9+s19+$0x0], $0xffff;
	v9 =	vmovc v22  }
0x2c0: {  	v23 =	vsub.f32 v23, v40;
	v22 =	vld.idx.msk [tilespmem:v10+s19+$0x0], $0xffff;
	v45 =	vmul.f32 v35, v35;
	v46 =	vtrunc.f32 v30;
	v10 =	vmovc v41  }
0x2c1: {  	v40 =	vmul.f32 $5.000000000e-01, v26;
	v26 =	vadd.f32 v33, v34;
	v31 =	vadd.f32 v31, v39;
	v33 =	vld.idx.msk [tilespmem:v21+s22+$0x0], $0xffff  }
0x2c2: {  	v19 =	vsub.f32 v19, v43;
	v43 =	vcvt.f32.s32 v46;
	v34 =	vld.idx.msk [tilespmem:v41+s2+$0x0], $0xffff;
	v39 =	vmul.f32 v45, v37  }
0x2c3: {  	v29 =	vmul.f32 $4.999999690e+02, v29;
	v26 =	vadd.f32 v36, v26;
	v31 =	vmul.f32 v31, v25;
	v45 =	vld.idx.msk [tilespmem:v41+s17+$0x0], $0xffff  }
0x2c4: {  	v19 =	vmul.f32 v19, v40;
	v32 =	vadd.s32 v43, v32;
	v36 =	vld.idx.msk [tilespmem:v41+s18+$0x0], $0xffff;
	v39 =	vsub.f32 $1.500000000e+00, v39  }
0x2c5: {  	v46 =	vtrunc.f32 v29;
	v40 =	vshra.s32 v26, $0x1;
	v41 =	vcvt.s32.f32 v43;
	v43 =	vld.idx.msk [tilespmem:v24+s21+$0x0], $0xffff  }
0x2c6: {  	v35 =	vmul.f32 v35, v39;
	v39 =	vsub.s32 $0x5F3759DF, v40;
	v21 =	vld.idx.msk [tilespmem:v21+s23+$0x0], $0xffff;
	v40 =	vcvt.f32.s32 v46  }
0x2c7: {  	v19 =	vadd.f32 v19, v42;
	v31 =	vadd.f32 v31, v33;
	v33 =	vadd.s32 v11, v44  }
0x2c8: {  	v34 =	vsub.f32 v12, v34;
	v42 =	vmul.f32 v35, v35;
	v33 =	vadd.s32 v40, v33  }
0x2c9: {  	v38 =	vmul.f32 v23, v38;
	v22 =	vadd.s32 v11, v22;
	v25 =	vmul.f32 v31, v25;
	v31 =	vld.idx.msk [tilespmem:v32+s20+$0x0], $0xffff  }
0x2ca: {  	v44 =	vmul.f32 v39, v39;
	v36 =	vsub.f32 v14, v36;
	v34 =	vmul.f32 v34, v34;
	v46 =	vld.idx.msk [tilespmem:v24+s22+$0x0], $0xffff  }
0x2cb: {  	v40 =	vcvt.s32.f32 v40;
	v37 =	vmul.f32 v42, v37;
	v38 =	vadd.f32 v38, v43;
	v42 =	vld.idx.msk [tilespmem:v32+s21+$0x0], $0xffff  }
0x2cc: {  	v43 =	vmul.f32 $5.000000000e-01, v26;
	v36 =	vmul.f32 v36, v36;
	v21 =	vadd.f32 v25, v21  }
0x2cd: {  	v30 =	vsub.f32 v30, v41;
	v45 =	vsub.f32 v13, v45;
	v38 =	vmul.f32 v38, v23;
	v41 =	vld.idx.msk [tilespmem:v33+s20+$0x0], $0xffff  }
0x2ce: {  	v47 =	vmul.f32 $5.000000000e-01, v18;
	v25 =	vmul.f32 $4.999999690e+02, v19;
	v19 =	vsub.f32 $1.500000000e+00, v37  }
0x2cf: {  	v37 =	vor.u32 $0x1, v20;
	v44 =	vmul.f32 v44, v43;
	v31 =	vmul.f32 v30, v31;
	v48 =	vld.idx.msk [tilespmem:v33+s21+$0x0], $0xffff  }
0x2d0: {  	v28 =	vsub.s32 $0x5F3759DF, v28;
	v45 =	vmul.f32 v45, v45;
	v38 =	vadd.f32 v38, v46  }
0x2d1: {  	v29 =	vsub.f32 v29, v40;
	v35 =	vmul.f32 v19, v35;
	v31 =	vadd.f32 v31, v42  }
0x2d2: {  	v17 =	vadd.f32 v21, v17;
	v19 =	vadd.f32 v45, v34;
	v23 =	vmul.f32 v38, v23;
	v21 =	vld.idx.msk [tilespmem:v32+s22+$0x0], $0xffff  }
0x2d3: {  	v34 =	vtrunc.f32 v25;
	v38 =	vsub.f32 $1.500000000e+00, v44;
	v40 =	vmul.f32 v29, v41;
	v24 =	vld.idx.msk [tilespmem:v24+s23+$0x0], $0xffff  }
0x2d4: {  	v19 =	vadd.f32 v36, v19;
	v36 =	vmul.f32 v35, v27;
	v31 =	vmul.f32 v31, v30;
	v41 =	vld.idx.msk [tilespmem:v37+s14+$0x0], $0xffff  }
0x2d5: {  	v42 =	vmul.f32 v28, v28;
	v38 =	vmul.f32 v39, v38;
	v37 =	vor.u32 $0x2, v20;
	v39 =	vld.idx.msk [tilespmem:v33+s22+$0x0], $0xffff  }
0x2d6: {  	v44 =	vshra.s32 v19, $0x1;
	v45 =	vmul.f32 $5.000000000e-01, v19;
	v40 =	vadd.f32 v40, v48  }
0x2d7: {  	v42 =	vmul.f32 v42, v47;
	v46 =	vmul.f32 v36, v36;
	v44 =	vsub.s32 $0x5F3759DF, v44;
	v32 =	vld.idx.msk [tilespmem:v32+s23+$0x0], $0xffff  }
0x2d8: {  	v48 =	vmul.f32 v44, v44;
	v49 =	vmul.f32 v38, v38;
	v21 =	vadd.f32 v31, v21  }
0x2d9: {  	v31 =	vcvt.f32.s32 v34;
	v24 =	vadd.f32 v23, v24;
	v23 =	vld.idx.msk [tilespmem:v33+s23+$0x0], $0xffff;
	v33 =	vmul.f32 v40, v29  }
0x2da: {  	v27 =	vsub.f32 v27, v46;
	v34 =	vmul.f32 v48, v45;
	v30 =	vmul.f32 v21, v30;
	v37 =	vld.idx.msk [tilespmem:v37+s14+$0x0], $0xffff  }
0x2db: {  	v40 =	vcvt.s32.f32 v31;
	v21 =	vadd.s32 v31, v22;
	v31 =	vld.idx.msk [tilespmem:v16+s19+$0x0], $0xffff;
	v16 =	vadd.f32 v33, v39  }
0x2dc: {  	v35 =	vmul.f32 $5.000000000e-01, v35;
	v22 =	vor.u32 $0x3, v20;
	v39 =	vsub.f32 $1.500000000e+00, v42;
	v33 =	vld.idx.msk [tilespmem:v41+s18+$0x0], $0xffff  }
0x2dd: {  	v34 =	vsub.f32 $1.500000000e+00, v34;
	v42 =	vmul.f32 v49, v43;
	v43 =	vmul.f32 v16, v29  }
0x2de: {  	v27 =	vmul.f32 v27, v35;
	v30 =	vadd.f32 v30, v32;
	v28 =	vmul.f32 v28, v39;
	v29 =	vld.idx.msk [tilespmem:v41+s17+$0x0], $0xffff  }
0x2df: {  	v32 =	vmul.f32 v44, v34;
	v34 =	vsub.f32 $1.500000000e+00, v42;
	v35 =	vadd.f32 v43, v23;
	v16 =	vmovc v37  }
0x2e0: {  	v17 =	vadd.f32 v30, v17;
	v42 =	vmul.f32 v28, v28;
	v23 =	vadd.f32 v27, v36;
	v39 =	vld.idx.msk [tilespmem:v41+s2+$0x0], $0xffff  }
0x2e1: {  	v27 =	vmul.f32 v34, v38;
	v43 =	vadd.s32 v11, v31;
	v22 =	vld.idx.msk [tilespmem:v22+s14+$0x0], $0xffff  }
0x2e2: {  	v30 =	vmul.f32 v32, v32;
	v17 =	vadd.f32 v24, v17;
	v23 =	vmul.f32 $4.999999690e+02, v23;
	v31 =	vld.idx.msk [tilespmem:v37+s18+$0x0], $0xffff  }
0x2e3: {  	v24 =	vsub.f32 v14, v33;
	v33 =	vmul.f32 v42, v47;
	v42 =	vmul.f32 v27, v26;
	v34 =	vld.idx.msk [tilespmem:v37+s2+$0x0], $0xffff  }
0x2e4: {  	v17 =	vadd.f32 v35, v17;
	v36 =	vtrunc.f32 v23;
	v37 =	vmul.f32 $5.000000000e-01, v27  }
0x2e5: {  	v30 =	vmul.f32 v30, v45;
	v29 =	vsub.f32 v13, v29;
	v33 =	vsub.f32 $1.500000000e+00, v33;
	v38 =	vld.idx.msk [tilespmem:v16+s17+$0x0], $0xffff  }
0x2e6: {  	v27 =	vcvt.f32.s32 v36;
	v36 =	vmul.f32 v42, v42;
	v35 =	vsub.f32 v12, v39  }
0x2e7: {  	v20 =	vadd.s32 $0x4, v20;
	v29 =	vmul.f32 v29, v29;
	v28 =	vmul.f32 v33, v28  }
0x2e8: {  	v24 =	vmul.f32 v24, v24;
	v39 =	vsub.f32 $1.500000000e+00, v30;
	v35 =	vmul.f32 v35, v35;
	v44 =	vld.idx.msk [tilespmem:v21+s20+$0x0], $0xffff  }
0x2e9: {  	v30 =	vmul.f32 v28, v18;
	v33 =	vmul.f32 $5.000000000e-01, v28;
	v28 =	vsub.f32 v26, v36;
	v45 =	vld.idx.msk [tilespmem:v22+s18+$0x0], $0xffff  }
0x2ea: {  	v26 =	vmul.f32 v39, v32;
	v31 =	vsub.f32 v14, v31;
	v29 =	vadd.f32 v29, v35;
	v35 =	vld.idx.msk [tilespmem:v22+s2+$0x0], $0xffff  }
.Ltmp3:
0x2eb: {  	v25 =	vsub.f32 v25, v40;
	v32 =	vsub.f32 v12, v34;
	v36 =	vmul.f32 v30, v30;
	(pc) =	sbr.rel @p0 .LBB2_8-.Ltmp3, $4  }
0x2ec: {  	v34 =	vmul.f32 v31, v31;
	v28 =	vmul.f32 v28, v37;
	v39 =	vsub.f32 v13, v38  }
0x2ed: {  	v38 =	vmul.f32 v32, v32;
	v36 =	vsub.f32 v18, v36;
	v18 =	vadd.f32 v24, v29;
	v37 =	vld.idx.msk [tilespmem:v22+s17+$0x0], $0xffff  }
0x2ee: {  	v29 =	vadd.f32 v28, v42;
	v40 =	vmul.f32 v39, v39;
	v31 =	vmul.f32 v25, v44  }
0x2ef: {  	v24 =	vadd.s32 v27, v43;
	v28 =	vshra.s32 v18, $0x1;
	v39 =	vsub.f32 v14, v45;
	v32 =	vld.idx.msk [tilespmem:v15+s19+$0x0], $0xffff;
	v15 =	vmovc v41  }
0x2f0: {  	_ =	sdelay $0x1  }
0x2f1: {  	v12 =	vsub.f32 v12, v35;
	v13 =	vsub.f32 v13, v37  }
0x2f2: {  	v14 =	vadd.f32 v40, v38  }
0x2f3: {  	v12 =	vmul.f32 v12, v12;
	v13 =	vmul.f32 v13, v13  }
0x2f4: {  	v28 =	vsub.s32 $0x5F3759DF, v28;
	v57 =	vmul.f32 $5.000000000e-01, v18;
	v14 =	vadd.f32 v34, v14  }
0x2f5: {  	v55 =	vmul.f32 v39, v39;
	v58 =	vmul.f32 v28, v28;
	v12 =	vadd.f32 v13, v12  }
0x2f6: {  	v20 =	vmul.f32 v26, v19;
	v33 =	vmul.f32 v36, v33;
	v34 =	vshra.s32 v14, $0x1  }
0x2f7: {  	v38 =	vmul.f32 v58, v57;
	v34 =	vsub.s32 $0x5F3759DF, v34;
	v12 =	vadd.f32 v55, v12  }
0x2f8: {  	v13 =	vmul.f32 $5.000000000e-01, v14;
	v56 =	vmul.f32 v34, v34  }
0x2f9: {  	v27 =	vcvt.s32.f32 v27;
	v26 =	vmul.f32 $5.000000000e-01, v26;
	v60 =	vshra.s32 v12, $0x1  }
0x2fa: {  	v38 =	vsub.f32 $1.500000000e+00, v38;
	v59 =	vmul.f32 v56, v13;
	v62 =	vsub.s32 $0x5F3759DF, v60  }
0x2fb: {  	v45 =	vmul.f32 $5.000000000e-01, v12;
	v44 =	vmul.f32 v62, v62  }
0x2fc: {  	v63 =	vld.idx.msk [tilespmem:v21+s21+$0x0], $0xffff;
	v29 =	vmul.f32 $4.999999690e+02, v29;
	v28 =	vmul.f32 v28, v38  }
0x2fd: {  	v52 =	vld.idx.msk [tilespmem:v24+s20+$0x0], $0xffff;
	v47 =	vmul.f32 v20, v20;
	v61 =	vsub.f32 $1.500000000e+00, v59;
	v46 =	vmul.f32 v44, v45  }
0x2fe: {  	v30 =	vadd.f32 v33, v30;
	v53 =	vtrunc.f32 v29;
	v42 =	vmul.f32 v28, v28  }
0x2ff: {  	v23 =	vsub.f32 v23, v27;
	v33 =	vmul.f32 v34, v61;
	v34 =	vsub.f32 $1.500000000e+00, v46  }
0x300: {  	v30 =	vmul.f32 $4.999999690e+02, v30;
	v19 =	vsub.f32 v19, v47;
	v35 =	vmul.f32 v42, v57  }
0x301: {  	v31 =	vadd.f32 v31, v63;
	v48 =	vmul.f32 v33, v33;
	v34 =	vmul.f32 v62, v34  }
0x302: {  	v63 =	vmul.f32 v23, v52;
	v41 =	vtrunc.f32 v30;
	v35 =	vsub.f32 $1.500000000e+00, v35  }
0x303: {  	v13 =	vmul.f32 v48, v13;
	v50 =	vmul.f32 v34, v34  }
0x304: {  	v19 =	vmul.f32 v19, v26;
	v26 =	vadd.s32 v11, v32;
	v55 =	vld.idx.msk [tilespmem:v21+s22+$0x0], $0xffff;
	v28 =	vmul.f32 v35, v28  }
0x305: {  	v49 =	vcvt.f32.s32 v41;
	v13 =	vsub.f32 $1.500000000e+00, v13;
	v51 =	vmul.f32 v50, v45  }
0x306: {  	v9 =	vld.idx.msk [tilespmem:v9+s19+$0x0], $0xffff;
	v31 =	vmul.f32 v31, v25;
	v19 =	vadd.f32 v19, v20;
	v56 =	vmul.f32 v28, v18  }
0x307: {  	v10 =	vld.idx.msk [tilespmem:v10+s19+$0x0], $0xffff;
	v36 =	vcvt.s32.f32 v49;
	v13 =	vmul.f32 v13, v33;
	v32 =	vsub.f32 $1.500000000e+00, v51  }
0x308: {  	v26 =	vadd.s32 v49, v26;
	v19 =	vmul.f32 $4.999999690e+02, v19;
	v59 =	vmul.f32 v56, v56  }
0x309: {  	v16 =	vld.idx.msk [tilespmem:v16+s19+$0x0], $0xffff;
	v31 =	vadd.f32 v31, v55;
	v54 =	vmul.f32 v13, v14;
	v32 =	vmul.f32 v32, v34  }
0x30a: {  	v15 =	vld.idx.msk [tilespmem:v15+s19+$0x0], $0xffff;
	v35 =	vcvt.f32.s32 v53;
	v28 =	vmul.f32 $5.000000000e-01, v28;
	v18 =	vsub.f32 v18, v59  }
0x30b: {  	v22 =	vld.idx.msk [tilespmem:v22+s19+$0x0], $0xffff;
	v9 =	vadd.s32 v11, v9;
	v57 =	vmul.f32 v54, v54;
	v60 =	vmul.f32 v32, v12  }
0x30c: {  	v58 =	vld.idx.msk [tilespmem:v24+s21+$0x0], $0xffff;
	v10 =	vadd.s32 v11, v10;
	v25 =	vmul.f32 v31, v25;
	v18 =	vmul.f32 v18, v28  }
0x30d: {  	v21 =	vld.idx.msk [tilespmem:v21+s23+$0x0], $0xffff;
	v13 =	vmul.f32 $5.000000000e-01, v13;
	v14 =	vsub.f32 v14, v57;
	v62 =	vmul.f32 v60, v60  }
0x30e: {  	v61 =	vld.idx.msk [tilespmem:v24+s22+$0x0], $0xffff;
	v31 =	vtrunc.f32 v19;
	v9 =	vadd.s32 v35, v9;
	v18 =	vadd.f32 v18, v56  }
0x30f: {  	v20 =	vld.idx.msk [tilespmem:v26+s20+$0x0], $0xffff;
	v13 =	vmul.f32 v14, v13;
	v32 =	vmul.f32 $5.000000000e-01, v32;
	v12 =	vsub.f32 v12, v62  }
0x310: {  	v16 =	vadd.s32 v11, v16;
	v24 =	vld.idx.msk [tilespmem:v24+s23+$0x0], $0xffff;
	v27 =	vcvt.f32.s32 v31;
	v18 =	vmul.f32 $4.999999690e+02, v18  }
0x311: {  	v15 =	vadd.s32 v11, v15;
	v42 =	vld.idx.msk [tilespmem:v26+s22+$0x0], $0xffff;
	v13 =	vadd.f32 v13, v54;
	v12 =	vmul.f32 v12, v32  }
0x312: {  	v30 =	vsub.f32 v30, v36;
	v10 =	vadd.s32 v27, v10;
	v14 =	vld.idx.msk [tilespmem:v26+s21+$0x0], $0xffff;
	v44 =	vtrunc.f32 v18  }
0x313: {  	v31 =	vld.idx.msk [tilespmem:v9+s21+$0x0], $0xffff;
	v45 =	vcvt.f32.s32 v44;
	v13 =	vmul.f32 $4.999999690e+02, v13;
	v12 =	vadd.f32 v12, v60  }
0x314: {  	v11 =	vadd.s32 v11, v22;
	v35 =	vcvt.s32.f32 v35;
	v20 =	vmul.f32 v30, v20;
	v28 =	vld.idx.msk [tilespmem:v9+s20+$0x0], $0xffff  }
0x315: {  	v46 =	vld.idx.msk [tilespmem:v9+s22+$0x0], $0xffff;
	v15 =	vadd.s32 v45, v15;
	v43 =	vtrunc.f32 v13;
	v12 =	vmul.f32 $4.999999690e+02, v12  }
0x316: {  	v27 =	vcvt.s32.f32 v27;
	v9 =	vld.idx.msk [tilespmem:v9+s23+$0x0], $0xffff;
	v32 =	vadd.f32 v63, v58;
	v37 =	vcvt.f32.s32 v43  }
0x317: {  	v29 =	vsub.f32 v29, v35;
	v48 =	vld.idx.msk [tilespmem:v10+s21+$0x0], $0xffff;
	v14 =	vadd.f32 v20, v14;
	v47 =	vtrunc.f32 v12  }
0x318: {  	v20 =	vld.idx.msk [tilespmem:v10+s20+$0x0], $0xffff;
	v32 =	vmul.f32 v32, v23;
	v16 =	vadd.s32 v37, v16;
	v39 =	vcvt.f32.s32 v47  }
0x319: {  	v21 =	vadd.f32 v25, v21;
	v26 =	vld.idx.msk [tilespmem:v26+s23+$0x0], $0xffff;
	v28 =	vmul.f32 v29, v28;
	v14 =	vmul.f32 v14, v30  }
0x31a: {  	v19 =	vsub.f32 v19, v27;
	v27 =	vld.idx.msk [tilespmem:v15+s20+$0x0], $0xffff;
	v22 =	vadd.f32 v32, v61;
	v11 =	vadd.s32 v39, v11  }
0x31b: {  	v28 =	vadd.f32 v28, v31;
	v14 =	vadd.f32 v14, v42;
	v31 =	vld.idx.msk [tilespmem:v15+s21+$0x0], $0xffff  }
0x31c: {  	v17 =	vadd.f32 v21, v17;
	v21 =	vmul.f32 v22, v23;
	v22 =	vld.idx.msk [tilespmem:v10+s22+$0x0], $0xffff;
	v23 =	vcvt.s32.f32 v45  }
0x31d: {  	v20 =	vmul.f32 v19, v20;
	v14 =	vmul.f32 v14, v30;
	v25 =	vld.idx.msk [tilespmem:v16+s20+$0x0], $0xffff  }
0x31e: {  	v21 =	vadd.f32 v21, v24;
	v24 =	vcvt.s32.f32 v37;
	v49 =	vld.idx.msk [tilespmem:v16+s21+$0x0], $0xffff;
	v18 =	vsub.f32 v18, v23  }
0x31f: {  	v20 =	vadd.f32 v20, v48;
	v14 =	vadd.f32 v14, v26;
	v23 =	vmul.f32 v28, v29;
	v28 =	vld.idx.msk [tilespmem:v11+s20+$0x0], $0xffff  }
0x320: {  	v26 =	vld.idx.msk [tilespmem:v15+s22+$0x0], $0xffff;
	v13 =	vsub.f32 v13, v24;
	v24 =	vcvt.s32.f32 v39;
	v27 =	vmul.f32 v18, v27  }
0x321: {  	v20 =	vmul.f32 v20, v19;
	v23 =	vadd.f32 v23, v46;
	v30 =	vld.idx.msk [tilespmem:v11+s21+$0x0], $0xffff  }
0x322: {  	v10 =	vld.idx.msk [tilespmem:v10+s23+$0x0], $0xffff;
	v27 =	vadd.f32 v27, v31;
	v12 =	vsub.f32 v12, v24;
	v25 =	vmul.f32 v13, v25  }
0x323: {  	v14 =	vadd.f32 v14, v17;
	v17 =	vadd.f32 v20, v22;
	v20 =	vld.idx.msk [tilespmem:v16+s22+$0x0], $0xffff;
	v23 =	vmul.f32 v23, v29  }
0x324: {  	v15 =	vld.idx.msk [tilespmem:v15+s23+$0x0], $0xffff;
	v22 =	vadd.f32 v25, v49;
	v25 =	vmul.f32 v27, v18;
	v24 =	vmul.f32 v12, v28  }
0x325: {  	v14 =	vadd.f32 v21, v14;
	v17 =	vmul.f32 v17, v19;
	v9 =	vadd.f32 v23, v9;
	v27 =	vld.idx.msk [tilespmem:v11+s22+$0x0], $0xffff  }
0x326: {  	v19 =	vmul.f32 v22, v13;
	v22 =	vadd.f32 v25, v26;
	v21 =	vadd.f32 v24, v30  }
0x327: {  	v10 =	vadd.f32 v17, v10;
	v9 =	vadd.f32 v9, v14;
	v14 =	vld.idx.msk [tilespmem:v16+s23+$0x0], $0xffff  }
0x328: {  	v16 =	vadd.f32 v19, v20;
	v18 =	vmul.f32 v22, v18;
	v17 =	vmul.f32 v21, v12  }
0x329: {  	v9 =	vadd.f32 v10, v9;
	v10 =	vld.idx.msk [tilespmem:v11+s23+$0x0], $0xffff  }
0x32a: {  	v11 =	vmul.f32 v16, v13;
	v15 =	vadd.f32 v18, v15;
	v13 =	vadd.f32 v17, v27;
	_ =	sdelay $0x1  }
0x32b: {  	v11 =	vadd.f32 v11, v14;
	v9 =	vadd.f32 v15, v9;
	v12 =	vmul.f32 v13, v12;
	_ =	sdelay $0x1  }
0x32c: {  	v9 =	vadd.f32 v11, v9;
	v10 =	vadd.f32 v12, v10;
	_ =	sdelay $0x1  }
0x32d: {  	v9 =	vadd.f32 v10, v9;
	v10 =	vor.u32 $0x4000, v8;
	_ =	sdelay $0x1  }
0x32e: {  	v9 =	vmul.f32 $5.000000000e-01, v9;
	_ =	sdelay $0x1  }
0x32f: {  	[tilespmem:$0x19A30] =	vst v9  }
0x330: {  	v16 =	vld.idx.msk [tilespmem:v10+s14+$0x0], $0xffff;
	_ =	sdelay $0x5  }
0x331: {  	v12 =	vld.idx.msk [tilespmem:v4+s2+$0x0], $0xffff  }
0x332: {  	v13 =	vld.idx.msk [tilespmem:v4+s17+$0x0], $0xffff  }
0x333: {  	v9 =	vld.idx.msk [tilespmem:v16+s2+$0x0], $0xffff  }
0x334: {  	v17 =	vor.u32 $0x2, v10;
	v11 =	vld.idx.msk [tilespmem:v16+s17+$0x0], $0xffff  }
0x335: {  	v14 =	vld.idx.msk [tilespmem:v4+s18+$0x0], $0xffff  }
0x336: {  	v15 =	vld.idx.msk [tilespmem:v16+s18+$0x0], $0xffff;
	_ =	sdelay $0x2  }
0x337: {  	v17 =	vld.idx.msk [tilespmem:v17+s14+$0x0], $0xffff;
	v9 =	vsub.f32 v12, v9;
	v11 =	vsub.f32 v13, v11  }
0x338: {  	v18 =	vor.u32 $0x1, v10  }
0x339: {  	v15 =	vsub.f32 v14, v15;
	v9 =	vmul.f32 v9, v9;
	v11 =	vmul.f32 v11, v11;
	_ =	sdelay $0x1  }
0x33a: {  	v19 =	vor.u32 $0x3, v10;
	v15 =	vmul.f32 v15, v15;
	v9 =	vadd.f32 v11, v9;
	_ =	sdelay $0x1  }
0x33b: {  	v11 =	vadd.f32 v15, v9  }
0x33c: {  	v24 =	vld.idx.msk [tilespmem:v18+s14+$0x0], $0xffff  }
0x33d: {  	v21 =	vld.idx.msk [tilespmem:v17+s17+$0x0], $0xffff;
	v15 =	vshra.s32 v11, $0x1  }
0x33e: {  	v9 =	vld.idx.msk [tilespmem:v19+s14+$0x0], $0xffff;
	v15 =	vsub.s32 $0x5F3759DF, v15  }
0x33f: {  	v19 =	vld.idx.msk [tilespmem:v17+s2+$0x0], $0xffff;
	v20 =	vmul.f32 $5.000000000e-01, v11;
	v18 =	vmul.f32 v15, v15;
	_ =	sdelay $0x1  }
0x340: {  	v22 =	vld.idx.msk [tilespmem:v17+s18+$0x0], $0xffff;
	v18 =	vmul.f32 v18, v20;
	_ =	sdelay $0x1  }
0x341: {  	v23 =	vsub.f32 $1.500000000e+00, v18  }
0x342: {  	v18 =	vadd.s32 $0x4, v10;
	v10 =	vsub.f32 v12, v19;
	v19 =	vsub.f32 v13, v21  }
0x343: {  	v21 =	vld.idx.msk [tilespmem:v24+s17+$0x0], $0xffff;
	v15 =	vmul.f32 v15, v23  }
0x344: {  	v22 =	vsub.f32 v14, v22;
	v26 =	vld.idx.msk [tilespmem:v9+s2+$0x0], $0xffff;
	v10 =	vmul.f32 v10, v10;
	v19 =	vmul.f32 v19, v19  }
0x345: {  	v27 =	vld.idx.msk [tilespmem:v9+s17+$0x0], $0xffff;
	v25 =	vmul.f32 v15, v15  }
0x346: {  	v22 =	vmul.f32 v22, v22;
	v23 =	vld.idx.msk [tilespmem:v24+s2+$0x0], $0xffff;
	v19 =	vadd.f32 v19, v10  }
0x347: {  	v10 =	vld.idx.msk [tilespmem:v18+s14+$0x0], $0xffff;
	v20 =	vmul.f32 v25, v20  }
0x348: {  	v21 =	vsub.f32 v13, v21;
	v25 =	vld.idx.msk [tilespmem:v9+s18+$0x0], $0xffff;
	v22 =	vadd.f32 v22, v19  }
0x349: {  	v19 =	vsub.f32 $1.500000000e+00, v20  }
0x34a: {  	v27 =	vsub.f32 v13, v27;
	v21 =	vmul.f32 v21, v21;
	v20 =	vld.idx.msk [tilespmem:v24+s18+$0x0], $0xffff;
	v28 =	vshra.s32 v22, $0x1  }
0x34b: {  	v15 =	vmul.f32 v19, v15;
	v19 =	vsub.f32 v12, v26;
	v26 =	vsub.s32 $0x5F3759DF, v28  }
0x34c: {  	v23 =	vsub.f32 v12, v23;
	v28 =	vmul.f32 $5.000000000e-01, v22;
	v29 =	vmul.f32 v26, v26  }
0x34d: {  	v27 =	vmul.f32 v27, v27;
	v25 =	vsub.f32 v14, v25;
	v30 =	vmul.f32 v15, v11  }
0x34e: {  	v19 =	vmul.f32 v19, v19;
	v29 =	vmul.f32 v29, v28  }
0x34f: {  	v23 =	vmul.f32 v23, v23;
	v20 =	vsub.f32 v14, v20;
	v25 =	vmul.f32 v25, v25;
	v31 =	vld.idx.msk [tilespmem:v10+s2+$0x0], $0xffff  }
0x350: {  	v50 =	vmul.f32 v30, v30;
	v19 =	vadd.f32 v27, v19;
	v27 =	vld.idx.msk [tilespmem:v10+s17+$0x0], $0xffff;
	v29 =	vsub.f32 $1.500000000e+00, v29  }
0x351: {  	v21 =	vadd.f32 v21, v23;
	v15 =	vmul.f32 $5.000000000e-01, v15;
	v20 =	vmul.f32 v20, v20  }
0x352: {  	v23 =	vld.idx.msk [tilespmem:v10+s18+$0x0], $0xffff;
	v11 =	vsub.f32 v11, v50;
	v25 =	vadd.f32 v25, v19;
	v19 =	vmul.f32 v26, v29  }
0x353: {  	v29 =	vadd.f32 v20, v21  }
0x354: {  	v11 =	vmul.f32 v11, v15;
	v15 =	vshra.s32 v25, $0x1;
	v20 =	vmul.f32 v19, v19  }
0x355: {  	v21 =	vsub.s32 $0x5F3759DF, v15;
	v15 =	vsub.f32 v12, v31;
	v26 =	vsub.f32 v13, v27  }
0x356: {  	v27 =	vor.u32 $0x1, v18;
	v11 =	vadd.f32 v11, v30;
	v30 =	vmul.f32 $5.000000000e-01, v25  }
0x357: {  	v23 =	vsub.f32 v14, v23;
	v20 =	vmul.f32 v20, v28;
	v15 =	vmul.f32 v15, v15  }
0x358: {  	v26 =	vmul.f32 v26, v26;
	v28 =	vmul.f32 v21, v21  }
0x359: {  	v23 =	vmul.f32 v23, v23;
	v31 =	vmul.f32 $4.999999690e+02, v11;
	v20 =	vsub.f32 $1.500000000e+00, v20  }
0x35a: {  	v11 =	vadd.f32 v26, v15;
	v15 =	vshra.s32 v29, $0x1;
	v26 =	vmul.f32 v28, v30  }
0x35b: {  	v52 =	vsub.s32 $0x5F3759DF, v15;
	v15 =	vld.idx.msk [tilespmem:v27+s14+$0x0], $0xffff;
	v27 =	vor.u32 $0x2, v18  }
0x35c: {  	v28 =	vld.idx.msk [tilespmem:v4+s19+$0x0], $0xffff;
	v20 =	vmul.f32 v20, v19;
	v19 =	vadd.f32 v23, v11;
	v11 =	vsub.f32 $1.500000000e+00, v26  }
0x35d: {  	v51 =	vmul.f32 $5.000000000e-01, v29;
	v53 =	vmul.f32 v52, v52  }
0x35e: {  	v26 =	vmul.f32 v20, v22;
	v54 =	vshra.s32 v19, $0x1;
	v21 =	vmul.f32 v21, v11  }
0x35f: {  	v59 =	vld.idx.msk [tilespmem:v16+s19+$0x0], $0xffff;
	v55 =	vmul.f32 $5.000000000e-01, v19;
	v20 =	vmul.f32 $5.000000000e-01, v20;
	v35 =	vsub.s32 $0x5F3759DF, v54  }
0x360: {  	v56 =	vmul.f32 v26, v26;
	v57 =	vmul.f32 v35, v35;
	v16 =	vld.idx.msk [tilespmem:v27+s14+$0x0], $0xffff  }
0x361: {  	v11 =	vshll.u32 v28, $0x2;
	v28 =	vmul.f32 v53, v51;
	v58 =	vmul.f32 v21, v21  }
0x362: {  	v27 =	vor.u32 $0x3, v18;
	v38 =	vmul.f32 v57, v55;
	v22 =	vsub.f32 v22, v56  }
0x363: {  	v60 =	vld.idx.msk [tilespmem:v17+s19+$0x0], $0xffff;
	v23 =	vtrunc.f32 v31;
	v28 =	vsub.f32 $1.500000000e+00, v28;
	v30 =	vmul.f32 v58, v30  }
0x364: {  	v23 =	vcvt.f32.s32 v23;
	v62 =	vld.idx.msk [tilespmem:v15+s18+$0x0], $0xffff;
	v61 =	vsub.f32 $1.500000000e+00, v38;
	v20 =	vmul.f32 v22, v20  }
0x365: {  	v17 =	vimm.f32 $0.0e+00;
	v28 =	vmul.f32 v52, v28;
	v47 =	vld.idx.msk [tilespmem:v15+s2+$0x0], $0xffff;
	v22 =	vsub.f32 $1.500000000e+00, v30  }
0x366: {  	v63 =	vcvt.s32.f32 v23;
	v30 =	vld.idx.msk [tilespmem:v15+s17+$0x0], $0xffff;
	v35 =	vmul.f32 v35, v61;
	v20 =	vadd.f32 v20, v26  }
0x367: {  	v48 =	vmul.f32 v28, v28;
	v26 =	vadd.s32 v11, v59;
	v49 =	vmul.f32 v22, v21;
	v22 =	vld.idx.msk [tilespmem:v27+s14+$0x0], $0xffff  }
0x368: {  	v21 =	vadd.s32 v23, v26;
	v26 =	vmul.f32 v35, v35;
	v23 =	vmul.f32 $4.999999690e+02, v20;
	v54 =	vld.idx.msk [tilespmem:v16+s18+$0x0], $0xffff  }
0x369: {  	v50 =	vadd.s32 v11, v60;
	v20 =	vmul.f32 v48, v51;
	v51 =	vmul.f32 v49, v25;
	v56 =	vld.idx.msk [tilespmem:v16+s2+$0x0], $0xffff  }
0x36a: {  	v52 =	vsub.f32 v14, v62;
	v53 =	vmul.f32 $5.000000000e-01, v49;
	v33 =	vsub.f32 v12, v47;
	v43 =	vld.idx.msk [tilespmem:v16+s17+$0x0], $0xffff  }
0x36b: {  	v30 =	vsub.f32 v13, v30;
	v27 =	vtrunc.f32 v23;
	v26 =	vmul.f32 v26, v55  }
0x36c: {  	v55 =	vsub.f32 $1.500000000e+00, v20;
	v57 =	vmul.f32 v51, v51;
	v58 =	vmul.f32 v52, v52  }
0x36d: {  	v20 =	vadd.s32 $0x4, v18;
	v27 =	vcvt.f32.s32 v27;
	v44 =	vmul.f32 v30, v30  }
0x36e: {  	v32 =	vld.idx.msk [tilespmem:v24+s19+$0x0], $0xffff;
	v18 =	vmul.f32 v55, v28;
	v26 =	vsub.f32 $1.500000000e+00, v26;
	v60 =	vsub.f32 v14, v54  }
0x36f: {  	v28 =	vmul.f32 v33, v33;
	v45 =	vld.idx.msk [tilespmem:v21+s20+$0x0], $0xffff;
	v61 =	vsub.f32 v12, v56;
	v62 =	vsub.f32 v13, v43  }
0x370: {  	v24 =	vadd.s32 v27, v50;
	v30 =	vmul.f32 v18, v29;
	v33 =	vmul.f32 $5.000000000e-01, v18;
	v59 =	vld.idx.msk [tilespmem:v22+s18+$0x0], $0xffff  }
0x371: {  	v18 =	vsub.f32 v25, v57;
	v26 =	vmul.f32 v26, v35;
	v28 =	vadd.f32 v44, v28  }
0x372: {  	v25 =	vsub.f32 v31, v63;
	v35 =	vld.idx.msk [tilespmem:v22+s2+$0x0], $0xffff;
	v34 =	vmul.f32 v60, v60;
	v31 =	vmul.f32 v30, v30  }
0x373: {  	v38 =	vmul.f32 v61, v61;
	v63 =	vmul.f32 v18, v53;
	v18 =	vadd.f32 v58, v28  }
0x374: {  	v37 =	vld.idx.msk [tilespmem:v22+s17+$0x0], $0xffff;
	v40 =	vmul.f32 v62, v62;
	v36 =	vsub.f32 v29, v31;
	v31 =	vmul.f32 v25, v45  }
0x375: {  	s29 =	simm.s32 $0x4;
	v29 =	vadd.f32 v63, v51;
	v28 =	vshra.s32 v18, $0x1;
	v39 =	vsub.f32 v14, v59  }
.LBB2_10:
0x376: {  	v41 =	vld.idx.msk [tilespmem:v20+s14+$0x0], $0xffff;
	s29 =	sadd.s32 $0x4, s29;
	v42 =	vmul.f32 v26, v19;
	v38 =	vadd.f32 v40, v38;
	v33 =	vmul.f32 v36, v33  }
0x377: {  	v35 =	vsub.f32 v12, v35;
	v40 =	vcvt.s32.f32 v27;
	p0 =	slt.u32 s29, $0xFC;
	v36 =	vmul.f32 v39, v39;
	v39 =	vld.idx.msk [tilespmem:v21+s21+$0x0], $0xffff  }
0x378: {  	v43 =	vmul.f32 v42, v42;
	v27 =	vadd.f32 v34, v38;
	v30 =	vadd.f32 v33, v30  }
0x379: {  	v33 =	vsub.f32 v13, v37;
	v34 =	vmul.f32 v35, v35  }
0x37a: {  	v35 =	vshra.s32 v27, $0x1;
	v37 =	vmul.f32 $5.000000000e-01, v27;
	v30 =	vmul.f32 $4.999999690e+02, v30;
	v38 =	vld.idx.msk [tilespmem:v24+s20+$0x0], $0xffff  }
0x37b: {  	v33 =	vmul.f32 v33, v33;
	v32 =	vadd.s32 v11, v32;
	v35 =	vsub.s32 $0x5F3759DF, v35;
	v44 =	vld.idx.msk [tilespmem:v9+s19+$0x0], $0xffff;
	v9 =	vmovc v22  }
0x37c: {  	v23 =	vsub.f32 v23, v40;
	v22 =	vld.idx.msk [tilespmem:v10+s19+$0x0], $0xffff;
	v45 =	vmul.f32 v35, v35;
	v46 =	vtrunc.f32 v30;
	v10 =	vmovc v41  }
0x37d: {  	v40 =	vmul.f32 $5.000000000e-01, v26;
	v26 =	vadd.f32 v33, v34;
	v31 =	vadd.f32 v31, v39;
	v33 =	vld.idx.msk [tilespmem:v21+s22+$0x0], $0xffff  }
0x37e: {  	v19 =	vsub.f32 v19, v43;
	v43 =	vcvt.f32.s32 v46;
	v34 =	vld.idx.msk [tilespmem:v41+s2+$0x0], $0xffff;
	v39 =	vmul.f32 v45, v37  }
0x37f: {  	v29 =	vmul.f32 $4.999999690e+02, v29;
	v26 =	vadd.f32 v36, v26;
	v31 =	vmul.f32 v31, v25;
	v45 =	vld.idx.msk [tilespmem:v41+s17+$0x0], $0xffff  }
0x380: {  	v19 =	vmul.f32 v19, v40;
	v32 =	vadd.s32 v43, v32;
	v36 =	vld.idx.msk [tilespmem:v41+s18+$0x0], $0xffff;
	v39 =	vsub.f32 $1.500000000e+00, v39  }
0x381: {  	v46 =	vtrunc.f32 v29;
	v40 =	vshra.s32 v26, $0x1;
	v41 =	vcvt.s32.f32 v43;
	v43 =	vld.idx.msk [tilespmem:v24+s21+$0x0], $0xffff  }
0x382: {  	v35 =	vmul.f32 v35, v39;
	v39 =	vsub.s32 $0x5F3759DF, v40;
	v21 =	vld.idx.msk [tilespmem:v21+s23+$0x0], $0xffff;
	v40 =	vcvt.f32.s32 v46  }
0x383: {  	v19 =	vadd.f32 v19, v42;
	v31 =	vadd.f32 v31, v33;
	v33 =	vadd.s32 v11, v44  }
0x384: {  	v34 =	vsub.f32 v12, v34;
	v42 =	vmul.f32 v35, v35;
	v33 =	vadd.s32 v40, v33  }
0x385: {  	v38 =	vmul.f32 v23, v38;
	v22 =	vadd.s32 v11, v22;
	v25 =	vmul.f32 v31, v25;
	v31 =	vld.idx.msk [tilespmem:v32+s20+$0x0], $0xffff  }
0x386: {  	v44 =	vmul.f32 v39, v39;
	v36 =	vsub.f32 v14, v36;
	v34 =	vmul.f32 v34, v34;
	v46 =	vld.idx.msk [tilespmem:v24+s22+$0x0], $0xffff  }
0x387: {  	v40 =	vcvt.s32.f32 v40;
	v37 =	vmul.f32 v42, v37;
	v38 =	vadd.f32 v38, v43;
	v42 =	vld.idx.msk [tilespmem:v32+s21+$0x0], $0xffff  }
0x388: {  	v43 =	vmul.f32 $5.000000000e-01, v26;
	v36 =	vmul.f32 v36, v36;
	v21 =	vadd.f32 v25, v21  }
0x389: {  	v30 =	vsub.f32 v30, v41;
	v45 =	vsub.f32 v13, v45;
	v38 =	vmul.f32 v38, v23;
	v41 =	vld.idx.msk [tilespmem:v33+s20+$0x0], $0xffff  }
0x38a: {  	v47 =	vmul.f32 $5.000000000e-01, v18;
	v25 =	vmul.f32 $4.999999690e+02, v19;
	v19 =	vsub.f32 $1.500000000e+00, v37  }
0x38b: {  	v37 =	vor.u32 $0x1, v20;
	v44 =	vmul.f32 v44, v43;
	v31 =	vmul.f32 v30, v31;
	v48 =	vld.idx.msk [tilespmem:v33+s21+$0x0], $0xffff  }
0x38c: {  	v28 =	vsub.s32 $0x5F3759DF, v28;
	v45 =	vmul.f32 v45, v45;
	v38 =	vadd.f32 v38, v46  }
0x38d: {  	v29 =	vsub.f32 v29, v40;
	v35 =	vmul.f32 v19, v35;
	v31 =	vadd.f32 v31, v42  }
0x38e: {  	v17 =	vadd.f32 v21, v17;
	v19 =	vadd.f32 v45, v34;
	v23 =	vmul.f32 v38, v23;
	v21 =	vld.idx.msk [tilespmem:v32+s22+$0x0], $0xffff  }
0x38f: {  	v34 =	vtrunc.f32 v25;
	v38 =	vsub.f32 $1.500000000e+00, v44;
	v40 =	vmul.f32 v29, v41;
	v24 =	vld.idx.msk [tilespmem:v24+s23+$0x0], $0xffff  }
0x390: {  	v19 =	vadd.f32 v36, v19;
	v36 =	vmul.f32 v35, v27;
	v31 =	vmul.f32 v31, v30;
	v41 =	vld.idx.msk [tilespmem:v37+s14+$0x0], $0xffff  }
0x391: {  	v42 =	vmul.f32 v28, v28;
	v38 =	vmul.f32 v39, v38;
	v37 =	vor.u32 $0x2, v20;
	v39 =	vld.idx.msk [tilespmem:v33+s22+$0x0], $0xffff  }
0x392: {  	v44 =	vshra.s32 v19, $0x1;
	v45 =	vmul.f32 $5.000000000e-01, v19;
	v40 =	vadd.f32 v40, v48  }
0x393: {  	v42 =	vmul.f32 v42, v47;
	v46 =	vmul.f32 v36, v36;
	v44 =	vsub.s32 $0x5F3759DF, v44;
	v32 =	vld.idx.msk [tilespmem:v32+s23+$0x0], $0xffff  }
0x394: {  	v48 =	vmul.f32 v44, v44;
	v49 =	vmul.f32 v38, v38;
	v21 =	vadd.f32 v31, v21  }
0x395: {  	v31 =	vcvt.f32.s32 v34;
	v24 =	vadd.f32 v23, v24;
	v23 =	vld.idx.msk [tilespmem:v33+s23+$0x0], $0xffff;
	v33 =	vmul.f32 v40, v29  }
0x396: {  	v27 =	vsub.f32 v27, v46;
	v34 =	vmul.f32 v48, v45;
	v30 =	vmul.f32 v21, v30;
	v37 =	vld.idx.msk [tilespmem:v37+s14+$0x0], $0xffff  }
0x397: {  	v40 =	vcvt.s32.f32 v31;
	v21 =	vadd.s32 v31, v22;
	v31 =	vld.idx.msk [tilespmem:v16+s19+$0x0], $0xffff;
	v16 =	vadd.f32 v33, v39  }
0x398: {  	v35 =	vmul.f32 $5.000000000e-01, v35;
	v22 =	vor.u32 $0x3, v20;
	v39 =	vsub.f32 $1.500000000e+00, v42;
	v33 =	vld.idx.msk [tilespmem:v41+s18+$0x0], $0xffff  }
0x399: {  	v34 =	vsub.f32 $1.500000000e+00, v34;
	v42 =	vmul.f32 v49, v43;
	v43 =	vmul.f32 v16, v29  }
0x39a: {  	v27 =	vmul.f32 v27, v35;
	v30 =	vadd.f32 v30, v32;
	v28 =	vmul.f32 v28, v39;
	v29 =	vld.idx.msk [tilespmem:v41+s17+$0x0], $0xffff  }
0x39b: {  	v32 =	vmul.f32 v44, v34;
	v34 =	vsub.f32 $1.500000000e+00, v42;
	v35 =	vadd.f32 v43, v23;
	v16 =	vmovc v37  }
0x39c: {  	v17 =	vadd.f32 v30, v17;
	v42 =	vmul.f32 v28, v28;
	v23 =	vadd.f32 v27, v36;
	v39 =	vld.idx.msk [tilespmem:v41+s2+$0x0], $0xffff  }
0x39d: {  	v27 =	vmul.f32 v34, v38;
	v43 =	vadd.s32 v11, v31;
	v22 =	vld.idx.msk [tilespmem:v22+s14+$0x0], $0xffff  }
0x39e: {  	v30 =	vmul.f32 v32, v32;
	v17 =	vadd.f32 v24, v17;
	v23 =	vmul.f32 $4.999999690e+02, v23;
	v31 =	vld.idx.msk [tilespmem:v37+s18+$0x0], $0xffff  }
0x39f: {  	v24 =	vsub.f32 v14, v33;
	v33 =	vmul.f32 v42, v47;
	v42 =	vmul.f32 v27, v26;
	v34 =	vld.idx.msk [tilespmem:v37+s2+$0x0], $0xffff  }
0x3a0: {  	v17 =	vadd.f32 v35, v17;
	v36 =	vtrunc.f32 v23;
	v37 =	vmul.f32 $5.000000000e-01, v27  }
0x3a1: {  	v30 =	vmul.f32 v30, v45;
	v29 =	vsub.f32 v13, v29;
	v33 =	vsub.f32 $1.500000000e+00, v33;
	v38 =	vld.idx.msk [tilespmem:v16+s17+$0x0], $0xffff  }
0x3a2: {  	v27 =	vcvt.f32.s32 v36;
	v36 =	vmul.f32 v42, v42;
	v35 =	vsub.f32 v12, v39  }
0x3a3: {  	v20 =	vadd.s32 $0x4, v20;
	v29 =	vmul.f32 v29, v29;
	v28 =	vmul.f32 v33, v28  }
0x3a4: {  	v24 =	vmul.f32 v24, v24;
	v39 =	vsub.f32 $1.500000000e+00, v30;
	v35 =	vmul.f32 v35, v35;
	v44 =	vld.idx.msk [tilespmem:v21+s20+$0x0], $0xffff  }
0x3a5: {  	v30 =	vmul.f32 v28, v18;
	v33 =	vmul.f32 $5.000000000e-01, v28;
	v28 =	vsub.f32 v26, v36;
	v45 =	vld.idx.msk [tilespmem:v22+s18+$0x0], $0xffff  }
0x3a6: {  	v26 =	vmul.f32 v39, v32;
	v31 =	vsub.f32 v14, v31;
	v29 =	vadd.f32 v29, v35;
	v35 =	vld.idx.msk [tilespmem:v22+s2+$0x0], $0xffff  }
.Ltmp4:
0x3a7: {  	v25 =	vsub.f32 v25, v40;
	v32 =	vsub.f32 v12, v34;
	v36 =	vmul.f32 v30, v30;
	(pc) =	sbr.rel @p0 .LBB2_10-.Ltmp4, $4  }
0x3a8: {  	v34 =	vmul.f32 v31, v31;
	v28 =	vmul.f32 v28, v37;
	v39 =	vsub.f32 v13, v38  }
0x3a9: {  	v38 =	vmul.f32 v32, v32;
	v36 =	vsub.f32 v18, v36;
	v18 =	vadd.f32 v24, v29;
	v37 =	vld.idx.msk [tilespmem:v22+s17+$0x0], $0xffff  }
0x3aa: {  	v29 =	vadd.f32 v28, v42;
	v40 =	vmul.f32 v39, v39;
	v31 =	vmul.f32 v25, v44  }
0x3ab: {  	v24 =	vadd.s32 v27, v43;
	v28 =	vshra.s32 v18, $0x1;
	v39 =	vsub.f32 v14, v45;
	v32 =	vld.idx.msk [tilespmem:v15+s19+$0x0], $0xffff;
	v15 =	vmovc v41  }
0x3ac: {  	_ =	sdelay $0x1  }
0x3ad: {  	v12 =	vsub.f32 v12, v35;
	v13 =	vsub.f32 v13, v37  }
0x3ae: {  	v14 =	vadd.f32 v40, v38  }
0x3af: {  	v12 =	vmul.f32 v12, v12;
	v13 =	vmul.f32 v13, v13  }
0x3b0: {  	v28 =	vsub.s32 $0x5F3759DF, v28;
	v57 =	vmul.f32 $5.000000000e-01, v18;
	v14 =	vadd.f32 v34, v14  }
0x3b1: {  	v55 =	vmul.f32 v39, v39;
	v58 =	vmul.f32 v28, v28;
	v12 =	vadd.f32 v13, v12  }
0x3b2: {  	v20 =	vmul.f32 v26, v19;
	v33 =	vmul.f32 v36, v33;
	v34 =	vshra.s32 v14, $0x1  }
0x3b3: {  	v38 =	vmul.f32 v58, v57;
	v34 =	vsub.s32 $0x5F3759DF, v34;
	v12 =	vadd.f32 v55, v12  }
0x3b4: {  	v13 =	vmul.f32 $5.000000000e-01, v14;
	v56 =	vmul.f32 v34, v34  }
0x3b5: {  	v27 =	vcvt.s32.f32 v27;
	v26 =	vmul.f32 $5.000000000e-01, v26;
	v60 =	vshra.s32 v12, $0x1  }
0x3b6: {  	v38 =	vsub.f32 $1.500000000e+00, v38;
	v59 =	vmul.f32 v56, v13;
	v62 =	vsub.s32 $0x5F3759DF, v60  }
0x3b7: {  	v45 =	vmul.f32 $5.000000000e-01, v12;
	v44 =	vmul.f32 v62, v62  }
0x3b8: {  	v63 =	vld.idx.msk [tilespmem:v21+s21+$0x0], $0xffff;
	v29 =	vmul.f32 $4.999999690e+02, v29;
	v28 =	vmul.f32 v28, v38  }
0x3b9: {  	v52 =	vld.idx.msk [tilespmem:v24+s20+$0x0], $0xffff;
	v47 =	vmul.f32 v20, v20;
	v61 =	vsub.f32 $1.500000000e+00, v59;
	v46 =	vmul.f32 v44, v45  }
0x3ba: {  	v30 =	vadd.f32 v33, v30;
	v53 =	vtrunc.f32 v29;
	v42 =	vmul.f32 v28, v28  }
0x3bb: {  	v23 =	vsub.f32 v23, v27;
	v33 =	vmul.f32 v34, v61;
	v34 =	vsub.f32 $1.500000000e+00, v46  }
0x3bc: {  	v30 =	vmul.f32 $4.999999690e+02, v30;
	v19 =	vsub.f32 v19, v47;
	v35 =	vmul.f32 v42, v57  }
0x3bd: {  	v31 =	vadd.f32 v31, v63;
	v48 =	vmul.f32 v33, v33;
	v34 =	vmul.f32 v62, v34  }
0x3be: {  	v63 =	vmul.f32 v23, v52;
	v41 =	vtrunc.f32 v30;
	v35 =	vsub.f32 $1.500000000e+00, v35  }
0x3bf: {  	v13 =	vmul.f32 v48, v13;
	v50 =	vmul.f32 v34, v34  }
0x3c0: {  	v19 =	vmul.f32 v19, v26;
	v26 =	vadd.s32 v11, v32;
	v55 =	vld.idx.msk [tilespmem:v21+s22+$0x0], $0xffff;
	v28 =	vmul.f32 v35, v28  }
0x3c1: {  	v49 =	vcvt.f32.s32 v41;
	v13 =	vsub.f32 $1.500000000e+00, v13;
	v51 =	vmul.f32 v50, v45  }
0x3c2: {  	v9 =	vld.idx.msk [tilespmem:v9+s19+$0x0], $0xffff;
	v31 =	vmul.f32 v31, v25;
	v19 =	vadd.f32 v19, v20;
	v56 =	vmul.f32 v28, v18  }
0x3c3: {  	v10 =	vld.idx.msk [tilespmem:v10+s19+$0x0], $0xffff;
	v36 =	vcvt.s32.f32 v49;
	v13 =	vmul.f32 v13, v33;
	v32 =	vsub.f32 $1.500000000e+00, v51  }
0x3c4: {  	v26 =	vadd.s32 v49, v26;
	v19 =	vmul.f32 $4.999999690e+02, v19;
	v59 =	vmul.f32 v56, v56  }
0x3c5: {  	v16 =	vld.idx.msk [tilespmem:v16+s19+$0x0], $0xffff;
	v31 =	vadd.f32 v31, v55;
	v54 =	vmul.f32 v13, v14;
	v32 =	vmul.f32 v32, v34  }
0x3c6: {  	v15 =	vld.idx.msk [tilespmem:v15+s19+$0x0], $0xffff;
	v35 =	vcvt.f32.s32 v53;
	v28 =	vmul.f32 $5.000000000e-01, v28;
	v18 =	vsub.f32 v18, v59  }
0x3c7: {  	v22 =	vld.idx.msk [tilespmem:v22+s19+$0x0], $0xffff;
	v9 =	vadd.s32 v11, v9;
	v57 =	vmul.f32 v54, v54;
	v60 =	vmul.f32 v32, v12  }
0x3c8: {  	v58 =	vld.idx.msk [tilespmem:v24+s21+$0x0], $0xffff;
	v10 =	vadd.s32 v11, v10;
	v25 =	vmul.f32 v31, v25;
	v18 =	vmul.f32 v18, v28  }
0x3c9: {  	v21 =	vld.idx.msk [tilespmem:v21+s23+$0x0], $0xffff;
	v13 =	vmul.f32 $5.000000000e-01, v13;
	v14 =	vsub.f32 v14, v57;
	v62 =	vmul.f32 v60, v60  }
0x3ca: {  	v61 =	vld.idx.msk [tilespmem:v24+s22+$0x0], $0xffff;
	v31 =	vtrunc.f32 v19;
	v9 =	vadd.s32 v35, v9;
	v18 =	vadd.f32 v18, v56  }
0x3cb: {  	v20 =	vld.idx.msk [tilespmem:v26+s20+$0x0], $0xffff;
	v13 =	vmul.f32 v14, v13;
	v32 =	vmul.f32 $5.000000000e-01, v32;
	v12 =	vsub.f32 v12, v62  }
0x3cc: {  	v16 =	vadd.s32 v11, v16;
	v24 =	vld.idx.msk [tilespmem:v24+s23+$0x0], $0xffff;
	v27 =	vcvt.f32.s32 v31;
	v18 =	vmul.f32 $4.999999690e+02, v18  }
0x3cd: {  	v15 =	vadd.s32 v11, v15;
	v42 =	vld.idx.msk [tilespmem:v26+s22+$0x0], $0xffff;
	v13 =	vadd.f32 v13, v54;
	v12 =	vmul.f32 v12, v32  }
0x3ce: {  	v30 =	vsub.f32 v30, v36;
	v10 =	vadd.s32 v27, v10;
	v14 =	vld.idx.msk [tilespmem:v26+s21+$0x0], $0xffff;
	v44 =	vtrunc.f32 v18  }
0x3cf: {  	v31 =	vld.idx.msk [tilespmem:v9+s21+$0x0], $0xffff;
	v45 =	vcvt.f32.s32 v44;
	v13 =	vmul.f32 $4.999999690e+02, v13;
	v12 =	vadd.f32 v12, v60  }
0x3d0: {  	v11 =	vadd.s32 v11, v22;
	v35 =	vcvt.s32.f32 v35;
	v20 =	vmul.f32 v30, v20;
	v28 =	vld.idx.msk [tilespmem:v9+s20+$0x0], $0xffff  }
0x3d1: {  	v46 =	vld.idx.msk [tilespmem:v9+s22+$0x0], $0xffff;
	v15 =	vadd.s32 v45, v15;
	v43 =	vtrunc.f32 v13;
	v12 =	vmul.f32 $4.999999690e+02, v12  }
0x3d2: {  	v27 =	vcvt.s32.f32 v27;
	v9 =	vld.idx.msk [tilespmem:v9+s23+$0x0], $0xffff;
	v32 =	vadd.f32 v63, v58;
	v37 =	vcvt.f32.s32 v43  }
0x3d3: {  	v29 =	vsub.f32 v29, v35;
	v48 =	vld.idx.msk [tilespmem:v10+s21+$0x0], $0xffff;
	v14 =	vadd.f32 v20, v14;
	v47 =	vtrunc.f32 v12  }
0x3d4: {  	v20 =	vld.idx.msk [tilespmem:v10+s20+$0x0], $0xffff;
	v32 =	vmul.f32 v32, v23;
	v16 =	vadd.s32 v37, v16;
	v39 =	vcvt.f32.s32 v47  }
0x3d5: {  	v21 =	vadd.f32 v25, v21;
	v26 =	vld.idx.msk [tilespmem:v26+s23+$0x0], $0xffff;
	v28 =	vmul.f32 v29, v28;
	v14 =	vmul.f32 v14, v30  }
0x3d6: {  	v19 =	vsub.f32 v19, v27;
	v27 =	vld.idx.msk [tilespmem:v15+s20+$0x0], $0xffff;
	v22 =	vadd.f32 v32, v61;
	v11 =	vadd.s32 v39, v11  }
0x3d7: {  	v28 =	vadd.f32 v28, v31;
	v14 =	vadd.f32 v14, v42;
	v31 =	vld.idx.msk [tilespmem:v15+s21+$0x0], $0xffff  }
0x3d8: {  	v17 =	vadd.f32 v21, v17;
	v21 =	vmul.f32 v22, v23;
	v22 =	vld.idx.msk [tilespmem:v10+s22+$0x0], $0xffff;
	v23 =	vcvt.s32.f32 v45  }
0x3d9: {  	v20 =	vmul.f32 v19, v20;
	v14 =	vmul.f32 v14, v30;
	v25 =	vld.idx.msk [tilespmem:v16+s20+$0x0], $0xffff  }
0x3da: {  	v21 =	vadd.f32 v21, v24;
	v24 =	vcvt.s32.f32 v37;
	v49 =	vld.idx.msk [tilespmem:v16+s21+$0x0], $0xffff;
	v18 =	vsub.f32 v18, v23  }
0x3db: {  	v20 =	vadd.f32 v20, v48;
	v14 =	vadd.f32 v14, v26;
	v23 =	vmul.f32 v28, v29;
	v28 =	vld.idx.msk [tilespmem:v11+s20+$0x0], $0xffff  }
0x3dc: {  	v26 =	vld.idx.msk [tilespmem:v15+s22+$0x0], $0xffff;
	v13 =	vsub.f32 v13, v24;
	v24 =	vcvt.s32.f32 v39;
	v27 =	vmul.f32 v18, v27  }
0x3dd: {  	v20 =	vmul.f32 v20, v19;
	v23 =	vadd.f32 v23, v46;
	v30 =	vld.idx.msk [tilespmem:v11+s21+$0x0], $0xffff  }
0x3de: {  	v10 =	vld.idx.msk [tilespmem:v10+s23+$0x0], $0xffff;
	v27 =	vadd.f32 v27, v31;
	v12 =	vsub.f32 v12, v24;
	v25 =	vmul.f32 v13, v25  }
0x3df: {  	v14 =	vadd.f32 v14, v17;
	v17 =	vadd.f32 v20, v22;
	v20 =	vld.idx.msk [tilespmem:v16+s22+$0x0], $0xffff;
	v23 =	vmul.f32 v23, v29  }
0x3e0: {  	v15 =	vld.idx.msk [tilespmem:v15+s23+$0x0], $0xffff;
	v22 =	vadd.f32 v25, v49;
	v25 =	vmul.f32 v27, v18;
	v24 =	vmul.f32 v12, v28  }
0x3e1: {  	v14 =	vadd.f32 v21, v14;
	v17 =	vmul.f32 v17, v19;
	v9 =	vadd.f32 v23, v9;
	v27 =	vld.idx.msk [tilespmem:v11+s22+$0x0], $0xffff  }
0x3e2: {  	v19 =	vmul.f32 v22, v13;
	v22 =	vadd.f32 v25, v26;
	v21 =	vadd.f32 v24, v30  }
0x3e3: {  	v10 =	vadd.f32 v17, v10;
	v9 =	vadd.f32 v9, v14;
	v14 =	vld.idx.msk [tilespmem:v16+s23+$0x0], $0xffff  }
0x3e4: {  	v16 =	vadd.f32 v19, v20;
	v18 =	vmul.f32 v22, v18;
	v17 =	vmul.f32 v21, v12  }
0x3e5: {  	v9 =	vadd.f32 v10, v9;
	v10 =	vld.idx.msk [tilespmem:v11+s23+$0x0], $0xffff  }
0x3e6: {  	v11 =	vmul.f32 v16, v13;
	v15 =	vadd.f32 v18, v15;
	v13 =	vadd.f32 v17, v27;
	_ =	sdelay $0x1  }
0x3e7: {  	v11 =	vadd.f32 v11, v14;
	v9 =	vadd.f32 v15, v9;
	v12 =	vmul.f32 v13, v12;
	_ =	sdelay $0x1  }
0x3e8: {  	v9 =	vadd.f32 v11, v9;
	v10 =	vadd.f32 v12, v10;
	_ =	sdelay $0x1  }
0x3e9: {  	v9 =	vadd.f32 v10, v9;
	v10 =	vor.u32 $0x5000, v8;
	_ =	sdelay $0x1  }
0x3ea: {  	v9 =	vmul.f32 $5.000000000e-01, v9;
	_ =	sdelay $0x1  }
0x3eb: {  	[tilespmem:$0x19A40] =	vst v9  }
0x3ec: {  	v16 =	vld.idx.msk [tilespmem:v10+s14+$0x0], $0xffff;
	_ =	sdelay $0x5  }
0x3ed: {  	v12 =	vld.idx.msk [tilespmem:v5+s2+$0x0], $0xffff  }
0x3ee: {  	v13 =	vld.idx.msk [tilespmem:v5+s17+$0x0], $0xffff  }
0x3ef: {  	v9 =	vld.idx.msk [tilespmem:v16+s2+$0x0], $0xffff  }
0x3f0: {  	v17 =	vor.u32 $0x2, v10;
	v11 =	vld.idx.msk [tilespmem:v16+s17+$0x0], $0xffff  }
0x3f1: {  	v14 =	vld.idx.msk [tilespmem:v5+s18+$0x0], $0xffff  }
0x3f2: {  	v15 =	vld.idx.msk [tilespmem:v16+s18+$0x0], $0xffff;
	_ =	sdelay $0x2  }
0x3f3: {  	v17 =	vld.idx.msk [tilespmem:v17+s14+$0x0], $0xffff;
	v9 =	vsub.f32 v12, v9;
	v11 =	vsub.f32 v13, v11  }
0x3f4: {  	v18 =	vor.u32 $0x1, v10  }
0x3f5: {  	v15 =	vsub.f32 v14, v15;
	v9 =	vmul.f32 v9, v9;
	v11 =	vmul.f32 v11, v11;
	_ =	sdelay $0x1  }
0x3f6: {  	v19 =	vor.u32 $0x3, v10;
	v15 =	vmul.f32 v15, v15;
	v9 =	vadd.f32 v11, v9;
	_ =	sdelay $0x1  }
0x3f7: {  	v11 =	vadd.f32 v15, v9  }
0x3f8: {  	v24 =	vld.idx.msk [tilespmem:v18+s14+$0x0], $0xffff  }
0x3f9: {  	v21 =	vld.idx.msk [tilespmem:v17+s17+$0x0], $0xffff;
	v15 =	vshra.s32 v11, $0x1  }
0x3fa: {  	v9 =	vld.idx.msk [tilespmem:v19+s14+$0x0], $0xffff;
	v15 =	vsub.s32 $0x5F3759DF, v15  }
0x3fb: {  	v19 =	vld.idx.msk [tilespmem:v17+s2+$0x0], $0xffff;
	v20 =	vmul.f32 $5.000000000e-01, v11;
	v18 =	vmul.f32 v15, v15;
	_ =	sdelay $0x1  }
0x3fc: {  	v22 =	vld.idx.msk [tilespmem:v17+s18+$0x0], $0xffff;
	v18 =	vmul.f32 v18, v20;
	_ =	sdelay $0x1  }
0x3fd: {  	v23 =	vsub.f32 $1.500000000e+00, v18  }
0x3fe: {  	v18 =	vadd.s32 $0x4, v10;
	v10 =	vsub.f32 v12, v19;
	v19 =	vsub.f32 v13, v21  }
0x3ff: {  	v21 =	vld.idx.msk [tilespmem:v24+s17+$0x0], $0xffff;
	v15 =	vmul.f32 v15, v23  }
0x400: {  	v22 =	vsub.f32 v14, v22;
	v26 =	vld.idx.msk [tilespmem:v9+s2+$0x0], $0xffff;
	v10 =	vmul.f32 v10, v10;
	v19 =	vmul.f32 v19, v19  }
0x401: {  	v27 =	vld.idx.msk [tilespmem:v9+s17+$0x0], $0xffff;
	v25 =	vmul.f32 v15, v15  }
0x402: {  	v22 =	vmul.f32 v22, v22;
	v23 =	vld.idx.msk [tilespmem:v24+s2+$0x0], $0xffff;
	v19 =	vadd.f32 v19, v10  }
0x403: {  	v10 =	vld.idx.msk [tilespmem:v18+s14+$0x0], $0xffff;
	v20 =	vmul.f32 v25, v20  }
0x404: {  	v21 =	vsub.f32 v13, v21;
	v25 =	vld.idx.msk [tilespmem:v9+s18+$0x0], $0xffff;
	v22 =	vadd.f32 v22, v19  }
0x405: {  	v19 =	vsub.f32 $1.500000000e+00, v20  }
0x406: {  	v27 =	vsub.f32 v13, v27;
	v21 =	vmul.f32 v21, v21;
	v20 =	vld.idx.msk [tilespmem:v24+s18+$0x0], $0xffff;
	v28 =	vshra.s32 v22, $0x1  }
0x407: {  	v15 =	vmul.f32 v19, v15;
	v19 =	vsub.f32 v12, v26;
	v26 =	vsub.s32 $0x5F3759DF, v28  }
0x408: {  	v23 =	vsub.f32 v12, v23;
	v28 =	vmul.f32 $5.000000000e-01, v22;
	v29 =	vmul.f32 v26, v26  }
0x409: {  	v27 =	vmul.f32 v27, v27;
	v25 =	vsub.f32 v14, v25;
	v30 =	vmul.f32 v15, v11  }
0x40a: {  	v19 =	vmul.f32 v19, v19;
	v29 =	vmul.f32 v29, v28  }
0x40b: {  	v23 =	vmul.f32 v23, v23;
	v20 =	vsub.f32 v14, v20;
	v25 =	vmul.f32 v25, v25;
	v31 =	vld.idx.msk [tilespmem:v10+s2+$0x0], $0xffff  }
0x40c: {  	v50 =	vmul.f32 v30, v30;
	v19 =	vadd.f32 v27, v19;
	v27 =	vld.idx.msk [tilespmem:v10+s17+$0x0], $0xffff;
	v29 =	vsub.f32 $1.500000000e+00, v29  }
0x40d: {  	v21 =	vadd.f32 v21, v23;
	v15 =	vmul.f32 $5.000000000e-01, v15;
	v20 =	vmul.f32 v20, v20  }
0x40e: {  	v23 =	vld.idx.msk [tilespmem:v10+s18+$0x0], $0xffff;
	v11 =	vsub.f32 v11, v50;
	v25 =	vadd.f32 v25, v19;
	v19 =	vmul.f32 v26, v29  }
0x40f: {  	v29 =	vadd.f32 v20, v21  }
0x410: {  	v11 =	vmul.f32 v11, v15;
	v15 =	vshra.s32 v25, $0x1;
	v20 =	vmul.f32 v19, v19  }
0x411: {  	v21 =	vsub.s32 $0x5F3759DF, v15;
	v15 =	vsub.f32 v12, v31;
	v26 =	vsub.f32 v13, v27  }
0x412: {  	v27 =	vor.u32 $0x1, v18;
	v11 =	vadd.f32 v11, v30;
	v30 =	vmul.f32 $5.000000000e-01, v25  }
0x413: {  	v23 =	vsub.f32 v14, v23;
	v20 =	vmul.f32 v20, v28;
	v15 =	vmul.f32 v15, v15  }
0x414: {  	v26 =	vmul.f32 v26, v26;
	v28 =	vmul.f32 v21, v21  }
0x415: {  	v23 =	vmul.f32 v23, v23;
	v31 =	vmul.f32 $4.999999690e+02, v11;
	v20 =	vsub.f32 $1.500000000e+00, v20  }
0x416: {  	v11 =	vadd.f32 v26, v15;
	v15 =	vshra.s32 v29, $0x1;
	v26 =	vmul.f32 v28, v30  }
0x417: {  	v52 =	vsub.s32 $0x5F3759DF, v15;
	v15 =	vld.idx.msk [tilespmem:v27+s14+$0x0], $0xffff;
	v27 =	vor.u32 $0x2, v18  }
0x418: {  	v28 =	vld.idx.msk [tilespmem:v5+s19+$0x0], $0xffff;
	v20 =	vmul.f32 v20, v19;
	v19 =	vadd.f32 v23, v11;
	v11 =	vsub.f32 $1.500000000e+00, v26  }
0x419: {  	v51 =	vmul.f32 $5.000000000e-01, v29;
	v53 =	vmul.f32 v52, v52  }
0x41a: {  	v26 =	vmul.f32 v20, v22;
	v54 =	vshra.s32 v19, $0x1;
	v21 =	vmul.f32 v21, v11  }
0x41b: {  	v59 =	vld.idx.msk [tilespmem:v16+s19+$0x0], $0xffff;
	v55 =	vmul.f32 $5.000000000e-01, v19;
	v20 =	vmul.f32 $5.000000000e-01, v20;
	v35 =	vsub.s32 $0x5F3759DF, v54  }
0x41c: {  	v56 =	vmul.f32 v26, v26;
	v57 =	vmul.f32 v35, v35;
	v16 =	vld.idx.msk [tilespmem:v27+s14+$0x0], $0xffff  }
0x41d: {  	v11 =	vshll.u32 v28, $0x2;
	v28 =	vmul.f32 v53, v51;
	v58 =	vmul.f32 v21, v21  }
0x41e: {  	v27 =	vor.u32 $0x3, v18;
	v38 =	vmul.f32 v57, v55;
	v22 =	vsub.f32 v22, v56  }
0x41f: {  	v60 =	vld.idx.msk [tilespmem:v17+s19+$0x0], $0xffff;
	v23 =	vtrunc.f32 v31;
	v28 =	vsub.f32 $1.500000000e+00, v28;
	v30 =	vmul.f32 v58, v30  }
0x420: {  	v23 =	vcvt.f32.s32 v23;
	v62 =	vld.idx.msk [tilespmem:v15+s18+$0x0], $0xffff;
	v61 =	vsub.f32 $1.500000000e+00, v38;
	v20 =	vmul.f32 v22, v20  }
0x421: {  	v17 =	vimm.f32 $0.0e+00;
	v28 =	vmul.f32 v52, v28;
	v47 =	vld.idx.msk [tilespmem:v15+s2+$0x0], $0xffff;
	v22 =	vsub.f32 $1.500000000e+00, v30  }
0x422: {  	v63 =	vcvt.s32.f32 v23;
	v30 =	vld.idx.msk [tilespmem:v15+s17+$0x0], $0xffff;
	v35 =	vmul.f32 v35, v61;
	v20 =	vadd.f32 v20, v26  }
0x423: {  	v48 =	vmul.f32 v28, v28;
	v26 =	vadd.s32 v11, v59;
	v49 =	vmul.f32 v22, v21;
	v22 =	vld.idx.msk [tilespmem:v27+s14+$0x0], $0xffff  }
0x424: {  	v21 =	vadd.s32 v23, v26;
	v26 =	vmul.f32 v35, v35;
	v23 =	vmul.f32 $4.999999690e+02, v20;
	v54 =	vld.idx.msk [tilespmem:v16+s18+$0x0], $0xffff  }
0x425: {  	v50 =	vadd.s32 v11, v60;
	v20 =	vmul.f32 v48, v51;
	v51 =	vmul.f32 v49, v25;
	v56 =	vld.idx.msk [tilespmem:v16+s2+$0x0], $0xffff  }
0x426: {  	v52 =	vsub.f32 v14, v62;
	v53 =	vmul.f32 $5.000000000e-01, v49;
	v33 =	vsub.f32 v12, v47;
	v43 =	vld.idx.msk [tilespmem:v16+s17+$0x0], $0xffff  }
0x427: {  	v30 =	vsub.f32 v13, v30;
	v27 =	vtrunc.f32 v23;
	v26 =	vmul.f32 v26, v55  }
0x428: {  	v55 =	vsub.f32 $1.500000000e+00, v20;
	v57 =	vmul.f32 v51, v51;
	v58 =	vmul.f32 v52, v52  }
0x429: {  	v20 =	vadd.s32 $0x4, v18;
	v27 =	vcvt.f32.s32 v27;
	v44 =	vmul.f32 v30, v30  }
0x42a: {  	v32 =	vld.idx.msk [tilespmem:v24+s19+$0x0], $0xffff;
	v18 =	vmul.f32 v55, v28;
	v26 =	vsub.f32 $1.500000000e+00, v26;
	v60 =	vsub.f32 v14, v54  }
0x42b: {  	v28 =	vmul.f32 v33, v33;
	v45 =	vld.idx.msk [tilespmem:v21+s20+$0x0], $0xffff;
	v61 =	vsub.f32 v12, v56;
	v62 =	vsub.f32 v13, v43  }
0x42c: {  	v24 =	vadd.s32 v27, v50;
	v30 =	vmul.f32 v18, v29;
	v33 =	vmul.f32 $5.000000000e-01, v18;
	v59 =	vld.idx.msk [tilespmem:v22+s18+$0x0], $0xffff  }
0x42d: {  	v18 =	vsub.f32 v25, v57;
	v26 =	vmul.f32 v26, v35;
	v28 =	vadd.f32 v44, v28  }
0x42e: {  	v25 =	vsub.f32 v31, v63;
	v35 =	vld.idx.msk [tilespmem:v22+s2+$0x0], $0xffff;
	v34 =	vmul.f32 v60, v60;
	v31 =	vmul.f32 v30, v30  }
0x42f: {  	v38 =	vmul.f32 v61, v61;
	v63 =	vmul.f32 v18, v53;
	v18 =	vadd.f32 v58, v28  }
0x430: {  	v37 =	vld.idx.msk [tilespmem:v22+s17+$0x0], $0xffff;
	v40 =	vmul.f32 v62, v62;
	v36 =	vsub.f32 v29, v31;
	v31 =	vmul.f32 v25, v45  }
0x431: {  	s29 =	simm.s32 $0x4;
	v29 =	vadd.f32 v63, v51;
	v28 =	vshra.s32 v18, $0x1;
	v39 =	vsub.f32 v14, v59  }
.LBB2_12:
0x432: {  	v41 =	vld.idx.msk [tilespmem:v20+s14+$0x0], $0xffff;
	s29 =	sadd.s32 $0x4, s29;
	v42 =	vmul.f32 v26, v19;
	v38 =	vadd.f32 v40, v38;
	v33 =	vmul.f32 v36, v33  }
0x433: {  	v35 =	vsub.f32 v12, v35;
	v40 =	vcvt.s32.f32 v27;
	p0 =	slt.u32 s29, $0xFC;
	v36 =	vmul.f32 v39, v39;
	v39 =	vld.idx.msk [tilespmem:v21+s21+$0x0], $0xffff  }
0x434: {  	v43 =	vmul.f32 v42, v42;
	v27 =	vadd.f32 v34, v38;
	v30 =	vadd.f32 v33, v30  }
0x435: {  	v33 =	vsub.f32 v13, v37;
	v34 =	vmul.f32 v35, v35  }
0x436: {  	v35 =	vshra.s32 v27, $0x1;
	v37 =	vmul.f32 $5.000000000e-01, v27;
	v30 =	vmul.f32 $4.999999690e+02, v30;
	v38 =	vld.idx.msk [tilespmem:v24+s20+$0x0], $0xffff  }
0x437: {  	v33 =	vmul.f32 v33, v33;
	v32 =	vadd.s32 v11, v32;
	v35 =	vsub.s32 $0x5F3759DF, v35;
	v44 =	vld.idx.msk [tilespmem:v9+s19+$0x0], $0xffff;
	v9 =	vmovc v22  }
0x438: {  	v23 =	vsub.f32 v23, v40;
	v22 =	vld.idx.msk [tilespmem:v10+s19+$0x0], $0xffff;
	v45 =	vmul.f32 v35, v35;
	v46 =	vtrunc.f32 v30;
	v10 =	vmovc v41  }
0x439: {  	v40 =	vmul.f32 $5.000000000e-01, v26;
	v26 =	vadd.f32 v33, v34;
	v31 =	vadd.f32 v31, v39;
	v33 =	vld.idx.msk [tilespmem:v21+s22+$0x0], $0xffff  }
0x43a: {  	v19 =	vsub.f32 v19, v43;
	v43 =	vcvt.f32.s32 v46;
	v34 =	vld.idx.msk [tilespmem:v41+s2+$0x0], $0xffff;
	v39 =	vmul.f32 v45, v37  }
0x43b: {  	v29 =	vmul.f32 $4.999999690e+02, v29;
	v26 =	vadd.f32 v36, v26;
	v31 =	vmul.f32 v31, v25;
	v45 =	vld.idx.msk [tilespmem:v41+s17+$0x0], $0xffff  }
0x43c: {  	v19 =	vmul.f32 v19, v40;
	v32 =	vadd.s32 v43, v32;
	v36 =	vld.idx.msk [tilespmem:v41+s18+$0x0], $0xffff;
	v39 =	vsub.f32 $1.500000000e+00, v39  }
0x43d: {  	v46 =	vtrunc.f32 v29;
	v40 =	vshra.s32 v26, $0x1;
	v41 =	vcvt.s32.f32 v43;
	v43 =	vld.idx.msk [tilespmem:v24+s21+$0x0], $0xffff  }
0x43e: {  	v35 =	vmul.f32 v35, v39;
	v39 =	vsub.s32 $0x5F3759DF, v40;
	v21 =	vld.idx.msk [tilespmem:v21+s23+$0x0], $0xffff;
	v40 =	vcvt.f32.s32 v46  }
0x43f: {  	v19 =	vadd.f32 v19, v42;
	v31 =	vadd.f32 v31, v33;
	v33 =	vadd.s32 v11, v44  }
0x440: {  	v34 =	vsub.f32 v12, v34;
	v42 =	vmul.f32 v35, v35;
	v33 =	vadd.s32 v40, v33  }
0x441: {  	v38 =	vmul.f32 v23, v38;
	v22 =	vadd.s32 v11, v22;
	v25 =	vmul.f32 v31, v25;
	v31 =	vld.idx.msk [tilespmem:v32+s20+$0x0], $0xffff  }
0x442: {  	v44 =	vmul.f32 v39, v39;
	v36 =	vsub.f32 v14, v36;
	v34 =	vmul.f32 v34, v34;
	v46 =	vld.idx.msk [tilespmem:v24+s22+$0x0], $0xffff  }
0x443: {  	v40 =	vcvt.s32.f32 v40;
	v37 =	vmul.f32 v42, v37;
	v38 =	vadd.f32 v38, v43;
	v42 =	vld.idx.msk [tilespmem:v32+s21+$0x0], $0xffff  }
0x444: {  	v43 =	vmul.f32 $5.000000000e-01, v26;
	v36 =	vmul.f32 v36, v36;
	v21 =	vadd.f32 v25, v21  }
0x445: {  	v30 =	vsub.f32 v30, v41;
	v45 =	vsub.f32 v13, v45;
	v38 =	vmul.f32 v38, v23;
	v41 =	vld.idx.msk [tilespmem:v33+s20+$0x0], $0xffff  }
0x446: {  	v47 =	vmul.f32 $5.000000000e-01, v18;
	v25 =	vmul.f32 $4.999999690e+02, v19;
	v19 =	vsub.f32 $1.500000000e+00, v37  }
0x447: {  	v37 =	vor.u32 $0x1, v20;
	v44 =	vmul.f32 v44, v43;
	v31 =	vmul.f32 v30, v31;
	v48 =	vld.idx.msk [tilespmem:v33+s21+$0x0], $0xffff  }
0x448: {  	v28 =	vsub.s32 $0x5F3759DF, v28;
	v45 =	vmul.f32 v45, v45;
	v38 =	vadd.f32 v38, v46  }
0x449: {  	v29 =	vsub.f32 v29, v40;
	v35 =	vmul.f32 v19, v35;
	v31 =	vadd.f32 v31, v42  }
0x44a: {  	v17 =	vadd.f32 v21, v17;
	v19 =	vadd.f32 v45, v34;
	v23 =	vmul.f32 v38, v23;
	v21 =	vld.idx.msk [tilespmem:v32+s22+$0x0], $0xffff  }
0x44b: {  	v34 =	vtrunc.f32 v25;
	v38 =	vsub.f32 $1.500000000e+00, v44;
	v40 =	vmul.f32 v29, v41;
	v24 =	vld.idx.msk [tilespmem:v24+s23+$0x0], $0xffff  }
0x44c: {  	v19 =	vadd.f32 v36, v19;
	v36 =	vmul.f32 v35, v27;
	v31 =	vmul.f32 v31, v30;
	v41 =	vld.idx.msk [tilespmem:v37+s14+$0x0], $0xffff  }
0x44d: {  	v42 =	vmul.f32 v28, v28;
	v38 =	vmul.f32 v39, v38;
	v37 =	vor.u32 $0x2, v20;
	v39 =	vld.idx.msk [tilespmem:v33+s22+$0x0], $0xffff  }
0x44e: {  	v44 =	vshra.s32 v19, $0x1;
	v45 =	vmul.f32 $5.000000000e-01, v19;
	v40 =	vadd.f32 v40, v48  }
0x44f: {  	v42 =	vmul.f32 v42, v47;
	v46 =	vmul.f32 v36, v36;
	v44 =	vsub.s32 $0x5F3759DF, v44;
	v32 =	vld.idx.msk [tilespmem:v32+s23+$0x0], $0xffff  }
0x450: {  	v48 =	vmul.f32 v44, v44;
	v49 =	vmul.f32 v38, v38;
	v21 =	vadd.f32 v31, v21  }
0x451: {  	v31 =	vcvt.f32.s32 v34;
	v24 =	vadd.f32 v23, v24;
	v23 =	vld.idx.msk [tilespmem:v33+s23+$0x0], $0xffff;
	v33 =	vmul.f32 v40, v29  }
0x452: {  	v27 =	vsub.f32 v27, v46;
	v34 =	vmul.f32 v48, v45;
	v30 =	vmul.f32 v21, v30;
	v37 =	vld.idx.msk [tilespmem:v37+s14+$0x0], $0xffff  }
0x453: {  	v40 =	vcvt.s32.f32 v31;
	v21 =	vadd.s32 v31, v22;
	v31 =	vld.idx.msk [tilespmem:v16+s19+$0x0], $0xffff;
	v16 =	vadd.f32 v33, v39  }
0x454: {  	v35 =	vmul.f32 $5.000000000e-01, v35;
	v22 =	vor.u32 $0x3, v20;
	v39 =	vsub.f32 $1.500000000e+00, v42;
	v33 =	vld.idx.msk [tilespmem:v41+s18+$0x0], $0xffff  }
0x455: {  	v34 =	vsub.f32 $1.500000000e+00, v34;
	v42 =	vmul.f32 v49, v43;
	v43 =	vmul.f32 v16, v29  }
0x456: {  	v27 =	vmul.f32 v27, v35;
	v30 =	vadd.f32 v30, v32;
	v28 =	vmul.f32 v28, v39;
	v29 =	vld.idx.msk [tilespmem:v41+s17+$0x0], $0xffff  }
0x457: {  	v32 =	vmul.f32 v44, v34;
	v34 =	vsub.f32 $1.500000000e+00, v42;
	v35 =	vadd.f32 v43, v23;
	v16 =	vmovc v37  }
0x458: {  	v17 =	vadd.f32 v30, v17;
	v42 =	vmul.f32 v28, v28;
	v23 =	vadd.f32 v27, v36;
	v39 =	vld.idx.msk [tilespmem:v41+s2+$0x0], $0xffff  }
0x459: {  	v27 =	vmul.f32 v34, v38;
	v43 =	vadd.s32 v11, v31;
	v22 =	vld.idx.msk [tilespmem:v22+s14+$0x0], $0xffff  }
0x45a: {  	v30 =	vmul.f32 v32, v32;
	v17 =	vadd.f32 v24, v17;
	v23 =	vmul.f32 $4.999999690e+02, v23;
	v31 =	vld.idx.msk [tilespmem:v37+s18+$0x0], $0xffff  }
0x45b: {  	v24 =	vsub.f32 v14, v33;
	v33 =	vmul.f32 v42, v47;
	v42 =	vmul.f32 v27, v26;
	v34 =	vld.idx.msk [tilespmem:v37+s2+$0x0], $0xffff  }
0x45c: {  	v17 =	vadd.f32 v35, v17;
	v36 =	vtrunc.f32 v23;
	v37 =	vmul.f32 $5.000000000e-01, v27  }
0x45d: {  	v30 =	vmul.f32 v30, v45;
	v29 =	vsub.f32 v13, v29;
	v33 =	vsub.f32 $1.500000000e+00, v33;
	v38 =	vld.idx.msk [tilespmem:v16+s17+$0x0], $0xffff  }
0x45e: {  	v27 =	vcvt.f32.s32 v36;
	v36 =	vmul.f32 v42, v42;
	v35 =	vsub.f32 v12, v39  }
0x45f: {  	v20 =	vadd.s32 $0x4, v20;
	v29 =	vmul.f32 v29, v29;
	v28 =	vmul.f32 v33, v28  }
0x460: {  	v24 =	vmul.f32 v24, v24;
	v39 =	vsub.f32 $1.500000000e+00, v30;
	v35 =	vmul.f32 v35, v35;
	v44 =	vld.idx.msk [tilespmem:v21+s20+$0x0], $0xffff  }
0x461: {  	v30 =	vmul.f32 v28, v18;
	v33 =	vmul.f32 $5.000000000e-01, v28;
	v28 =	vsub.f32 v26, v36;
	v45 =	vld.idx.msk [tilespmem:v22+s18+$0x0], $0xffff  }
0x462: {  	v26 =	vmul.f32 v39, v32;
	v31 =	vsub.f32 v14, v31;
	v29 =	vadd.f32 v29, v35;
	v35 =	vld.idx.msk [tilespmem:v22+s2+$0x0], $0xffff  }
.Ltmp5:
0x463: {  	v25 =	vsub.f32 v25, v40;
	v32 =	vsub.f32 v12, v34;
	v36 =	vmul.f32 v30, v30;
	(pc) =	sbr.rel @p0 .LBB2_12-.Ltmp5, $4  }
0x464: {  	v34 =	vmul.f32 v31, v31;
	v28 =	vmul.f32 v28, v37;
	v39 =	vsub.f32 v13, v38  }
0x465: {  	v38 =	vmul.f32 v32, v32;
	v36 =	vsub.f32 v18, v36;
	v18 =	vadd.f32 v24, v29;
	v37 =	vld.idx.msk [tilespmem:v22+s17+$0x0], $0xffff  }
0x466: {  	v29 =	vadd.f32 v28, v42;
	v40 =	vmul.f32 v39, v39;
	v31 =	vmul.f32 v25, v44  }
0x467: {  	v24 =	vadd.s32 v27, v43;
	v28 =	vshra.s32 v18, $0x1;
	v39 =	vsub.f32 v14, v45;
	v32 =	vld.idx.msk [tilespmem:v15+s19+$0x0], $0xffff;
	v15 =	vmovc v41  }
0x468: {  	_ =	sdelay $0x1  }
0x469: {  	v12 =	vsub.f32 v12, v35;
	v13 =	vsub.f32 v13, v37  }
0x46a: {  	v14 =	vadd.f32 v40, v38  }
0x46b: {  	v12 =	vmul.f32 v12, v12;
	v13 =	vmul.f32 v13, v13  }
0x46c: {  	v28 =	vsub.s32 $0x5F3759DF, v28;
	v57 =	vmul.f32 $5.000000000e-01, v18;
	v14 =	vadd.f32 v34, v14  }
0x46d: {  	v55 =	vmul.f32 v39, v39;
	v58 =	vmul.f32 v28, v28;
	v12 =	vadd.f32 v13, v12  }
0x46e: {  	v20 =	vmul.f32 v26, v19;
	v33 =	vmul.f32 v36, v33;
	v34 =	vshra.s32 v14, $0x1  }
0x46f: {  	v38 =	vmul.f32 v58, v57;
	v34 =	vsub.s32 $0x5F3759DF, v34;
	v12 =	vadd.f32 v55, v12  }
0x470: {  	v13 =	vmul.f32 $5.000000000e-01, v14;
	v56 =	vmul.f32 v34, v34  }
0x471: {  	v27 =	vcvt.s32.f32 v27;
	v26 =	vmul.f32 $5.000000000e-01, v26;
	v60 =	vshra.s32 v12, $0x1  }
0x472: {  	v38 =	vsub.f32 $1.500000000e+00, v38;
	v59 =	vmul.f32 v56, v13;
	v62 =	vsub.s32 $0x5F3759DF, v60  }
0x473: {  	v45 =	vmul.f32 $5.000000000e-01, v12;
	v44 =	vmul.f32 v62, v62  }
0x474: {  	v63 =	vld.idx.msk [tilespmem:v21+s21+$0x0], $0xffff;
	v29 =	vmul.f32 $4.999999690e+02, v29;
	v28 =	vmul.f32 v28, v38  }
0x475: {  	v52 =	vld.idx.msk [tilespmem:v24+s20+$0x0], $0xffff;
	v47 =	vmul.f32 v20, v20;
	v61 =	vsub.f32 $1.500000000e+00, v59;
	v46 =	vmul.f32 v44, v45  }
0x476: {  	v30 =	vadd.f32 v33, v30;
	v53 =	vtrunc.f32 v29;
	v42 =	vmul.f32 v28, v28  }
0x477: {  	v23 =	vsub.f32 v23, v27;
	v33 =	vmul.f32 v34, v61;
	v34 =	vsub.f32 $1.500000000e+00, v46  }
0x478: {  	v30 =	vmul.f32 $4.999999690e+02, v30;
	v19 =	vsub.f32 v19, v47;
	v35 =	vmul.f32 v42, v57  }
0x479: {  	v31 =	vadd.f32 v31, v63;
	v48 =	vmul.f32 v33, v33;
	v34 =	vmul.f32 v62, v34  }
0x47a: {  	v63 =	vmul.f32 v23, v52;
	v41 =	vtrunc.f32 v30;
	v35 =	vsub.f32 $1.500000000e+00, v35  }
0x47b: {  	v13 =	vmul.f32 v48, v13;
	v50 =	vmul.f32 v34, v34  }
0x47c: {  	v19 =	vmul.f32 v19, v26;
	v26 =	vadd.s32 v11, v32;
	v55 =	vld.idx.msk [tilespmem:v21+s22+$0x0], $0xffff;
	v28 =	vmul.f32 v35, v28  }
0x47d: {  	v49 =	vcvt.f32.s32 v41;
	v13 =	vsub.f32 $1.500000000e+00, v13;
	v51 =	vmul.f32 v50, v45  }
0x47e: {  	v9 =	vld.idx.msk [tilespmem:v9+s19+$0x0], $0xffff;
	v31 =	vmul.f32 v31, v25;
	v19 =	vadd.f32 v19, v20;
	v56 =	vmul.f32 v28, v18  }
0x47f: {  	v10 =	vld.idx.msk [tilespmem:v10+s19+$0x0], $0xffff;
	v36 =	vcvt.s32.f32 v49;
	v13 =	vmul.f32 v13, v33;
	v32 =	vsub.f32 $1.500000000e+00, v51  }
0x480: {  	v26 =	vadd.s32 v49, v26;
	v19 =	vmul.f32 $4.999999690e+02, v19;
	v59 =	vmul.f32 v56, v56  }
0x481: {  	v16 =	vld.idx.msk [tilespmem:v16+s19+$0x0], $0xffff;
	v31 =	vadd.f32 v31, v55;
	v54 =	vmul.f32 v13, v14;
	v32 =	vmul.f32 v32, v34  }
0x482: {  	v15 =	vld.idx.msk [tilespmem:v15+s19+$0x0], $0xffff;
	v35 =	vcvt.f32.s32 v53;
	v28 =	vmul.f32 $5.000000000e-01, v28;
	v18 =	vsub.f32 v18, v59  }
0x483: {  	v22 =	vld.idx.msk [tilespmem:v22+s19+$0x0], $0xffff;
	v9 =	vadd.s32 v11, v9;
	v57 =	vmul.f32 v54, v54;
	v60 =	vmul.f32 v32, v12  }
0x484: {  	v58 =	vld.idx.msk [tilespmem:v24+s21+$0x0], $0xffff;
	v10 =	vadd.s32 v11, v10;
	v25 =	vmul.f32 v31, v25;
	v18 =	vmul.f32 v18, v28  }
0x485: {  	v21 =	vld.idx.msk [tilespmem:v21+s23+$0x0], $0xffff;
	v13 =	vmul.f32 $5.000000000e-01, v13;
	v14 =	vsub.f32 v14, v57;
	v62 =	vmul.f32 v60, v60  }
0x486: {  	v61 =	vld.idx.msk [tilespmem:v24+s22+$0x0], $0xffff;
	v31 =	vtrunc.f32 v19;
	v9 =	vadd.s32 v35, v9;
	v18 =	vadd.f32 v18, v56  }
0x487: {  	v20 =	vld.idx.msk [tilespmem:v26+s20+$0x0], $0xffff;
	v13 =	vmul.f32 v14, v13;
	v32 =	vmul.f32 $5.000000000e-01, v32;
	v12 =	vsub.f32 v12, v62  }
0x488: {  	v16 =	vadd.s32 v11, v16;
	v24 =	vld.idx.msk [tilespmem:v24+s23+$0x0], $0xffff;
	v27 =	vcvt.f32.s32 v31;
	v18 =	vmul.f32 $4.999999690e+02, v18  }
0x489: {  	v15 =	vadd.s32 v11, v15;
	v42 =	vld.idx.msk [tilespmem:v26+s22+$0x0], $0xffff;
	v13 =	vadd.f32 v13, v54;
	v12 =	vmul.f32 v12, v32  }
0x48a: {  	v30 =	vsub.f32 v30, v36;
	v10 =	vadd.s32 v27, v10;
	v14 =	vld.idx.msk [tilespmem:v26+s21+$0x0], $0xffff;
	v44 =	vtrunc.f32 v18  }
0x48b: {  	v31 =	vld.idx.msk [tilespmem:v9+s21+$0x0], $0xffff;
	v45 =	vcvt.f32.s32 v44;
	v13 =	vmul.f32 $4.999999690e+02, v13;
	v12 =	vadd.f32 v12, v60  }
0x48c: {  	v11 =	vadd.s32 v11, v22;
	v35 =	vcvt.s32.f32 v35;
	v20 =	vmul.f32 v30, v20;
	v28 =	vld.idx.msk [tilespmem:v9+s20+$0x0], $0xffff  }
0x48d: {  	v46 =	vld.idx.msk [tilespmem:v9+s22+$0x0], $0xffff;
	v15 =	vadd.s32 v45, v15;
	v43 =	vtrunc.f32 v13;
	v12 =	vmul.f32 $4.999999690e+02, v12  }
0x48e: {  	v27 =	vcvt.s32.f32 v27;
	v9 =	vld.idx.msk [tilespmem:v9+s23+$0x0], $0xffff;
	v32 =	vadd.f32 v63, v58;
	v37 =	vcvt.f32.s32 v43  }
0x48f: {  	v29 =	vsub.f32 v29, v35;
	v48 =	vld.idx.msk [tilespmem:v10+s21+$0x0], $0xffff;
	v14 =	vadd.f32 v20, v14;
	v47 =	vtrunc.f32 v12  }
0x490: {  	v20 =	vld.idx.msk [tilespmem:v10+s20+$0x0], $0xffff;
	v32 =	vmul.f32 v32, v23;
	v16 =	vadd.s32 v37, v16;
	v39 =	vcvt.f32.s32 v47  }
0x491: {  	v21 =	vadd.f32 v25, v21;
	v26 =	vld.idx.msk [tilespmem:v26+s23+$0x0], $0xffff;
	v28 =	vmul.f32 v29, v28;
	v14 =	vmul.f32 v14, v30  }
0x492: {  	v19 =	vsub.f32 v19, v27;
	v27 =	vld.idx.msk [tilespmem:v15+s20+$0x0], $0xffff;
	v22 =	vadd.f32 v32, v61;
	v11 =	vadd.s32 v39, v11  }
0x493: {  	v28 =	vadd.f32 v28, v31;
	v14 =	vadd.f32 v14, v42;
	v31 =	vld.idx.msk [tilespmem:v15+s21+$0x0], $0xffff  }
0x494: {  	v17 =	vadd.f32 v21, v17;
	v21 =	vmul.f32 v22, v23;
	v22 =	vld.idx.msk [tilespmem:v10+s22+$0x0], $0xffff;
	v23 =	vcvt.s32.f32 v45  }
0x495: {  	v20 =	vmul.f32 v19, v20;
	v14 =	vmul.f32 v14, v30;
	v25 =	vld.idx.msk [tilespmem:v16+s20+$0x0], $0xffff  }
0x496: {  	v21 =	vadd.f32 v21, v24;
	v24 =	vcvt.s32.f32 v37;
	v49 =	vld.idx.msk [tilespmem:v16+s21+$0x0], $0xffff;
	v18 =	vsub.f32 v18, v23  }
0x497: {  	v20 =	vadd.f32 v20, v48;
	v14 =	vadd.f32 v14, v26;
	v23 =	vmul.f32 v28, v29;
	v28 =	vld.idx.msk [tilespmem:v11+s20+$0x0], $0xffff  }
0x498: {  	v26 =	vld.idx.msk [tilespmem:v15+s22+$0x0], $0xffff;
	v13 =	vsub.f32 v13, v24;
	v24 =	vcvt.s32.f32 v39;
	v27 =	vmul.f32 v18, v27  }
0x499: {  	v20 =	vmul.f32 v20, v19;
	v23 =	vadd.f32 v23, v46;
	v30 =	vld.idx.msk [tilespmem:v11+s21+$0x0], $0xffff  }
0x49a: {  	v10 =	vld.idx.msk [tilespmem:v10+s23+$0x0], $0xffff;
	v27 =	vadd.f32 v27, v31;
	v12 =	vsub.f32 v12, v24;
	v25 =	vmul.f32 v13, v25  }
0x49b: {  	v14 =	vadd.f32 v14, v17;
	v17 =	vadd.f32 v20, v22;
	v20 =	vld.idx.msk [tilespmem:v16+s22+$0x0], $0xffff;
	v23 =	vmul.f32 v23, v29  }
0x49c: {  	v15 =	vld.idx.msk [tilespmem:v15+s23+$0x0], $0xffff;
	v22 =	vadd.f32 v25, v49;
	v25 =	vmul.f32 v27, v18;
	v24 =	vmul.f32 v12, v28  }
0x49d: {  	v14 =	vadd.f32 v21, v14;
	v17 =	vmul.f32 v17, v19;
	v9 =	vadd.f32 v23, v9;
	v27 =	vld.idx.msk [tilespmem:v11+s22+$0x0], $0xffff  }
0x49e: {  	v19 =	vmul.f32 v22, v13;
	v22 =	vadd.f32 v25, v26;
	v21 =	vadd.f32 v24, v30  }
0x49f: {  	v10 =	vadd.f32 v17, v10;
	v9 =	vadd.f32 v9, v14;
	v14 =	vld.idx.msk [tilespmem:v16+s23+$0x0], $0xffff  }
0x4a0: {  	v16 =	vadd.f32 v19, v20;
	v18 =	vmul.f32 v22, v18;
	v17 =	vmul.f32 v21, v12  }
0x4a1: {  	v9 =	vadd.f32 v10, v9;
	v10 =	vld.idx.msk [tilespmem:v11+s23+$0x0], $0xffff  }
0x4a2: {  	v11 =	vmul.f32 v16, v13;
	v15 =	vadd.f32 v18, v15;
	v13 =	vadd.f32 v17, v27;
	_ =	sdelay $0x1  }
0x4a3: {  	v11 =	vadd.f32 v11, v14;
	v9 =	vadd.f32 v15, v9;
	v12 =	vmul.f32 v13, v12;
	_ =	sdelay $0x1  }
0x4a4: {  	v9 =	vadd.f32 v11, v9;
	v10 =	vadd.f32 v12, v10;
	_ =	sdelay $0x1  }
0x4a5: {  	v9 =	vadd.f32 v10, v9;
	v10 =	vor.u32 $0x6000, v8;
	_ =	sdelay $0x1  }
0x4a6: {  	v9 =	vmul.f32 $5.000000000e-01, v9;
	_ =	sdelay $0x1  }
0x4a7: {  	[tilespmem:$0x19A50] =	vst v9  }
0x4a8: {  	v16 =	vld.idx.msk [tilespmem:v10+s14+$0x0], $0xffff;
	_ =	sdelay $0x5  }
0x4a9: {  	v12 =	vld.idx.msk [tilespmem:v6+s2+$0x0], $0xffff  }
0x4aa: {  	v13 =	vld.idx.msk [tilespmem:v6+s17+$0x0], $0xffff  }
0x4ab: {  	v9 =	vld.idx.msk [tilespmem:v16+s2+$0x0], $0xffff  }
0x4ac: {  	v17 =	vor.u32 $0x2, v10;
	v11 =	vld.idx.msk [tilespmem:v16+s17+$0x0], $0xffff  }
0x4ad: {  	v14 =	vld.idx.msk [tilespmem:v6+s18+$0x0], $0xffff  }
0x4ae: {  	v15 =	vld.idx.msk [tilespmem:v16+s18+$0x0], $0xffff;
	_ =	sdelay $0x2  }
0x4af: {  	v17 =	vld.idx.msk [tilespmem:v17+s14+$0x0], $0xffff;
	v9 =	vsub.f32 v12, v9;
	v11 =	vsub.f32 v13, v11  }
0x4b0: {  	v18 =	vor.u32 $0x1, v10  }
0x4b1: {  	v15 =	vsub.f32 v14, v15;
	v9 =	vmul.f32 v9, v9;
	v11 =	vmul.f32 v11, v11;
	_ =	sdelay $0x1  }
0x4b2: {  	v19 =	vor.u32 $0x3, v10;
	v15 =	vmul.f32 v15, v15;
	v9 =	vadd.f32 v11, v9;
	_ =	sdelay $0x1  }
0x4b3: {  	v11 =	vadd.f32 v15, v9  }
0x4b4: {  	v24 =	vld.idx.msk [tilespmem:v18+s14+$0x0], $0xffff  }
0x4b5: {  	v21 =	vld.idx.msk [tilespmem:v17+s17+$0x0], $0xffff;
	v15 =	vshra.s32 v11, $0x1  }
0x4b6: {  	v9 =	vld.idx.msk [tilespmem:v19+s14+$0x0], $0xffff;
	v15 =	vsub.s32 $0x5F3759DF, v15  }
0x4b7: {  	v19 =	vld.idx.msk [tilespmem:v17+s2+$0x0], $0xffff;
	v20 =	vmul.f32 $5.000000000e-01, v11;
	v18 =	vmul.f32 v15, v15;
	_ =	sdelay $0x1  }
0x4b8: {  	v22 =	vld.idx.msk [tilespmem:v17+s18+$0x0], $0xffff;
	v18 =	vmul.f32 v18, v20;
	_ =	sdelay $0x1  }
0x4b9: {  	v23 =	vsub.f32 $1.500000000e+00, v18  }
0x4ba: {  	v18 =	vadd.s32 $0x4, v10;
	v10 =	vsub.f32 v12, v19;
	v19 =	vsub.f32 v13, v21  }
0x4bb: {  	v21 =	vld.idx.msk [tilespmem:v24+s17+$0x0], $0xffff;
	v15 =	vmul.f32 v15, v23  }
0x4bc: {  	v22 =	vsub.f32 v14, v22;
	v26 =	vld.idx.msk [tilespmem:v9+s2+$0x0], $0xffff;
	v10 =	vmul.f32 v10, v10;
	v19 =	vmul.f32 v19, v19  }
0x4bd: {  	v27 =	vld.idx.msk [tilespmem:v9+s17+$0x0], $0xffff;
	v25 =	vmul.f32 v15, v15  }
0x4be: {  	v22 =	vmul.f32 v22, v22;
	v23 =	vld.idx.msk [tilespmem:v24+s2+$0x0], $0xffff;
	v19 =	vadd.f32 v19, v10  }
0x4bf: {  	v10 =	vld.idx.msk [tilespmem:v18+s14+$0x0], $0xffff;
	v20 =	vmul.f32 v25, v20  }
0x4c0: {  	v21 =	vsub.f32 v13, v21;
	v25 =	vld.idx.msk [tilespmem:v9+s18+$0x0], $0xffff;
	v22 =	vadd.f32 v22, v19  }
0x4c1: {  	v19 =	vsub.f32 $1.500000000e+00, v20  }
0x4c2: {  	v27 =	vsub.f32 v13, v27;
	v21 =	vmul.f32 v21, v21;
	v20 =	vld.idx.msk [tilespmem:v24+s18+$0x0], $0xffff;
	v28 =	vshra.s32 v22, $0x1  }
0x4c3: {  	v15 =	vmul.f32 v19, v15;
	v19 =	vsub.f32 v12, v26;
	v26 =	vsub.s32 $0x5F3759DF, v28  }
0x4c4: {  	v23 =	vsub.f32 v12, v23;
	v28 =	vmul.f32 $5.000000000e-01, v22;
	v29 =	vmul.f32 v26, v26  }
0x4c5: {  	v27 =	vmul.f32 v27, v27;
	v25 =	vsub.f32 v14, v25;
	v30 =	vmul.f32 v15, v11  }
0x4c6: {  	v19 =	vmul.f32 v19, v19;
	v29 =	vmul.f32 v29, v28  }
0x4c7: {  	v23 =	vmul.f32 v23, v23;
	v20 =	vsub.f32 v14, v20;
	v25 =	vmul.f32 v25, v25;
	v31 =	vld.idx.msk [tilespmem:v10+s2+$0x0], $0xffff  }
0x4c8: {  	v50 =	vmul.f32 v30, v30;
	v19 =	vadd.f32 v27, v19;
	v27 =	vld.idx.msk [tilespmem:v10+s17+$0x0], $0xffff;
	v29 =	vsub.f32 $1.500000000e+00, v29  }
0x4c9: {  	v21 =	vadd.f32 v21, v23;
	v15 =	vmul.f32 $5.000000000e-01, v15;
	v20 =	vmul.f32 v20, v20  }
0x4ca: {  	v23 =	vld.idx.msk [tilespmem:v10+s18+$0x0], $0xffff;
	v11 =	vsub.f32 v11, v50;
	v25 =	vadd.f32 v25, v19;
	v19 =	vmul.f32 v26, v29  }
0x4cb: {  	v29 =	vadd.f32 v20, v21  }
0x4cc: {  	v11 =	vmul.f32 v11, v15;
	v15 =	vshra.s32 v25, $0x1;
	v20 =	vmul.f32 v19, v19  }
0x4cd: {  	v21 =	vsub.s32 $0x5F3759DF, v15;
	v15 =	vsub.f32 v12, v31;
	v26 =	vsub.f32 v13, v27  }
0x4ce: {  	v27 =	vor.u32 $0x1, v18;
	v11 =	vadd.f32 v11, v30;
	v30 =	vmul.f32 $5.000000000e-01, v25  }
0x4cf: {  	v23 =	vsub.f32 v14, v23;
	v20 =	vmul.f32 v20, v28;
	v15 =	vmul.f32 v15, v15  }
0x4d0: {  	v26 =	vmul.f32 v26, v26;
	v28 =	vmul.f32 v21, v21  }
0x4d1: {  	v23 =	vmul.f32 v23, v23;
	v31 =	vmul.f32 $4.999999690e+02, v11;
	v20 =	vsub.f32 $1.500000000e+00, v20  }
0x4d2: {  	v11 =	vadd.f32 v26, v15;
	v15 =	vshra.s32 v29, $0x1;
	v26 =	vmul.f32 v28, v30  }
0x4d3: {  	v52 =	vsub.s32 $0x5F3759DF, v15;
	v15 =	vld.idx.msk [tilespmem:v27+s14+$0x0], $0xffff;
	v27 =	vor.u32 $0x2, v18  }
0x4d4: {  	v28 =	vld.idx.msk [tilespmem:v6+s19+$0x0], $0xffff;
	v20 =	vmul.f32 v20, v19;
	v19 =	vadd.f32 v23, v11;
	v11 =	vsub.f32 $1.500000000e+00, v26  }
0x4d5: {  	v51 =	vmul.f32 $5.000000000e-01, v29;
	v53 =	vmul.f32 v52, v52  }
0x4d6: {  	v26 =	vmul.f32 v20, v22;
	v54 =	vshra.s32 v19, $0x1;
	v21 =	vmul.f32 v21, v11  }
0x4d7: {  	v59 =	vld.idx.msk [tilespmem:v16+s19+$0x0], $0xffff;
	v55 =	vmul.f32 $5.000000000e-01, v19;
	v20 =	vmul.f32 $5.000000000e-01, v20;
	v35 =	vsub.s32 $0x5F3759DF, v54  }
0x4d8: {  	v56 =	vmul.f32 v26, v26;
	v57 =	vmul.f32 v35, v35;
	v16 =	vld.idx.msk [tilespmem:v27+s14+$0x0], $0xffff  }
0x4d9: {  	v11 =	vshll.u32 v28, $0x2;
	v28 =	vmul.f32 v53, v51;
	v58 =	vmul.f32 v21, v21  }
0x4da: {  	v27 =	vor.u32 $0x3, v18;
	v38 =	vmul.f32 v57, v55;
	v22 =	vsub.f32 v22, v56  }
0x4db: {  	v60 =	vld.idx.msk [tilespmem:v17+s19+$0x0], $0xffff;
	v23 =	vtrunc.f32 v31;
	v28 =	vsub.f32 $1.500000000e+00, v28;
	v30 =	vmul.f32 v58, v30  }
0x4dc: {  	v23 =	vcvt.f32.s32 v23;
	v62 =	vld.idx.msk [tilespmem:v15+s18+$0x0], $0xffff;
	v61 =	vsub.f32 $1.500000000e+00, v38;
	v20 =	vmul.f32 v22, v20  }
0x4dd: {  	v17 =	vimm.f32 $0.0e+00;
	v28 =	vmul.f32 v52, v28;
	v47 =	vld.idx.msk [tilespmem:v15+s2+$0x0], $0xffff;
	v22 =	vsub.f32 $1.500000000e+00, v30  }
0x4de: {  	v63 =	vcvt.s32.f32 v23;
	v30 =	vld.idx.msk [tilespmem:v15+s17+$0x0], $0xffff;
	v35 =	vmul.f32 v35, v61;
	v20 =	vadd.f32 v20, v26  }
0x4df: {  	v48 =	vmul.f32 v28, v28;
	v26 =	vadd.s32 v11, v59;
	v49 =	vmul.f32 v22, v21;
	v22 =	vld.idx.msk [tilespmem:v27+s14+$0x0], $0xffff  }
0x4e0: {  	v21 =	vadd.s32 v23, v26;
	v26 =	vmul.f32 v35, v35;
	v23 =	vmul.f32 $4.999999690e+02, v20;
	v54 =	vld.idx.msk [tilespmem:v16+s18+$0x0], $0xffff  }
0x4e1: {  	v50 =	vadd.s32 v11, v60;
	v20 =	vmul.f32 v48, v51;
	v51 =	vmul.f32 v49, v25;
	v56 =	vld.idx.msk [tilespmem:v16+s2+$0x0], $0xffff  }
0x4e2: {  	v52 =	vsub.f32 v14, v62;
	v53 =	vmul.f32 $5.000000000e-01, v49;
	v33 =	vsub.f32 v12, v47;
	v43 =	vld.idx.msk [tilespmem:v16+s17+$0x0], $0xffff  }
0x4e3: {  	v30 =	vsub.f32 v13, v30;
	v27 =	vtrunc.f32 v23;
	v26 =	vmul.f32 v26, v55  }
0x4e4: {  	v55 =	vsub.f32 $1.500000000e+00, v20;
	v57 =	vmul.f32 v51, v51;
	v58 =	vmul.f32 v52, v52  }
0x4e5: {  	v20 =	vadd.s32 $0x4, v18;
	v27 =	vcvt.f32.s32 v27;
	v44 =	vmul.f32 v30, v30  }
0x4e6: {  	v32 =	vld.idx.msk [tilespmem:v24+s19+$0x0], $0xffff;
	v18 =	vmul.f32 v55, v28;
	v26 =	vsub.f32 $1.500000000e+00, v26;
	v60 =	vsub.f32 v14, v54  }
0x4e7: {  	v28 =	vmul.f32 v33, v33;
	v45 =	vld.idx.msk [tilespmem:v21+s20+$0x0], $0xffff;
	v61 =	vsub.f32 v12, v56;
	v62 =	vsub.f32 v13, v43  }
0x4e8: {  	v24 =	vadd.s32 v27, v50;
	v30 =	vmul.f32 v18, v29;
	v33 =	vmul.f32 $5.000000000e-01, v18;
	v59 =	vld.idx.msk [tilespmem:v22+s18+$0x0], $0xffff  }
0x4e9: {  	v18 =	vsub.f32 v25, v57;
	v26 =	vmul.f32 v26, v35;
	v28 =	vadd.f32 v44, v28  }
0x4ea: {  	v25 =	vsub.f32 v31, v63;
	v35 =	vld.idx.msk [tilespmem:v22+s2+$0x0], $0xffff;
	v34 =	vmul.f32 v60, v60;
	v31 =	vmul.f32 v30, v30  }
0x4eb: {  	v38 =	vmul.f32 v61, v61;
	v63 =	vmul.f32 v18, v53;
	v18 =	vadd.f32 v58, v28  }
0x4ec: {  	v37 =	vld.idx.msk [tilespmem:v22+s17+$0x0], $0xffff;
	v40 =	vmul.f32 v62, v62;
	v36 =	vsub.f32 v29, v31;
	v31 =	vmul.f32 v25, v45  }
0x4ed: {  	s29 =	simm.s32 $0x4;
	v29 =	vadd.f32 v63, v51;
	v28 =	vshra.s32 v18, $0x1;
	v39 =	vsub.f32 v14, v59  }
.LBB2_14:
0x4ee: {  	v41 =	vld.idx.msk [tilespmem:v20+s14+$0x0], $0xffff;
	s29 =	sadd.s32 $0x4, s29;
	v42 =	vmul.f32 v26, v19;
	v38 =	vadd.f32 v40, v38;
	v33 =	vmul.f32 v36, v33  }
0x4ef: {  	v35 =	vsub.f32 v12, v35;
	v40 =	vcvt.s32.f32 v27;
	p0 =	slt.u32 s29, $0xFC;
	v36 =	vmul.f32 v39, v39;
	v39 =	vld.idx.msk [tilespmem:v21+s21+$0x0], $0xffff  }
0x4f0: {  	v43 =	vmul.f32 v42, v42;
	v27 =	vadd.f32 v34, v38;
	v30 =	vadd.f32 v33, v30  }
0x4f1: {  	v33 =	vsub.f32 v13, v37;
	v34 =	vmul.f32 v35, v35  }
0x4f2: {  	v35 =	vshra.s32 v27, $0x1;
	v37 =	vmul.f32 $5.000000000e-01, v27;
	v30 =	vmul.f32 $4.999999690e+02, v30;
	v38 =	vld.idx.msk [tilespmem:v24+s20+$0x0], $0xffff  }
0x4f3: {  	v33 =	vmul.f32 v33, v33;
	v32 =	vadd.s32 v11, v32;
	v35 =	vsub.s32 $0x5F3759DF, v35;
	v44 =	vld.idx.msk [tilespmem:v9+s19+$0x0], $0xffff;
	v9 =	vmovc v22  }
0x4f4: {  	v23 =	vsub.f32 v23, v40;
	v22 =	vld.idx.msk [tilespmem:v10+s19+$0x0], $0xffff;
	v45 =	vmul.f32 v35, v35;
	v46 =	vtrunc.f32 v30;
	v10 =	vmovc v41  }
0x4f5: {  	v40 =	vmul.f32 $5.000000000e-01, v26;
	v26 =	vadd.f32 v33, v34;
	v31 =	vadd.f32 v31, v39;
	v33 =	vld.idx.msk [tilespmem:v21+s22+$0x0], $0xffff  }
0x4f6: {  	v19 =	vsub.f32 v19, v43;
	v43 =	vcvt.f32.s32 v46;
	v34 =	vld.idx.msk [tilespmem:v41+s2+$0x0], $0xffff;
	v39 =	vmul.f32 v45, v37  }
0x4f7: {  	v29 =	vmul.f32 $4.999999690e+02, v29;
	v26 =	vadd.f32 v36, v26;
	v31 =	vmul.f32 v31, v25;
	v45 =	vld.idx.msk [tilespmem:v41+s17+$0x0], $0xffff  }
0x4f8: {  	v19 =	vmul.f32 v19, v40;
	v32 =	vadd.s32 v43, v32;
	v36 =	vld.idx.msk [tilespmem:v41+s18+$0x0], $0xffff;
	v39 =	vsub.f32 $1.500000000e+00, v39  }
0x4f9: {  	v46 =	vtrunc.f32 v29;
	v40 =	vshra.s32 v26, $0x1;
	v41 =	vcvt.s32.f32 v43;
	v43 =	vld.idx.msk [tilespmem:v24+s21+$0x0], $0xffff  }
0x4fa: {  	v35 =	vmul.f32 v35, v39;
	v39 =	vsub.s32 $0x5F3759DF, v40;
	v21 =	vld.idx.msk [tilespmem:v21+s23+$0x0], $0xffff;
	v40 =	vcvt.f32.s32 v46  }
0x4fb: {  	v19 =	vadd.f32 v19, v42;
	v31 =	vadd.f32 v31, v33;
	v33 =	vadd.s32 v11, v44  }
0x4fc: {  	v34 =	vsub.f32 v12, v34;
	v42 =	vmul.f32 v35, v35;
	v33 =	vadd.s32 v40, v33  }
0x4fd: {  	v38 =	vmul.f32 v23, v38;
	v22 =	vadd.s32 v11, v22;
	v25 =	vmul.f32 v31, v25;
	v31 =	vld.idx.msk [tilespmem:v32+s20+$0x0], $0xffff  }
0x4fe: {  	v44 =	vmul.f32 v39, v39;
	v36 =	vsub.f32 v14, v36;
	v34 =	vmul.f32 v34, v34;
	v46 =	vld.idx.msk [tilespmem:v24+s22+$0x0], $0xffff  }
0x4ff: {  	v40 =	vcvt.s32.f32 v40;
	v37 =	vmul.f32 v42, v37;
	v38 =	vadd.f32 v38, v43;
	v42 =	vld.idx.msk [tilespmem:v32+s21+$0x0], $0xffff  }
0x500: {  	v43 =	vmul.f32 $5.000000000e-01, v26;
	v36 =	vmul.f32 v36, v36;
	v21 =	vadd.f32 v25, v21  }
0x501: {  	v30 =	vsub.f32 v30, v41;
	v45 =	vsub.f32 v13, v45;
	v38 =	vmul.f32 v38, v23;
	v41 =	vld.idx.msk [tilespmem:v33+s20+$0x0], $0xffff  }
0x502: {  	v47 =	vmul.f32 $5.000000000e-01, v18;
	v25 =	vmul.f32 $4.999999690e+02, v19;
	v19 =	vsub.f32 $1.500000000e+00, v37  }
0x503: {  	v37 =	vor.u32 $0x1, v20;
	v44 =	vmul.f32 v44, v43;
	v31 =	vmul.f32 v30, v31;
	v48 =	vld.idx.msk [tilespmem:v33+s21+$0x0], $0xffff  }
0x504: {  	v28 =	vsub.s32 $0x5F3759DF, v28;
	v45 =	vmul.f32 v45, v45;
	v38 =	vadd.f32 v38, v46  }
0x505: {  	v29 =	vsub.f32 v29, v40;
	v35 =	vmul.f32 v19, v35;
	v31 =	vadd.f32 v31, v42  }
0x506: {  	v17 =	vadd.f32 v21, v17;
	v19 =	vadd.f32 v45, v34;
	v23 =	vmul.f32 v38, v23;
	v21 =	vld.idx.msk [tilespmem:v32+s22+$0x0], $0xffff  }
0x507: {  	v34 =	vtrunc.f32 v25;
	v38 =	vsub.f32 $1.500000000e+00, v44;
	v40 =	vmul.f32 v29, v41;
	v24 =	vld.idx.msk [tilespmem:v24+s23+$0x0], $0xffff  }
0x508: {  	v19 =	vadd.f32 v36, v19;
	v36 =	vmul.f32 v35, v27;
	v31 =	vmul.f32 v31, v30;
	v41 =	vld.idx.msk [tilespmem:v37+s14+$0x0], $0xffff  }
0x509: {  	v42 =	vmul.f32 v28, v28;
	v38 =	vmul.f32 v39, v38;
	v37 =	vor.u32 $0x2, v20;
	v39 =	vld.idx.msk [tilespmem:v33+s22+$0x0], $0xffff  }
0x50a: {  	v44 =	vshra.s32 v19, $0x1;
	v45 =	vmul.f32 $5.000000000e-01, v19;
	v40 =	vadd.f32 v40, v48  }
0x50b: {  	v42 =	vmul.f32 v42, v47;
	v46 =	vmul.f32 v36, v36;
	v44 =	vsub.s32 $0x5F3759DF, v44;
	v32 =	vld.idx.msk [tilespmem:v32+s23+$0x0], $0xffff  }
0x50c: {  	v48 =	vmul.f32 v44, v44;
	v49 =	vmul.f32 v38, v38;
	v21 =	vadd.f32 v31, v21  }
0x50d: {  	v31 =	vcvt.f32.s32 v34;
	v24 =	vadd.f32 v23, v24;
	v23 =	vld.idx.msk [tilespmem:v33+s23+$0x0], $0xffff;
	v33 =	vmul.f32 v40, v29  }
0x50e: {  	v27 =	vsub.f32 v27, v46;
	v34 =	vmul.f32 v48, v45;
	v30 =	vmul.f32 v21, v30;
	v37 =	vld.idx.msk [tilespmem:v37+s14+$0x0], $0xffff  }
0x50f: {  	v40 =	vcvt.s32.f32 v31;
	v21 =	vadd.s32 v31, v22;
	v31 =	vld.idx.msk [tilespmem:v16+s19+$0x0], $0xffff;
	v16 =	vadd.f32 v33, v39  }
0x510: {  	v35 =	vmul.f32 $5.000000000e-01, v35;
	v22 =	vor.u32 $0x3, v20;
	v39 =	vsub.f32 $1.500000000e+00, v42;
	v33 =	vld.idx.msk [tilespmem:v41+s18+$0x0], $0xffff  }
0x511: {  	v34 =	vsub.f32 $1.500000000e+00, v34;
	v42 =	vmul.f32 v49, v43;
	v43 =	vmul.f32 v16, v29  }
0x512: {  	v27 =	vmul.f32 v27, v35;
	v30 =	vadd.f32 v30, v32;
	v28 =	vmul.f32 v28, v39;
	v29 =	vld.idx.msk [tilespmem:v41+s17+$0x0], $0xffff  }
0x513: {  	v32 =	vmul.f32 v44, v34;
	v34 =	vsub.f32 $1.500000000e+00, v42;
	v35 =	vadd.f32 v43, v23;
	v16 =	vmovc v37  }
0x514: {  	v17 =	vadd.f32 v30, v17;
	v42 =	vmul.f32 v28, v28;
	v23 =	vadd.f32 v27, v36;
	v39 =	vld.idx.msk [tilespmem:v41+s2+$0x0], $0xffff  }
0x515: {  	v27 =	vmul.f32 v34, v38;
	v43 =	vadd.s32 v11, v31;
	v22 =	vld.idx.msk [tilespmem:v22+s14+$0x0], $0xffff  }
0x516: {  	v30 =	vmul.f32 v32, v32;
	v17 =	vadd.f32 v24, v17;
	v23 =	vmul.f32 $4.999999690e+02, v23;
	v31 =	vld.idx.msk [tilespmem:v37+s18+$0x0], $0xffff  }
0x517: {  	v24 =	vsub.f32 v14, v33;
	v33 =	vmul.f32 v42, v47;
	v42 =	vmul.f32 v27, v26;
	v34 =	vld.idx.msk [tilespmem:v37+s2+$0x0], $0xffff  }
0x518: {  	v17 =	vadd.f32 v35, v17;
	v36 =	vtrunc.f32 v23;
	v37 =	vmul.f32 $5.000000000e-01, v27  }
0x519: {  	v30 =	vmul.f32 v30, v45;
	v29 =	vsub.f32 v13, v29;
	v33 =	vsub.f32 $1.500000000e+00, v33;
	v38 =	vld.idx.msk [tilespmem:v16+s17+$0x0], $0xffff  }
0x51a: {  	v27 =	vcvt.f32.s32 v36;
	v36 =	vmul.f32 v42, v42;
	v35 =	vsub.f32 v12, v39  }
0x51b: {  	v20 =	vadd.s32 $0x4, v20;
	v29 =	vmul.f32 v29, v29;
	v28 =	vmul.f32 v33, v28  }
0x51c: {  	v24 =	vmul.f32 v24, v24;
	v39 =	vsub.f32 $1.500000000e+00, v30;
	v35 =	vmul.f32 v35, v35;
	v44 =	vld.idx.msk [tilespmem:v21+s20+$0x0], $0xffff  }
0x51d: {  	v30 =	vmul.f32 v28, v18;
	v33 =	vmul.f32 $5.000000000e-01, v28;
	v28 =	vsub.f32 v26, v36;
	v45 =	vld.idx.msk [tilespmem:v22+s18+$0x0], $0xffff  }
0x51e: {  	v26 =	vmul.f32 v39, v32;
	v31 =	vsub.f32 v14, v31;
	v29 =	vadd.f32 v29, v35;
	v35 =	vld.idx.msk [tilespmem:v22+s2+$0x0], $0xffff  }
.Ltmp6:
0x51f: {  	v25 =	vsub.f32 v25, v40;
	v32 =	vsub.f32 v12, v34;
	v36 =	vmul.f32 v30, v30;
	(pc) =	sbr.rel @p0 .LBB2_14-.Ltmp6, $4  }
0x520: {  	v34 =	vmul.f32 v31, v31;
	v28 =	vmul.f32 v28, v37;
	v39 =	vsub.f32 v13, v38  }
0x521: {  	v38 =	vmul.f32 v32, v32;
	v36 =	vsub.f32 v18, v36;
	v18 =	vadd.f32 v24, v29;
	v37 =	vld.idx.msk [tilespmem:v22+s17+$0x0], $0xffff  }
0x522: {  	v29 =	vadd.f32 v28, v42;
	v40 =	vmul.f32 v39, v39;
	v31 =	vmul.f32 v25, v44  }
0x523: {  	v24 =	vadd.s32 v27, v43;
	v28 =	vshra.s32 v18, $0x1;
	v39 =	vsub.f32 v14, v45;
	v32 =	vld.idx.msk [tilespmem:v15+s19+$0x0], $0xffff;
	v15 =	vmovc v41  }
0x524: {  	_ =	sdelay $0x1  }
0x525: {  	v12 =	vsub.f32 v12, v35;
	v13 =	vsub.f32 v13, v37  }
0x526: {  	v14 =	vadd.f32 v40, v38;
	v20 =	vmul.f32 v26, v19  }
0x527: {  	v12 =	vmul.f32 v12, v12;
	v13 =	vmul.f32 v13, v13  }
0x528: {  	v28 =	vsub.s32 $0x5F3759DF, v28;
	v63 =	vmul.f32 $5.000000000e-01, v18;
	v14 =	vadd.f32 v34, v14  }
0x529: {  	v61 =	vmul.f32 v39, v39;
	v41 =	vmul.f32 v28, v28;
	v12 =	vadd.f32 v13, v12  }
0x52a: {  	v33 =	vmul.f32 v36, v33;
	v27 =	vcvt.s32.f32 v27;
	v34 =	vshra.s32 v14, $0x1  }
0x52b: {  	v38 =	vmul.f32 v41, v63;
	v34 =	vsub.s32 $0x5F3759DF, v34;
	v12 =	vadd.f32 v61, v12  }
0x52c: {  	v13 =	vmul.f32 $5.000000000e-01, v14;
	v62 =	vmul.f32 v34, v34  }
0x52d: {  	v26 =	vmul.f32 $5.000000000e-01, v26;
	v29 =	vmul.f32 $4.999999690e+02, v29;
	v43 =	vshra.s32 v12, $0x1  }
0x52e: {  	v38 =	vsub.f32 $1.500000000e+00, v38;
	v42 =	vmul.f32 v62, v13;
	v45 =	vsub.s32 $0x5F3759DF, v43  }
0x52f: {  	v46 =	vld.idx.msk [tilespmem:v21+s21+$0x0], $0xffff;
	v48 =	vmul.f32 $5.000000000e-01, v12;
	v47 =	vmul.f32 v45, v45  }
0x530: {  	v30 =	vadd.f32 v33, v30;
	v50 =	vmul.f32 v20, v20;
	v28 =	vmul.f32 v28, v38  }
0x531: {  	v56 =	vtrunc.f32 v29;
	v44 =	vsub.f32 $1.500000000e+00, v42;
	v49 =	vmul.f32 v47, v48  }
0x532: {  	v30 =	vmul.f32 $4.999999690e+02, v30;
	v42 =	vmul.f32 v28, v28  }
0x533: {  	v19 =	vsub.f32 v19, v50;
	v33 =	vmul.f32 v34, v44;
	v34 =	vsub.f32 $1.500000000e+00, v49  }
0x534: {  	v58 =	vld.idx.msk [tilespmem:v21+s22+$0x0], $0xffff;
	v31 =	vadd.f32 v31, v46;
	v41 =	vtrunc.f32 v30;
	v35 =	vmul.f32 v42, v63  }
0x535: {  	v51 =	vmul.f32 v33, v33;
	v34 =	vmul.f32 v45, v34  }
0x536: {  	v19 =	vmul.f32 v19, v26;
	v31 =	vmul.f32 v31, v25;
	v35 =	vsub.f32 $1.500000000e+00, v35  }
0x537: {  	v13 =	vmul.f32 v51, v13;
	v53 =	vmul.f32 v34, v34  }
0x538: {  	v52 =	vcvt.f32.s32 v41;
	v19 =	vadd.f32 v19, v20;
	v28 =	vmul.f32 v35, v28  }
0x539: {  	v31 =	vadd.f32 v31, v58;
	v13 =	vsub.f32 $1.500000000e+00, v13;
	v54 =	vmul.f32 v53, v48  }
0x53a: {  	v9 =	vld.idx.msk [tilespmem:v9+s19+$0x0], $0xffff;
	v26 =	vadd.s32 v11, v32;
	v19 =	vmul.f32 $4.999999690e+02, v19;
	v59 =	vmul.f32 v28, v18  }
0x53b: {  	v10 =	vld.idx.msk [tilespmem:v10+s19+$0x0], $0xffff;
	v25 =	vmul.f32 v31, v25;
	v13 =	vmul.f32 v13, v33;
	v32 =	vsub.f32 $1.500000000e+00, v54  }
0x53c: {  	v55 =	vld.idx.msk [tilespmem:v24+s20+$0x0], $0xffff;
	v23 =	vsub.f32 v23, v27;
	v31 =	vtrunc.f32 v19;
	v62 =	vmul.f32 v59, v59  }
0x53d: {  	v21 =	vld.idx.msk [tilespmem:v21+s23+$0x0], $0xffff;
	v26 =	vadd.s32 v52, v26;
	v57 =	vmul.f32 v13, v14;
	v32 =	vmul.f32 v32, v34  }
0x53e: {  	v16 =	vld.idx.msk [tilespmem:v16+s19+$0x0], $0xffff;
	v27 =	vcvt.f32.s32 v31;
	v28 =	vmul.f32 $5.000000000e-01, v28;
	v18 =	vsub.f32 v18, v62  }
0x53f: {  	v15 =	vld.idx.msk [tilespmem:v15+s19+$0x0], $0xffff;
	v9 =	vadd.s32 v11, v9;
	v60 =	vmul.f32 v57, v57;
	v63 =	vmul.f32 v32, v12  }
0x540: {  	v22 =	vld.idx.msk [tilespmem:v22+s19+$0x0], $0xffff;
	v10 =	vadd.s32 v11, v10;
	v35 =	vcvt.f32.s32 v56;
	v18 =	vmul.f32 v18, v28  }
0x541: {  	v61 =	vld.idx.msk [tilespmem:v24+s21+$0x0], $0xffff;
	v13 =	vmul.f32 $5.000000000e-01, v13;
	v14 =	vsub.f32 v14, v60;
	v44 =	vmul.f32 v63, v63  }
0x542: {  	v43 =	vld.idx.msk [tilespmem:v24+s22+$0x0], $0xffff;
	v10 =	vadd.s32 v27, v10;
	v9 =	vadd.s32 v35, v9;
	v18 =	vadd.f32 v18, v59  }
0x543: {  	v20 =	vld.idx.msk [tilespmem:v26+s20+$0x0], $0xffff;
	v13 =	vmul.f32 v14, v13;
	v32 =	vmul.f32 $5.000000000e-01, v32;
	v12 =	vsub.f32 v12, v44  }
0x544: {  	v16 =	vadd.s32 v11, v16;
	v36 =	vcvt.s32.f32 v52;
	v24 =	vld.idx.msk [tilespmem:v24+s23+$0x0], $0xffff;
	v18 =	vmul.f32 $4.999999690e+02, v18  }
0x545: {  	v15 =	vadd.s32 v11, v15;
	v46 =	vld.idx.msk [tilespmem:v26+s22+$0x0], $0xffff;
	v13 =	vadd.f32 v13, v57;
	v12 =	vmul.f32 v12, v32  }
0x546: {  	v30 =	vsub.f32 v30, v36;
	v45 =	vmul.f32 v23, v55;
	v14 =	vld.idx.msk [tilespmem:v26+s21+$0x0], $0xffff;
	v48 =	vtrunc.f32 v18  }
0x547: {  	v52 =	vld.idx.msk [tilespmem:v10+s21+$0x0], $0xffff;
	v49 =	vcvt.f32.s32 v48;
	v13 =	vmul.f32 $4.999999690e+02, v13;
	v12 =	vadd.f32 v12, v63  }
0x548: {  	v11 =	vadd.s32 v11, v22;
	v35 =	vcvt.s32.f32 v35;
	v20 =	vmul.f32 v30, v20;
	v28 =	vld.idx.msk [tilespmem:v9+s20+$0x0], $0xffff  }
0x549: {  	v31 =	vld.idx.msk [tilespmem:v9+s21+$0x0], $0xffff;
	v15 =	vadd.s32 v49, v15;
	v47 =	vtrunc.f32 v13;
	v12 =	vmul.f32 $4.999999690e+02, v12  }
0x54a: {  	v27 =	vcvt.s32.f32 v27;
	v50 =	vld.idx.msk [tilespmem:v9+s22+$0x0], $0xffff;
	v32 =	vadd.f32 v45, v61;
	v37 =	vcvt.f32.s32 v47  }
0x54b: {  	v29 =	vsub.f32 v29, v35;
	v9 =	vld.idx.msk [tilespmem:v9+s23+$0x0], $0xffff;
	v14 =	vadd.f32 v20, v14;
	v51 =	vtrunc.f32 v12  }
0x54c: {  	v20 =	vld.idx.msk [tilespmem:v10+s20+$0x0], $0xffff;
	v32 =	vmul.f32 v32, v23;
	v16 =	vadd.s32 v37, v16;
	v39 =	vcvt.f32.s32 v51  }
0x54d: {  	v21 =	vadd.f32 v25, v21;
	v26 =	vld.idx.msk [tilespmem:v26+s23+$0x0], $0xffff;
	v28 =	vmul.f32 v29, v28;
	v14 =	vmul.f32 v14, v30  }
0x54e: {  	v19 =	vsub.f32 v19, v27;
	v22 =	vadd.f32 v32, v43;
	v27 =	vld.idx.msk [tilespmem:v15+s20+$0x0], $0xffff;
	v11 =	vadd.s32 v39, v11  }
0x54f: {  	v28 =	vadd.f32 v28, v31;
	v14 =	vadd.f32 v14, v46;
	v31 =	vld.idx.msk [tilespmem:v15+s21+$0x0], $0xffff  }
0x550: {  	v17 =	vadd.f32 v21, v17;
	v21 =	vmul.f32 v22, v23;
	v22 =	vld.idx.msk [tilespmem:v10+s22+$0x0], $0xffff;
	v23 =	vcvt.s32.f32 v49  }
0x551: {  	v20 =	vmul.f32 v19, v20;
	v14 =	vmul.f32 v14, v30;
	v25 =	vld.idx.msk [tilespmem:v16+s20+$0x0], $0xffff  }
0x552: {  	v21 =	vadd.f32 v21, v24;
	v24 =	vcvt.s32.f32 v37;
	v53 =	vld.idx.msk [tilespmem:v16+s21+$0x0], $0xffff;
	v18 =	vsub.f32 v18, v23  }
0x553: {  	v20 =	vadd.f32 v20, v52;
	v14 =	vadd.f32 v14, v26;
	v23 =	vmul.f32 v28, v29;
	v28 =	vld.idx.msk [tilespmem:v11+s20+$0x0], $0xffff  }
0x554: {  	v26 =	vld.idx.msk [tilespmem:v15+s22+$0x0], $0xffff;
	v13 =	vsub.f32 v13, v24;
	v24 =	vcvt.s32.f32 v39;
	v27 =	vmul.f32 v18, v27  }
0x555: {  	v20 =	vmul.f32 v20, v19;
	v23 =	vadd.f32 v23, v50;
	v30 =	vld.idx.msk [tilespmem:v11+s21+$0x0], $0xffff  }
0x556: {  	v10 =	vld.idx.msk [tilespmem:v10+s23+$0x0], $0xffff;
	v27 =	vadd.f32 v27, v31;
	v12 =	vsub.f32 v12, v24;
	v25 =	vmul.f32 v13, v25  }
0x557: {  	v14 =	vadd.f32 v14, v17;
	v17 =	vadd.f32 v20, v22;
	v20 =	vld.idx.msk [tilespmem:v16+s22+$0x0], $0xffff;
	v23 =	vmul.f32 v23, v29  }
0x558: {  	v15 =	vld.idx.msk [tilespmem:v15+s23+$0x0], $0xffff;
	v22 =	vadd.f32 v25, v53;
	v25 =	vmul.f32 v27, v18;
	v24 =	vmul.f32 v12, v28  }
0x559: {  	v14 =	vadd.f32 v21, v14;
	v17 =	vmul.f32 v17, v19;
	v9 =	vadd.f32 v23, v9;
	v27 =	vld.idx.msk [tilespmem:v11+s22+$0x0], $0xffff  }
0x55a: {  	v19 =	vmul.f32 v22, v13;
	v22 =	vadd.f32 v25, v26;
	v21 =	vadd.f32 v24, v30  }
0x55b: {  	v10 =	vadd.f32 v17, v10;
	v9 =	vadd.f32 v9, v14;
	v14 =	vld.idx.msk [tilespmem:v16+s23+$0x0], $0xffff  }
0x55c: {  	v16 =	vadd.f32 v19, v20;
	v18 =	vmul.f32 v22, v18;
	v17 =	vmul.f32 v21, v12  }
0x55d: {  	v9 =	vadd.f32 v10, v9;
	v10 =	vld.idx.msk [tilespmem:v11+s23+$0x0], $0xffff  }
0x55e: {  	v11 =	vmul.f32 v16, v13;
	v15 =	vadd.f32 v18, v15;
	v13 =	vadd.f32 v17, v27;
	_ =	sdelay $0x1  }
0x55f: {  	v11 =	vadd.f32 v11, v14;
	v9 =	vadd.f32 v15, v9;
	v12 =	vmul.f32 v13, v12;
	_ =	sdelay $0x1  }
0x560: {  	v9 =	vadd.f32 v11, v9;
	v10 =	vadd.f32 v12, v10;
	_ =	sdelay $0x1  }
0x561: {  	v9 =	vadd.f32 v10, v9;
	v10 =	vor.u32 $0x7000, v8;
	_ =	sdelay $0x1  }
0x562: {  	v9 =	vmul.f32 $5.000000000e-01, v9;
	_ =	sdelay $0x1  }
0x563: {  	[tilespmem:$0x19A60] =	vst v9  }
0x564: {  	v16 =	vld.idx.msk [tilespmem:v10+s14+$0x0], $0xffff;
	_ =	sdelay $0x5  }
0x565: {  	v12 =	vld.idx.msk [tilespmem:v7+s2+$0x0], $0xffff  }
0x566: {  	v13 =	vld.idx.msk [tilespmem:v7+s17+$0x0], $0xffff  }
0x567: {  	v9 =	vld.idx.msk [tilespmem:v16+s2+$0x0], $0xffff  }
0x568: {  	v11 =	vld.idx.msk [tilespmem:v16+s17+$0x0], $0xffff  }
0x569: {  	v17 =	vor.u32 $0x2, v10;
	v14 =	vld.idx.msk [tilespmem:v7+s18+$0x0], $0xffff  }
0x56a: {  	v15 =	vld.idx.msk [tilespmem:v16+s18+$0x0], $0xffff;
	_ =	sdelay $0x2  }
0x56b: {  	v9 =	vsub.f32 v12, v9;
	v11 =	vsub.f32 v13, v11  }
0x56c: {  	v18 =	vor.u32 $0x1, v10;
	v17 =	vld.idx.msk [tilespmem:v17+s14+$0x0], $0xffff  }
0x56d: {  	v15 =	vsub.f32 v14, v15;
	v9 =	vmul.f32 v9, v9;
	v11 =	vmul.f32 v11, v11  }
0x56e: {  	v19 =	vor.u32 $0x3, v10  }
0x56f: {  	v15 =	vmul.f32 v15, v15;
	v9 =	vadd.f32 v11, v9;
	_ =	sdelay $0x1  }
0x570: {  	v11 =	vadd.f32 v15, v9  }
0x571: {  	v24 =	vld.idx.msk [tilespmem:v18+s14+$0x0], $0xffff  }
0x572: {  	v9 =	vld.idx.msk [tilespmem:v19+s14+$0x0], $0xffff;
	v15 =	vshra.s32 v11, $0x1  }
0x573: {  	v21 =	vld.idx.msk [tilespmem:v17+s17+$0x0], $0xffff;
	v15 =	vsub.s32 $0x5F3759DF, v15  }
0x574: {  	v19 =	vld.idx.msk [tilespmem:v17+s2+$0x0], $0xffff;
	v20 =	vmul.f32 $5.000000000e-01, v11;
	v18 =	vmul.f32 v15, v15;
	_ =	sdelay $0x1  }
0x575: {  	v22 =	vld.idx.msk [tilespmem:v17+s18+$0x0], $0xffff;
	v18 =	vmul.f32 v18, v20;
	_ =	sdelay $0x1  }
0x576: {  	v23 =	vsub.f32 $1.500000000e+00, v18  }
0x577: {  	v18 =	vadd.s32 $0x4, v10;
	v10 =	vsub.f32 v12, v19;
	v19 =	vsub.f32 v13, v21  }
0x578: {  	v27 =	vld.idx.msk [tilespmem:v9+s17+$0x0], $0xffff;
	v15 =	vmul.f32 v15, v23  }
0x579: {  	v22 =	vsub.f32 v14, v22;
	v10 =	vmul.f32 v10, v10;
	v19 =	vmul.f32 v19, v19  }
0x57a: {  	v21 =	vld.idx.msk [tilespmem:v24+s17+$0x0], $0xffff;
	v25 =	vmul.f32 v15, v15  }
0x57b: {  	v22 =	vmul.f32 v22, v22;
	v26 =	vld.idx.msk [tilespmem:v9+s2+$0x0], $0xffff;
	v19 =	vadd.f32 v19, v10  }
0x57c: {  	v10 =	vld.idx.msk [tilespmem:v18+s14+$0x0], $0xffff;
	v20 =	vmul.f32 v25, v20  }
0x57d: {  	v27 =	vsub.f32 v13, v27;
	v25 =	vld.idx.msk [tilespmem:v9+s18+$0x0], $0xffff;
	v22 =	vadd.f32 v22, v19  }
0x57e: {  	v23 =	vld.idx.msk [tilespmem:v24+s2+$0x0], $0xffff;
	v19 =	vsub.f32 $1.500000000e+00, v20  }
0x57f: {  	v27 =	vmul.f32 v27, v27;
	v28 =	vshra.s32 v22, $0x1  }
0x580: {  	v20 =	vld.idx.msk [tilespmem:v24+s18+$0x0], $0xffff;
	v15 =	vmul.f32 v19, v15;
	v19 =	vsub.f32 v12, v26;
	v26 =	vsub.s32 $0x5F3759DF, v28  }
0x581: {  	v21 =	vsub.f32 v13, v21;
	v28 =	vmul.f32 $5.000000000e-01, v22;
	v29 =	vmul.f32 v26, v26  }
0x582: {  	v25 =	vsub.f32 v14, v25;
	v30 =	vmul.f32 v15, v11;
	v19 =	vmul.f32 v19, v19  }
0x583: {  	v23 =	vsub.f32 v12, v23;
	v21 =	vmul.f32 v21, v21;
	v29 =	vmul.f32 v29, v28  }
0x584: {  	v25 =	vmul.f32 v25, v25;
	v31 =	vld.idx.msk [tilespmem:v10+s2+$0x0], $0xffff;
	v54 =	vmul.f32 v30, v30;
	v19 =	vadd.f32 v27, v19  }
0x585: {  	v23 =	vmul.f32 v23, v23;
	v20 =	vsub.f32 v14, v20;
	v27 =	vld.idx.msk [tilespmem:v10+s17+$0x0], $0xffff;
	v29 =	vsub.f32 $1.500000000e+00, v29  }
0x586: {  	v15 =	vmul.f32 $5.000000000e-01, v15;
	v11 =	vsub.f32 v11, v54;
	v25 =	vadd.f32 v25, v19  }
0x587: {  	v21 =	vadd.f32 v21, v23;
	v23 =	vld.idx.msk [tilespmem:v10+s18+$0x0], $0xffff;
	v20 =	vmul.f32 v20, v20;
	v19 =	vmul.f32 v26, v29  }
0x588: {  	v11 =	vmul.f32 v11, v15;
	v15 =	vshra.s32 v25, $0x1  }
0x589: {  	v29 =	vadd.f32 v20, v21;
	v20 =	vmul.f32 v19, v19;
	v21 =	vsub.s32 $0x5F3759DF, v15  }
0x58a: {  	v15 =	vsub.f32 v12, v31;
	v26 =	vsub.f32 v13, v27;
	v27 =	vor.u32 $0x1, v18  }
0x58b: {  	v55 =	vmul.f32 $5.000000000e-01, v29;
	v11 =	vadd.f32 v11, v30;
	v30 =	vmul.f32 $5.000000000e-01, v25  }
0x58c: {  	v23 =	vsub.f32 v14, v23;
	v20 =	vmul.f32 v20, v28;
	v15 =	vmul.f32 v15, v15  }
0x58d: {  	v26 =	vmul.f32 v26, v26;
	v28 =	vmul.f32 v21, v21  }
0x58e: {  	v23 =	vmul.f32 v23, v23;
	v31 =	vmul.f32 $4.999999690e+02, v11;
	v20 =	vsub.f32 $1.500000000e+00, v20  }
0x58f: {  	v11 =	vadd.f32 v26, v15;
	v15 =	vshra.s32 v29, $0x1;
	v26 =	vmul.f32 v28, v30;
	v28 =	vld.idx.msk [tilespmem:v7+s19+$0x0], $0xffff  }
0x590: {  	v44 =	vsub.s32 $0x5F3759DF, v15;
	v15 =	vld.idx.msk [tilespmem:v27+s14+$0x0], $0xffff;
	v27 =	vor.u32 $0x2, v18;
	v20 =	vmul.f32 v20, v19  }
0x591: {  	v19 =	vadd.f32 v23, v11;
	v23 =	vtrunc.f32 v31;
	v11 =	vsub.f32 $1.500000000e+00, v26  }
0x592: {  	v45 =	vmul.f32 v44, v44;
	v23 =	vcvt.f32.s32 v23  }
0x593: {  	v26 =	vmul.f32 v20, v22;
	v46 =	vshra.s32 v19, $0x1;
	v21 =	vmul.f32 v21, v11  }
0x594: {  	v59 =	vld.idx.msk [tilespmem:v16+s19+$0x0], $0xffff;
	v47 =	vmul.f32 $5.000000000e-01, v19;
	v20 =	vmul.f32 $5.000000000e-01, v20;
	v35 =	vsub.s32 $0x5F3759DF, v46  }
0x595: {  	v11 =	vshll.u32 v28, $0x2;
	v28 =	vmul.f32 v45, v55;
	v56 =	vmul.f32 v26, v26;
	v16 =	vld.idx.msk [tilespmem:v27+s14+$0x0], $0xffff  }
0x596: {  	v57 =	vmul.f32 v35, v35;
	v58 =	vmul.f32 v21, v21  }
0x597: {  	v27 =	vor.u32 $0x3, v18;
	v28 =	vsub.f32 $1.500000000e+00, v28;
	v22 =	vsub.f32 v22, v56  }
0x598: {  	v60 =	vld.idx.msk [tilespmem:v17+s19+$0x0], $0xffff;
	v38 =	vmul.f32 v57, v47;
	v30 =	vmul.f32 v58, v30  }
0x599: {  	v62 =	vld.idx.msk [tilespmem:v15+s18+$0x0], $0xffff;
	v28 =	vmul.f32 v44, v28;
	v20 =	vmul.f32 v22, v20  }
0x59a: {  	v17 =	vimm.f32 $0.0e+00;
	v48 =	vld.idx.msk [tilespmem:v15+s2+$0x0], $0xffff;
	v61 =	vsub.f32 $1.500000000e+00, v38;
	v22 =	vsub.f32 $1.500000000e+00, v30  }
0x59b: {  	v63 =	vcvt.s32.f32 v23;
	v30 =	vld.idx.msk [tilespmem:v15+s17+$0x0], $0xffff;
	v49 =	vmul.f32 v28, v28;
	v20 =	vadd.f32 v20, v26  }
0x59c: {  	v35 =	vmul.f32 v35, v61;
	v26 =	vadd.s32 v11, v59;
	v50 =	vmul.f32 v22, v21;
	v22 =	vld.idx.msk [tilespmem:v27+s14+$0x0], $0xffff  }
0x59d: {  	v21 =	vadd.s32 v23, v26;
	v23 =	vmul.f32 $4.999999690e+02, v20;
	v20 =	vmul.f32 v49, v55;
	v55 =	vld.idx.msk [tilespmem:v16+s18+$0x0], $0xffff  }
0x59e: {  	v51 =	vadd.s32 v11, v60;
	v26 =	vmul.f32 v35, v35;
	v52 =	vmul.f32 v50, v25;
	v57 =	vld.idx.msk [tilespmem:v16+s2+$0x0], $0xffff  }
0x59f: {  	v53 =	vsub.f32 v14, v62;
	v54 =	vmul.f32 $5.000000000e-01, v50;
	v33 =	vsub.f32 v12, v48;
	v43 =	vld.idx.msk [tilespmem:v16+s17+$0x0], $0xffff  }
0x5a0: {  	v30 =	vsub.f32 v13, v30;
	v27 =	vtrunc.f32 v23;
	v26 =	vmul.f32 v26, v47  }
0x5a1: {  	v56 =	vsub.f32 $1.500000000e+00, v20;
	v58 =	vmul.f32 v52, v52;
	v34 =	vmul.f32 v53, v53  }
0x5a2: {  	v20 =	vadd.s32 $0x4, v18;
	v27 =	vcvt.f32.s32 v27;
	v44 =	vmul.f32 v30, v30  }
0x5a3: {  	v32 =	vld.idx.msk [tilespmem:v24+s19+$0x0], $0xffff;
	v18 =	vmul.f32 v56, v28;
	v26 =	vsub.f32 $1.500000000e+00, v26;
	v60 =	vsub.f32 v14, v55  }
0x5a4: {  	v28 =	vmul.f32 v33, v33;
	v45 =	vld.idx.msk [tilespmem:v21+s20+$0x0], $0xffff;
	v61 =	vsub.f32 v12, v57;
	v62 =	vsub.f32 v13, v43  }
0x5a5: {  	v24 =	vadd.s32 v27, v51;
	v30 =	vmul.f32 v18, v29;
	v33 =	vmul.f32 $5.000000000e-01, v18;
	v59 =	vld.idx.msk [tilespmem:v22+s18+$0x0], $0xffff  }
0x5a6: {  	v18 =	vsub.f32 v25, v58;
	v26 =	vmul.f32 v26, v35;
	v28 =	vadd.f32 v44, v28  }
0x5a7: {  	v25 =	vsub.f32 v31, v63;
	v35 =	vld.idx.msk [tilespmem:v22+s2+$0x0], $0xffff;
	v36 =	vmul.f32 v60, v60;
	v31 =	vmul.f32 v30, v30  }
0x5a8: {  	v38 =	vmul.f32 v61, v61;
	v63 =	vmul.f32 v18, v54;
	v18 =	vadd.f32 v34, v28  }
0x5a9: {  	v37 =	vld.idx.msk [tilespmem:v22+s17+$0x0], $0xffff;
	v40 =	vmul.f32 v62, v62;
	v34 =	vsub.f32 v29, v31;
	v31 =	vmul.f32 v25, v45  }
0x5aa: {  	s29 =	simm.s32 $0x4;
	v29 =	vadd.f32 v63, v52;
	v28 =	vshra.s32 v18, $0x1;
	v39 =	vsub.f32 v14, v59  }
.LBB2_16:
0x5ab: {  	v41 =	vld.idx.msk [tilespmem:v20+s14+$0x0], $0xffff;
	s29 =	sadd.s32 $0x4, s29;
	v42 =	vmul.f32 v26, v19;
	v38 =	vadd.f32 v40, v38;
	v33 =	vmul.f32 v34, v33  }
0x5ac: {  	v34 =	vsub.f32 v12, v35;
	v40 =	vcvt.s32.f32 v27;
	p0 =	slt.u32 s29, $0xFC;
	v35 =	vmul.f32 v39, v39;
	v39 =	vld.idx.msk [tilespmem:v21+s21+$0x0], $0xffff  }
0x5ad: {  	v43 =	vmul.f32 v42, v42;
	v27 =	vadd.f32 v36, v38;
	v30 =	vadd.f32 v33, v30  }
0x5ae: {  	v33 =	vsub.f32 v13, v37;
	v34 =	vmul.f32 v34, v34  }
0x5af: {  	v36 =	vshra.s32 v27, $0x1;
	v37 =	vmul.f32 $5.000000000e-01, v27;
	v30 =	vmul.f32 $4.999999690e+02, v30;
	v38 =	vld.idx.msk [tilespmem:v24+s20+$0x0], $0xffff  }
0x5b0: {  	v33 =	vmul.f32 v33, v33;
	v32 =	vadd.s32 v11, v32;
	v36 =	vsub.s32 $0x5F3759DF, v36;
	v44 =	vld.idx.msk [tilespmem:v9+s19+$0x0], $0xffff;
	v9 =	vmovc v22  }
0x5b1: {  	v23 =	vsub.f32 v23, v40;
	v22 =	vld.idx.msk [tilespmem:v10+s19+$0x0], $0xffff;
	v45 =	vmul.f32 v36, v36;
	v46 =	vtrunc.f32 v30;
	v10 =	vmovc v41  }
0x5b2: {  	v40 =	vmul.f32 $5.000000000e-01, v26;
	v26 =	vadd.f32 v33, v34;
	v31 =	vadd.f32 v31, v39;
	v33 =	vld.idx.msk [tilespmem:v21+s22+$0x0], $0xffff  }
0x5b3: {  	v19 =	vsub.f32 v19, v43;
	v43 =	vcvt.f32.s32 v46;
	v34 =	vld.idx.msk [tilespmem:v41+s2+$0x0], $0xffff;
	v39 =	vmul.f32 v45, v37  }
0x5b4: {  	v29 =	vmul.f32 $4.999999690e+02, v29;
	v26 =	vadd.f32 v35, v26;
	v31 =	vmul.f32 v31, v25;
	v45 =	vld.idx.msk [tilespmem:v41+s17+$0x0], $0xffff  }
0x5b5: {  	v19 =	vmul.f32 v19, v40;
	v32 =	vadd.s32 v43, v32;
	v35 =	vld.idx.msk [tilespmem:v41+s18+$0x0], $0xffff;
	v39 =	vsub.f32 $1.500000000e+00, v39  }
0x5b6: {  	v46 =	vtrunc.f32 v29;
	v40 =	vshra.s32 v26, $0x1;
	v41 =	vcvt.s32.f32 v43;
	v43 =	vld.idx.msk [tilespmem:v24+s21+$0x0], $0xffff  }
0x5b7: {  	v36 =	vmul.f32 v36, v39;
	v39 =	vsub.s32 $0x5F3759DF, v40;
	v21 =	vld.idx.msk [tilespmem:v21+s23+$0x0], $0xffff;
	v40 =	vcvt.f32.s32 v46  }
0x5b8: {  	v19 =	vadd.f32 v19, v42;
	v31 =	vadd.f32 v31, v33;
	v33 =	vadd.s32 v11, v44  }
0x5b9: {  	v34 =	vsub.f32 v12, v34;
	v42 =	vmul.f32 v36, v36;
	v33 =	vadd.s32 v40, v33  }
0x5ba: {  	v38 =	vmul.f32 v23, v38;
	v22 =	vadd.s32 v11, v22;
	v25 =	vmul.f32 v31, v25;
	v31 =	vld.idx.msk [tilespmem:v32+s20+$0x0], $0xffff  }
0x5bb: {  	v44 =	vmul.f32 v39, v39;
	v35 =	vsub.f32 v14, v35;
	v34 =	vmul.f32 v34, v34;
	v46 =	vld.idx.msk [tilespmem:v24+s22+$0x0], $0xffff  }
0x5bc: {  	v40 =	vcvt.s32.f32 v40;
	v37 =	vmul.f32 v42, v37;
	v38 =	vadd.f32 v38, v43;
	v42 =	vld.idx.msk [tilespmem:v32+s21+$0x0], $0xffff  }
0x5bd: {  	v43 =	vmul.f32 $5.000000000e-01, v26;
	v35 =	vmul.f32 v35, v35;
	v21 =	vadd.f32 v25, v21  }
0x5be: {  	v30 =	vsub.f32 v30, v41;
	v45 =	vsub.f32 v13, v45;
	v38 =	vmul.f32 v38, v23;
	v41 =	vld.idx.msk [tilespmem:v33+s20+$0x0], $0xffff  }
0x5bf: {  	v47 =	vmul.f32 $5.000000000e-01, v18;
	v25 =	vmul.f32 $4.999999690e+02, v19;
	v19 =	vsub.f32 $1.500000000e+00, v37  }
0x5c0: {  	v37 =	vor.u32 $0x1, v20;
	v44 =	vmul.f32 v44, v43;
	v31 =	vmul.f32 v30, v31;
	v48 =	vld.idx.msk [tilespmem:v33+s21+$0x0], $0xffff  }
0x5c1: {  	v28 =	vsub.s32 $0x5F3759DF, v28;
	v45 =	vmul.f32 v45, v45;
	v38 =	vadd.f32 v38, v46  }
0x5c2: {  	v29 =	vsub.f32 v29, v40;
	v36 =	vmul.f32 v19, v36;
	v31 =	vadd.f32 v31, v42  }
0x5c3: {  	v17 =	vadd.f32 v21, v17;
	v19 =	vadd.f32 v45, v34;
	v23 =	vmul.f32 v38, v23;
	v21 =	vld.idx.msk [tilespmem:v32+s22+$0x0], $0xffff  }
0x5c4: {  	v34 =	vtrunc.f32 v25;
	v38 =	vsub.f32 $1.500000000e+00, v44;
	v40 =	vmul.f32 v29, v41;
	v24 =	vld.idx.msk [tilespmem:v24+s23+$0x0], $0xffff  }
0x5c5: {  	v19 =	vadd.f32 v35, v19;
	v35 =	vmul.f32 v36, v27;
	v31 =	vmul.f32 v31, v30;
	v41 =	vld.idx.msk [tilespmem:v37+s14+$0x0], $0xffff  }
0x5c6: {  	v42 =	vmul.f32 v28, v28;
	v38 =	vmul.f32 v39, v38;
	v37 =	vor.u32 $0x2, v20;
	v39 =	vld.idx.msk [tilespmem:v33+s22+$0x0], $0xffff  }
0x5c7: {  	v44 =	vshra.s32 v19, $0x1;
	v45 =	vmul.f32 $5.000000000e-01, v19;
	v40 =	vadd.f32 v40, v48  }
0x5c8: {  	v42 =	vmul.f32 v42, v47;
	v46 =	vmul.f32 v35, v35;
	v44 =	vsub.s32 $0x5F3759DF, v44;
	v32 =	vld.idx.msk [tilespmem:v32+s23+$0x0], $0xffff  }
0x5c9: {  	v48 =	vmul.f32 v44, v44;
	v49 =	vmul.f32 v38, v38;
	v21 =	vadd.f32 v31, v21  }
0x5ca: {  	v31 =	vcvt.f32.s32 v34;
	v24 =	vadd.f32 v23, v24;
	v23 =	vld.idx.msk [tilespmem:v33+s23+$0x0], $0xffff;
	v33 =	vmul.f32 v40, v29  }
0x5cb: {  	v27 =	vsub.f32 v27, v46;
	v34 =	vmul.f32 v48, v45;
	v30 =	vmul.f32 v21, v30;
	v37 =	vld.idx.msk [tilespmem:v37+s14+$0x0], $0xffff  }
0x5cc: {  	v40 =	vcvt.s32.f32 v31;
	v21 =	vadd.s32 v31, v22;
	v31 =	vld.idx.msk [tilespmem:v16+s19+$0x0], $0xffff;
	v16 =	vadd.f32 v33, v39  }
0x5cd: {  	v36 =	vmul.f32 $5.000000000e-01, v36;
	v22 =	vor.u32 $0x3, v20;
	v39 =	vsub.f32 $1.500000000e+00, v42;
	v33 =	vld.idx.msk [tilespmem:v41+s18+$0x0], $0xffff  }
0x5ce: {  	v34 =	vsub.f32 $1.500000000e+00, v34;
	v42 =	vmul.f32 v49, v43;
	v43 =	vmul.f32 v16, v29  }
0x5cf: {  	v27 =	vmul.f32 v27, v36;
	v30 =	vadd.f32 v30, v32;
	v28 =	vmul.f32 v28, v39;
	v29 =	vld.idx.msk [tilespmem:v41+s17+$0x0], $0xffff  }
0x5d0: {  	v32 =	vmul.f32 v44, v34;
	v34 =	vsub.f32 $1.500000000e+00, v42;
	v36 =	vadd.f32 v43, v23;
	v16 =	vmovc v37  }
0x5d1: {  	v17 =	vadd.f32 v30, v17;
	v42 =	vmul.f32 v28, v28;
	v23 =	vadd.f32 v27, v35;
	v39 =	vld.idx.msk [tilespmem:v41+s2+$0x0], $0xffff  }
0x5d2: {  	v27 =	vmul.f32 v34, v38;
	v43 =	vadd.s32 v11, v31;
	v22 =	vld.idx.msk [tilespmem:v22+s14+$0x0], $0xffff  }
0x5d3: {  	v30 =	vmul.f32 v32, v32;
	v17 =	vadd.f32 v24, v17;
	v23 =	vmul.f32 $4.999999690e+02, v23;
	v31 =	vld.idx.msk [tilespmem:v37+s18+$0x0], $0xffff  }
0x5d4: {  	v24 =	vsub.f32 v14, v33;
	v33 =	vmul.f32 v42, v47;
	v42 =	vmul.f32 v27, v26;
	v34 =	vld.idx.msk [tilespmem:v37+s2+$0x0], $0xffff  }
0x5d5: {  	v17 =	vadd.f32 v36, v17;
	v35 =	vtrunc.f32 v23;
	v37 =	vmul.f32 $5.000000000e-01, v27  }
0x5d6: {  	v30 =	vmul.f32 v30, v45;
	v29 =	vsub.f32 v13, v29;
	v33 =	vsub.f32 $1.500000000e+00, v33;
	v36 =	vld.idx.msk [tilespmem:v16+s17+$0x0], $0xffff  }
0x5d7: {  	v27 =	vcvt.f32.s32 v35;
	v35 =	vmul.f32 v42, v42;
	v38 =	vsub.f32 v12, v39  }
0x5d8: {  	v20 =	vadd.s32 $0x4, v20;
	v29 =	vmul.f32 v29, v29;
	v28 =	vmul.f32 v33, v28  }
0x5d9: {  	v24 =	vmul.f32 v24, v24;
	v39 =	vsub.f32 $1.500000000e+00, v30;
	v38 =	vmul.f32 v38, v38;
	v44 =	vld.idx.msk [tilespmem:v21+s20+$0x0], $0xffff  }
0x5da: {  	v30 =	vmul.f32 v28, v18;
	v33 =	vmul.f32 $5.000000000e-01, v28;
	v28 =	vsub.f32 v26, v35;
	v45 =	vld.idx.msk [tilespmem:v22+s18+$0x0], $0xffff  }
0x5db: {  	v26 =	vmul.f32 v39, v32;
	v31 =	vsub.f32 v14, v31;
	v29 =	vadd.f32 v29, v38;
	v35 =	vld.idx.msk [tilespmem:v22+s2+$0x0], $0xffff  }
.Ltmp7:
0x5dc: {  	v25 =	vsub.f32 v25, v40;
	v32 =	vsub.f32 v12, v34;
	v34 =	vmul.f32 v30, v30;
	(pc) =	sbr.rel @p0 .LBB2_16-.Ltmp7, $4  }
0x5dd: {  	v28 =	vmul.f32 v28, v37;
	v39 =	vsub.f32 v13, v36;
	v36 =	vmul.f32 v31, v31  }
0x5de: {  	v38 =	vmul.f32 v32, v32;
	v34 =	vsub.f32 v18, v34;
	v18 =	vadd.f32 v24, v29;
	v37 =	vld.idx.msk [tilespmem:v22+s17+$0x0], $0xffff  }
0x5df: {  	v29 =	vadd.f32 v28, v42;
	v40 =	vmul.f32 v39, v39;
	v31 =	vmul.f32 v25, v44  }
0x5e0: {  	v24 =	vadd.s32 v27, v43;
	v28 =	vshra.s32 v18, $0x1;
	v39 =	vsub.f32 v14, v45;
	v32 =	vld.idx.msk [tilespmem:v15+s19+$0x0], $0xffff;
	v15 =	vmovc v41  }
0x5e1: {  	_ =	sdelay $0x1  }
0x5e2: {  	v12 =	vsub.f32 v12, v35;
	v13 =	vsub.f32 v13, v37  }
0x5e3: {  	v14 =	vadd.f32 v40, v38  }
0x5e4: {  	v12 =	vmul.f32 v12, v12;
	v13 =	vmul.f32 v13, v13  }
0x5e5: {  	v28 =	vsub.s32 $0x5F3759DF, v28;
	v60 =	vmul.f32 $5.000000000e-01, v18;
	v14 =	vadd.f32 v36, v14  }
0x5e6: {  	v58 =	vmul.f32 v39, v39;
	v61 =	vmul.f32 v28, v28;
	v12 =	vadd.f32 v13, v12  }
0x5e7: {  	v20 =	vshra.s32 v14, $0x1  }
0x5e8: {  	v37 =	vmul.f32 v61, v60;
	v20 =	vsub.s32 $0x5F3759DF, v20;
	v12 =	vadd.f32 v58, v12  }
0x5e9: {  	v56 =	vmul.f32 $5.000000000e-01, v14;
	v57 =	vmul.f32 v20, v20  }
0x5ea: {  	v38 =	vmul.f32 v26, v19;
	v33 =	vmul.f32 v34, v33;
	v62 =	vshra.s32 v12, $0x1  }
0x5eb: {  	v37 =	vsub.f32 $1.500000000e+00, v37;
	v59 =	vmul.f32 v57, v56;
	v63 =	vsub.s32 $0x5F3759DF, v62  }
0x5ec: {  	v45 =	vmul.f32 $5.000000000e-01, v12;
	v39 =	vmul.f32 v63, v63  }
0x5ed: {  	v27 =	vcvt.s32.f32 v27;
	v28 =	vmul.f32 v28, v37  }
0x5ee: {  	v51 =	vmul.f32 $5.000000000e-01, v26;
	v13 =	vsub.f32 $1.500000000e+00, v59;
	v39 =	vmul.f32 v39, v45  }
0x5ef: {  	v47 =	vmul.f32 v38, v38;
	v49 =	vmul.f32 v28, v28  }
0x5f0: {  	v29 =	vmul.f32 $4.999999690e+02, v29;
	v13 =	vmul.f32 v20, v13;
	v48 =	vsub.f32 $1.500000000e+00, v39  }
0x5f1: {  	v30 =	vadd.f32 v33, v30;
	v52 =	vsub.f32 v19, v47;
	v53 =	vmul.f32 v49, v60  }
0x5f2: {  	v46 =	vmul.f32 v13, v13;
	v20 =	vmul.f32 v63, v48  }
0x5f3: {  	v30 =	vmul.f32 $4.999999690e+02, v30;
	v19 =	vmul.f32 v52, v51;
	v35 =	vsub.f32 $1.500000000e+00, v53  }
0x5f4: {  	v23 =	vsub.f32 v23, v27;
	v33 =	vmul.f32 v46, v56;
	v54 =	vmul.f32 v20, v20  }
0x5f5: {  	v44 =	vld.idx.msk [tilespmem:v21+s21+$0x0], $0xffff;
	v50 =	vtrunc.f32 v30;
	v19 =	vadd.f32 v19, v38;
	v28 =	vmul.f32 v35, v28  }
0x5f6: {  	v9 =	vld.idx.msk [tilespmem:v9+s19+$0x0], $0xffff;
	v34 =	vcvt.f32.s32 v50;
	v33 =	vsub.f32 $1.500000000e+00, v33;
	v56 =	vmul.f32 v54, v45  }
0x5f7: {  	v10 =	vld.idx.msk [tilespmem:v10+s19+$0x0], $0xffff;
	v55 =	vadd.s32 v11, v32;
	v19 =	vmul.f32 $4.999999690e+02, v19;
	v61 =	vmul.f32 v28, v18  }
0x5f8: {  	v42 =	vld.idx.msk [tilespmem:v21+s23+$0x0], $0xffff;
	v58 =	vtrunc.f32 v29;
	v13 =	vmul.f32 v33, v13;
	v32 =	vsub.f32 $1.500000000e+00, v56  }
0x5f9: {  	v16 =	vld.idx.msk [tilespmem:v16+s19+$0x0], $0xffff;
	v26 =	vadd.s32 v34, v55;
	v51 =	vtrunc.f32 v19;
	v41 =	vmul.f32 v61, v61  }
0x5fa: {  	v15 =	vld.idx.msk [tilespmem:v15+s19+$0x0], $0xffff;
	v31 =	vadd.f32 v31, v44;
	v59 =	vmul.f32 v13, v14;
	v20 =	vmul.f32 v32, v20  }
0x5fb: {  	v22 =	vld.idx.msk [tilespmem:v22+s19+$0x0], $0xffff;
	v52 =	vcvt.f32.s32 v51;
	v28 =	vmul.f32 $5.000000000e-01, v28;
	v44 =	vsub.f32 v18, v41  }
0x5fc: {  	v9 =	vadd.s32 v11, v9;
	v57 =	vld.idx.msk [tilespmem:v24+s20+$0x0], $0xffff;
	v62 =	vmul.f32 v59, v59;
	v45 =	vmul.f32 v20, v12  }
0x5fd: {  	v10 =	vadd.s32 v11, v10;
	v60 =	vld.idx.msk [tilespmem:v21+s22+$0x0], $0xffff;
	v35 =	vcvt.f32.s32 v58;
	v18 =	vmul.f32 v44, v28  }
0x5fe: {  	v43 =	vld.idx.msk [tilespmem:v26+s20+$0x0], $0xffff;
	v13 =	vmul.f32 $5.000000000e-01, v13;
	v14 =	vsub.f32 v14, v62;
	v48 =	vmul.f32 v45, v45  }
0x5ff: {  	v47 =	vld.idx.msk [tilespmem:v26+s21+$0x0], $0xffff;
	v10 =	vadd.s32 v52, v10;
	v9 =	vadd.s32 v35, v9;
	v18 =	vadd.f32 v18, v61  }
0x600: {  	v55 =	vld.idx.msk [tilespmem:v26+s22+$0x0], $0xffff;
	v13 =	vmul.f32 v14, v13;
	v20 =	vmul.f32 $5.000000000e-01, v20;
	v12 =	vsub.f32 v12, v48  }
0x601: {  	v16 =	vadd.s32 v11, v16;
	v15 =	vadd.s32 v11, v15;
	v34 =	vcvt.s32.f32 v34;
	v26 =	vld.idx.msk [tilespmem:v26+s23+$0x0], $0xffff  }
0x602: {  	v46 =	vld.idx.msk [tilespmem:v24+s22+$0x0], $0xffff;
	v18 =	vmul.f32 $4.999999690e+02, v18;
	v13 =	vadd.f32 v13, v59;
	v12 =	vmul.f32 v12, v20  }
0x603: {  	v31 =	vmul.f32 v31, v25;
	v30 =	vsub.f32 v30, v34;
	v27 =	vcvt.s32.f32 v52;
	v63 =	vld.idx.msk [tilespmem:v24+s21+$0x0], $0xffff  }
0x604: {  	v41 =	vld.idx.msk [tilespmem:v10+s22+$0x0], $0xffff;
	v58 =	vtrunc.f32 v18;
	v13 =	vmul.f32 $4.999999690e+02, v13;
	v12 =	vadd.f32 v12, v45  }
0x605: {  	v11 =	vadd.s32 v11, v22;
	v38 =	vmul.f32 v30, v43;
	v50 =	vld.idx.msk [tilespmem:v9+s20+$0x0], $0xffff;
	v32 =	vcvt.f32.s32 v58  }
0x606: {  	v31 =	vadd.f32 v31, v60;
	v53 =	vld.idx.msk [tilespmem:v9+s21+$0x0], $0xffff;
	v56 =	vtrunc.f32 v13;
	v12 =	vmul.f32 $4.999999690e+02, v12  }
0x607: {  	v35 =	vcvt.s32.f32 v35;
	v61 =	vld.idx.msk [tilespmem:v10+s20+$0x0], $0xffff;
	v15 =	vadd.s32 v32, v15;
	v36 =	vcvt.f32.s32 v56  }
0x608: {  	v54 =	vmul.f32 v23, v57;
	v57 =	vld.idx.msk [tilespmem:v24+s23+$0x0], $0xffff;
	v14 =	vadd.f32 v38, v47;
	v60 =	vtrunc.f32 v12  }
0x609: {  	v49 =	vmul.f32 v31, v25;
	v62 =	vld.idx.msk [tilespmem:v10+s21+$0x0], $0xffff;
	v16 =	vadd.s32 v36, v16;
	v39 =	vcvt.f32.s32 v60  }
0x60a: {  	v19 =	vsub.f32 v19, v27;
	v29 =	vsub.f32 v29, v35;
	v59 =	vld.idx.msk [tilespmem:v9+s22+$0x0], $0xffff;
	v14 =	vmul.f32 v14, v30  }
0x60b: {  	v21 =	vadd.f32 v49, v42;
	v9 =	vld.idx.msk [tilespmem:v9+s23+$0x0], $0xffff;
	v20 =	vadd.f32 v54, v63;
	v11 =	vadd.s32 v39, v11  }
0x60c: {  	v37 =	vmul.f32 v29, v50;
	v43 =	vmul.f32 v19, v61;
	v14 =	vadd.f32 v14, v55;
	v40 =	vld.idx.msk [tilespmem:v15+s20+$0x0], $0xffff  }
0x60d: {  	v17 =	vadd.f32 v21, v17;
	v42 =	vcvt.s32.f32 v32;
	v20 =	vmul.f32 v20, v23;
	v44 =	vld.idx.msk [tilespmem:v15+s21+$0x0], $0xffff  }
0x60e: {  	v25 =	vadd.f32 v37, v53;
	v48 =	vadd.f32 v43, v62;
	v14 =	vmul.f32 v14, v30;
	v63 =	vld.idx.msk [tilespmem:v16+s20+$0x0], $0xffff  }
0x60f: {  	v18 =	vsub.f32 v18, v42;
	v45 =	vcvt.s32.f32 v36;
	v20 =	vadd.f32 v20, v46;
	v46 =	vld.idx.msk [tilespmem:v16+s21+$0x0], $0xffff  }
0x610: {  	v47 =	vmul.f32 v25, v29;
	v25 =	vmul.f32 v48, v19;
	v14 =	vadd.f32 v14, v26;
	v49 =	vld.idx.msk [tilespmem:v11+s20+$0x0], $0xffff  }
0x611: {  	v52 =	vld.idx.msk [tilespmem:v15+s22+$0x0], $0xffff;
	v13 =	vsub.f32 v13, v45;
	v27 =	vmul.f32 v18, v40;
	v50 =	vcvt.s32.f32 v39  }
0x612: {  	v53 =	vadd.f32 v25, v41;
	v20 =	vmul.f32 v20, v23;
	v23 =	vadd.f32 v47, v59;
	v51 =	vld.idx.msk [tilespmem:v11+s21+$0x0], $0xffff  }
0x613: {  	v10 =	vld.idx.msk [tilespmem:v10+s23+$0x0], $0xffff;
	v27 =	vadd.f32 v27, v44;
	v12 =	vsub.f32 v12, v50;
	v22 =	vmul.f32 v13, v63  }
0x614: {  	v14 =	vadd.f32 v14, v17;
	v20 =	vadd.f32 v20, v57;
	v23 =	vmul.f32 v23, v29;
	v54 =	vld.idx.msk [tilespmem:v16+s22+$0x0], $0xffff  }
0x615: {  	v15 =	vld.idx.msk [tilespmem:v15+s23+$0x0], $0xffff;
	v55 =	vmul.f32 v27, v18;
	v22 =	vadd.f32 v22, v46;
	v24 =	vmul.f32 v12, v49  }
0x616: {  	v17 =	vmul.f32 v53, v19;
	v9 =	vadd.f32 v23, v9;
	v14 =	vadd.f32 v20, v14;
	v56 =	vld.idx.msk [tilespmem:v11+s22+$0x0], $0xffff  }
0x617: {  	v59 =	vadd.f32 v55, v52;
	v57 =	vmul.f32 v22, v13;
	v58 =	vadd.f32 v24, v51  }
0x618: {  	v10 =	vadd.f32 v17, v10;
	v60 =	vld.idx.msk [tilespmem:v16+s23+$0x0], $0xffff;
	v9 =	vadd.f32 v9, v14  }
0x619: {  	v18 =	vmul.f32 v59, v18;
	v61 =	vadd.f32 v57, v54;
	v62 =	vmul.f32 v58, v12  }
0x61a: {  	v9 =	vadd.f32 v10, v9;
	v10 =	vld.idx.msk [tilespmem:v11+s23+$0x0], $0xffff  }
0x61b: {  	v15 =	vadd.f32 v18, v15;
	v11 =	vmul.f32 v61, v13;
	v63 =	vadd.f32 v62, v56;
	_ =	sdelay $0x1  }
0x61c: {  	v9 =	vadd.f32 v15, v9;
	v11 =	vadd.f32 v11, v60;
	v12 =	vmul.f32 v63, v12;
	_ =	sdelay $0x1  }
0x61d: {  	v9 =	vadd.f32 v11, v9;
	v10 =	vadd.f32 v12, v10;
	_ =	sdelay $0x1  }
0x61e: {  	v9 =	vadd.f32 v10, v9;
	_ =	sdelay $0x1  }
0x61f: {  	s28 =	sadd.s32 $0x1, s28;
	v9 =	vmul.f32 $5.000000000e-01, v9  }
0x620: {  	p0 =	sne.s32 s28, s13  }
.Ltmp8:
0x621: {  	[tilespmem:$0x19A70] =	vst v9;
	(pc) =	sbr.rel @p0 .LBB2_1-.Ltmp8, $4  }
0x622: {  	[hbm4b:s12+s2] =	stream.linear.scatter [tilespmem:s25], [sflag:$0x2], $0x80, $0x38;
	[tilespmem:$0x19A80] =	vst v63  }
0x623: {  	_ =	swait.ge [sflag:s26], $0x80  }
0x624: {  	[sflag:s26] =	ssyncset.done $0x0  }
0x625: {  	[sflag:s26] =	ssyncadd.s32 $0xFFFFFF80  }
0x626: {  	_ =	sfence.sel $0x180000  }
0x627: {  	[bflag:$0x0] =	sbarrier.arrive $0xFFFF  }
0x628: {  	p0 =	sne.s32 s0, $0x0;
	_ =	strace $0x90000047  }
0x629: {  	s0 =	sadd.s32 @!p0 $0x100000, s1;
	[bflag:$0x2] =	sbarrier.arrive $0xFFFF  }
0x62a: {  	[sflag:s0] =	ssyncadd.tile.s32 @!p0 $0x1;
	_ =	shalt  }
.Lfunc_end2:
_tile_overlayer_lowered:
.L_overlay_start_2:
0x62b: {  	(tag) =	ssettag $0x2  }
0x62c: {  	s0 =	rddreg [dreg:$0x0];
	s2 =	stileid.u32  }
0x62d: {  	s1 =	rddreg [dreg:$0x1];
	p0 =	sne.s32 s2, $0x0  }
0x62e: {  	s3 =	rddreg [dreg:$0x2];
	[bflag:$0x3] =	sbarrier.arrive $0xFFFF;
	s2 =	simm.s32 @!p0 $0x1C02  }
0x62f: {  	[timem:s3], [sflag:s2] =	dma.local @!p0 [hbm:s0], s1  }
0x630: {  	s0 =	simm.s32 @!p0 $0x2  }
0x631: {  	_ =	swait.ge @!p0 [sflag:s0], s1  }
0x632: {  	s1 =	ssub.s32 @!p0 $0x0, s1;
	[sflag:s0] =	ssyncset.done @!p0 $0x0  }
0x633: {  	[sflag:s0] =	ssyncadd.s32 @!p0 s1  }
0x634: {  	[bflag:$0x3] =	sbarrier.arrive $0xFFFF  }
0x635: {  	_ =	shalt  }

</sc_bundles>
